<compile_context>
chip_gen: v7x
topology: tpu7x:2x2x1
jax: 0.10.2.dev20260603
libtpu: 0.0.44.dev20260713+nightly
codegen_flags: <defaults>
</compile_context>

<pallas_src>
import functools

import jax
import jax.numpy as jnp
from jax import lax
from jax.experimental import pallas as pl
from jax.experimental.pallas import tpu as pltpu
from jax.experimental.pallas import tpu_sc as plsc

N_NODES = 100000
N_EDGES = 6400000

NC, NS = 2, 16
NW = NC * NS
LN = 128
RCH = 8
EC = N_EDGES // LN
NCHUNKS = EC // RCH
BASE_CHUNKS = NCHUNKS // NW
EXTRA = NCHUNKS - BASE_CHUNKS * NW

NP = 100096
NSL = NP // NS

_MESH = plsc.VectorSubcoreMesh(core_axis_name="c", subcore_axis_name="s")


def _worker_id(c, s):
    return s * NC + c


def _chunk_range(wid):
    extra = jnp.minimum(wid, EXTRA)
    start = wid * BASE_CHUNKS + extra
    count = BASE_CHUNKS + jnp.where(wid < EXTRA, 1, 0)
    return start, count


def _deg_body(dst_hbm, z1_hbm, out_hbm, didx_v, ones_v, stage_v, hist_s,
              isem, ssem):
    c = lax.axis_index("c")
    s = lax.axis_index("s")
    wid = _worker_id(c, s)

    lo = s * NSL
    pltpu.sync_copy(z1_hbm.at[pl.ds(lo, NSL)], stage_v)
    pltpu.sync_copy(stage_v, hist_s.at[pl.ds(lo, NSL)])
    for k in range(LN // 16):
        ones_v[pl.ds(k * 16, 16)] = jnp.ones((16,), jnp.float32)
    plsc.subcore_barrier()

    start, count = _chunk_range(wid)

    def idx_fetch(g, p):
        row0 = (start + g) * RCH
        pltpu.async_copy(dst_hbm.at[pl.ds(row0, RCH)], didx_v.at[p], isem)

    idx_fetch(0, 0)

    def step(g, carry):
        p = lax.rem(g, 2)
        pltpu.make_async_copy(dst_hbm.at[pl.ds(0, RCH)], didx_v.at[p], isem).wait()
        for j in range(RCH):
            pltpu.async_copy(ones_v, hist_s.at[didx_v.at[p, j]], ssem, add=True)
        @pl.when(g >= 1)
        def _():
            pltpu.make_async_copy(
                z1_hbm.at[pl.ds(0, RCH * LN)], stage_v.at[pl.ds(0, RCH * LN)],
                ssem).wait()
        @pl.when(g + 1 < count)
        def _():
            idx_fetch(g + 1, 1 - p)
        return carry

    lax.fori_loop(0, count, step, 0)
    pltpu.make_async_copy(
        z1_hbm.at[pl.ds(0, RCH * LN)], stage_v.at[pl.ds(0, RCH * LN)], ssem).wait()
    plsc.subcore_barrier()
    pltpu.sync_copy(hist_s.at[pl.ds(lo, NSL)], stage_v)
    pltpu.sync_copy(stage_v, out_hbm.at[pl.ds(c * NP + lo, NSL)])


def _prop_body(src_hbm, dst_hbm, g_hbm, out_hbm,
               sidx_v, didx_v, rows_v, stage_v, acc_s, isem, gsem, ssem):
    c = lax.axis_index("c")
    s = lax.axis_index("s")
    wid = _worker_id(c, s)

    lo = s * NSL
    pltpu.sync_copy(g_hbm.at[pl.ds(lo, NSL)], stage_v)
    pltpu.sync_copy(stage_v, acc_s.at[pl.ds(lo, NSL)])
    plsc.subcore_barrier()

    start, count = _chunk_range(wid)

    def idx_fetch(g, p):
        row0 = (start + g) * RCH
        pltpu.async_copy(src_hbm.at[pl.ds(row0, RCH)], sidx_v.at[p], isem)
        pltpu.async_copy(dst_hbm.at[pl.ds(row0, RCH)], didx_v.at[p], isem)

    idx_fetch(0, 0)

    def step(g, carry):
        p = lax.rem(g, 2)
        pltpu.make_async_copy(src_hbm.at[pl.ds(0, RCH)], sidx_v.at[p], isem).wait()
        pltpu.make_async_copy(src_hbm.at[pl.ds(0, RCH)], didx_v.at[p], isem).wait()
        for j in range(RCH):
            pltpu.async_copy(g_hbm.at[sidx_v.at[p, j]],
                             rows_v.at[p, pl.ds(j * LN, LN)], gsem)
        @pl.when(g >= 1)
        def _():
            pltpu.make_async_copy(
                g_hbm.at[pl.ds(0, RCH * LN)], rows_v.at[p], ssem).wait()
        @pl.when(g + 1 < count)
        def _():
            idx_fetch(g + 1, 1 - p)
        pltpu.make_async_copy(
            g_hbm.at[pl.ds(0, RCH * LN)], rows_v.at[p], gsem).wait()
        for j in range(RCH):
            pltpu.async_copy(rows_v.at[p, pl.ds(j * LN, LN)],
                             acc_s.at[didx_v.at[p, j]], ssem, add=True)
        return carry

    lax.fori_loop(0, count, step, 0)
    p_last = lax.rem(count - 1, 2)
    pltpu.make_async_copy(
        g_hbm.at[pl.ds(0, RCH * LN)], rows_v.at[p_last], ssem).wait()
    plsc.subcore_barrier()
    pltpu.sync_copy(acc_s.at[pl.ds(lo, NSL)], stage_v)
    pltpu.sync_copy(stage_v, out_hbm.at[pl.ds(c * NP + lo, NSL)])


_SC_PARAMS = pltpu.CompilerParams(use_tc_tiling_on_sc=False)


def _make_deg():
    return pl.kernel(
        _deg_body,
        out_type=jax.ShapeDtypeStruct((NC * NP,), jnp.float32),
        mesh=_MESH,
        compiler_params=_SC_PARAMS,
        scratch_types=[
            pltpu.VMEM((2, RCH, LN), jnp.int32),
            pltpu.VMEM((LN,), jnp.float32),
            pltpu.VMEM((NSL,), jnp.float32),
            pltpu.VMEM_SHARED((NP,), jnp.float32),
            pltpu.SemaphoreType.DMA,
            pltpu.SemaphoreType.DMA,
        ],
    )


def _make_prop(F):
    return pl.kernel(
        _prop_body,
        out_type=jax.ShapeDtypeStruct((NC * NP, F), jnp.float32),
        mesh=_MESH,
        compiler_params=_SC_PARAMS,
        scratch_types=[
            pltpu.VMEM((2, RCH, LN), jnp.int32),
            pltpu.VMEM((2, RCH, LN), jnp.int32),
            pltpu.VMEM((2, RCH * LN, F), jnp.float32),
            pltpu.VMEM((NSL, F), jnp.float32),
            pltpu.VMEM_SHARED((NP, F), jnp.float32),
            pltpu.SemaphoreType.DMA,
            pltpu.SemaphoreType.DMA,
            pltpu.SemaphoreType.DMA,
        ],
    )


def _tc1_body(xt_ref, w1_ref, cnt_ref, g1t_ref, dis_ref):
    deg = cnt_ref[0:1, :] + cnt_ref[1:2, :] + 1.0
    dis = lax.rsqrt(deg)
    w = w1_ref[...]
    for f in range(4):
        h = xt_ref[0:1, :] * w[0, f]
        for k in range(1, 9):
            h = h + xt_ref[k:k + 1, :] * w[k, f]
        g1t_ref[f:f + 1, :] = h * dis
    g1t_ref[4:8, :] = jnp.zeros((4, NP), jnp.float32)
    dis_ref[...] = dis


def _tc2_body(dis_ref, g1t_ref, p1t_ref, w2_ref, b1_ref, g2t_ref):
    dis = dis_ref[...]
    w = w2_ref[...]
    ts = []
    for f in range(4):
        sums = p1t_ref[0, f:f + 1, :] + p1t_ref[1, f:f + 1, :] - g1t_ref[f:f + 1, :]
        ts.append(jnp.tanh(sums * dis + b1_ref[f, 0]))
    for j in range(2):
        h = ts[0] * w[0, j]
        for k in range(1, 4):
            h = h + ts[k] * w[k, j]
        g2t_ref[j:j + 1, :] = h * dis
    g2t_ref[2:8, :] = jnp.zeros((6, NP), jnp.float32)


def _tc3_body(dis_ref, g2t_ref, p2t_ref, b2_ref, out_ref):
    dis = dis_ref[...]
    for f in range(2):
        sums = p2t_ref[0, f:f + 1, :] + p2t_ref[1, f:f + 1, :] - g2t_ref[f:f + 1, :]
        out_ref[f:f + 1, :] = sums * dis + b2_ref[f, 0]


def _tc1(x_t, w1, cnt):
    return pl.pallas_call(
        _tc1_body,
        out_shape=[
            jax.ShapeDtypeStruct((8, NP), jnp.float32),
            jax.ShapeDtypeStruct((1, NP), jnp.float32),
        ],
    )(x_t, w1, cnt)


def _tc2(dis, g1t, p1t, w2, b1):
    return pl.pallas_call(
        _tc2_body,
        out_shape=jax.ShapeDtypeStruct((8, NP), jnp.float32),
    )(dis, g1t, p1t, w2, b1)


def _tc3(dis, g2t, p2t, b2):
    return pl.pallas_call(
        _tc3_body,
        out_shape=jax.ShapeDtypeStruct((2, NP), jnp.float32),
    )(dis, g2t, p2t, b2)


def kernel(x, edge_index, W1, b1, W2, b2):
    ei = edge_index.astype(jnp.int32)
    src2d = ei[0].reshape(EC, LN)
    dst2d = ei[1].reshape(EC, LN)

    x_t = jnp.pad(jnp.transpose(x), ((0, 0), (0, NP - N_NODES)))
    z1 = jnp.zeros((NP,), jnp.float32)

    cnt = _make_deg()(dst2d, z1).reshape(NC, NP)

    g1t, dis = _tc1(x_t, W1, cnt)
    g1 = jnp.transpose(g1t)
    p1 = _make_prop(8)(src2d, dst2d, g1).reshape(NC, NP, 8)
    p1t = jnp.transpose(p1, (0, 2, 1))
    g2t = _tc2(dis, g1t, p1t, W2, b1.reshape(4, 1))
    g2 = jnp.transpose(g2t)
    p2 = _make_prop(8)(src2d, dst2d, g2).reshape(NC, NP, 8)
    p2t = jnp.transpose(p2, (0, 2, 1))
    out_t = _tc3(dis, g2t, p2t, b2.reshape(2, 1))
    return jnp.transpose(out_t)[:N_NODES]

# --- scband reference (transcript-rebuilt; emitter-appended) ---
"""Pipeline reference for scband-gcn-thnh-47278999995055 (READ-ONLY COPY).

The authoritative reference and input builder live on the scoring server;
editing this copy changes nothing except your own understanding.
"""

import jax, jax.numpy as jnp
import numpy as np

N_NODES = 100000
N_EDGES = 6400000

def setup_inputs(seed: int = 0) -> dict:
    key = jax.random.key(seed)
    k1, k2, k3, k4, k5, k6 = jax.random.split(key, 6)
    x = jax.random.normal(k1, (N_NODES, 9), dtype=jnp.float32)
    edge_index = jax.random.randint(k2, (2, N_EDGES), 0, N_NODES, dtype=jnp.int64)
    # GCNConv glorot-style weights and zero bias
    W1 = jax.random.normal(k3, (9, 4), dtype=jnp.float32) * (1.0 / np.sqrt(9))
    b1 = jnp.zeros((4,), dtype=jnp.float32)
    W2 = jax.random.normal(k4, (4, 2), dtype=jnp.float32) * (1.0 / np.sqrt(4))
    b2 = jnp.zeros((2,), dtype=jnp.float32)
    return {"x": x, "edge_index": edge_index, "W1": W1, "b1": b1, "W2": W2, "b2": b2}


def _gcn_conv(x, edge_index, W, b):
    # Faithful PyG GCNConv: x' = D^{-1/2} (A + I) D^{-1/2} (X W) + b
    num_nodes = x.shape[0]
    h = x @ W
    src = edge_index[0]
    dst = edge_index[1]
    loop = jnp.arange(num_nodes, dtype=src.dtype)
    src = jnp.concatenate([src, loop], axis=0)
    dst = jnp.concatenate([dst, loop], axis=0)
    ones = jnp.ones(dst.shape[0], dtype=h.dtype)
    deg = jax.ops.segment_sum(ones, dst, num_segments=num_nodes)
    deg_inv_sqrt = jnp.where(deg > 0, jax.lax.rsqrt(jnp.maximum(deg, 1e-12)), 0.0)
    norm = deg_inv_sqrt[src] * deg_inv_sqrt[dst]
    msg = h[src] * norm[:, None]
    out = jax.ops.segment_sum(msg, dst, num_segments=num_nodes)
    return out + b


def reference(x, edge_index, W1, b1, W2, b2):
    h = _gcn_conv(x, edge_index, W1, b1)
    h = jnp.tanh(h)
    h = _gcn_conv(h, edge_index, W2, b2)
    return h

if __name__ == "__main__":
    import jax
    _d = setup_inputs()
    print(jax.jit(kernel)(*tuple(_d.values())))

</pallas_src>

<mosaic_0001>
#map = affine_map<(d0, d1) -> (0, 0)>
module attributes {stable_mosaic.version = 14 : i64} {
  func.func @_prop_body(%arg0: i32, %arg1: i32, %arg2: memref<50000x128xi32, #tpu.memory_space<hbm>>, %arg3: memref<50000x128xi32, #tpu.memory_space<hbm>>, %arg4: memref<100096x8xf32, #tpu.memory_space<hbm>>, %arg5: memref<200192x8xf32, #tpu.memory_space<hbm>>, %arg6: memref<2x8x128xi32, #tpu.memory_space<vmem>>, %arg7: memref<2x8x128xi32, #tpu.memory_space<vmem>>, %arg8: memref<2x1024x8xf32, #tpu.memory_space<vmem>>, %arg9: memref<6256x8xf32, #tpu.memory_space<vmem>>, %arg10: memref<100096x8xf32, #tpu.memory_space<vmem_shared>>, %arg11: memref<!tpu.dma_semaphore, #tpu.memory_space<semaphore_mem>>, %arg12: memref<!tpu.dma_semaphore, #tpu.memory_space<semaphore_mem>>, %arg13: memref<!tpu.dma_semaphore, #tpu.memory_space<semaphore_mem>>) attributes {dimension_semantics = [#tpu.dimension_semantics<core_parallel>, #tpu.dimension_semantics<subcore_parallel>], iteration_bounds = array<i64: 2, 16>, scalar_prefetch = 0 : i64, scratch_operands = 8 : i64, tpu.core_type = #tpu.core_type<sc_vector_subcore>, window_params = [{transform_indices = #map}, {transform_indices = #map}, {transform_indices = #map}, {transform_indices = #map}]} {
    %mul3A = arith.constant 2 : i32
    %mul3A_0 = arith.muli %arg1, %mul3A : i32
    %add3A = arith.addi %mul3A_0, %arg0 : i32
    %mul3A_1 = arith.constant 6256 : i32
    %mul3A_2 = arith.muli %arg1, %mul3A_1 : i32
    "tpu.region"() ({
      %run_scoped3A = tpu.sem_alloc : memref<!tpu.dma_semaphore, #tpu.memory_space<semaphore_mem>>
      %dma_start3A_68 = arith.constant 0 : i32
      %dma_start3A_69 = tpu.memref_slice %arg4[%mul3A_2, %dma_start3A_68] : memref<100096x8xf32, #tpu.memory_space<hbm>> -> memref<6256x8xf32, #tpu.memory_space<hbm>>
      %dma_start3A_70 = arith.constant 0 : i32
      %dma_start3A_71 = tpu.memref_slice %arg4[%mul3A_2, %dma_start3A_70] : memref<100096x8xf32, #tpu.memory_space<hbm>> -> memref<6256x8xf32, #tpu.memory_space<hbm>>
      tpu.enqueue_dma source(%dma_start3A_71 : memref<6256x8xf32, #tpu.memory_space<hbm>>) target(%arg9 : memref<6256x8xf32, #tpu.memory_space<vmem>>) target_semaphore(%run_scoped3A : memref<!tpu.dma_semaphore, #tpu.memory_space<semaphore_mem>>)
      %dma_wait3A_72 = arith.constant 0 : i32
      %dma_wait3A_73 = tpu.memref_slice %arg4[%mul3A_2, %dma_wait3A_72] : memref<100096x8xf32, #tpu.memory_space<hbm>> -> memref<6256x8xf32, #tpu.memory_space<hbm>>
      %dma_wait3A_74 = arith.constant 0 : i32
      %dma_wait3A_75 = tpu.memref_slice %arg4[%mul3A_2, %dma_wait3A_74] : memref<100096x8xf32, #tpu.memory_space<hbm>> -> memref<6256x8xf32, #tpu.memory_space<hbm>>
      tpu.wait_dma2 semaphore(%run_scoped3A : memref<!tpu.dma_semaphore, #tpu.memory_space<semaphore_mem>>) src(%dma_wait3A_75 : memref<6256x8xf32, #tpu.memory_space<hbm>>) dst(%arg9 : memref<6256x8xf32, #tpu.memory_space<vmem>>)
      tpu.yield
    }) : () -> ()
    "tpu.region"() ({
      %run_scoped3A = tpu.sem_alloc : memref<!tpu.dma_semaphore, #tpu.memory_space<semaphore_mem>>
      %dma_start3A_68 = arith.constant 0 : i32
      %dma_start3A_69 = tpu.memref_slice %arg10[%mul3A_2, %dma_start3A_68] : memref<100096x8xf32, #tpu.memory_space<vmem_shared>> -> memref<6256x8xf32, #tpu.memory_space<vmem_shared>>
      %dma_start3A_70 = arith.constant 0 : i32
      %dma_start3A_71 = tpu.memref_slice %arg10[%mul3A_2, %dma_start3A_70] : memref<100096x8xf32, #tpu.memory_space<vmem_shared>> -> memref<6256x8xf32, #tpu.memory_space<vmem_shared>>
      tpu.enqueue_dma source(%arg9 : memref<6256x8xf32, #tpu.memory_space<vmem>>) target(%dma_start3A_71 : memref<6256x8xf32, #tpu.memory_space<vmem_shared>>) target_semaphore(%run_scoped3A : memref<!tpu.dma_semaphore, #tpu.memory_space<semaphore_mem>>)
      %dma_wait3A_72 = arith.constant 0 : i32
      %dma_wait3A_73 = tpu.memref_slice %arg10[%mul3A_2, %dma_wait3A_72] : memref<100096x8xf32, #tpu.memory_space<vmem_shared>> -> memref<6256x8xf32, #tpu.memory_space<vmem_shared>>
      %dma_wait3A_74 = arith.constant 0 : i32
      %dma_wait3A_75 = tpu.memref_slice %arg10[%mul3A_2, %dma_wait3A_74] : memref<100096x8xf32, #tpu.memory_space<vmem_shared>> -> memref<6256x8xf32, #tpu.memory_space<vmem_shared>>
      tpu.wait_dma2 semaphore(%run_scoped3A : memref<!tpu.dma_semaphore, #tpu.memory_space<semaphore_mem>>) src(%arg9 : memref<6256x8xf32, #tpu.memory_space<vmem>>) dst(%dma_wait3A_75 : memref<6256x8xf32, #tpu.memory_space<vmem_shared>>)
      tpu.yield
    }) : () -> ()
    %barrier3A = arith.constant 0 : index
    tpu.barrier barrier_id(%barrier3A)
    %min3A = arith.constant 10 : i32
    %min3A_3 = arith.minsi %add3A, %min3A : i32
    %mul3A_4 = arith.constant 195 : i32
    %mul3A_5 = arith.muli %add3A, %mul3A_4 : i32
    %add3A_6 = arith.addi %mul3A_5, %min3A_3 : i32
    %lt3A = arith.constant 10 : i32
    %lt3A_7 = arith.cmpi slt, %add3A, %lt3A : i32
    %jit3A = arith.constant 1 : i32
    %jit3A_8 = arith.constant 0 : i32
    %select_n3A = arith.select %lt3A_7, %jit3A, %jit3A_8 : i32
    %add3A_9 = arith.constant 195 : i32
    %add3A_10 = arith.addi %add3A_9, %select_n3A : i32
    %add3A_11 = arith.constant 0 : i32
    %add3A_12 = arith.addi %add3A_6, %add3A_11 : i32
    %mul3A_13 = arith.constant 8 : i32
    %mul3A_14 = arith.muli %add3A_12, %mul3A_13 : i32
    %dma_start3A = arith.constant 0 : i32
    %dma_start3A_15 = arith.constant 0 : i32
    %dma_start3A_16 = arith.constant 0 : i32
    %dma_start3A_17 = tpu.memref_slice %arg6[%dma_start3A, %dma_start3A_15, %dma_start3A_16] : memref<2x8x128xi32, #tpu.memory_space<vmem>> -> memref<1x8x128xi32, #tpu.memory_space<vmem>>
    %dma_start3A_18 = tpu.memref_squeeze %dma_start3A_17 : memref<1x8x128xi32, #tpu.memory_space<vmem>> -> memref<8x128xi32, #tpu.memory_space<vmem>>
    %dma_start3A_19 = arith.constant 0 : i32
    %dma_start3A_20 = tpu.memref_slice %arg2[%mul3A_14, %dma_start3A_19] : memref<50000x128xi32, #tpu.memory_space<hbm>> -> memref<8x128xi32, #tpu.memory_space<hbm>>
    %dma_start3A_21 = arith.constant 0 : i32
    %dma_start3A_22 = arith.constant 0 : i32
    %dma_start3A_23 = tpu.memref_slice %arg6[%dma_start3A, %dma_start3A_21, %dma_start3A_22] : memref<2x8x128xi32, #tpu.memory_space<vmem>> -> memref<1x8x128xi32, #tpu.memory_space<vmem>>
    %dma_start3A_24 = tpu.memref_squeeze %dma_start3A_23 : memref<1x8x128xi32, #tpu.memory_space<vmem>> -> memref<8x128xi32, #tpu.memory_space<vmem>>
    %dma_start3A_25 = arith.constant 0 : i32
    %dma_start3A_26 = tpu.memref_slice %arg2[%mul3A_14, %dma_start3A_25] : memref<50000x128xi32, #tpu.memory_space<hbm>> -> memref<8x128xi32, #tpu.memory_space<hbm>>
    tpu.enqueue_dma source(%dma_start3A_26 : memref<8x128xi32, #tpu.memory_space<hbm>>) target(%dma_start3A_24 : memref<8x128xi32, #tpu.memory_space<vmem>>) target_semaphore(%arg11 : memref<!tpu.dma_semaphore, #tpu.memory_space<semaphore_mem>>)
    %dma_start3A_27 = arith.constant 0 : i32
    %dma_start3A_28 = arith.constant 0 : i32
    %dma_start3A_29 = arith.constant 0 : i32
    %dma_start3A_30 = tpu.memref_slice %arg7[%dma_start3A_27, %dma_start3A_28, %dma_start3A_29] : memref<2x8x128xi32, #tpu.memory_space<vmem>> -> memref<1x8x128xi32, #tpu.memory_space<vmem>>
    %dma_start3A_31 = tpu.memref_squeeze %dma_start3A_30 : memref<1x8x128xi32, #tpu.memory_space<vmem>> -> memref<8x128xi32, #tpu.memory_space<vmem>>
    %dma_start3A_32 = arith.constant 0 : i32
    %dma_start3A_33 = tpu.memref_slice %arg3[%mul3A_14, %dma_start3A_32] : memref<50000x128xi32, #tpu.memory_space<hbm>> -> memref<8x128xi32, #tpu.memory_space<hbm>>
    %dma_start3A_34 = arith.constant 0 : i32
    %dma_start3A_35 = arith.constant 0 : i32
    %dma_start3A_36 = tpu.memref_slice %arg7[%dma_start3A_27, %dma_start3A_34, %dma_start3A_35] : memref<2x8x128xi32, #tpu.memory_space<vmem>> -> memref<1x8x128xi32, #tpu.memory_space<vmem>>
    %dma_start3A_37 = tpu.memref_squeeze %dma_start3A_36 : memref<1x8x128xi32, #tpu.memory_space<vmem>> -> memref<8x128xi32, #tpu.memory_space<vmem>>
    %dma_start3A_38 = arith.constant 0 : i32
    %dma_start3A_39 = tpu.memref_slice %arg3[%mul3A_14, %dma_start3A_38] : memref<50000x128xi32, #tpu.memory_space<hbm>> -> memref<8x128xi32, #tpu.memory_space<hbm>>
    tpu.enqueue_dma source(%dma_start3A_39 : memref<8x128xi32, #tpu.memory_space<hbm>>) target(%dma_start3A_37 : memref<8x128xi32, #tpu.memory_space<vmem>>) target_semaphore(%arg11 : memref<!tpu.dma_semaphore, #tpu.memory_space<semaphore_mem>>)
    %while3A = arith.constant 0 : i32
    %while3A_40 = arith.constant 0 : i32
    %while3A_41 = arith.subi %add3A_10, %while3A_40 : i32
    %while3A_42 = arith.addi %while3A_40, %while3A_41 : i32
    %while3A_43 = arith.constant 1 : i32
    %while3A_44 = arith.divsi %while3A_41, %while3A_43 : i32
    %while3A_45 = arith.muli %while3A_44, %while3A_43 : i32
    %while3A_46 = arith.addi %while3A_40, %while3A_45 : i32
    %while3A_47 = arith.constant 1 : i32
    scf.for %while3A_68 = %while3A_40 to %while3A_46 step %while3A_47  : i32 {
      %rem3A_69 = arith.constant 2 : i32
      %rem3A_70 = arith.remsi %while3A_68, %rem3A_69 : i32
      %dma_wait3A_71 = arith.constant 0 : i32
      %dma_wait3A_72 = arith.constant 0 : i32
      %dma_wait3A_73 = tpu.memref_slice %arg6[%rem3A_70, %dma_wait3A_71, %dma_wait3A_72] : memref<2x8x128xi32, #tpu.memory_space<vmem>> -> memref<1x8x128xi32, #tpu.memory_space<vmem>>
      %dma_wait3A_74 = tpu.memref_squeeze %dma_wait3A_73 : memref<1x8x128xi32, #tpu.memory_space<vmem>> -> memref<8x128xi32, #tpu.memory_space<vmem>>
      %dma_wait3A_75 = arith.constant 0 : i32
      %dma_wait3A_76 = arith.constant 0 : i32
      %dma_wait3A_77 = tpu.memref_slice %arg2[%dma_wait3A_75, %dma_wait3A_76] : memref<50000x128xi32, #tpu.memory_space<hbm>> -> memref<8x128xi32, #tpu.memory_space<hbm>>
      %dma_wait3A_78 = arith.constant 0 : i32
      %dma_wait3A_79 = arith.constant 0 : i32
      %dma_wait3A_80 = tpu.memref_slice %arg6[%rem3A_70, %dma_wait3A_78, %dma_wait3A_79] : memref<2x8x128xi32, #tpu.memory_space<vmem>> -> memref<1x8x128xi32, #tpu.memory_space<vmem>>
      %dma_wait3A_81 = tpu.memref_squeeze %dma_wait3A_80 : memref<1x8x128xi32, #tpu.memory_space<vmem>> -> memref<8x128xi32, #tpu.memory_space<vmem>>
      %dma_wait3A_82 = arith.constant 0 : i32
      %dma_wait3A_83 = arith.constant 0 : i32
      %dma_wait3A_84 = tpu.memref_slice %arg2[%dma_wait3A_82, %dma_wait3A_83] : memref<50000x128xi32, #tpu.memory_space<hbm>> -> memref<8x128xi32, #tpu.memory_space<hbm>>
      tpu.wait_dma2 semaphore(%arg11 : memref<!tpu.dma_semaphore, #tpu.memory_space<semaphore_mem>>) src(%dma_wait3A_84 : memref<8x128xi32, #tpu.memory_space<hbm>>) dst(%dma_wait3A_81 : memref<8x128xi32, #tpu.memory_space<vmem>>)
      %dma_wait3A_85 = arith.constant 0 : i32
      %dma_wait3A_86 = arith.constant 0 : i32
      %dma_wait3A_87 = tpu.memref_slice %arg7[%rem3A_70, %dma_wait3A_85, %dma_wait3A_86] : memref<2x8x128xi32, #tpu.memory_space<vmem>> -> memref<1x8x128xi32, #tpu.memory_space<vmem>>
      %dma_wait3A_88 = tpu.memref_squeeze %dma_wait3A_87 : memref<1x8x128xi32, #tpu.memory_space<vmem>> -> memref<8x128xi32, #tpu.memory_space<vmem>>
      %dma_wait3A_89 = arith.constant 0 : i32
      %dma_wait3A_90 = arith.constant 0 : i32
      %dma_wait3A_91 = tpu.memref_slice %arg2[%dma_wait3A_89, %dma_wait3A_90] : memref<50000x128xi32, #tpu.memory_space<hbm>> -> memref<8x128xi32, #tpu.memory_space<hbm>>
      %dma_wait3A_92 = arith.constant 0 : i32
      %dma_wait3A_93 = arith.constant 0 : i32
      %dma_wait3A_94 = tpu.memref_slice %arg7[%rem3A_70, %dma_wait3A_92, %dma_wait3A_93] : memref<2x8x128xi32, #tpu.memory_space<vmem>> -> memref<1x8x128xi32, #tpu.memory_space<vmem>>
      %dma_wait3A_95 = tpu.memref_squeeze %dma_wait3A_94 : memref<1x8x128xi32, #tpu.memory_space<vmem>> -> memref<8x128xi32, #tpu.memory_space<vmem>>
      %dma_wait3A_96 = arith.constant 0 : i32
      %dma_wait3A_97 = arith.constant 0 : i32
      %dma_wait3A_98 = tpu.memref_slice %arg2[%dma_wait3A_96, %dma_wait3A_97] : memref<50000x128xi32, #tpu.memory_space<hbm>> -> memref<8x128xi32, #tpu.memory_space<hbm>>
      tpu.wait_dma2 semaphore(%arg11 : memref<!tpu.dma_semaphore, #tpu.memory_space<semaphore_mem>>) src(%dma_wait3A_98 : memref<8x128xi32, #tpu.memory_space<hbm>>) dst(%dma_wait3A_95 : memref<8x128xi32, #tpu.memory_space<vmem>>)
      %dma_start3A_99 = arith.constant 0 : i32
      %dma_start3A_100 = arith.constant 0 : i32
      %dma_start3A_101 = arith.constant 0 : i32
      %dma_start3A_102 = tpu.memref_slice %arg8[%rem3A_70, %dma_start3A_100, %dma_start3A_101] : memref<2x1024x8xf32, #tpu.memory_space<vmem>> -> memref<1x128x8xf32, #tpu.memory_space<vmem>>
      %dma_start3A_103 = tpu.memref_squeeze %dma_start3A_102 : memref<1x128x8xf32, #tpu.memory_space<vmem>> -> memref<128x8xf32, #tpu.memory_space<vmem>>
      %dma_start3A_104 = arith.constant 0 : i32
      %dma_start3A_105 = tpu.memref_slice %arg6[%rem3A_70, %dma_start3A_99, %dma_start3A_104] : memref<2x8x128xi32, #tpu.memory_space<vmem>> -> memref<1x1x128xi32, #tpu.memory_space<vmem>>
      %dma_start3A_106 = tpu.memref_squeeze %dma_start3A_105 : memref<1x1x128xi32, #tpu.memory_space<vmem>> -> memref<128xi32, #tpu.memory_space<vmem>>
      %dma_start3A_107 = arith.constant 0 : i32
      %dma_start3A_108 = arith.constant 0 : i32
      %dma_start3A_109 = tpu.memref_slice %arg4[%dma_start3A_107, %dma_start3A_108] : memref<100096x8xf32, #tpu.memory_space<hbm>> -> memref<100096x8xf32, #tpu.memory_space<hbm>>
      tpu.enqueue_indirect_dma source(%dma_start3A_109 : memref<100096x8xf32, #tpu.memory_space<hbm>>) target(%dma_start3A_103 : memref<128x8xf32, #tpu.memory_space<vmem>>) offsets(%dma_start3A_106 : memref<128xi32, #tpu.memory_space<vmem>>) semaphore(%arg12 : memref<!tpu.dma_semaphore, #tpu.memory_space<semaphore_mem>>)
      %dma_start3A_110 = arith.constant 1 : i32
      %dma_start3A_111 = arith.constant 128 : i32
      %dma_start3A_112 = arith.constant 0 : i32
      %dma_start3A_113 = tpu.memref_slice %arg8[%rem3A_70, %dma_start3A_111, %dma_start3A_112] : memref<2x1024x8xf32, #tpu.memory_space<vmem>> -> memref<1x128x8xf32, #tpu.memory_space<vmem>>
      %dma_start3A_114 = tpu.memref_squeeze %dma_start3A_113 : memref<1x128x8xf32, #tpu.memory_space<vmem>> -> memref<128x8xf32, #tpu.memory_space<vmem>>
      %dma_start3A_115 = arith.constant 0 : i32
      %dma_start3A_116 = tpu.memref_slice %arg6[%rem3A_70, %dma_start3A_110, %dma_start3A_115] : memref<2x8x128xi32, #tpu.memory_space<vmem>> -> memref<1x1x128xi32, #tpu.memory_space<vmem>>
      %dma_start3A_117 = tpu.memref_squeeze %dma_start3A_116 : memref<1x1x128xi32, #tpu.memory_space<vmem>> -> memref<128xi32, #tpu.memory_space<vmem>>
      %dma_start3A_118 = arith.constant 0 : i32
      %dma_start3A_119 = arith.constant 0 : i32
      %dma_start3A_120 = tpu.memref_slice %arg4[%dma_start3A_118, %dma_start3A_119] : memref<100096x8xf32, #tpu.memory_space<hbm>> -> memref<100096x8xf32, #tpu.memory_space<hbm>>
      tpu.enqueue_indirect_dma source(%dma_start3A_120 : memref<100096x8xf32, #tpu.memory_space<hbm>>) target(%dma_start3A_114 : memref<128x8xf32, #tpu.memory_space<vmem>>) offsets(%dma_start3A_117 : memref<128xi32, #tpu.memory_space<vmem>>) semaphore(%arg12 : memref<!tpu.dma_semaphore, #tpu.memory_space<semaphore_mem>>)
      %dma_start3A_121 = arith.constant 2 : i32
      %dma_start3A_122 = arith.constant 256 : i32
      %dma_start3A_123 = arith.constant 0 : i32
      %dma_start3A_124 = tpu.memref_slice %arg8[%rem3A_70, %dma_start3A_122, %dma_start3A_123] : memref<2x1024x8xf32, #tpu.memory_space<vmem>> -> memref<1x128x8xf32, #tpu.memory_space<vmem>>
      %dma_start3A_125 = tpu.memref_squeeze %dma_start3A_124 : memref<1x128x8xf32, #tpu.memory_space<vmem>> -> memref<128x8xf32, #tpu.memory_space<vmem>>
      %dma_start3A_126 = arith.constant 0 : i32
      %dma_start3A_127 = tpu.memref_slice %arg6[%rem3A_70, %dma_start3A_121, %dma_start3A_126] : memref<2x8x128xi32, #tpu.memory_space<vmem>> -> memref<1x1x128xi32, #tpu.memory_space<vmem>>
      %dma_start3A_128 = tpu.memref_squeeze %dma_start3A_127 : memref<1x1x128xi32, #tpu.memory_space<vmem>> -> memref<128xi32, #tpu.memory_space<vmem>>
      %dma_start3A_129 = arith.constant 0 : i32
      %dma_start3A_130 = arith.constant 0 : i32
      %dma_start3A_131 = tpu.memref_slice %arg4[%dma_start3A_129, %dma_start3A_130] : memref<100096x8xf32, #tpu.memory_space<hbm>> -> memref<100096x8xf32, #tpu.memory_space<hbm>>
      tpu.enqueue_indirect_dma source(%dma_start3A_131 : memref<100096x8xf32, #tpu.memory_space<hbm>>) target(%dma_start3A_125 : memref<128x8xf32, #tpu.memory_space<vmem>>) offsets(%dma_start3A_128 : memref<128xi32, #tpu.memory_space<vmem>>) semaphore(%arg12 : memref<!tpu.dma_semaphore, #tpu.memory_space<semaphore_mem>>)
      %dma_start3A_132 = arith.constant 3 : i32
      %dma_start3A_133 = arith.constant 384 : i32
      %dma_start3A_134 = arith.constant 0 : i32
      %dma_start3A_135 = tpu.memref_slice %arg8[%rem3A_70, %dma_start3A_133, %dma_start3A_134] : memref<2x1024x8xf32, #tpu.memory_space<vmem>> -> memref<1x128x8xf32, #tpu.memory_space<vmem>>
      %dma_start3A_136 = tpu.memref_squeeze %dma_start3A_135 : memref<1x128x8xf32, #tpu.memory_space<vmem>> -> memref<128x8xf32, #tpu.memory_space<vmem>>
      %dma_start3A_137 = arith.constant 0 : i32
      %dma_start3A_138 = tpu.memref_slice %arg6[%rem3A_70, %dma_start3A_132, %dma_start3A_137] : memref<2x8x128xi32, #tpu.memory_space<vmem>> -> memref<1x1x128xi32, #tpu.memory_space<vmem>>
      %dma_start3A_139 = tpu.memref_squeeze %dma_start3A_138 : memref<1x1x128xi32, #tpu.memory_space<vmem>> -> memref<128xi32, #tpu.memory_space<vmem>>
      %dma_start3A_140 = arith.constant 0 : i32
      %dma_start3A_141 = arith.constant 0 : i32
      %dma_start3A_142 = tpu.memref_slice %arg4[%dma_start3A_140, %dma_start3A_141] : memref<100096x8xf32, #tpu.memory_space<hbm>> -> memref<100096x8xf32, #tpu.memory_space<hbm>>
      tpu.enqueue_indirect_dma source(%dma_start3A_142 : memref<100096x8xf32, #tpu.memory_space<hbm>>) target(%dma_start3A_136 : memref<128x8xf32, #tpu.memory_space<vmem>>) offsets(%dma_start3A_139 : memref<128xi32, #tpu.memory_space<vmem>>) semaphore(%arg12 : memref<!tpu.dma_semaphore, #tpu.memory_space<semaphore_mem>>)
      %dma_start3A_143 = arith.constant 4 : i32
      %dma_start3A_144 = arith.constant 512 : i32
      %dma_start3A_145 = arith.constant 0 : i32
      %dma_start3A_146 = tpu.memref_slice %arg8[%rem3A_70, %dma_start3A_144, %dma_start3A_145] : memref<2x1024x8xf32, #tpu.memory_space<vmem>> -> memref<1x128x8xf32, #tpu.memory_space<vmem>>
      %dma_start3A_147 = tpu.memref_squeeze %dma_start3A_146 : memref<1x128x8xf32, #tpu.memory_space<vmem>> -> memref<128x8xf32, #tpu.memory_space<vmem>>
      %dma_start3A_148 = arith.constant 0 : i32
      %dma_start3A_149 = tpu.memref_slice %arg6[%rem3A_70, %dma_start3A_143, %dma_start3A_148] : memref<2x8x128xi32, #tpu.memory_space<vmem>> -> memref<1x1x128xi32, #tpu.memory_space<vmem>>
      %dma_start3A_150 = tpu.memref_squeeze %dma_start3A_149 : memref<1x1x128xi32, #tpu.memory_space<vmem>> -> memref<128xi32, #tpu.memory_space<vmem>>
      %dma_start3A_151 = arith.constant 0 : i32
      %dma_start3A_152 = arith.constant 0 : i32
      %dma_start3A_153 = tpu.memref_slice %arg4[%dma_start3A_151, %dma_start3A_152] : memref<100096x8xf32, #tpu.memory_space<hbm>> -> memref<100096x8xf32, #tpu.memory_space<hbm>>
      tpu.enqueue_indirect_dma source(%dma_start3A_153 : memref<100096x8xf32, #tpu.memory_space<hbm>>) target(%dma_start3A_147 : memref<128x8xf32, #tpu.memory_space<vmem>>) offsets(%dma_start3A_150 : memref<128xi32, #tpu.memory_space<vmem>>) semaphore(%arg12 : memref<!tpu.dma_semaphore, #tpu.memory_space<semaphore_mem>>)
      %dma_start3A_154 = arith.constant 5 : i32
      %dma_start3A_155 = arith.constant 640 : i32
      %dma_start3A_156 = arith.constant 0 : i32
      %dma_start3A_157 = tpu.memref_slice %arg8[%rem3A_70, %dma_start3A_155, %dma_start3A_156] : memref<2x1024x8xf32, #tpu.memory_space<vmem>> -> memref<1x128x8xf32, #tpu.memory_space<vmem>>
      %dma_start3A_158 = tpu.memref_squeeze %dma_start3A_157 : memref<1x128x8xf32, #tpu.memory_space<vmem>> -> memref<128x8xf32, #tpu.memory_space<vmem>>
      %dma_start3A_159 = arith.constant 0 : i32
      %dma_start3A_160 = tpu.memref_slice %arg6[%rem3A_70, %dma_start3A_154, %dma_start3A_159] : memref<2x8x128xi32, #tpu.memory_space<vmem>> -> memref<1x1x128xi32, #tpu.memory_space<vmem>>
      %dma_start3A_161 = tpu.memref_squeeze %dma_start3A_160 : memref<1x1x128xi32, #tpu.memory_space<vmem>> -> memref<128xi32, #tpu.memory_space<vmem>>
      %dma_start3A_162 = arith.constant 0 : i32
      %dma_start3A_163 = arith.constant 0 : i32
      %dma_start3A_164 = tpu.memref_slice %arg4[%dma_start3A_162, %dma_start3A_163] : memref<100096x8xf32, #tpu.memory_space<hbm>> -> memref<100096x8xf32, #tpu.memory_space<hbm>>
      tpu.enqueue_indirect_dma source(%dma_start3A_164 : memref<100096x8xf32, #tpu.memory_space<hbm>>) target(%dma_start3A_158 : memref<128x8xf32, #tpu.memory_space<vmem>>) offsets(%dma_start3A_161 : memref<128xi32, #tpu.memory_space<vmem>>) semaphore(%arg12 : memref<!tpu.dma_semaphore, #tpu.memory_space<semaphore_mem>>)
      %dma_start3A_165 = arith.constant 6 : i32
      %dma_start3A_166 = arith.constant 768 : i32
      %dma_start3A_167 = arith.constant 0 : i32
      %dma_start3A_168 = tpu.memref_slice %arg8[%rem3A_70, %dma_start3A_166, %dma_start3A_167] : memref<2x1024x8xf32, #tpu.memory_space<vmem>> -> memref<1x128x8xf32, #tpu.memory_space<vmem>>
      %dma_start3A_169 = tpu.memref_squeeze %dma_start3A_168 : memref<1x128x8xf32, #tpu.memory_space<vmem>> -> memref<128x8xf32, #tpu.memory_space<vmem>>
      %dma_start3A_170 = arith.constant 0 : i32
      %dma_start3A_171 = tpu.memref_slice %arg6[%rem3A_70, %dma_start3A_165, %dma_start3A_170] : memref<2x8x128xi32, #tpu.memory_space<vmem>> -> memref<1x1x128xi32, #tpu.memory_space<vmem>>
      %dma_start3A_172 = tpu.memref_squeeze %dma_start3A_171 : memref<1x1x128xi32, #tpu.memory_space<vmem>> -> memref<128xi32, #tpu.memory_space<vmem>>
      %dma_start3A_173 = arith.constant 0 : i32
      %dma_start3A_174 = arith.constant 0 : i32
      %dma_start3A_175 = tpu.memref_slice %arg4[%dma_start3A_173, %dma_start3A_174] : memref<100096x8xf32, #tpu.memory_space<hbm>> -> memref<100096x8xf32, #tpu.memory_space<hbm>>
      tpu.enqueue_indirect_dma source(%dma_start3A_175 : memref<100096x8xf32, #tpu.memory_space<hbm>>) target(%dma_start3A_169 : memref<128x8xf32, #tpu.memory_space<vmem>>) offsets(%dma_start3A_172 : memref<128xi32, #tpu.memory_space<vmem>>) semaphore(%arg12 : memref<!tpu.dma_semaphore, #tpu.memory_space<semaphore_mem>>)
      %dma_start3A_176 = arith.constant 7 : i32
      %dma_start3A_177 = arith.constant 896 : i32
      %dma_start3A_178 = arith.constant 0 : i32
      %dma_start3A_179 = tpu.memref_slice %arg8[%rem3A_70, %dma_start3A_177, %dma_start3A_178] : memref<2x1024x8xf32, #tpu.memory_space<vmem>> -> memref<1x128x8xf32, #tpu.memory_space<vmem>>
      %dma_start3A_180 = tpu.memref_squeeze %dma_start3A_179 : memref<1x128x8xf32, #tpu.memory_space<vmem>> -> memref<128x8xf32, #tpu.memory_space<vmem>>
      %dma_start3A_181 = arith.constant 0 : i32
      %dma_start3A_182 = tpu.memref_slice %arg6[%rem3A_70, %dma_start3A_176, %dma_start3A_181] : memref<2x8x128xi32, #tpu.memory_space<vmem>> -> memref<1x1x128xi32, #tpu.memory_space<vmem>>
      %dma_start3A_183 = tpu.memref_squeeze %dma_start3A_182 : memref<1x1x128xi32, #tpu.memory_space<vmem>> -> memref<128xi32, #tpu.memory_space<vmem>>
      %dma_start3A_184 = arith.constant 0 : i32
      %dma_start3A_185 = arith.constant 0 : i32
      %dma_start3A_186 = tpu.memref_slice %arg4[%dma_start3A_184, %dma_start3A_185] : memref<100096x8xf32, #tpu.memory_space<hbm>> -> memref<100096x8xf32, #tpu.memory_space<hbm>>
      tpu.enqueue_indirect_dma source(%dma_start3A_186 : memref<100096x8xf32, #tpu.memory_space<hbm>>) target(%dma_start3A_180 : memref<128x8xf32, #tpu.memory_space<vmem>>) offsets(%dma_start3A_183 : memref<128xi32, #tpu.memory_space<vmem>>) semaphore(%arg12 : memref<!tpu.dma_semaphore, #tpu.memory_space<semaphore_mem>>)
      %ge3A = arith.constant 1 : i32
      %ge3A_187 = arith.cmpi sge, %while3A_68, %ge3A : i32
      %convert_element_type3A = arith.extui %ge3A_187 : i1 to i32
      %cond3A = arith.constant 0 : i32
      %cond3A_188 = arith.cmpi ne, %convert_element_type3A, %cond3A : i32
      scf.if %cond3A_188 {
        %dma_wait3A_297 = arith.constant 0 : i32
        %dma_wait3A_298 = arith.constant 0 : i32
        %dma_wait3A_299 = tpu.memref_slice %arg8[%rem3A_70, %dma_wait3A_297, %dma_wait3A_298] : memref<2x1024x8xf32, #tpu.memory_space<vmem>> -> memref<1x1024x8xf32, #tpu.memory_space<vmem>>
        %dma_wait3A_300 = tpu.memref_squeeze %dma_wait3A_299 : memref<1x1024x8xf32, #tpu.memory_space<vmem>> -> memref<1024x8xf32, #tpu.memory_space<vmem>>
        %dma_wait3A_301 = arith.constant 0 : i32
        %dma_wait3A_302 = arith.constant 0 : i32
        %dma_wait3A_303 = tpu.memref_slice %arg4[%dma_wait3A_301, %dma_wait3A_302] : memref<100096x8xf32, #tpu.memory_space<hbm>> -> memref<1024x8xf32, #tpu.memory_space<hbm>>
        %dma_wait3A_304 = arith.constant 0 : i32
        %dma_wait3A_305 = arith.constant 0 : i32
        %dma_wait3A_306 = tpu.memref_slice %arg8[%rem3A_70, %dma_wait3A_304, %dma_wait3A_305] : memref<2x1024x8xf32, #tpu.memory_space<vmem>> -> memref<1x1024x8xf32, #tpu.memory_space<vmem>>
        %dma_wait3A_307 = tpu.memref_squeeze %dma_wait3A_306 : memref<1x1024x8xf32, #tpu.memory_space<vmem>> -> memref<1024x8xf32, #tpu.memory_space<vmem>>
        %dma_wait3A_308 = arith.constant 0 : i32
        %dma_wait3A_309 = arith.constant 0 : i32
        %dma_wait3A_310 = tpu.memref_slice %arg4[%dma_wait3A_308, %dma_wait3A_309] : memref<100096x8xf32, #tpu.memory_space<hbm>> -> memref<1024x8xf32, #tpu.memory_space<hbm>>
        tpu.wait_dma2 semaphore(%arg13 : memref<!tpu.dma_semaphore, #tpu.memory_space<semaphore_mem>>) src(%dma_wait3A_310 : memref<1024x8xf32, #tpu.memory_space<hbm>>) dst(%dma_wait3A_307 : memref<1024x8xf32, #tpu.memory_space<vmem>>)
      } else {
      }
      %add3A_189 = arith.constant 1 : i32
      %add3A_190 = arith.addi %while3A_68, %add3A_189 : i32
      %lt3A_191 = arith.cmpi slt, %add3A_190, %add3A_10 : i32
      %convert_element_type3A_192 = arith.extui %lt3A_191 : i1 to i32
      %cond3A_193 = arith.constant 0 : i32
      %cond3A_194 = arith.cmpi ne, %convert_element_type3A_192, %cond3A_193 : i32
      scf.if %cond3A_194 {
        %add3A_297 = arith.constant 1 : i32
        %add3A_298 = arith.addi %while3A_68, %add3A_297 : i32
        %sub3A_299 = arith.constant 1 : i32
        %sub3A_300 = arith.subi %sub3A_299, %rem3A_70 : i32
        %add3A_301 = arith.addi %add3A_6, %add3A_298 : i32
        %mul3A_302 = arith.constant 8 : i32
        %mul3A_303 = arith.muli %add3A_301, %mul3A_302 : i32
        %dma_start3A_304 = arith.constant 0 : i32
        %dma_start3A_305 = arith.constant 0 : i32
        %dma_start3A_306 = tpu.memref_slice %arg6[%sub3A_300, %dma_start3A_304, %dma_start3A_305] : memref<2x8x128xi32, #tpu.memory_space<vmem>> -> memref<1x8x128xi32, #tpu.memory_space<vmem>>
        %dma_start3A_307 = tpu.memref_squeeze %dma_start3A_306 : memref<1x8x128xi32, #tpu.memory_space<vmem>> -> memref<8x128xi32, #tpu.memory_space<vmem>>
        %dma_start3A_308 = arith.constant 0 : i32
        %dma_start3A_309 = tpu.memref_slice %arg2[%mul3A_303, %dma_start3A_308] : memref<50000x128xi32, #tpu.memory_space<hbm>> -> memref<8x128xi32, #tpu.memory_space<hbm>>
        %dma_start3A_310 = arith.constant 0 : i32
        %dma_start3A_311 = arith.constant 0 : i32
        %dma_start3A_312 = tpu.memref_slice %arg6[%sub3A_300, %dma_start3A_310, %dma_start3A_311] : memref<2x8x128xi32, #tpu.memory_space<vmem>> -> memref<1x8x128xi32, #tpu.memory_space<vmem>>
        %dma_start3A_313 = tpu.memref_squeeze %dma_start3A_312 : memref<1x8x128xi32, #tpu.memory_space<vmem>> -> memref<8x128xi32, #tpu.memory_space<vmem>>
        %dma_start3A_314 = arith.constant 0 : i32
        %dma_start3A_315 = tpu.memref_slice %arg2[%mul3A_303, %dma_start3A_314] : memref<50000x128xi32, #tpu.memory_space<hbm>> -> memref<8x128xi32, #tpu.memory_space<hbm>>
        tpu.enqueue_dma source(%dma_start3A_315 : memref<8x128xi32, #tpu.memory_space<hbm>>) target(%dma_start3A_313 : memref<8x128xi32, #tpu.memory_space<vmem>>) target_semaphore(%arg11 : memref<!tpu.dma_semaphore, #tpu.memory_space<semaphore_mem>>)
        %dma_start3A_316 = arith.constant 0 : i32
        %dma_start3A_317 = arith.constant 0 : i32
        %dma_start3A_318 = tpu.memref_slice %arg7[%sub3A_300, %dma_start3A_316, %dma_start3A_317] : memref<2x8x128xi32, #tpu.memory_space<vmem>> -> memref<1x8x128xi32, #tpu.memory_space<vmem>>
        %dma_start3A_319 = tpu.memref_squeeze %dma_start3A_318 : memref<1x8x128xi32, #tpu.memory_space<vmem>> -> memref<8x128xi32, #tpu.memory_space<vmem>>
        %dma_start3A_320 = arith.constant 0 : i32
        %dma_start3A_321 = tpu.memref_slice %arg3[%mul3A_303, %dma_start3A_320] : memref<50000x128xi32, #tpu.memory_space<hbm>> -> memref<8x128xi32, #tpu.memory_space<hbm>>
        %dma_start3A_322 = arith.constant 0 : i32
        %dma_start3A_323 = arith.constant 0 : i32
        %dma_start3A_324 = tpu.memref_slice %arg7[%sub3A_300, %dma_start3A_322, %dma_start3A_323] : memref<2x8x128xi32, #tpu.memory_space<vmem>> -> memref<1x8x128xi32, #tpu.memory_space<vmem>>
        %dma_start3A_325 = tpu.memref_squeeze %dma_start3A_324 : memref<1x8x128xi32, #tpu.memory_space<vmem>> -> memref<8x128xi32, #tpu.memory_space<vmem>>
        %dma_start3A_326 = arith.constant 0 : i32
        %dma_start3A_327 = tpu.memref_slice %arg3[%mul3A_303, %dma_start3A_326] : memref<50000x128xi32, #tpu.memory_space<hbm>> -> memref<8x128xi32, #tpu.memory_space<hbm>>
        tpu.enqueue_dma source(%dma_start3A_327 : memref<8x128xi32, #tpu.memory_space<hbm>>) target(%dma_start3A_325 : memref<8x128xi32, #tpu.memory_space<vmem>>) target_semaphore(%arg11 : memref<!tpu.dma_semaphore, #tpu.memory_space<semaphore_mem>>)
      } else {
      }
      %dma_wait3A_195 = arith.constant 0 : i32
      %dma_wait3A_196 = arith.constant 0 : i32
      %dma_wait3A_197 = tpu.memref_slice %arg8[%rem3A_70, %dma_wait3A_195, %dma_wait3A_196] : memref<2x1024x8xf32, #tpu.memory_space<vmem>> -> memref<1x1024x8xf32, #tpu.memory_space<vmem>>
      %dma_wait3A_198 = tpu.memref_squeeze %dma_wait3A_197 : memref<1x1024x8xf32, #tpu.memory_space<vmem>> -> memref<1024x8xf32, #tpu.memory_space<vmem>>
      %dma_wait3A_199 = arith.constant 0 : i32
      %dma_wait3A_200 = arith.constant 0 : i32
      %dma_wait3A_201 = tpu.memref_slice %arg4[%dma_wait3A_199, %dma_wait3A_200] : memref<100096x8xf32, #tpu.memory_space<hbm>> -> memref<1024x8xf32, #tpu.memory_space<hbm>>
      %dma_wait3A_202 = arith.constant 0 : i32
      %dma_wait3A_203 = arith.constant 0 : i32
      %dma_wait3A_204 = tpu.memref_slice %arg8[%rem3A_70, %dma_wait3A_202, %dma_wait3A_203] : memref<2x1024x8xf32, #tpu.memory_space<vmem>> -> memref<1x1024x8xf32, #tpu.memory_space<vmem>>
      %dma_wait3A_205 = tpu.memref_squeeze %dma_wait3A_204 : memref<1x1024x8xf32, #tpu.memory_space<vmem>> -> memref<1024x8xf32, #tpu.memory_space<vmem>>
      %dma_wait3A_206 = arith.constant 0 : i32
      %dma_wait3A_207 = arith.constant 0 : i32
      %dma_wait3A_208 = tpu.memref_slice %arg4[%dma_wait3A_206, %dma_wait3A_207] : memref<100096x8xf32, #tpu.memory_space<hbm>> -> memref<1024x8xf32, #tpu.memory_space<hbm>>
      tpu.wait_dma2 semaphore(%arg12 : memref<!tpu.dma_semaphore, #tpu.memory_space<semaphore_mem>>) src(%dma_wait3A_208 : memref<1024x8xf32, #tpu.memory_space<hbm>>) dst(%dma_wait3A_205 : memref<1024x8xf32, #tpu.memory_space<vmem>>)
      %dma_start3A_209 = arith.constant 0 : i32
      %dma_start3A_210 = arith.constant 0 : i32
      %dma_start3A_211 = arith.constant 0 : i32
      %dma_start3A_212 = tpu.memref_slice %arg8[%rem3A_70, %dma_start3A_210, %dma_start3A_211] : memref<2x1024x8xf32, #tpu.memory_space<vmem>> -> memref<1x128x8xf32, #tpu.memory_space<vmem>>
      %dma_start3A_213 = tpu.memref_squeeze %dma_start3A_212 : memref<1x128x8xf32, #tpu.memory_space<vmem>> -> memref<128x8xf32, #tpu.memory_space<vmem>>
      %dma_start3A_214 = arith.constant 0 : i32
      %dma_start3A_215 = tpu.memref_slice %arg7[%rem3A_70, %dma_start3A_209, %dma_start3A_214] : memref<2x8x128xi32, #tpu.memory_space<vmem>> -> memref<1x1x128xi32, #tpu.memory_space<vmem>>
      %dma_start3A_216 = tpu.memref_squeeze %dma_start3A_215 : memref<1x1x128xi32, #tpu.memory_space<vmem>> -> memref<128xi32, #tpu.memory_space<vmem>>
      %dma_start3A_217 = arith.constant 0 : i32
      %dma_start3A_218 = arith.constant 0 : i32
      %dma_start3A_219 = tpu.memref_slice %arg10[%dma_start3A_217, %dma_start3A_218] : memref<100096x8xf32, #tpu.memory_space<vmem_shared>> -> memref<100096x8xf32, #tpu.memory_space<vmem_shared>>
      tpu.enqueue_indirect_dma source(%dma_start3A_213 : memref<128x8xf32, #tpu.memory_space<vmem>>) target(%dma_start3A_219 : memref<100096x8xf32, #tpu.memory_space<vmem_shared>>) offsets(%dma_start3A_216 : memref<128xi32, #tpu.memory_space<vmem>>) semaphore(%arg13 : memref<!tpu.dma_semaphore, #tpu.memory_space<semaphore_mem>>) {add = true}
      %dma_start3A_220 = arith.constant 1 : i32
      %dma_start3A_221 = arith.constant 128 : i32
      %dma_start3A_222 = arith.constant 0 : i32
      %dma_start3A_223 = tpu.memref_slice %arg8[%rem3A_70, %dma_start3A_221, %dma_start3A_222] : memref<2x1024x8xf32, #tpu.memory_space<vmem>> -> memref<1x128x8xf32, #tpu.memory_space<vmem>>
      %dma_start3A_224 = tpu.memref_squeeze %dma_start3A_223 : memref<1x128x8xf32, #tpu.memory_space<vmem>> -> memref<128x8xf32, #tpu.memory_space<vmem>>
      %dma_start3A_225 = arith.constant 0 : i32
      %dma_start3A_226 = tpu.memref_slice %arg7[%rem3A_70, %dma_start3A_220, %dma_start3A_225] : memref<2x8x128xi32, #tpu.memory_space<vmem>> -> memref<1x1x128xi32, #tpu.memory_space<vmem>>
      %dma_start3A_227 = tpu.memref_squeeze %dma_start3A_226 : memref<1x1x128xi32, #tpu.memory_space<vmem>> -> memref<128xi32, #tpu.memory_space<vmem>>
      %dma_start3A_228 = arith.constant 0 : i32
      %dma_start3A_229 = arith.constant 0 : i32
      %dma_start3A_230 = tpu.memref_slice %arg10[%dma_start3A_228, %dma_start3A_229] : memref<100096x8xf32, #tpu.memory_space<vmem_shared>> -> memref<100096x8xf32, #tpu.memory_space<vmem_shared>>
      tpu.enqueue_indirect_dma source(%dma_start3A_224 : memref<128x8xf32, #tpu.memory_space<vmem>>) target(%dma_start3A_230 : memref<100096x8xf32, #tpu.memory_space<vmem_shared>>) offsets(%dma_start3A_227 : memref<128xi32, #tpu.memory_space<vmem>>) semaphore(%arg13 : memref<!tpu.dma_semaphore, #tpu.memory_space<semaphore_mem>>) {add = true}
      %dma_start3A_231 = arith.constant 2 : i32
      %dma_start3A_232 = arith.constant 256 : i32
      %dma_start3A_233 = arith.constant 0 : i32
      %dma_start3A_234 = tpu.memref_slice %arg8[%rem3A_70, %dma_start3A_232, %dma_start3A_233] : memref<2x1024x8xf32, #tpu.memory_space<vmem>> -> memref<1x128x8xf32, #tpu.memory_space<vmem>>
      %dma_start3A_235 = tpu.memref_squeeze %dma_start3A_234 : memref<1x128x8xf32, #tpu.memory_space<vmem>> -> memref<128x8xf32, #tpu.memory_space<vmem>>
      %dma_start3A_236 = arith.constant 0 : i32
      %dma_start3A_237 = tpu.memref_slice %arg7[%rem3A_70, %dma_start3A_231, %dma_start3A_236] : memref<2x8x128xi32, #tpu.memory_space<vmem>> -> memref<1x1x128xi32, #tpu.memory_space<vmem>>
      %dma_start3A_238 = tpu.memref_squeeze %dma_start3A_237 : memref<1x1x128xi32, #tpu.memory_space<vmem>> -> memref<128xi32, #tpu.memory_space<vmem>>
      %dma_start3A_239 = arith.constant 0 : i32
      %dma_start3A_240 = arith.constant 0 : i32
      %dma_start3A_241 = tpu.memref_slice %arg10[%dma_start3A_239, %dma_start3A_240] : memref<100096x8xf32, #tpu.memory_space<vmem_shared>> -> memref<100096x8xf32, #tpu.memory_space<vmem_shared>>
      tpu.enqueue_indirect_dma source(%dma_start3A_235 : memref<128x8xf32, #tpu.memory_space<vmem>>) target(%dma_start3A_241 : memref<100096x8xf32, #tpu.memory_space<vmem_shared>>) offsets(%dma_start3A_238 : memref<128xi32, #tpu.memory_space<vmem>>) semaphore(%arg13 : memref<!tpu.dma_semaphore, #tpu.memory_space<semaphore_mem>>) {add = true}
      %dma_start3A_242 = arith.constant 3 : i32
      %dma_start3A_243 = arith.constant 384 : i32
      %dma_start3A_244 = arith.constant 0 : i32
      %dma_start3A_245 = tpu.memref_slice %arg8[%rem3A_70, %dma_start3A_243, %dma_start3A_244] : memref<2x1024x8xf32, #tpu.memory_space<vmem>> -> memref<1x128x8xf32, #tpu.memory_space<vmem>>
      %dma_start3A_246 = tpu.memref_squeeze %dma_start3A_245 : memref<1x128x8xf32, #tpu.memory_space<vmem>> -> memref<128x8xf32, #tpu.memory_space<vmem>>
      %dma_start3A_247 = arith.constant 0 : i32
      %dma_start3A_248 = tpu.memref_slice %arg7[%rem3A_70, %dma_start3A_242, %dma_start3A_247] : memref<2x8x128xi32, #tpu.memory_space<vmem>> -> memref<1x1x128xi32, #tpu.memory_space<vmem>>
      %dma_start3A_249 = tpu.memref_squeeze %dma_start3A_248 : memref<1x1x128xi32, #tpu.memory_space<vmem>> -> memref<128xi32, #tpu.memory_space<vmem>>
      %dma_start3A_250 = arith.constant 0 : i32
      %dma_start3A_251 = arith.constant 0 : i32
      %dma_start3A_252 = tpu.memref_slice %arg10[%dma_start3A_250, %dma_start3A_251] : memref<100096x8xf32, #tpu.memory_space<vmem_shared>> -> memref<100096x8xf32, #tpu.memory_space<vmem_shared>>
      tpu.enqueue_indirect_dma source(%dma_start3A_246 : memref<128x8xf32, #tpu.memory_space<vmem>>) target(%dma_start3A_252 : memref<100096x8xf32, #tpu.memory_space<vmem_shared>>) offsets(%dma_start3A_249 : memref<128xi32, #tpu.memory_space<vmem>>) semaphore(%arg13 : memref<!tpu.dma_semaphore, #tpu.memory_space<semaphore_mem>>) {add = true}
      %dma_start3A_253 = arith.constant 4 : i32
      %dma_start3A_254 = arith.constant 512 : i32
      %dma_start3A_255 = arith.constant 0 : i32
      %dma_start3A_256 = tpu.memref_slice %arg8[%rem3A_70, %dma_start3A_254, %dma_start3A_255] : memref<2x1024x8xf32, #tpu.memory_space<vmem>> -> memref<1x128x8xf32, #tpu.memory_space<vmem>>
      %dma_start3A_257 = tpu.memref_squeeze %dma_start3A_256 : memref<1x128x8xf32, #tpu.memory_space<vmem>> -> memref<128x8xf32, #tpu.memory_space<vmem>>
      %dma_start3A_258 = arith.constant 0 : i32
      %dma_start3A_259 = tpu.memref_slice %arg7[%rem3A_70, %dma_start3A_253, %dma_start3A_258] : memref<2x8x128xi32, #tpu.memory_space<vmem>> -> memref<1x1x128xi32, #tpu.memory_space<vmem>>
      %dma_start3A_260 = tpu.memref_squeeze %dma_start3A_259 : memref<1x1x128xi32, #tpu.memory_space<vmem>> -> memref<128xi32, #tpu.memory_space<vmem>>
      %dma_start3A_261 = arith.constant 0 : i32
      %dma_start3A_262 = arith.constant 0 : i32
      %dma_start3A_263 = tpu.memref_slice %arg10[%dma_start3A_261, %dma_start3A_262] : memref<100096x8xf32, #tpu.memory_space<vmem_shared>> -> memref<100096x8xf32, #tpu.memory_space<vmem_shared>>
      tpu.enqueue_indirect_dma source(%dma_start3A_257 : memref<128x8xf32, #tpu.memory_space<vmem>>) target(%dma_start3A_263 : memref<100096x8xf32, #tpu.memory_space<vmem_shared>>) offsets(%dma_start3A_260 : memref<128xi32, #tpu.memory_space<vmem>>) semaphore(%arg13 : memref<!tpu.dma_semaphore, #tpu.memory_space<semaphore_mem>>) {add = true}
      %dma_start3A_264 = arith.constant 5 : i32
      %dma_start3A_265 = arith.constant 640 : i32
      %dma_start3A_266 = arith.constant 0 : i32
      %dma_start3A_267 = tpu.memref_slice %arg8[%rem3A_70, %dma_start3A_265, %dma_start3A_266] : memref<2x1024x8xf32, #tpu.memory_space<vmem>> -> memref<1x128x8xf32, #tpu.memory_space<vmem>>
      %dma_start3A_268 = tpu.memref_squeeze %dma_start3A_267 : memref<1x128x8xf32, #tpu.memory_space<vmem>> -> memref<128x8xf32, #tpu.memory_space<vmem>>
      %dma_start3A_269 = arith.constant 0 : i32
      %dma_start3A_270 = tpu.memref_slice %arg7[%rem3A_70, %dma_start3A_264, %dma_start3A_269] : memref<2x8x128xi32, #tpu.memory_space<vmem>> -> memref<1x1x128xi32, #tpu.memory_space<vmem>>
      %dma_start3A_271 = tpu.memref_squeeze %dma_start3A_270 : memref<1x1x128xi32, #tpu.memory_space<vmem>> -> memref<128xi32, #tpu.memory_space<vmem>>
      %dma_start3A_272 = arith.constant 0 : i32
      %dma_start3A_273 = arith.constant 0 : i32
      %dma_start3A_274 = tpu.memref_slice %arg10[%dma_start3A_272, %dma_start3A_273] : memref<100096x8xf32, #tpu.memory_space<vmem_shared>> -> memref<100096x8xf32, #tpu.memory_space<vmem_shared>>
      tpu.enqueue_indirect_dma source(%dma_start3A_268 : memref<128x8xf32, #tpu.memory_space<vmem>>) target(%dma_start3A_274 : memref<100096x8xf32, #tpu.memory_space<vmem_shared>>) offsets(%dma_start3A_271 : memref<128xi32, #tpu.memory_space<vmem>>) semaphore(%arg13 : memref<!tpu.dma_semaphore, #tpu.memory_space<semaphore_mem>>) {add = true}
      %dma_start3A_275 = arith.constant 6 : i32
      %dma_start3A_276 = arith.constant 768 : i32
      %dma_start3A_277 = arith.constant 0 : i32
      %dma_start3A_278 = tpu.memref_slice %arg8[%rem3A_70, %dma_start3A_276, %dma_start3A_277] : memref<2x1024x8xf32, #tpu.memory_space<vmem>> -> memref<1x128x8xf32, #tpu.memory_space<vmem>>
      %dma_start3A_279 = tpu.memref_squeeze %dma_start3A_278 : memref<1x128x8xf32, #tpu.memory_space<vmem>> -> memref<128x8xf32, #tpu.memory_space<vmem>>
      %dma_start3A_280 = arith.constant 0 : i32
      %dma_start3A_281 = tpu.memref_slice %arg7[%rem3A_70, %dma_start3A_275, %dma_start3A_280] : memref<2x8x128xi32, #tpu.memory_space<vmem>> -> memref<1x1x128xi32, #tpu.memory_space<vmem>>
      %dma_start3A_282 = tpu.memref_squeeze %dma_start3A_281 : memref<1x1x128xi32, #tpu.memory_space<vmem>> -> memref<128xi32, #tpu.memory_space<vmem>>
      %dma_start3A_283 = arith.constant 0 : i32
      %dma_start3A_284 = arith.constant 0 : i32
      %dma_start3A_285 = tpu.memref_slice %arg10[%dma_start3A_283, %dma_start3A_284] : memref<100096x8xf32, #tpu.memory_space<vmem_shared>> -> memref<100096x8xf32, #tpu.memory_space<vmem_shared>>
      tpu.enqueue_indirect_dma source(%dma_start3A_279 : memref<128x8xf32, #tpu.memory_space<vmem>>) target(%dma_start3A_285 : memref<100096x8xf32, #tpu.memory_space<vmem_shared>>) offsets(%dma_start3A_282 : memref<128xi32, #tpu.memory_space<vmem>>) semaphore(%arg13 : memref<!tpu.dma_semaphore, #tpu.memory_space<semaphore_mem>>) {add = true}
      %dma_start3A_286 = arith.constant 7 : i32
      %dma_start3A_287 = arith.constant 896 : i32
      %dma_start3A_288 = arith.constant 0 : i32
      %dma_start3A_289 = tpu.memref_slice %arg8[%rem3A_70, %dma_start3A_287, %dma_start3A_288] : memref<2x1024x8xf32, #tpu.memory_space<vmem>> -> memref<1x128x8xf32, #tpu.memory_space<vmem>>
      %dma_start3A_290 = tpu.memref_squeeze %dma_start3A_289 : memref<1x128x8xf32, #tpu.memory_space<vmem>> -> memref<128x8xf32, #tpu.memory_space<vmem>>
      %dma_start3A_291 = arith.constant 0 : i32
      %dma_start3A_292 = tpu.memref_slice %arg7[%rem3A_70, %dma_start3A_286, %dma_start3A_291] : memref<2x8x128xi32, #tpu.memory_space<vmem>> -> memref<1x1x128xi32, #tpu.memory_space<vmem>>
      %dma_start3A_293 = tpu.memref_squeeze %dma_start3A_292 : memref<1x1x128xi32, #tpu.memory_space<vmem>> -> memref<128xi32, #tpu.memory_space<vmem>>
      %dma_start3A_294 = arith.constant 0 : i32
      %dma_start3A_295 = arith.constant 0 : i32
      %dma_start3A_296 = tpu.memref_slice %arg10[%dma_start3A_294, %dma_start3A_295] : memref<100096x8xf32, #tpu.memory_space<vmem_shared>> -> memref<100096x8xf32, #tpu.memory_space<vmem_shared>>
      tpu.enqueue_indirect_dma source(%dma_start3A_290 : memref<128x8xf32, #tpu.memory_space<vmem>>) target(%dma_start3A_296 : memref<100096x8xf32, #tpu.memory_space<vmem_shared>>) offsets(%dma_start3A_293 : memref<128xi32, #tpu.memory_space<vmem>>) semaphore(%arg13 : memref<!tpu.dma_semaphore, #tpu.memory_space<semaphore_mem>>) {add = true}
    }
    %while3A_48 = arith.constant 1 : i32
    scf.for %while3A_68 = %while3A_46 to %while3A_42 step %while3A_48  : i32 {
      %rem3A_69 = arith.constant 2 : i32
      %rem3A_70 = arith.remsi %while3A_68, %rem3A_69 : i32
      %dma_wait3A_71 = arith.constant 0 : i32
      %dma_wait3A_72 = arith.constant 0 : i32
      %dma_wait3A_73 = tpu.memref_slice %arg6[%rem3A_70, %dma_wait3A_71, %dma_wait3A_72] : memref<2x8x128xi32, #tpu.memory_space<vmem>> -> memref<1x8x128xi32, #tpu.memory_space<vmem>>
      %dma_wait3A_74 = tpu.memref_squeeze %dma_wait3A_73 : memref<1x8x128xi32, #tpu.memory_space<vmem>> -> memref<8x128xi32, #tpu.memory_space<vmem>>
      %dma_wait3A_75 = arith.constant 0 : i32
      %dma_wait3A_76 = arith.constant 0 : i32
      %dma_wait3A_77 = tpu.memref_slice %arg2[%dma_wait3A_75, %dma_wait3A_76] : memref<50000x128xi32, #tpu.memory_space<hbm>> -> memref<8x128xi32, #tpu.memory_space<hbm>>
      %dma_wait3A_78 = arith.constant 0 : i32
      %dma_wait3A_79 = arith.constant 0 : i32
      %dma_wait3A_80 = tpu.memref_slice %arg6[%rem3A_70, %dma_wait3A_78, %dma_wait3A_79] : memref<2x8x128xi32, #tpu.memory_space<vmem>> -> memref<1x8x128xi32, #tpu.memory_space<vmem>>
      %dma_wait3A_81 = tpu.memref_squeeze %dma_wait3A_80 : memref<1x8x128xi32, #tpu.memory_space<vmem>> -> memref<8x128xi32, #tpu.memory_space<vmem>>
      %dma_wait3A_82 = arith.constant 0 : i32
      %dma_wait3A_83 = arith.constant 0 : i32
      %dma_wait3A_84 = tpu.memref_slice %arg2[%dma_wait3A_82, %dma_wait3A_83] : memref<50000x128xi32, #tpu.memory_space<hbm>> -> memref<8x128xi32, #tpu.memory_space<hbm>>
      tpu.wait_dma2 semaphore(%arg11 : memref<!tpu.dma_semaphore, #tpu.memory_space<semaphore_mem>>) src(%dma_wait3A_84 : memref<8x128xi32, #tpu.memory_space<hbm>>) dst(%dma_wait3A_81 : memref<8x128xi32, #tpu.memory_space<vmem>>)
      %dma_wait3A_85 = arith.constant 0 : i32
      %dma_wait3A_86 = arith.constant 0 : i32
      %dma_wait3A_87 = tpu.memref_slice %arg7[%rem3A_70, %dma_wait3A_85, %dma_wait3A_86] : memref<2x8x128xi32, #tpu.memory_space<vmem>> -> memref<1x8x128xi32, #tpu.memory_space<vmem>>
      %dma_wait3A_88 = tpu.memref_squeeze %dma_wait3A_87 : memref<1x8x128xi32, #tpu.memory_space<vmem>> -> memref<8x128xi32, #tpu.memory_space<vmem>>
      %dma_wait3A_89 = arith.constant 0 : i32
      %dma_wait3A_90 = arith.constant 0 : i32
      %dma_wait3A_91 = tpu.memref_slice %arg2[%dma_wait3A_89, %dma_wait3A_90] : memref<50000x128xi32, #tpu.memory_space<hbm>> -> memref<8x128xi32, #tpu.memory_space<hbm>>
      %dma_wait3A_92 = arith.constant 0 : i32
      %dma_wait3A_93 = arith.constant 0 : i32
      %dma_wait3A_94 = tpu.memref_slice %arg7[%rem3A_70, %dma_wait3A_92, %dma_wait3A_93] : memref<2x8x128xi32, #tpu.memory_space<vmem>> -> memref<1x8x128xi32, #tpu.memory_space<vmem>>
      %dma_wait3A_95 = tpu.memref_squeeze %dma_wait3A_94 : memref<1x8x128xi32, #tpu.memory_space<vmem>> -> memref<8x128xi32, #tpu.memory_space<vmem>>
      %dma_wait3A_96 = arith.constant 0 : i32
      %dma_wait3A_97 = arith.constant 0 : i32
      %dma_wait3A_98 = tpu.memref_slice %arg2[%dma_wait3A_96, %dma_wait3A_97] : memref<50000x128xi32, #tpu.memory_space<hbm>> -> memref<8x128xi32, #tpu.memory_space<hbm>>
      tpu.wait_dma2 semaphore(%arg11 : memref<!tpu.dma_semaphore, #tpu.memory_space<semaphore_mem>>) src(%dma_wait3A_98 : memref<8x128xi32, #tpu.memory_space<hbm>>) dst(%dma_wait3A_95 : memref<8x128xi32, #tpu.memory_space<vmem>>)
      %dma_start3A_99 = arith.constant 0 : i32
      %dma_start3A_100 = arith.constant 0 : i32
      %dma_start3A_101 = arith.constant 0 : i32
      %dma_start3A_102 = tpu.memref_slice %arg8[%rem3A_70, %dma_start3A_100, %dma_start3A_101] : memref<2x1024x8xf32, #tpu.memory_space<vmem>> -> memref<1x128x8xf32, #tpu.memory_space<vmem>>
      %dma_start3A_103 = tpu.memref_squeeze %dma_start3A_102 : memref<1x128x8xf32, #tpu.memory_space<vmem>> -> memref<128x8xf32, #tpu.memory_space<vmem>>
      %dma_start3A_104 = arith.constant 0 : i32
      %dma_start3A_105 = tpu.memref_slice %arg6[%rem3A_70, %dma_start3A_99, %dma_start3A_104] : memref<2x8x128xi32, #tpu.memory_space<vmem>> -> memref<1x1x128xi32, #tpu.memory_space<vmem>>
      %dma_start3A_106 = tpu.memref_squeeze %dma_start3A_105 : memref<1x1x128xi32, #tpu.memory_space<vmem>> -> memref<128xi32, #tpu.memory_space<vmem>>
      %dma_start3A_107 = arith.constant 0 : i32
      %dma_start3A_108 = arith.constant 0 : i32
      %dma_start3A_109 = tpu.memref_slice %arg4[%dma_start3A_107, %dma_start3A_108] : memref<100096x8xf32, #tpu.memory_space<hbm>> -> memref<100096x8xf32, #tpu.memory_space<hbm>>
      tpu.enqueue_indirect_dma source(%dma_start3A_109 : memref<100096x8xf32, #tpu.memory_space<hbm>>) target(%dma_start3A_103 : memref<128x8xf32, #tpu.memory_space<vmem>>) offsets(%dma_start3A_106 : memref<128xi32, #tpu.memory_space<vmem>>) semaphore(%arg12 : memref<!tpu.dma_semaphore, #tpu.memory_space<semaphore_mem>>)
      %dma_start3A_110 = arith.constant 1 : i32
      %dma_start3A_111 = arith.constant 128 : i32
      %dma_start3A_112 = arith.constant 0 : i32
      %dma_start3A_113 = tpu.memref_slice %arg8[%rem3A_70, %dma_start3A_111, %dma_start3A_112] : memref<2x1024x8xf32, #tpu.memory_space<vmem>> -> memref<1x128x8xf32, #tpu.memory_space<vmem>>
      %dma_start3A_114 = tpu.memref_squeeze %dma_start3A_113 : memref<1x128x8xf32, #tpu.memory_space<vmem>> -> memref<128x8xf32, #tpu.memory_space<vmem>>
      %dma_start3A_115 = arith.constant 0 : i32
      %dma_start3A_116 = tpu.memref_slice %arg6[%rem3A_70, %dma_start3A_110, %dma_start3A_115] : memref<2x8x128xi32, #tpu.memory_space<vmem>> -> memref<1x1x128xi32, #tpu.memory_space<vmem>>
      %dma_start3A_117 = tpu.memref_squeeze %dma_start3A_116 : memref<1x1x128xi32, #tpu.memory_space<vmem>> -> memref<128xi32, #tpu.memory_space<vmem>>
      %dma_start3A_118 = arith.constant 0 : i32
      %dma_start3A_119 = arith.constant 0 : i32
      %dma_start3A_120 = tpu.memref_slice %arg4[%dma_start3A_118, %dma_start3A_119] : memref<100096x8xf32, #tpu.memory_space<hbm>> -> memref<100096x8xf32, #tpu.memory_space<hbm>>
      tpu.enqueue_indirect_dma source(%dma_start3A_120 : memref<100096x8xf32, #tpu.memory_space<hbm>>) target(%dma_start3A_114 : memref<128x8xf32, #tpu.memory_space<vmem>>) offsets(%dma_start3A_117 : memref<128xi32, #tpu.memory_space<vmem>>) semaphore(%arg12 : memref<!tpu.dma_semaphore, #tpu.memory_space<semaphore_mem>>)
      %dma_start3A_121 = arith.constant 2 : i32
      %dma_start3A_122 = arith.constant 256 : i32
      %dma_start3A_123 = arith.constant 0 : i32
      %dma_start3A_124 = tpu.memref_slice %arg8[%rem3A_70, %dma_start3A_122, %dma_start3A_123] : memref<2x1024x8xf32, #tpu.memory_space<vmem>> -> memref<1x128x8xf32, #tpu.memory_space<vmem>>
      %dma_start3A_125 = tpu.memref_squeeze %dma_start3A_124 : memref<1x128x8xf32, #tpu.memory_space<vmem>> -> memref<128x8xf32, #tpu.memory_space<vmem>>
      %dma_start3A_126 = arith.constant 0 : i32
      %dma_start3A_127 = tpu.memref_slice %arg6[%rem3A_70, %dma_start3A_121, %dma_start3A_126] : memref<2x8x128xi32, #tpu.memory_space<vmem>> -> memref<1x1x128xi32, #tpu.memory_space<vmem>>
      %dma_start3A_128 = tpu.memref_squeeze %dma_start3A_127 : memref<1x1x128xi32, #tpu.memory_space<vmem>> -> memref<128xi32, #tpu.memory_space<vmem>>
      %dma_start3A_129 = arith.constant 0 : i32
      %dma_start3A_130 = arith.constant 0 : i32
      %dma_start3A_131 = tpu.memref_slice %arg4[%dma_start3A_129, %dma_start3A_130] : memref<100096x8xf32, #tpu.memory_space<hbm>> -> memref<100096x8xf32, #tpu.memory_space<hbm>>
      tpu.enqueue_indirect_dma source(%dma_start3A_131 : memref<100096x8xf32, #tpu.memory_space<hbm>>) target(%dma_start3A_125 : memref<128x8xf32, #tpu.memory_space<vmem>>) offsets(%dma_start3A_128 : memref<128xi32, #tpu.memory_space<vmem>>) semaphore(%arg12 : memref<!tpu.dma_semaphore, #tpu.memory_space<semaphore_mem>>)
      %dma_start3A_132 = arith.constant 3 : i32
      %dma_start3A_133 = arith.constant 384 : i32
      %dma_start3A_134 = arith.constant 0 : i32
      %dma_start3A_135 = tpu.memref_slice %arg8[%rem3A_70, %dma_start3A_133, %dma_start3A_134] : memref<2x1024x8xf32, #tpu.memory_space<vmem>> -> memref<1x128x8xf32, #tpu.memory_space<vmem>>
      %dma_start3A_136 = tpu.memref_squeeze %dma_start3A_135 : memref<1x128x8xf32, #tpu.memory_space<vmem>> -> memref<128x8xf32, #tpu.memory_space<vmem>>
      %dma_start3A_137 = arith.constant 0 : i32
      %dma_start3A_138 = tpu.memref_slice %arg6[%rem3A_70, %dma_start3A_132, %dma_start3A_137] : memref<2x8x128xi32, #tpu.memory_space<vmem>> -> memref<1x1x128xi32, #tpu.memory_space<vmem>>
      %dma_start3A_139 = tpu.memref_squeeze %dma_start3A_138 : memref<1x1x128xi32, #tpu.memory_space<vmem>> -> memref<128xi32, #tpu.memory_space<vmem>>
      %dma_start3A_140 = arith.constant 0 : i32
      %dma_start3A_141 = arith.constant 0 : i32
      %dma_start3A_142 = tpu.memref_slice %arg4[%dma_start3A_140, %dma_start3A_141] : memref<100096x8xf32, #tpu.memory_space<hbm>> -> memref<100096x8xf32, #tpu.memory_space<hbm>>
      tpu.enqueue_indirect_dma source(%dma_start3A_142 : memref<100096x8xf32, #tpu.memory_space<hbm>>) target(%dma_start3A_136 : memref<128x8xf32, #tpu.memory_space<vmem>>) offsets(%dma_start3A_139 : memref<128xi32, #tpu.memory_space<vmem>>) semaphore(%arg12 : memref<!tpu.dma_semaphore, #tpu.memory_space<semaphore_mem>>)
      %dma_start3A_143 = arith.constant 4 : i32
      %dma_start3A_144 = arith.constant 512 : i32
      %dma_start3A_145 = arith.constant 0 : i32
      %dma_start3A_146 = tpu.memref_slice %arg8[%rem3A_70, %dma_start3A_144, %dma_start3A_145] : memref<2x1024x8xf32, #tpu.memory_space<vmem>> -> memref<1x128x8xf32, #tpu.memory_space<vmem>>
      %dma_start3A_147 = tpu.memref_squeeze %dma_start3A_146 : memref<1x128x8xf32, #tpu.memory_space<vmem>> -> memref<128x8xf32, #tpu.memory_space<vmem>>
      %dma_start3A_148 = arith.constant 0 : i32
      %dma_start3A_149 = tpu.memref_slice %arg6[%rem3A_70, %dma_start3A_143, %dma_start3A_148] : memref<2x8x128xi32, #tpu.memory_space<vmem>> -> memref<1x1x128xi32, #tpu.memory_space<vmem>>
      %dma_start3A_150 = tpu.memref_squeeze %dma_start3A_149 : memref<1x1x128xi32, #tpu.memory_space<vmem>> -> memref<128xi32, #tpu.memory_space<vmem>>
      %dma_start3A_151 = arith.constant 0 : i32
      %dma_start3A_152 = arith.constant 0 : i32
      %dma_start3A_153 = tpu.memref_slice %arg4[%dma_start3A_151, %dma_start3A_152] : memref<100096x8xf32, #tpu.memory_space<hbm>> -> memref<100096x8xf32, #tpu.memory_space<hbm>>
      tpu.enqueue_indirect_dma source(%dma_start3A_153 : memref<100096x8xf32, #tpu.memory_space<hbm>>) target(%dma_start3A_147 : memref<128x8xf32, #tpu.memory_space<vmem>>) offsets(%dma_start3A_150 : memref<128xi32, #tpu.memory_space<vmem>>) semaphore(%arg12 : memref<!tpu.dma_semaphore, #tpu.memory_space<semaphore_mem>>)
      %dma_start3A_154 = arith.constant 5 : i32
      %dma_start3A_155 = arith.constant 640 : i32
      %dma_start3A_156 = arith.constant 0 : i32
      %dma_start3A_157 = tpu.memref_slice %arg8[%rem3A_70, %dma_start3A_155, %dma_start3A_156] : memref<2x1024x8xf32, #tpu.memory_space<vmem>> -> memref<1x128x8xf32, #tpu.memory_space<vmem>>
      %dma_start3A_158 = tpu.memref_squeeze %dma_start3A_157 : memref<1x128x8xf32, #tpu.memory_space<vmem>> -> memref<128x8xf32, #tpu.memory_space<vmem>>
      %dma_start3A_159 = arith.constant 0 : i32
      %dma_start3A_160 = tpu.memref_slice %arg6[%rem3A_70, %dma_start3A_154, %dma_start3A_159] : memref<2x8x128xi32, #tpu.memory_space<vmem>> -> memref<1x1x128xi32, #tpu.memory_space<vmem>>
      %dma_start3A_161 = tpu.memref_squeeze %dma_start3A_160 : memref<1x1x128xi32, #tpu.memory_space<vmem>> -> memref<128xi32, #tpu.memory_space<vmem>>
      %dma_start3A_162 = arith.constant 0 : i32
      %dma_start3A_163 = arith.constant 0 : i32
      %dma_start3A_164 = tpu.memref_slice %arg4[%dma_start3A_162, %dma_start3A_163] : memref<100096x8xf32, #tpu.memory_space<hbm>> -> memref<100096x8xf32, #tpu.memory_space<hbm>>
      tpu.enqueue_indirect_dma source(%dma_start3A_164 : memref<100096x8xf32, #tpu.memory_space<hbm>>) target(%dma_start3A_158 : memref<128x8xf32, #tpu.memory_space<vmem>>) offsets(%dma_start3A_161 : memref<128xi32, #tpu.memory_space<vmem>>) semaphore(%arg12 : memref<!tpu.dma_semaphore, #tpu.memory_space<semaphore_mem>>)
      %dma_start3A_165 = arith.constant 6 : i32
      %dma_start3A_166 = arith.constant 768 : i32
      %dma_start3A_167 = arith.constant 0 : i32
      %dma_start3A_168 = tpu.memref_slice %arg8[%rem3A_70, %dma_start3A_166, %dma_start3A_167] : memref<2x1024x8xf32, #tpu.memory_space<vmem>> -> memref<1x128x8xf32, #tpu.memory_space<vmem>>
      %dma_start3A_169 = tpu.memref_squeeze %dma_start3A_168 : memref<1x128x8xf32, #tpu.memory_space<vmem>> -> memref<128x8xf32, #tpu.memory_space<vmem>>
      %dma_start3A_170 = arith.constant 0 : i32
      %dma_start3A_171 = tpu.memref_slice %arg6[%rem3A_70, %dma_start3A_165, %dma_start3A_170] : memref<2x8x128xi32, #tpu.memory_space<vmem>> -> memref<1x1x128xi32, #tpu.memory_space<vmem>>
      %dma_start3A_172 = tpu.memref_squeeze %dma_start3A_171 : memref<1x1x128xi32, #tpu.memory_space<vmem>> -> memref<128xi32, #tpu.memory_space<vmem>>
      %dma_start3A_173 = arith.constant 0 : i32
      %dma_start3A_174 = arith.constant 0 : i32
      %dma_start3A_175 = tpu.memref_slice %arg4[%dma_start3A_173, %dma_start3A_174] : memref<100096x8xf32, #tpu.memory_space<hbm>> -> memref<100096x8xf32, #tpu.memory_space<hbm>>
      tpu.enqueue_indirect_dma source(%dma_start3A_175 : memref<100096x8xf32, #tpu.memory_space<hbm>>) target(%dma_start3A_169 : memref<128x8xf32, #tpu.memory_space<vmem>>) offsets(%dma_start3A_172 : memref<128xi32, #tpu.memory_space<vmem>>) semaphore(%arg12 : memref<!tpu.dma_semaphore, #tpu.memory_space<semaphore_mem>>)
      %dma_start3A_176 = arith.constant 7 : i32
      %dma_start3A_177 = arith.constant 896 : i32
      %dma_start3A_178 = arith.constant 0 : i32
      %dma_start3A_179 = tpu.memref_slice %arg8[%rem3A_70, %dma_start3A_177, %dma_start3A_178] : memref<2x1024x8xf32, #tpu.memory_space<vmem>> -> memref<1x128x8xf32, #tpu.memory_space<vmem>>
      %dma_start3A_180 = tpu.memref_squeeze %dma_start3A_179 : memref<1x128x8xf32, #tpu.memory_space<vmem>> -> memref<128x8xf32, #tpu.memory_space<vmem>>
      %dma_start3A_181 = arith.constant 0 : i32
      %dma_start3A_182 = tpu.memref_slice %arg6[%rem3A_70, %dma_start3A_176, %dma_start3A_181] : memref<2x8x128xi32, #tpu.memory_space<vmem>> -> memref<1x1x128xi32, #tpu.memory_space<vmem>>
      %dma_start3A_183 = tpu.memref_squeeze %dma_start3A_182 : memref<1x1x128xi32, #tpu.memory_space<vmem>> -> memref<128xi32, #tpu.memory_space<vmem>>
      %dma_start3A_184 = arith.constant 0 : i32
      %dma_start3A_185 = arith.constant 0 : i32
      %dma_start3A_186 = tpu.memref_slice %arg4[%dma_start3A_184, %dma_start3A_185] : memref<100096x8xf32, #tpu.memory_space<hbm>> -> memref<100096x8xf32, #tpu.memory_space<hbm>>
      tpu.enqueue_indirect_dma source(%dma_start3A_186 : memref<100096x8xf32, #tpu.memory_space<hbm>>) target(%dma_start3A_180 : memref<128x8xf32, #tpu.memory_space<vmem>>) offsets(%dma_start3A_183 : memref<128xi32, #tpu.memory_space<vmem>>) semaphore(%arg12 : memref<!tpu.dma_semaphore, #tpu.memory_space<semaphore_mem>>)
      %ge3A = arith.constant 1 : i32
      %ge3A_187 = arith.cmpi sge, %while3A_68, %ge3A : i32
      %convert_element_type3A = arith.extui %ge3A_187 : i1 to i32
      %cond3A = arith.constant 0 : i32
      %cond3A_188 = arith.cmpi ne, %convert_element_type3A, %cond3A : i32
      scf.if %cond3A_188 {
        %dma_wait3A_297 = arith.constant 0 : i32
        %dma_wait3A_298 = arith.constant 0 : i32
        %dma_wait3A_299 = tpu.memref_slice %arg8[%rem3A_70, %dma_wait3A_297, %dma_wait3A_298] : memref<2x1024x8xf32, #tpu.memory_space<vmem>> -> memref<1x1024x8xf32, #tpu.memory_space<vmem>>
        %dma_wait3A_300 = tpu.memref_squeeze %dma_wait3A_299 : memref<1x1024x8xf32, #tpu.memory_space<vmem>> -> memref<1024x8xf32, #tpu.memory_space<vmem>>
        %dma_wait3A_301 = arith.constant 0 : i32
        %dma_wait3A_302 = arith.constant 0 : i32
        %dma_wait3A_303 = tpu.memref_slice %arg4[%dma_wait3A_301, %dma_wait3A_302] : memref<100096x8xf32, #tpu.memory_space<hbm>> -> memref<1024x8xf32, #tpu.memory_space<hbm>>
        %dma_wait3A_304 = arith.constant 0 : i32
        %dma_wait3A_305 = arith.constant 0 : i32
        %dma_wait3A_306 = tpu.memref_slice %arg8[%rem3A_70, %dma_wait3A_304, %dma_wait3A_305] : memref<2x1024x8xf32, #tpu.memory_space<vmem>> -> memref<1x1024x8xf32, #tpu.memory_space<vmem>>
        %dma_wait3A_307 = tpu.memref_squeeze %dma_wait3A_306 : memref<1x1024x8xf32, #tpu.memory_space<vmem>> -> memref<1024x8xf32, #tpu.memory_space<vmem>>
        %dma_wait3A_308 = arith.constant 0 : i32
        %dma_wait3A_309 = arith.constant 0 : i32
        %dma_wait3A_310 = tpu.memref_slice %arg4[%dma_wait3A_308, %dma_wait3A_309] : memref<100096x8xf32, #tpu.memory_space<hbm>> -> memref<1024x8xf32, #tpu.memory_space<hbm>>
        tpu.wait_dma2 semaphore(%arg13 : memref<!tpu.dma_semaphore, #tpu.memory_space<semaphore_mem>>) src(%dma_wait3A_310 : memref<1024x8xf32, #tpu.memory_space<hbm>>) dst(%dma_wait3A_307 : memref<1024x8xf32, #tpu.memory_space<vmem>>)
      } else {
      }
      %add3A_189 = arith.constant 1 : i32
      %add3A_190 = arith.addi %while3A_68, %add3A_189 : i32
      %lt3A_191 = arith.cmpi slt, %add3A_190, %add3A_10 : i32
      %convert_element_type3A_192 = arith.extui %lt3A_191 : i1 to i32
      %cond3A_193 = arith.constant 0 : i32
      %cond3A_194 = arith.cmpi ne, %convert_element_type3A_192, %cond3A_193 : i32
      scf.if %cond3A_194 {
        %add3A_297 = arith.constant 1 : i32
        %add3A_298 = arith.addi %while3A_68, %add3A_297 : i32
        %sub3A_299 = arith.constant 1 : i32
        %sub3A_300 = arith.subi %sub3A_299, %rem3A_70 : i32
        %add3A_301 = arith.addi %add3A_6, %add3A_298 : i32
        %mul3A_302 = arith.constant 8 : i32
        %mul3A_303 = arith.muli %add3A_301, %mul3A_302 : i32
        %dma_start3A_304 = arith.constant 0 : i32
        %dma_start3A_305 = arith.constant 0 : i32
        %dma_start3A_306 = tpu.memref_slice %arg6[%sub3A_300, %dma_start3A_304, %dma_start3A_305] : memref<2x8x128xi32, #tpu.memory_space<vmem>> -> memref<1x8x128xi32, #tpu.memory_space<vmem>>
        %dma_start3A_307 = tpu.memref_squeeze %dma_start3A_306 : memref<1x8x128xi32, #tpu.memory_space<vmem>> -> memref<8x128xi32, #tpu.memory_space<vmem>>
        %dma_start3A_308 = arith.constant 0 : i32
        %dma_start3A_309 = tpu.memref_slice %arg2[%mul3A_303, %dma_start3A_308] : memref<50000x128xi32, #tpu.memory_space<hbm>> -> memref<8x128xi32, #tpu.memory_space<hbm>>
        %dma_start3A_310 = arith.constant 0 : i32
        %dma_start3A_311 = arith.constant 0 : i32
        %dma_start3A_312 = tpu.memref_slice %arg6[%sub3A_300, %dma_start3A_310, %dma_start3A_311] : memref<2x8x128xi32, #tpu.memory_space<vmem>> -> memref<1x8x128xi32, #tpu.memory_space<vmem>>
        %dma_start3A_313 = tpu.memref_squeeze %dma_start3A_312 : memref<1x8x128xi32, #tpu.memory_space<vmem>> -> memref<8x128xi32, #tpu.memory_space<vmem>>
        %dma_start3A_314 = arith.constant 0 : i32
        %dma_start3A_315 = tpu.memref_slice %arg2[%mul3A_303, %dma_start3A_314] : memref<50000x128xi32, #tpu.memory_space<hbm>> -> memref<8x128xi32, #tpu.memory_space<hbm>>
        tpu.enqueue_dma source(%dma_start3A_315 : memref<8x128xi32, #tpu.memory_space<hbm>>) target(%dma_start3A_313 : memref<8x128xi32, #tpu.memory_space<vmem>>) target_semaphore(%arg11 : memref<!tpu.dma_semaphore, #tpu.memory_space<semaphore_mem>>)
        %dma_start3A_316 = arith.constant 0 : i32
        %dma_start3A_317 = arith.constant 0 : i32
        %dma_start3A_318 = tpu.memref_slice %arg7[%sub3A_300, %dma_start3A_316, %dma_start3A_317] : memref<2x8x128xi32, #tpu.memory_space<vmem>> -> memref<1x8x128xi32, #tpu.memory_space<vmem>>
        %dma_start3A_319 = tpu.memref_squeeze %dma_start3A_318 : memref<1x8x128xi32, #tpu.memory_space<vmem>> -> memref<8x128xi32, #tpu.memory_space<vmem>>
        %dma_start3A_320 = arith.constant 0 : i32
        %dma_start3A_321 = tpu.memref_slice %arg3[%mul3A_303, %dma_start3A_320] : memref<50000x128xi32, #tpu.memory_space<hbm>> -> memref<8x128xi32, #tpu.memory_space<hbm>>
        %dma_start3A_322 = arith.constant 0 : i32
        %dma_start3A_323 = arith.constant 0 : i32
        %dma_start3A_324 = tpu.memref_slice %arg7[%sub3A_300, %dma_start3A_322, %dma_start3A_323] : memref<2x8x128xi32, #tpu.memory_space<vmem>> -> memref<1x8x128xi32, #tpu.memory_space<vmem>>
        %dma_start3A_325 = tpu.memref_squeeze %dma_start3A_324 : memref<1x8x128xi32, #tpu.memory_space<vmem>> -> memref<8x128xi32, #tpu.memory_space<vmem>>
        %dma_start3A_326 = arith.constant 0 : i32
        %dma_start3A_327 = tpu.memref_slice %arg3[%mul3A_303, %dma_start3A_326] : memref<50000x128xi32, #tpu.memory_space<hbm>> -> memref<8x128xi32, #tpu.memory_space<hbm>>
        tpu.enqueue_dma source(%dma_start3A_327 : memref<8x128xi32, #tpu.memory_space<hbm>>) target(%dma_start3A_325 : memref<8x128xi32, #tpu.memory_space<vmem>>) target_semaphore(%arg11 : memref<!tpu.dma_semaphore, #tpu.memory_space<semaphore_mem>>)
      } else {
      }
      %dma_wait3A_195 = arith.constant 0 : i32
      %dma_wait3A_196 = arith.constant 0 : i32
      %dma_wait3A_197 = tpu.memref_slice %arg8[%rem3A_70, %dma_wait3A_195, %dma_wait3A_196] : memref<2x1024x8xf32, #tpu.memory_space<vmem>> -> memref<1x1024x8xf32, #tpu.memory_space<vmem>>
      %dma_wait3A_198 = tpu.memref_squeeze %dma_wait3A_197 : memref<1x1024x8xf32, #tpu.memory_space<vmem>> -> memref<1024x8xf32, #tpu.memory_space<vmem>>
      %dma_wait3A_199 = arith.constant 0 : i32
      %dma_wait3A_200 = arith.constant 0 : i32
      %dma_wait3A_201 = tpu.memref_slice %arg4[%dma_wait3A_199, %dma_wait3A_200] : memref<100096x8xf32, #tpu.memory_space<hbm>> -> memref<1024x8xf32, #tpu.memory_space<hbm>>
      %dma_wait3A_202 = arith.constant 0 : i32
      %dma_wait3A_203 = arith.constant 0 : i32
      %dma_wait3A_204 = tpu.memref_slice %arg8[%rem3A_70, %dma_wait3A_202, %dma_wait3A_203] : memref<2x1024x8xf32, #tpu.memory_space<vmem>> -> memref<1x1024x8xf32, #tpu.memory_space<vmem>>
      %dma_wait3A_205 = tpu.memref_squeeze %dma_wait3A_204 : memref<1x1024x8xf32, #tpu.memory_space<vmem>> -> memref<1024x8xf32, #tpu.memory_space<vmem>>
      %dma_wait3A_206 = arith.constant 0 : i32
      %dma_wait3A_207 = arith.constant 0 : i32
      %dma_wait3A_208 = tpu.memref_slice %arg4[%dma_wait3A_206, %dma_wait3A_207] : memref<100096x8xf32, #tpu.memory_space<hbm>> -> memref<1024x8xf32, #tpu.memory_space<hbm>>
      tpu.wait_dma2 semaphore(%arg12 : memref<!tpu.dma_semaphore, #tpu.memory_space<semaphore_mem>>) src(%dma_wait3A_208 : memref<1024x8xf32, #tpu.memory_space<hbm>>) dst(%dma_wait3A_205 : memref<1024x8xf32, #tpu.memory_space<vmem>>)
      %dma_start3A_209 = arith.constant 0 : i32
      %dma_start3A_210 = arith.constant 0 : i32
      %dma_start3A_211 = arith.constant 0 : i32
      %dma_start3A_212 = tpu.memref_slice %arg8[%rem3A_70, %dma_start3A_210, %dma_start3A_211] : memref<2x1024x8xf32, #tpu.memory_space<vmem>> -> memref<1x128x8xf32, #tpu.memory_space<vmem>>
      %dma_start3A_213 = tpu.memref_squeeze %dma_start3A_212 : memref<1x128x8xf32, #tpu.memory_space<vmem>> -> memref<128x8xf32, #tpu.memory_space<vmem>>
      %dma_start3A_214 = arith.constant 0 : i32
      %dma_start3A_215 = tpu.memref_slice %arg7[%rem3A_70, %dma_start3A_209, %dma_start3A_214] : memref<2x8x128xi32, #tpu.memory_space<vmem>> -> memref<1x1x128xi32, #tpu.memory_space<vmem>>
      %dma_start3A_216 = tpu.memref_squeeze %dma_start3A_215 : memref<1x1x128xi32, #tpu.memory_space<vmem>> -> memref<128xi32, #tpu.memory_space<vmem>>
      %dma_start3A_217 = arith.constant 0 : i32
      %dma_start3A_218 = arith.constant 0 : i32
      %dma_start3A_219 = tpu.memref_slice %arg10[%dma_start3A_217, %dma_start3A_218] : memref<100096x8xf32, #tpu.memory_space<vmem_shared>> -> memref<100096x8xf32, #tpu.memory_space<vmem_shared>>
      tpu.enqueue_indirect_dma source(%dma_start3A_213 : memref<128x8xf32, #tpu.memory_space<vmem>>) target(%dma_start3A_219 : memref<100096x8xf32, #tpu.memory_space<vmem_shared>>) offsets(%dma_start3A_216 : memref<128xi32, #tpu.memory_space<vmem>>) semaphore(%arg13 : memref<!tpu.dma_semaphore, #tpu.memory_space<semaphore_mem>>) {add = true}
      %dma_start3A_220 = arith.constant 1 : i32
      %dma_start3A_221 = arith.constant 128 : i32
      %dma_start3A_222 = arith.constant 0 : i32
      %dma_start3A_223 = tpu.memref_slice %arg8[%rem3A_70, %dma_start3A_221, %dma_start3A_222] : memref<2x1024x8xf32, #tpu.memory_space<vmem>> -> memref<1x128x8xf32, #tpu.memory_space<vmem>>
      %dma_start3A_224 = tpu.memref_squeeze %dma_start3A_223 : memref<1x128x8xf32, #tpu.memory_space<vmem>> -> memref<128x8xf32, #tpu.memory_space<vmem>>
      %dma_start3A_225 = arith.constant 0 : i32
      %dma_start3A_226 = tpu.memref_slice %arg7[%rem3A_70, %dma_start3A_220, %dma_start3A_225] : memref<2x8x128xi32, #tpu.memory_space<vmem>> -> memref<1x1x128xi32, #tpu.memory_space<vmem>>
      %dma_start3A_227 = tpu.memref_squeeze %dma_start3A_226 : memref<1x1x128xi32, #tpu.memory_space<vmem>> -> memref<128xi32, #tpu.memory_space<vmem>>
      %dma_start3A_228 = arith.constant 0 : i32
      %dma_start3A_229 = arith.constant 0 : i32
      %dma_start3A_230 = tpu.memref_slice %arg10[%dma_start3A_228, %dma_start3A_229] : memref<100096x8xf32, #tpu.memory_space<vmem_shared>> -> memref<100096x8xf32, #tpu.memory_space<vmem_shared>>
      tpu.enqueue_indirect_dma source(%dma_start3A_224 : memref<128x8xf32, #tpu.memory_space<vmem>>) target(%dma_start3A_230 : memref<100096x8xf32, #tpu.memory_space<vmem_shared>>) offsets(%dma_start3A_227 : memref<128xi32, #tpu.memory_space<vmem>>) semaphore(%arg13 : memref<!tpu.dma_semaphore, #tpu.memory_space<semaphore_mem>>) {add = true}
      %dma_start3A_231 = arith.constant 2 : i32
      %dma_start3A_232 = arith.constant 256 : i32
      %dma_start3A_233 = arith.constant 0 : i32
      %dma_start3A_234 = tpu.memref_slice %arg8[%rem3A_70, %dma_start3A_232, %dma_start3A_233] : memref<2x1024x8xf32, #tpu.memory_space<vmem>> -> memref<1x128x8xf32, #tpu.memory_space<vmem>>
      %dma_start3A_235 = tpu.memref_squeeze %dma_start3A_234 : memref<1x128x8xf32, #tpu.memory_space<vmem>> -> memref<128x8xf32, #tpu.memory_space<vmem>>
      %dma_start3A_236 = arith.constant 0 : i32
      %dma_start3A_237 = tpu.memref_slice %arg7[%rem3A_70, %dma_start3A_231, %dma_start3A_236] : memref<2x8x128xi32, #tpu.memory_space<vmem>> -> memref<1x1x128xi32, #tpu.memory_space<vmem>>
      %dma_start3A_238 = tpu.memref_squeeze %dma_start3A_237 : memref<1x1x128xi32, #tpu.memory_space<vmem>> -> memref<128xi32, #tpu.memory_space<vmem>>
      %dma_start3A_239 = arith.constant 0 : i32
      %dma_start3A_240 = arith.constant 0 : i32
      %dma_start3A_241 = tpu.memref_slice %arg10[%dma_start3A_239, %dma_start3A_240] : memref<100096x8xf32, #tpu.memory_space<vmem_shared>> -> memref<100096x8xf32, #tpu.memory_space<vmem_shared>>
      tpu.enqueue_indirect_dma source(%dma_start3A_235 : memref<128x8xf32, #tpu.memory_space<vmem>>) target(%dma_start3A_241 : memref<100096x8xf32, #tpu.memory_space<vmem_shared>>) offsets(%dma_start3A_238 : memref<128xi32, #tpu.memory_space<vmem>>) semaphore(%arg13 : memref<!tpu.dma_semaphore, #tpu.memory_space<semaphore_mem>>) {add = true}
      %dma_start3A_242 = arith.constant 3 : i32
      %dma_start3A_243 = arith.constant 384 : i32
      %dma_start3A_244 = arith.constant 0 : i32
      %dma_start3A_245 = tpu.memref_slice %arg8[%rem3A_70, %dma_start3A_243, %dma_start3A_244] : memref<2x1024x8xf32, #tpu.memory_space<vmem>> -> memref<1x128x8xf32, #tpu.memory_space<vmem>>
      %dma_start3A_246 = tpu.memref_squeeze %dma_start3A_245 : memref<1x128x8xf32, #tpu.memory_space<vmem>> -> memref<128x8xf32, #tpu.memory_space<vmem>>
      %dma_start3A_247 = arith.constant 0 : i32
      %dma_start3A_248 = tpu.memref_slice %arg7[%rem3A_70, %dma_start3A_242, %dma_start3A_247] : memref<2x8x128xi32, #tpu.memory_space<vmem>> -> memref<1x1x128xi32, #tpu.memory_space<vmem>>
      %dma_start3A_249 = tpu.memref_squeeze %dma_start3A_248 : memref<1x1x128xi32, #tpu.memory_space<vmem>> -> memref<128xi32, #tpu.memory_space<vmem>>
      %dma_start3A_250 = arith.constant 0 : i32
      %dma_start3A_251 = arith.constant 0 : i32
      %dma_start3A_252 = tpu.memref_slice %arg10[%dma_start3A_250, %dma_start3A_251] : memref<100096x8xf32, #tpu.memory_space<vmem_shared>> -> memref<100096x8xf32, #tpu.memory_space<vmem_shared>>
      tpu.enqueue_indirect_dma source(%dma_start3A_246 : memref<128x8xf32, #tpu.memory_space<vmem>>) target(%dma_start3A_252 : memref<100096x8xf32, #tpu.memory_space<vmem_shared>>) offsets(%dma_start3A_249 : memref<128xi32, #tpu.memory_space<vmem>>) semaphore(%arg13 : memref<!tpu.dma_semaphore, #tpu.memory_space<semaphore_mem>>) {add = true}
      %dma_start3A_253 = arith.constant 4 : i32
      %dma_start3A_254 = arith.constant 512 : i32
      %dma_start3A_255 = arith.constant 0 : i32
      %dma_start3A_256 = tpu.memref_slice %arg8[%rem3A_70, %dma_start3A_254, %dma_start3A_255] : memref<2x1024x8xf32, #tpu.memory_space<vmem>> -> memref<1x128x8xf32, #tpu.memory_space<vmem>>
      %dma_start3A_257 = tpu.memref_squeeze %dma_start3A_256 : memref<1x128x8xf32, #tpu.memory_space<vmem>> -> memref<128x8xf32, #tpu.memory_space<vmem>>
      %dma_start3A_258 = arith.constant 0 : i32
      %dma_start3A_259 = tpu.memref_slice %arg7[%rem3A_70, %dma_start3A_253, %dma_start3A_258] : memref<2x8x128xi32, #tpu.memory_space<vmem>> -> memref<1x1x128xi32, #tpu.memory_space<vmem>>
      %dma_start3A_260 = tpu.memref_squeeze %dma_start3A_259 : memref<1x1x128xi32, #tpu.memory_space<vmem>> -> memref<128xi32, #tpu.memory_space<vmem>>
      %dma_start3A_261 = arith.constant 0 : i32
      %dma_start3A_262 = arith.constant 0 : i32
      %dma_start3A_263 = tpu.memref_slice %arg10[%dma_start3A_261, %dma_start3A_262] : memref<100096x8xf32, #tpu.memory_space<vmem_shared>> -> memref<100096x8xf32, #tpu.memory_space<vmem_shared>>
      tpu.enqueue_indirect_dma source(%dma_start3A_257 : memref<128x8xf32, #tpu.memory_space<vmem>>) target(%dma_start3A_263 : memref<100096x8xf32, #tpu.memory_space<vmem_shared>>) offsets(%dma_start3A_260 : memref<128xi32, #tpu.memory_space<vmem>>) semaphore(%arg13 : memref<!tpu.dma_semaphore, #tpu.memory_space<semaphore_mem>>) {add = true}
      %dma_start3A_264 = arith.constant 5 : i32
      %dma_start3A_265 = arith.constant 640 : i32
      %dma_start3A_266 = arith.constant 0 : i32
      %dma_start3A_267 = tpu.memref_slice %arg8[%rem3A_70, %dma_start3A_265, %dma_start3A_266] : memref<2x1024x8xf32, #tpu.memory_space<vmem>> -> memref<1x128x8xf32, #tpu.memory_space<vmem>>
      %dma_start3A_268 = tpu.memref_squeeze %dma_start3A_267 : memref<1x128x8xf32, #tpu.memory_space<vmem>> -> memref<128x8xf32, #tpu.memory_space<vmem>>
      %dma_start3A_269 = arith.constant 0 : i32
      %dma_start3A_270 = tpu.memref_slice %arg7[%rem3A_70, %dma_start3A_264, %dma_start3A_269] : memref<2x8x128xi32, #tpu.memory_space<vmem>> -> memref<1x1x128xi32, #tpu.memory_space<vmem>>
      %dma_start3A_271 = tpu.memref_squeeze %dma_start3A_270 : memref<1x1x128xi32, #tpu.memory_space<vmem>> -> memref<128xi32, #tpu.memory_space<vmem>>
      %dma_start3A_272 = arith.constant 0 : i32
      %dma_start3A_273 = arith.constant 0 : i32
      %dma_start3A_274 = tpu.memref_slice %arg10[%dma_start3A_272, %dma_start3A_273] : memref<100096x8xf32, #tpu.memory_space<vmem_shared>> -> memref<100096x8xf32, #tpu.memory_space<vmem_shared>>
      tpu.enqueue_indirect_dma source(%dma_start3A_268 : memref<128x8xf32, #tpu.memory_space<vmem>>) target(%dma_start3A_274 : memref<100096x8xf32, #tpu.memory_space<vmem_shared>>) offsets(%dma_start3A_271 : memref<128xi32, #tpu.memory_space<vmem>>) semaphore(%arg13 : memref<!tpu.dma_semaphore, #tpu.memory_space<semaphore_mem>>) {add = true}
      %dma_start3A_275 = arith.constant 6 : i32
      %dma_start3A_276 = arith.constant 768 : i32
      %dma_start3A_277 = arith.constant 0 : i32
      %dma_start3A_278 = tpu.memref_slice %arg8[%rem3A_70, %dma_start3A_276, %dma_start3A_277] : memref<2x1024x8xf32, #tpu.memory_space<vmem>> -> memref<1x128x8xf32, #tpu.memory_space<vmem>>
      %dma_start3A_279 = tpu.memref_squeeze %dma_start3A_278 : memref<1x128x8xf32, #tpu.memory_space<vmem>> -> memref<128x8xf32, #tpu.memory_space<vmem>>
      %dma_start3A_280 = arith.constant 0 : i32
      %dma_start3A_281 = tpu.memref_slice %arg7[%rem3A_70, %dma_start3A_275, %dma_start3A_280] : memref<2x8x128xi32, #tpu.memory_space<vmem>> -> memref<1x1x128xi32, #tpu.memory_space<vmem>>
      %dma_start3A_282 = tpu.memref_squeeze %dma_start3A_281 : memref<1x1x128xi32, #tpu.memory_space<vmem>> -> memref<128xi32, #tpu.memory_space<vmem>>
      %dma_start3A_283 = arith.constant 0 : i32
      %dma_start3A_284 = arith.constant 0 : i32
      %dma_start3A_285 = tpu.memref_slice %arg10[%dma_start3A_283, %dma_start3A_284] : memref<100096x8xf32, #tpu.memory_space<vmem_shared>> -> memref<100096x8xf32, #tpu.memory_space<vmem_shared>>
      tpu.enqueue_indirect_dma source(%dma_start3A_279 : memref<128x8xf32, #tpu.memory_space<vmem>>) target(%dma_start3A_285 : memref<100096x8xf32, #tpu.memory_space<vmem_shared>>) offsets(%dma_start3A_282 : memref<128xi32, #tpu.memory_space<vmem>>) semaphore(%arg13 : memref<!tpu.dma_semaphore, #tpu.memory_space<semaphore_mem>>) {add = true}
      %dma_start3A_286 = arith.constant 7 : i32
      %dma_start3A_287 = arith.constant 896 : i32
      %dma_start3A_288 = arith.constant 0 : i32
      %dma_start3A_289 = tpu.memref_slice %arg8[%rem3A_70, %dma_start3A_287, %dma_start3A_288] : memref<2x1024x8xf32, #tpu.memory_space<vmem>> -> memref<1x128x8xf32, #tpu.memory_space<vmem>>
      %dma_start3A_290 = tpu.memref_squeeze %dma_start3A_289 : memref<1x128x8xf32, #tpu.memory_space<vmem>> -> memref<128x8xf32, #tpu.memory_space<vmem>>
      %dma_start3A_291 = arith.constant 0 : i32
      %dma_start3A_292 = tpu.memref_slice %arg7[%rem3A_70, %dma_start3A_286, %dma_start3A_291] : memref<2x8x128xi32, #tpu.memory_space<vmem>> -> memref<1x1x128xi32, #tpu.memory_space<vmem>>
      %dma_start3A_293 = tpu.memref_squeeze %dma_start3A_292 : memref<1x1x128xi32, #tpu.memory_space<vmem>> -> memref<128xi32, #tpu.memory_space<vmem>>
      %dma_start3A_294 = arith.constant 0 : i32
      %dma_start3A_295 = arith.constant 0 : i32
      %dma_start3A_296 = tpu.memref_slice %arg10[%dma_start3A_294, %dma_start3A_295] : memref<100096x8xf32, #tpu.memory_space<vmem_shared>> -> memref<100096x8xf32, #tpu.memory_space<vmem_shared>>
      tpu.enqueue_indirect_dma source(%dma_start3A_290 : memref<128x8xf32, #tpu.memory_space<vmem>>) target(%dma_start3A_296 : memref<100096x8xf32, #tpu.memory_space<vmem_shared>>) offsets(%dma_start3A_293 : memref<128xi32, #tpu.memory_space<vmem>>) semaphore(%arg13 : memref<!tpu.dma_semaphore, #tpu.memory_space<semaphore_mem>>) {add = true}
    }
    %sub3A = arith.constant 1 : i32
    %sub3A_49 = arith.subi %add3A_10, %sub3A : i32
    %rem3A = arith.constant 2 : i32
    %rem3A_50 = arith.remsi %sub3A_49, %rem3A : i32
    %dma_wait3A = arith.constant 0 : i32
    %dma_wait3A_51 = arith.constant 0 : i32
    %dma_wait3A_52 = tpu.memref_slice %arg8[%rem3A_50, %dma_wait3A, %dma_wait3A_51] : memref<2x1024x8xf32, #tpu.memory_space<vmem>> -> memref<1x1024x8xf32, #tpu.memory_space<vmem>>
    %dma_wait3A_53 = tpu.memref_squeeze %dma_wait3A_52 : memref<1x1024x8xf32, #tpu.memory_space<vmem>> -> memref<1024x8xf32, #tpu.memory_space<vmem>>
    %dma_wait3A_54 = arith.constant 0 : i32
    %dma_wait3A_55 = arith.constant 0 : i32
    %dma_wait3A_56 = tpu.memref_slice %arg4[%dma_wait3A_54, %dma_wait3A_55] : memref<100096x8xf32, #tpu.memory_space<hbm>> -> memref<1024x8xf32, #tpu.memory_space<hbm>>
    %dma_wait3A_57 = arith.constant 0 : i32
    %dma_wait3A_58 = arith.constant 0 : i32
    %dma_wait3A_59 = tpu.memref_slice %arg8[%rem3A_50, %dma_wait3A_57, %dma_wait3A_58] : memref<2x1024x8xf32, #tpu.memory_space<vmem>> -> memref<1x1024x8xf32, #tpu.memory_space<vmem>>
    %dma_wait3A_60 = tpu.memref_squeeze %dma_wait3A_59 : memref<1x1024x8xf32, #tpu.memory_space<vmem>> -> memref<1024x8xf32, #tpu.memory_space<vmem>>
    %dma_wait3A_61 = arith.constant 0 : i32
    %dma_wait3A_62 = arith.constant 0 : i32
    %dma_wait3A_63 = tpu.memref_slice %arg4[%dma_wait3A_61, %dma_wait3A_62] : memref<100096x8xf32, #tpu.memory_space<hbm>> -> memref<1024x8xf32, #tpu.memory_space<hbm>>
    tpu.wait_dma2 semaphore(%arg13 : memref<!tpu.dma_semaphore, #tpu.memory_space<semaphore_mem>>) src(%dma_wait3A_63 : memref<1024x8xf32, #tpu.memory_space<hbm>>) dst(%dma_wait3A_60 : memref<1024x8xf32, #tpu.memory_space<vmem>>)
    %barrier3A_64 = arith.constant 0 : index
    tpu.barrier barrier_id(%barrier3A_64)
    "tpu.region"() ({
      %run_scoped3A = tpu.sem_alloc : memref<!tpu.dma_semaphore, #tpu.memory_space<semaphore_mem>>
      %dma_start3A_68 = arith.constant 0 : i32
      %dma_start3A_69 = tpu.memref_slice %arg10[%mul3A_2, %dma_start3A_68] : memref<100096x8xf32, #tpu.memory_space<vmem_shared>> -> memref<6256x8xf32, #tpu.memory_space<vmem_shared>>
      %dma_start3A_70 = arith.constant 0 : i32
      %dma_start3A_71 = tpu.memref_slice %arg10[%mul3A_2, %dma_start3A_70] : memref<100096x8xf32, #tpu.memory_space<vmem_shared>> -> memref<6256x8xf32, #tpu.memory_space<vmem_shared>>
      tpu.enqueue_dma source(%dma_start3A_71 : memref<6256x8xf32, #tpu.memory_space<vmem_shared>>) target(%arg9 : memref<6256x8xf32, #tpu.memory_space<vmem>>) target_semaphore(%run_scoped3A : memref<!tpu.dma_semaphore, #tpu.memory_space<semaphore_mem>>)
      %dma_wait3A_72 = arith.constant 0 : i32
      %dma_wait3A_73 = tpu.memref_slice %arg10[%mul3A_2, %dma_wait3A_72] : memref<100096x8xf32, #tpu.memory_space<vmem_shared>> -> memref<6256x8xf32, #tpu.memory_space<vmem_shared>>
      %dma_wait3A_74 = arith.constant 0 : i32
      %dma_wait3A_75 = tpu.memref_slice %arg10[%mul3A_2, %dma_wait3A_74] : memref<100096x8xf32, #tpu.memory_space<vmem_shared>> -> memref<6256x8xf32, #tpu.memory_space<vmem_shared>>
      tpu.wait_dma2 semaphore(%run_scoped3A : memref<!tpu.dma_semaphore, #tpu.memory_space<semaphore_mem>>) src(%dma_wait3A_75 : memref<6256x8xf32, #tpu.memory_space<vmem_shared>>) dst(%arg9 : memref<6256x8xf32, #tpu.memory_space<vmem>>)
      tpu.yield
    }) : () -> ()
    %mul3A_65 = arith.constant 100096 : i32
    %mul3A_66 = arith.muli %arg0, %mul3A_65 : i32
    %add3A_67 = arith.addi %mul3A_66, %mul3A_2 : i32
    "tpu.region"() ({
      %run_scoped3A = tpu.sem_alloc : memref<!tpu.dma_semaphore, #tpu.memory_space<semaphore_mem>>
      %dma_start3A_68 = arith.constant 0 : i32
      %dma_start3A_69 = tpu.memref_slice %arg5[%add3A_67, %dma_start3A_68] : memref<200192x8xf32, #tpu.memory_space<hbm>> -> memref<6256x8xf32, #tpu.memory_space<hbm>>
      %dma_start3A_70 = arith.constant 0 : i32
      %dma_start3A_71 = tpu.memref_slice %arg5[%add3A_67, %dma_start3A_70] : memref<200192x8xf32, #tpu.memory_space<hbm>> -> memref<6256x8xf32, #tpu.memory_space<hbm>>
      tpu.enqueue_dma source(%arg9 : memref<6256x8xf32, #tpu.memory_space<vmem>>) target(%dma_start3A_71 : memref<6256x8xf32, #tpu.memory_space<hbm>>) target_semaphore(%run_scoped3A : memref<!tpu.dma_semaphore, #tpu.memory_space<semaphore_mem>>)
      %dma_wait3A_72 = arith.constant 0 : i32
      %dma_wait3A_73 = tpu.memref_slice %arg5[%add3A_67, %dma_wait3A_72] : memref<200192x8xf32, #tpu.memory_space<hbm>> -> memref<6256x8xf32, #tpu.memory_space<hbm>>
      %dma_wait3A_74 = arith.constant 0 : i32
      %dma_wait3A_75 = tpu.memref_slice %arg5[%add3A_67, %dma_wait3A_74] : memref<200192x8xf32, #tpu.memory_space<hbm>> -> memref<6256x8xf32, #tpu.memory_space<hbm>>
      tpu.wait_dma2 semaphore(%run_scoped3A : memref<!tpu.dma_semaphore, #tpu.memory_space<semaphore_mem>>) src(%arg9 : memref<6256x8xf32, #tpu.memory_space<vmem>>) dst(%dma_wait3A_75 : memref<6256x8xf32, #tpu.memory_space<hbm>>)
      tpu.yield
    }) : () -> ()
    return
  }
}

#map = affine_map<(d0, d1) -> (0, 0)>
#map1 = affine_map<(d0, d1) -> (0)>
module attributes {stable_mosaic.version = 14 : i64} {
  func.func @_deg_body(%arg0: i32, %arg1: i32, %arg2: memref<50000x128xi32, #tpu.memory_space<hbm>>, %arg3: memref<100096xf32, #tpu.memory_space<hbm>>, %arg4: memref<200192xf32, #tpu.memory_space<hbm>>, %arg5: memref<2x8x128xi32, #tpu.memory_space<vmem>>, %arg6: memref<128xf32, #tpu.memory_space<vmem>>, %arg7: memref<6256xf32, #tpu.memory_space<vmem>>, %arg8: memref<100096xf32, #tpu.memory_space<vmem_shared>>, %arg9: memref<!tpu.dma_semaphore, #tpu.memory_space<semaphore_mem>>, %arg10: memref<!tpu.dma_semaphore, #tpu.memory_space<semaphore_mem>>) attributes {dimension_semantics = [#tpu.dimension_semantics<core_parallel>, #tpu.dimension_semantics<subcore_parallel>], iteration_bounds = array<i64: 2, 16>, scalar_prefetch = 0 : i64, scratch_operands = 6 : i64, tpu.core_type = #tpu.core_type<sc_vector_subcore>, window_params = [{transform_indices = #map}, {transform_indices = #map1}, {transform_indices = #map1}]} {
    %mul3A = arith.constant 2 : i32
    %mul3A_0 = arith.muli %arg1, %mul3A : i32
    %add3A = arith.addi %mul3A_0, %arg0 : i32
    %mul3A_1 = arith.constant 6256 : i32
    %mul3A_2 = arith.muli %arg1, %mul3A_1 : i32
    "tpu.region"() ({
      %run_scoped3A = tpu.sem_alloc : memref<!tpu.dma_semaphore, #tpu.memory_space<semaphore_mem>>
      %dma_start3A_93 = tpu.memref_slice %arg3[%mul3A_2] : memref<100096xf32, #tpu.memory_space<hbm>> -> memref<6256xf32, #tpu.memory_space<hbm>>
      %dma_start3A_94 = tpu.memref_slice %arg3[%mul3A_2] : memref<100096xf32, #tpu.memory_space<hbm>> -> memref<6256xf32, #tpu.memory_space<hbm>>
      tpu.enqueue_dma source(%dma_start3A_94 : memref<6256xf32, #tpu.memory_space<hbm>>) target(%arg7 : memref<6256xf32, #tpu.memory_space<vmem>>) target_semaphore(%run_scoped3A : memref<!tpu.dma_semaphore, #tpu.memory_space<semaphore_mem>>)
      %dma_wait3A_95 = tpu.memref_slice %arg3[%mul3A_2] : memref<100096xf32, #tpu.memory_space<hbm>> -> memref<6256xf32, #tpu.memory_space<hbm>>
      %dma_wait3A_96 = tpu.memref_slice %arg3[%mul3A_2] : memref<100096xf32, #tpu.memory_space<hbm>> -> memref<6256xf32, #tpu.memory_space<hbm>>
      tpu.wait_dma2 semaphore(%run_scoped3A : memref<!tpu.dma_semaphore, #tpu.memory_space<semaphore_mem>>) src(%dma_wait3A_96 : memref<6256xf32, #tpu.memory_space<hbm>>) dst(%arg7 : memref<6256xf32, #tpu.memory_space<vmem>>)
      tpu.yield
    }) : () -> ()
    "tpu.region"() ({
      %run_scoped3A = tpu.sem_alloc : memref<!tpu.dma_semaphore, #tpu.memory_space<semaphore_mem>>
      %dma_start3A_93 = tpu.memref_slice %arg8[%mul3A_2] : memref<100096xf32, #tpu.memory_space<vmem_shared>> -> memref<6256xf32, #tpu.memory_space<vmem_shared>>
      %dma_start3A_94 = tpu.memref_slice %arg8[%mul3A_2] : memref<100096xf32, #tpu.memory_space<vmem_shared>> -> memref<6256xf32, #tpu.memory_space<vmem_shared>>
      tpu.enqueue_dma source(%arg7 : memref<6256xf32, #tpu.memory_space<vmem>>) target(%dma_start3A_94 : memref<6256xf32, #tpu.memory_space<vmem_shared>>) target_semaphore(%run_scoped3A : memref<!tpu.dma_semaphore, #tpu.memory_space<semaphore_mem>>)
      %dma_wait3A_95 = tpu.memref_slice %arg8[%mul3A_2] : memref<100096xf32, #tpu.memory_space<vmem_shared>> -> memref<6256xf32, #tpu.memory_space<vmem_shared>>
      %dma_wait3A_96 = tpu.memref_slice %arg8[%mul3A_2] : memref<100096xf32, #tpu.memory_space<vmem_shared>> -> memref<6256xf32, #tpu.memory_space<vmem_shared>>
      tpu.wait_dma2 semaphore(%run_scoped3A : memref<!tpu.dma_semaphore, #tpu.memory_space<semaphore_mem>>) src(%arg7 : memref<6256xf32, #tpu.memory_space<vmem>>) dst(%dma_wait3A_96 : memref<6256xf32, #tpu.memory_space<vmem_shared>>)
      tpu.yield
    }) : () -> ()
    %broadcast_in_dim3A = arith.constant 1.000000e+00 : f32
    %broadcast_in_dim3A_3 = vector.broadcast %broadcast_in_dim3A : f32 to vector<16xf32>
    %swap3A = arith.constant 0 : index
    %swap3A_4 = tpu.vector_load %arg6[%swap3A] {strides = array<i32>} : memref<128xf32, #tpu.memory_space<vmem>>, vector<16xf32>,
    %swap3A_5 = vector.shape_cast %swap3A_4 : vector<16xf32> to vector<16xf32>
    %swap3A_6 = vector.shape_cast %broadcast_in_dim3A_3 : vector<16xf32> to vector<16xf32>
    tpu.vector_store %arg6[%swap3A], %swap3A_6 {strides = array<i32>} : memref<128xf32, #tpu.memory_space<vmem>>, vector<16xf32>,
    %broadcast_in_dim3A_7 = arith.constant 1.000000e+00 : f32
    %broadcast_in_dim3A_8 = vector.broadcast %broadcast_in_dim3A_7 : f32 to vector<16xf32>
    %swap3A_9 = arith.constant 16 : index
    %swap3A_10 = tpu.vector_load %arg6[%swap3A_9] {strides = array<i32>} : memref<128xf32, #tpu.memory_space<vmem>>, vector<16xf32>,
    %swap3A_11 = vector.shape_cast %swap3A_10 : vector<16xf32> to vector<16xf32>
    %swap3A_12 = vector.shape_cast %broadcast_in_dim3A_8 : vector<16xf32> to vector<16xf32>
    tpu.vector_store %arg6[%swap3A_9], %swap3A_12 {strides = array<i32>} : memref<128xf32, #tpu.memory_space<vmem>>, vector<16xf32>,
    %broadcast_in_dim3A_13 = arith.constant 1.000000e+00 : f32
    %broadcast_in_dim3A_14 = vector.broadcast %broadcast_in_dim3A_13 : f32 to vector<16xf32>
    %swap3A_15 = arith.constant 32 : index
    %swap3A_16 = tpu.vector_load %arg6[%swap3A_15] {strides = array<i32>} : memref<128xf32, #tpu.memory_space<vmem>>, vector<16xf32>,
    %swap3A_17 = vector.shape_cast %swap3A_16 : vector<16xf32> to vector<16xf32>
    %swap3A_18 = vector.shape_cast %broadcast_in_dim3A_14 : vector<16xf32> to vector<16xf32>
    tpu.vector_store %arg6[%swap3A_15], %swap3A_18 {strides = array<i32>} : memref<128xf32, #tpu.memory_space<vmem>>, vector<16xf32>,
    %broadcast_in_dim3A_19 = arith.constant 1.000000e+00 : f32
    %broadcast_in_dim3A_20 = vector.broadcast %broadcast_in_dim3A_19 : f32 to vector<16xf32>
    %swap3A_21 = arith.constant 48 : index
    %swap3A_22 = tpu.vector_load %arg6[%swap3A_21] {strides = array<i32>} : memref<128xf32, #tpu.memory_space<vmem>>, vector<16xf32>,
    %swap3A_23 = vector.shape_cast %swap3A_22 : vector<16xf32> to vector<16xf32>
    %swap3A_24 = vector.shape_cast %broadcast_in_dim3A_20 : vector<16xf32> to vector<16xf32>
    tpu.vector_store %arg6[%swap3A_21], %swap3A_24 {strides = array<i32>} : memref<128xf32, #tpu.memory_space<vmem>>, vector<16xf32>,
    %broadcast_in_dim3A_25 = arith.constant 1.000000e+00 : f32
    %broadcast_in_dim3A_26 = vector.broadcast %broadcast_in_dim3A_25 : f32 to vector<16xf32>
    %swap3A_27 = arith.constant 64 : index
    %swap3A_28 = tpu.vector_load %arg6[%swap3A_27] {strides = array<i32>} : memref<128xf32, #tpu.memory_space<vmem>>, vector<16xf32>,
    %swap3A_29 = vector.shape_cast %swap3A_28 : vector<16xf32> to vector<16xf32>
    %swap3A_30 = vector.shape_cast %broadcast_in_dim3A_26 : vector<16xf32> to vector<16xf32>
    tpu.vector_store %arg6[%swap3A_27], %swap3A_30 {strides = array<i32>} : memref<128xf32, #tpu.memory_space<vmem>>, vector<16xf32>,
    %broadcast_in_dim3A_31 = arith.constant 1.000000e+00 : f32
    %broadcast_in_dim3A_32 = vector.broadcast %broadcast_in_dim3A_31 : f32 to vector<16xf32>
    %swap3A_33 = arith.constant 80 : index
    %swap3A_34 = tpu.vector_load %arg6[%swap3A_33] {strides = array<i32>} : memref<128xf32, #tpu.memory_space<vmem>>, vector<16xf32>,
    %swap3A_35 = vector.shape_cast %swap3A_34 : vector<16xf32> to vector<16xf32>
    %swap3A_36 = vector.shape_cast %broadcast_in_dim3A_32 : vector<16xf32> to vector<16xf32>
    tpu.vector_store %arg6[%swap3A_33], %swap3A_36 {strides = array<i32>} : memref<128xf32, #tpu.memory_space<vmem>>, vector<16xf32>,
    %broadcast_in_dim3A_37 = arith.constant 1.000000e+00 : f32
    %broadcast_in_dim3A_38 = vector.broadcast %broadcast_in_dim3A_37 : f32 to vector<16xf32>
    %swap3A_39 = arith.constant 96 : index
    %swap3A_40 = tpu.vector_load %arg6[%swap3A_39] {strides = array<i32>} : memref<128xf32, #tpu.memory_space<vmem>>, vector<16xf32>,
    %swap3A_41 = vector.shape_cast %swap3A_40 : vector<16xf32> to vector<16xf32>
    %swap3A_42 = vector.shape_cast %broadcast_in_dim3A_38 : vector<16xf32> to vector<16xf32>
    tpu.vector_store %arg6[%swap3A_39], %swap3A_42 {strides = array<i32>} : memref<128xf32, #tpu.memory_space<vmem>>, vector<16xf32>,
    %broadcast_in_dim3A_43 = arith.constant 1.000000e+00 : f32
    %broadcast_in_dim3A_44 = vector.broadcast %broadcast_in_dim3A_43 : f32 to vector<16xf32>
    %swap3A_45 = arith.constant 112 : index
    %swap3A_46 = tpu.vector_load %arg6[%swap3A_45] {strides = array<i32>} : memref<128xf32, #tpu.memory_space<vmem>>, vector<16xf32>,
    %swap3A_47 = vector.shape_cast %swap3A_46 : vector<16xf32> to vector<16xf32>
    %swap3A_48 = vector.shape_cast %broadcast_in_dim3A_44 : vector<16xf32> to vector<16xf32>
    tpu.vector_store %arg6[%swap3A_45], %swap3A_48 {strides = array<i32>} : memref<128xf32, #tpu.memory_space<vmem>>, vector<16xf32>,
    %barrier3A = arith.constant 0 : index
    tpu.barrier barrier_id(%barrier3A)
    %min3A = arith.constant 10 : i32
    %min3A_49 = arith.minsi %add3A, %min3A : i32
    %mul3A_50 = arith.constant 195 : i32
    %mul3A_51 = arith.muli %add3A, %mul3A_50 : i32
    %add3A_52 = arith.addi %mul3A_51, %min3A_49 : i32
    %lt3A = arith.constant 10 : i32
    %lt3A_53 = arith.cmpi slt, %add3A, %lt3A : i32
    %jit3A = arith.constant 1 : i32
    %jit3A_54 = arith.constant 0 : i32
    %select_n3A = arith.select %lt3A_53, %jit3A, %jit3A_54 : i32
    %add3A_55 = arith.constant 195 : i32
    %add3A_56 = arith.addi %add3A_55, %select_n3A : i32
    %add3A_57 = arith.constant 0 : i32
    %add3A_58 = arith.addi %add3A_52, %add3A_57 : i32
    %mul3A_59 = arith.constant 8 : i32
    %mul3A_60 = arith.muli %add3A_58, %mul3A_59 : i32
    %dma_start3A = arith.constant 0 : i32
    %dma_start3A_61 = arith.constant 0 : i32
    %dma_start3A_62 = arith.constant 0 : i32
    %dma_start3A_63 = tpu.memref_slice %arg5[%dma_start3A, %dma_start3A_61, %dma_start3A_62] : memref<2x8x128xi32, #tpu.memory_space<vmem>> -> memref<1x8x128xi32, #tpu.memory_space<vmem>>
    %dma_start3A_64 = tpu.memref_squeeze %dma_start3A_63 : memref<1x8x128xi32, #tpu.memory_space<vmem>> -> memref<8x128xi32, #tpu.memory_space<vmem>>
    %dma_start3A_65 = arith.constant 0 : i32
    %dma_start3A_66 = tpu.memref_slice %arg2[%mul3A_60, %dma_start3A_65] : memref<50000x128xi32, #tpu.memory_space<hbm>> -> memref<8x128xi32, #tpu.memory_space<hbm>>
    %dma_start3A_67 = arith.constant 0 : i32
    %dma_start3A_68 = arith.constant 0 : i32
    %dma_start3A_69 = tpu.memref_slice %arg5[%dma_start3A, %dma_start3A_67, %dma_start3A_68] : memref<2x8x128xi32, #tpu.memory_space<vmem>> -> memref<1x8x128xi32, #tpu.memory_space<vmem>>
    %dma_start3A_70 = tpu.memref_squeeze %dma_start3A_69 : memref<1x8x128xi32, #tpu.memory_space<vmem>> -> memref<8x128xi32, #tpu.memory_space<vmem>>
    %dma_start3A_71 = arith.constant 0 : i32
    %dma_start3A_72 = tpu.memref_slice %arg2[%mul3A_60, %dma_start3A_71] : memref<50000x128xi32, #tpu.memory_space<hbm>> -> memref<8x128xi32, #tpu.memory_space<hbm>>
    tpu.enqueue_dma source(%dma_start3A_72 : memref<8x128xi32, #tpu.memory_space<hbm>>) target(%dma_start3A_70 : memref<8x128xi32, #tpu.memory_space<vmem>>) target_semaphore(%arg9 : memref<!tpu.dma_semaphore, #tpu.memory_space<semaphore_mem>>)
    %while3A = arith.constant 0 : i32
    %while3A_73 = arith.constant 0 : i32
    %while3A_74 = arith.subi %add3A_56, %while3A_73 : i32
    %while3A_75 = arith.addi %while3A_73, %while3A_74 : i32
    %while3A_76 = arith.constant 1 : i32
    %while3A_77 = arith.divsi %while3A_74, %while3A_76 : i32
    %while3A_78 = arith.muli %while3A_77, %while3A_76 : i32
    %while3A_79 = arith.addi %while3A_73, %while3A_78 : i32
    %while3A_80 = arith.constant 1 : i32
    scf.for %while3A_93 = %while3A_73 to %while3A_79 step %while3A_80  : i32 {
      %rem3A = arith.constant 2 : i32
      %rem3A_94 = arith.remsi %while3A_93, %rem3A : i32
      %dma_wait3A_95 = arith.constant 0 : i32
      %dma_wait3A_96 = arith.constant 0 : i32
      %dma_wait3A_97 = tpu.memref_slice %arg5[%rem3A_94, %dma_wait3A_95, %dma_wait3A_96] : memref<2x8x128xi32, #tpu.memory_space<vmem>> -> memref<1x8x128xi32, #tpu.memory_space<vmem>>
      %dma_wait3A_98 = tpu.memref_squeeze %dma_wait3A_97 : memref<1x8x128xi32, #tpu.memory_space<vmem>> -> memref<8x128xi32, #tpu.memory_space<vmem>>
      %dma_wait3A_99 = arith.constant 0 : i32
      %dma_wait3A_100 = arith.constant 0 : i32
      %dma_wait3A_101 = tpu.memref_slice %arg2[%dma_wait3A_99, %dma_wait3A_100] : memref<50000x128xi32, #tpu.memory_space<hbm>> -> memref<8x128xi32, #tpu.memory_space<hbm>>
      %dma_wait3A_102 = arith.constant 0 : i32
      %dma_wait3A_103 = arith.constant 0 : i32
      %dma_wait3A_104 = tpu.memref_slice %arg5[%rem3A_94, %dma_wait3A_102, %dma_wait3A_103] : memref<2x8x128xi32, #tpu.memory_space<vmem>> -> memref<1x8x128xi32, #tpu.memory_space<vmem>>
      %dma_wait3A_105 = tpu.memref_squeeze %dma_wait3A_104 : memref<1x8x128xi32, #tpu.memory_space<vmem>> -> memref<8x128xi32, #tpu.memory_space<vmem>>
      %dma_wait3A_106 = arith.constant 0 : i32
      %dma_wait3A_107 = arith.constant 0 : i32
      %dma_wait3A_108 = tpu.memref_slice %arg2[%dma_wait3A_106, %dma_wait3A_107] : memref<50000x128xi32, #tpu.memory_space<hbm>> -> memref<8x128xi32, #tpu.memory_space<hbm>>
      tpu.wait_dma2 semaphore(%arg9 : memref<!tpu.dma_semaphore, #tpu.memory_space<semaphore_mem>>) src(%dma_wait3A_108 : memref<8x128xi32, #tpu.memory_space<hbm>>) dst(%dma_wait3A_105 : memref<8x128xi32, #tpu.memory_space<vmem>>)
      %dma_start3A_109 = arith.constant 0 : i32
      %dma_start3A_110 = arith.constant 0 : i32
      %dma_start3A_111 = tpu.memref_slice %arg5[%rem3A_94, %dma_start3A_109, %dma_start3A_110] : memref<2x8x128xi32, #tpu.memory_space<vmem>> -> memref<1x1x128xi32, #tpu.memory_space<vmem>>
      %dma_start3A_112 = tpu.memref_squeeze %dma_start3A_111 : memref<1x1x128xi32, #tpu.memory_space<vmem>> -> memref<128xi32, #tpu.memory_space<vmem>>
      %dma_start3A_113 = arith.constant 0 : i32
      %dma_start3A_114 = tpu.memref_slice %arg8[%dma_start3A_113] : memref<100096xf32, #tpu.memory_space<vmem_shared>> -> memref<100096xf32, #tpu.memory_space<vmem_shared>>
      tpu.enqueue_indirect_dma source(%arg6 : memref<128xf32, #tpu.memory_space<vmem>>) target(%dma_start3A_114 : memref<100096xf32, #tpu.memory_space<vmem_shared>>) offsets(%dma_start3A_112 : memref<128xi32, #tpu.memory_space<vmem>>) semaphore(%arg10 : memref<!tpu.dma_semaphore, #tpu.memory_space<semaphore_mem>>) {add = true}
      %dma_start3A_115 = arith.constant 1 : i32
      %dma_start3A_116 = arith.constant 0 : i32
      %dma_start3A_117 = tpu.memref_slice %arg5[%rem3A_94, %dma_start3A_115, %dma_start3A_116] : memref<2x8x128xi32, #tpu.memory_space<vmem>> -> memref<1x1x128xi32, #tpu.memory_space<vmem>>
      %dma_start3A_118 = tpu.memref_squeeze %dma_start3A_117 : memref<1x1x128xi32, #tpu.memory_space<vmem>> -> memref<128xi32, #tpu.memory_space<vmem>>
      %dma_start3A_119 = arith.constant 0 : i32
      %dma_start3A_120 = tpu.memref_slice %arg8[%dma_start3A_119] : memref<100096xf32, #tpu.memory_space<vmem_shared>> -> memref<100096xf32, #tpu.memory_space<vmem_shared>>
      tpu.enqueue_indirect_dma source(%arg6 : memref<128xf32, #tpu.memory_space<vmem>>) target(%dma_start3A_120 : memref<100096xf32, #tpu.memory_space<vmem_shared>>) offsets(%dma_start3A_118 : memref<128xi32, #tpu.memory_space<vmem>>) semaphore(%arg10 : memref<!tpu.dma_semaphore, #tpu.memory_space<semaphore_mem>>) {add = true}
      %dma_start3A_121 = arith.constant 2 : i32
      %dma_start3A_122 = arith.constant 0 : i32
      %dma_start3A_123 = tpu.memref_slice %arg5[%rem3A_94, %dma_start3A_121, %dma_start3A_122] : memref<2x8x128xi32, #tpu.memory_space<vmem>> -> memref<1x1x128xi32, #tpu.memory_space<vmem>>
      %dma_start3A_124 = tpu.memref_squeeze %dma_start3A_123 : memref<1x1x128xi32, #tpu.memory_space<vmem>> -> memref<128xi32, #tpu.memory_space<vmem>>
      %dma_start3A_125 = arith.constant 0 : i32
      %dma_start3A_126 = tpu.memref_slice %arg8[%dma_start3A_125] : memref<100096xf32, #tpu.memory_space<vmem_shared>> -> memref<100096xf32, #tpu.memory_space<vmem_shared>>
      tpu.enqueue_indirect_dma source(%arg6 : memref<128xf32, #tpu.memory_space<vmem>>) target(%dma_start3A_126 : memref<100096xf32, #tpu.memory_space<vmem_shared>>) offsets(%dma_start3A_124 : memref<128xi32, #tpu.memory_space<vmem>>) semaphore(%arg10 : memref<!tpu.dma_semaphore, #tpu.memory_space<semaphore_mem>>) {add = true}
      %dma_start3A_127 = arith.constant 3 : i32
      %dma_start3A_128 = arith.constant 0 : i32
      %dma_start3A_129 = tpu.memref_slice %arg5[%rem3A_94, %dma_start3A_127, %dma_start3A_128] : memref<2x8x128xi32, #tpu.memory_space<vmem>> -> memref<1x1x128xi32, #tpu.memory_space<vmem>>
      %dma_start3A_130 = tpu.memref_squeeze %dma_start3A_129 : memref<1x1x128xi32, #tpu.memory_space<vmem>> -> memref<128xi32, #tpu.memory_space<vmem>>
      %dma_start3A_131 = arith.constant 0 : i32
      %dma_start3A_132 = tpu.memref_slice %arg8[%dma_start3A_131] : memref<100096xf32, #tpu.memory_space<vmem_shared>> -> memref<100096xf32, #tpu.memory_space<vmem_shared>>
      tpu.enqueue_indirect_dma source(%arg6 : memref<128xf32, #tpu.memory_space<vmem>>) target(%dma_start3A_132 : memref<100096xf32, #tpu.memory_space<vmem_shared>>) offsets(%dma_start3A_130 : memref<128xi32, #tpu.memory_space<vmem>>) semaphore(%arg10 : memref<!tpu.dma_semaphore, #tpu.memory_space<semaphore_mem>>) {add = true}
      %dma_start3A_133 = arith.constant 4 : i32
      %dma_start3A_134 = arith.constant 0 : i32
      %dma_start3A_135 = tpu.memref_slice %arg5[%rem3A_94, %dma_start3A_133, %dma_start3A_134] : memref<2x8x128xi32, #tpu.memory_space<vmem>> -> memref<1x1x128xi32, #tpu.memory_space<vmem>>
      %dma_start3A_136 = tpu.memref_squeeze %dma_start3A_135 : memref<1x1x128xi32, #tpu.memory_space<vmem>> -> memref<128xi32, #tpu.memory_space<vmem>>
      %dma_start3A_137 = arith.constant 0 : i32
      %dma_start3A_138 = tpu.memref_slice %arg8[%dma_start3A_137] : memref<100096xf32, #tpu.memory_space<vmem_shared>> -> memref<100096xf32, #tpu.memory_space<vmem_shared>>
      tpu.enqueue_indirect_dma source(%arg6 : memref<128xf32, #tpu.memory_space<vmem>>) target(%dma_start3A_138 : memref<100096xf32, #tpu.memory_space<vmem_shared>>) offsets(%dma_start3A_136 : memref<128xi32, #tpu.memory_space<vmem>>) semaphore(%arg10 : memref<!tpu.dma_semaphore, #tpu.memory_space<semaphore_mem>>) {add = true}
      %dma_start3A_139 = arith.constant 5 : i32
      %dma_start3A_140 = arith.constant 0 : i32
      %dma_start3A_141 = tpu.memref_slice %arg5[%rem3A_94, %dma_start3A_139, %dma_start3A_140] : memref<2x8x128xi32, #tpu.memory_space<vmem>> -> memref<1x1x128xi32, #tpu.memory_space<vmem>>
      %dma_start3A_142 = tpu.memref_squeeze %dma_start3A_141 : memref<1x1x128xi32, #tpu.memory_space<vmem>> -> memref<128xi32, #tpu.memory_space<vmem>>
      %dma_start3A_143 = arith.constant 0 : i32
      %dma_start3A_144 = tpu.memref_slice %arg8[%dma_start3A_143] : memref<100096xf32, #tpu.memory_space<vmem_shared>> -> memref<100096xf32, #tpu.memory_space<vmem_shared>>
      tpu.enqueue_indirect_dma source(%arg6 : memref<128xf32, #tpu.memory_space<vmem>>) target(%dma_start3A_144 : memref<100096xf32, #tpu.memory_space<vmem_shared>>) offsets(%dma_start3A_142 : memref<128xi32, #tpu.memory_space<vmem>>) semaphore(%arg10 : memref<!tpu.dma_semaphore, #tpu.memory_space<semaphore_mem>>) {add = true}
      %dma_start3A_145 = arith.constant 6 : i32
      %dma_start3A_146 = arith.constant 0 : i32
      %dma_start3A_147 = tpu.memref_slice %arg5[%rem3A_94, %dma_start3A_145, %dma_start3A_146] : memref<2x8x128xi32, #tpu.memory_space<vmem>> -> memref<1x1x128xi32, #tpu.memory_space<vmem>>
      %dma_start3A_148 = tpu.memref_squeeze %dma_start3A_147 : memref<1x1x128xi32, #tpu.memory_space<vmem>> -> memref<128xi32, #tpu.memory_space<vmem>>
      %dma_start3A_149 = arith.constant 0 : i32
      %dma_start3A_150 = tpu.memref_slice %arg8[%dma_start3A_149] : memref<100096xf32, #tpu.memory_space<vmem_shared>> -> memref<100096xf32, #tpu.memory_space<vmem_shared>>
      tpu.enqueue_indirect_dma source(%arg6 : memref<128xf32, #tpu.memory_space<vmem>>) target(%dma_start3A_150 : memref<100096xf32, #tpu.memory_space<vmem_shared>>) offsets(%dma_start3A_148 : memref<128xi32, #tpu.memory_space<vmem>>) semaphore(%arg10 : memref<!tpu.dma_semaphore, #tpu.memory_space<semaphore_mem>>) {add = true}
      %dma_start3A_151 = arith.constant 7 : i32
      %dma_start3A_152 = arith.constant 0 : i32
      %dma_start3A_153 = tpu.memref_slice %arg5[%rem3A_94, %dma_start3A_151, %dma_start3A_152] : memref<2x8x128xi32, #tpu.memory_space<vmem>> -> memref<1x1x128xi32, #tpu.memory_space<vmem>>
      %dma_start3A_154 = tpu.memref_squeeze %dma_start3A_153 : memref<1x1x128xi32, #tpu.memory_space<vmem>> -> memref<128xi32, #tpu.memory_space<vmem>>
      %dma_start3A_155 = arith.constant 0 : i32
      %dma_start3A_156 = tpu.memref_slice %arg8[%dma_start3A_155] : memref<100096xf32, #tpu.memory_space<vmem_shared>> -> memref<100096xf32, #tpu.memory_space<vmem_shared>>
      tpu.enqueue_indirect_dma source(%arg6 : memref<128xf32, #tpu.memory_space<vmem>>) target(%dma_start3A_156 : memref<100096xf32, #tpu.memory_space<vmem_shared>>) offsets(%dma_start3A_154 : memref<128xi32, #tpu.memory_space<vmem>>) semaphore(%arg10 : memref<!tpu.dma_semaphore, #tpu.memory_space<semaphore_mem>>) {add = true}
      %ge3A = arith.constant 1 : i32
      %ge3A_157 = arith.cmpi sge, %while3A_93, %ge3A : i32
      %convert_element_type3A = arith.extui %ge3A_157 : i1 to i32
      %cond3A = arith.constant 0 : i32
      %cond3A_158 = arith.cmpi ne, %convert_element_type3A, %cond3A : i32
      scf.if %cond3A_158 {
        %dma_wait3A_165 = arith.constant 0 : i32
        %dma_wait3A_166 = tpu.memref_slice %arg7[%dma_wait3A_165] : memref<6256xf32, #tpu.memory_space<vmem>> -> memref<1024xf32, #tpu.memory_space<vmem>>
        %dma_wait3A_167 = arith.constant 0 : i32
        %dma_wait3A_168 = tpu.memref_slice %arg3[%dma_wait3A_167] : memref<100096xf32, #tpu.memory_space<hbm>> -> memref<1024xf32, #tpu.memory_space<hbm>>
        %dma_wait3A_169 = arith.constant 0 : i32
        %dma_wait3A_170 = tpu.memref_slice %arg7[%dma_wait3A_169] : memref<6256xf32, #tpu.memory_space<vmem>> -> memref<1024xf32, #tpu.memory_space<vmem>>
        %dma_wait3A_171 = arith.constant 0 : i32
        %dma_wait3A_172 = tpu.memref_slice %arg3[%dma_wait3A_171] : memref<100096xf32, #tpu.memory_space<hbm>> -> memref<1024xf32, #tpu.memory_space<hbm>>
        tpu.wait_dma2 semaphore(%arg10 : memref<!tpu.dma_semaphore, #tpu.memory_space<semaphore_mem>>) src(%dma_wait3A_172 : memref<1024xf32, #tpu.memory_space<hbm>>) dst(%dma_wait3A_170 : memref<1024xf32, #tpu.memory_space<vmem>>)
      } else {
      }
      %add3A_159 = arith.constant 1 : i32
      %add3A_160 = arith.addi %while3A_93, %add3A_159 : i32
      %lt3A_161 = arith.cmpi slt, %add3A_160, %add3A_56 : i32
      %convert_element_type3A_162 = arith.extui %lt3A_161 : i1 to i32
      %cond3A_163 = arith.constant 0 : i32
      %cond3A_164 = arith.cmpi ne, %convert_element_type3A_162, %cond3A_163 : i32
      scf.if %cond3A_164 {
        %add3A_165 = arith.constant 1 : i32
        %add3A_166 = arith.addi %while3A_93, %add3A_165 : i32
        %sub3A = arith.constant 1 : i32
        %sub3A_167 = arith.subi %sub3A, %rem3A_94 : i32
        %add3A_168 = arith.addi %add3A_52, %add3A_166 : i32
        %mul3A_169 = arith.constant 8 : i32
        %mul3A_170 = arith.muli %add3A_168, %mul3A_169 : i32
        %dma_start3A_171 = arith.constant 0 : i32
        %dma_start3A_172 = arith.constant 0 : i32
        %dma_start3A_173 = tpu.memref_slice %arg5[%sub3A_167, %dma_start3A_171, %dma_start3A_172] : memref<2x8x128xi32, #tpu.memory_space<vmem>> -> memref<1x8x128xi32, #tpu.memory_space<vmem>>
        %dma_start3A_174 = tpu.memref_squeeze %dma_start3A_173 : memref<1x8x128xi32, #tpu.memory_space<vmem>> -> memref<8x128xi32, #tpu.memory_space<vmem>>
        %dma_start3A_175 = arith.constant 0 : i32
        %dma_start3A_176 = tpu.memref_slice %arg2[%mul3A_170, %dma_start3A_175] : memref<50000x128xi32, #tpu.memory_space<hbm>> -> memref<8x128xi32, #tpu.memory_space<hbm>>
        %dma_start3A_177 = arith.constant 0 : i32
        %dma_start3A_178 = arith.constant 0 : i32
        %dma_start3A_179 = tpu.memref_slice %arg5[%sub3A_167, %dma_start3A_177, %dma_start3A_178] : memref<2x8x128xi32, #tpu.memory_space<vmem>> -> memref<1x8x128xi32, #tpu.memory_space<vmem>>
        %dma_start3A_180 = tpu.memref_squeeze %dma_start3A_179 : memref<1x8x128xi32, #tpu.memory_space<vmem>> -> memref<8x128xi32, #tpu.memory_space<vmem>>
        %dma_start3A_181 = arith.constant 0 : i32
        %dma_start3A_182 = tpu.memref_slice %arg2[%mul3A_170, %dma_start3A_181] : memref<50000x128xi32, #tpu.memory_space<hbm>> -> memref<8x128xi32, #tpu.memory_space<hbm>>
        tpu.enqueue_dma source(%dma_start3A_182 : memref<8x128xi32, #tpu.memory_space<hbm>>) target(%dma_start3A_180 : memref<8x128xi32, #tpu.memory_space<vmem>>) target_semaphore(%arg9 : memref<!tpu.dma_semaphore, #tpu.memory_space<semaphore_mem>>)
      } else {
      }
    }
    %while3A_81 = arith.constant 1 : i32
    scf.for %while3A_93 = %while3A_79 to %while3A_75 step %while3A_81  : i32 {
      %rem3A = arith.constant 2 : i32
      %rem3A_94 = arith.remsi %while3A_93, %rem3A : i32
      %dma_wait3A_95 = arith.constant 0 : i32
      %dma_wait3A_96 = arith.constant 0 : i32
      %dma_wait3A_97 = tpu.memref_slice %arg5[%rem3A_94, %dma_wait3A_95, %dma_wait3A_96] : memref<2x8x128xi32, #tpu.memory_space<vmem>> -> memref<1x8x128xi32, #tpu.memory_space<vmem>>
      %dma_wait3A_98 = tpu.memref_squeeze %dma_wait3A_97 : memref<1x8x128xi32, #tpu.memory_space<vmem>> -> memref<8x128xi32, #tpu.memory_space<vmem>>
      %dma_wait3A_99 = arith.constant 0 : i32
      %dma_wait3A_100 = arith.constant 0 : i32
      %dma_wait3A_101 = tpu.memref_slice %arg2[%dma_wait3A_99, %dma_wait3A_100] : memref<50000x128xi32, #tpu.memory_space<hbm>> -> memref<8x128xi32, #tpu.memory_space<hbm>>
      %dma_wait3A_102 = arith.constant 0 : i32
      %dma_wait3A_103 = arith.constant 0 : i32
      %dma_wait3A_104 = tpu.memref_slice %arg5[%rem3A_94, %dma_wait3A_102, %dma_wait3A_103] : memref<2x8x128xi32, #tpu.memory_space<vmem>> -> memref<1x8x128xi32, #tpu.memory_space<vmem>>
      %dma_wait3A_105 = tpu.memref_squeeze %dma_wait3A_104 : memref<1x8x128xi32, #tpu.memory_space<vmem>> -> memref<8x128xi32, #tpu.memory_space<vmem>>
      %dma_wait3A_106 = arith.constant 0 : i32
      %dma_wait3A_107 = arith.constant 0 : i32
      %dma_wait3A_108 = tpu.memref_slice %arg2[%dma_wait3A_106, %dma_wait3A_107] : memref<50000x128xi32, #tpu.memory_space<hbm>> -> memref<8x128xi32, #tpu.memory_space<hbm>>
      tpu.wait_dma2 semaphore(%arg9 : memref<!tpu.dma_semaphore, #tpu.memory_space<semaphore_mem>>) src(%dma_wait3A_108 : memref<8x128xi32, #tpu.memory_space<hbm>>) dst(%dma_wait3A_105 : memref<8x128xi32, #tpu.memory_space<vmem>>)
      %dma_start3A_109 = arith.constant 0 : i32
      %dma_start3A_110 = arith.constant 0 : i32
      %dma_start3A_111 = tpu.memref_slice %arg5[%rem3A_94, %dma_start3A_109, %dma_start3A_110] : memref<2x8x128xi32, #tpu.memory_space<vmem>> -> memref<1x1x128xi32, #tpu.memory_space<vmem>>
      %dma_start3A_112 = tpu.memref_squeeze %dma_start3A_111 : memref<1x1x128xi32, #tpu.memory_space<vmem>> -> memref<128xi32, #tpu.memory_space<vmem>>
      %dma_start3A_113 = arith.constant 0 : i32
      %dma_start3A_114 = tpu.memref_slice %arg8[%dma_start3A_113] : memref<100096xf32, #tpu.memory_space<vmem_shared>> -> memref<100096xf32, #tpu.memory_space<vmem_shared>>
      tpu.enqueue_indirect_dma source(%arg6 : memref<128xf32, #tpu.memory_space<vmem>>) target(%dma_start3A_114 : memref<100096xf32, #tpu.memory_space<vmem_shared>>) offsets(%dma_start3A_112 : memref<128xi32, #tpu.memory_space<vmem>>) semaphore(%arg10 : memref<!tpu.dma_semaphore, #tpu.memory_space<semaphore_mem>>) {add = true}
      %dma_start3A_115 = arith.constant 1 : i32
      %dma_start3A_116 = arith.constant 0 : i32
      %dma_start3A_117 = tpu.memref_slice %arg5[%rem3A_94, %dma_start3A_115, %dma_start3A_116] : memref<2x8x128xi32, #tpu.memory_space<vmem>> -> memref<1x1x128xi32, #tpu.memory_space<vmem>>
      %dma_start3A_118 = tpu.memref_squeeze %dma_start3A_117 : memref<1x1x128xi32, #tpu.memory_space<vmem>> -> memref<128xi32, #tpu.memory_space<vmem>>
      %dma_start3A_119 = arith.constant 0 : i32
      %dma_start3A_120 = tpu.memref_slice %arg8[%dma_start3A_119] : memref<100096xf32, #tpu.memory_space<vmem_shared>> -> memref<100096xf32, #tpu.memory_space<vmem_shared>>
      tpu.enqueue_indirect_dma source(%arg6 : memref<128xf32, #tpu.memory_space<vmem>>) target(%dma_start3A_120 : memref<100096xf32, #tpu.memory_space<vmem_shared>>) offsets(%dma_start3A_118 : memref<128xi32, #tpu.memory_space<vmem>>) semaphore(%arg10 : memref<!tpu.dma_semaphore, #tpu.memory_space<semaphore_mem>>) {add = true}
      %dma_start3A_121 = arith.constant 2 : i32
      %dma_start3A_122 = arith.constant 0 : i32
      %dma_start3A_123 = tpu.memref_slice %arg5[%rem3A_94, %dma_start3A_121, %dma_start3A_122] : memref<2x8x128xi32, #tpu.memory_space<vmem>> -> memref<1x1x128xi32, #tpu.memory_space<vmem>>
      %dma_start3A_124 = tpu.memref_squeeze %dma_start3A_123 : memref<1x1x128xi32, #tpu.memory_space<vmem>> -> memref<128xi32, #tpu.memory_space<vmem>>
      %dma_start3A_125 = arith.constant 0 : i32
      %dma_start3A_126 = tpu.memref_slice %arg8[%dma_start3A_125] : memref<100096xf32, #tpu.memory_space<vmem_shared>> -> memref<100096xf32, #tpu.memory_space<vmem_shared>>
      tpu.enqueue_indirect_dma source(%arg6 : memref<128xf32, #tpu.memory_space<vmem>>) target(%dma_start3A_126 : memref<100096xf32, #tpu.memory_space<vmem_shared>>) offsets(%dma_start3A_124 : memref<128xi32, #tpu.memory_space<vmem>>) semaphore(%arg10 : memref<!tpu.dma_semaphore, #tpu.memory_space<semaphore_mem>>) {add = true}
      %dma_start3A_127 = arith.constant 3 : i32
      %dma_start3A_128 = arith.constant 0 : i32
      %dma_start3A_129 = tpu.memref_slice %arg5[%rem3A_94, %dma_start3A_127, %dma_start3A_128] : memref<2x8x128xi32, #tpu.memory_space<vmem>> -> memref<1x1x128xi32, #tpu.memory_space<vmem>>
      %dma_start3A_130 = tpu.memref_squeeze %dma_start3A_129 : memref<1x1x128xi32, #tpu.memory_space<vmem>> -> memref<128xi32, #tpu.memory_space<vmem>>
      %dma_start3A_131 = arith.constant 0 : i32
      %dma_start3A_132 = tpu.memref_slice %arg8[%dma_start3A_131] : memref<100096xf32, #tpu.memory_space<vmem_shared>> -> memref<100096xf32, #tpu.memory_space<vmem_shared>>
      tpu.enqueue_indirect_dma source(%arg6 : memref<128xf32, #tpu.memory_space<vmem>>) target(%dma_start3A_132 : memref<100096xf32, #tpu.memory_space<vmem_shared>>) offsets(%dma_start3A_130 : memref<128xi32, #tpu.memory_space<vmem>>) semaphore(%arg10 : memref<!tpu.dma_semaphore, #tpu.memory_space<semaphore_mem>>) {add = true}
      %dma_start3A_133 = arith.constant 4 : i32
      %dma_start3A_134 = arith.constant 0 : i32
      %dma_start3A_135 = tpu.memref_slice %arg5[%rem3A_94, %dma_start3A_133, %dma_start3A_134] : memref<2x8x128xi32, #tpu.memory_space<vmem>> -> memref<1x1x128xi32, #tpu.memory_space<vmem>>
      %dma_start3A_136 = tpu.memref_squeeze %dma_start3A_135 : memref<1x1x128xi32, #tpu.memory_space<vmem>> -> memref<128xi32, #tpu.memory_space<vmem>>
      %dma_start3A_137 = arith.constant 0 : i32
      %dma_start3A_138 = tpu.memref_slice %arg8[%dma_start3A_137] : memref<100096xf32, #tpu.memory_space<vmem_shared>> -> memref<100096xf32, #tpu.memory_space<vmem_shared>>
      tpu.enqueue_indirect_dma source(%arg6 : memref<128xf32, #tpu.memory_space<vmem>>) target(%dma_start3A_138 : memref<100096xf32, #tpu.memory_space<vmem_shared>>) offsets(%dma_start3A_136 : memref<128xi32, #tpu.memory_space<vmem>>) semaphore(%arg10 : memref<!tpu.dma_semaphore, #tpu.memory_space<semaphore_mem>>) {add = true}
      %dma_start3A_139 = arith.constant 5 : i32
      %dma_start3A_140 = arith.constant 0 : i32
      %dma_start3A_141 = tpu.memref_slice %arg5[%rem3A_94, %dma_start3A_139, %dma_start3A_140] : memref<2x8x128xi32, #tpu.memory_space<vmem>> -> memref<1x1x128xi32, #tpu.memory_space<vmem>>
      %dma_start3A_142 = tpu.memref_squeeze %dma_start3A_141 : memref<1x1x128xi32, #tpu.memory_space<vmem>> -> memref<128xi32, #tpu.memory_space<vmem>>
      %dma_start3A_143 = arith.constant 0 : i32
      %dma_start3A_144 = tpu.memref_slice %arg8[%dma_start3A_143] : memref<100096xf32, #tpu.memory_space<vmem_shared>> -> memref<100096xf32, #tpu.memory_space<vmem_shared>>
      tpu.enqueue_indirect_dma source(%arg6 : memref<128xf32, #tpu.memory_space<vmem>>) target(%dma_start3A_144 : memref<100096xf32, #tpu.memory_space<vmem_shared>>) offsets(%dma_start3A_142 : memref<128xi32, #tpu.memory_space<vmem>>) semaphore(%arg10 : memref<!tpu.dma_semaphore, #tpu.memory_space<semaphore_mem>>) {add = true}
      %dma_start3A_145 = arith.constant 6 : i32
      %dma_start3A_146 = arith.constant 0 : i32
      %dma_start3A_147 = tpu.memref_slice %arg5[%rem3A_94, %dma_start3A_145, %dma_start3A_146] : memref<2x8x128xi32, #tpu.memory_space<vmem>> -> memref<1x1x128xi32, #tpu.memory_space<vmem>>
      %dma_start3A_148 = tpu.memref_squeeze %dma_start3A_147 : memref<1x1x128xi32, #tpu.memory_space<vmem>> -> memref<128xi32, #tpu.memory_space<vmem>>
      %dma_start3A_149 = arith.constant 0 : i32
      %dma_start3A_150 = tpu.memref_slice %arg8[%dma_start3A_149] : memref<100096xf32, #tpu.memory_space<vmem_shared>> -> memref<100096xf32, #tpu.memory_space<vmem_shared>>
      tpu.enqueue_indirect_dma source(%arg6 : memref<128xf32, #tpu.memory_space<vmem>>) target(%dma_start3A_150 : memref<100096xf32, #tpu.memory_space<vmem_shared>>) offsets(%dma_start3A_148 : memref<128xi32, #tpu.memory_space<vmem>>) semaphore(%arg10 : memref<!tpu.dma_semaphore, #tpu.memory_space<semaphore_mem>>) {add = true}
      %dma_start3A_151 = arith.constant 7 : i32
      %dma_start3A_152 = arith.constant 0 : i32
      %dma_start3A_153 = tpu.memref_slice %arg5[%rem3A_94, %dma_start3A_151, %dma_start3A_152] : memref<2x8x128xi32, #tpu.memory_space<vmem>> -> memref<1x1x128xi32, #tpu.memory_space<vmem>>
      %dma_start3A_154 = tpu.memref_squeeze %dma_start3A_153 : memref<1x1x128xi32, #tpu.memory_space<vmem>> -> memref<128xi32, #tpu.memory_space<vmem>>
      %dma_start3A_155 = arith.constant 0 : i32
      %dma_start3A_156 = tpu.memref_slice %arg8[%dma_start3A_155] : memref<100096xf32, #tpu.memory_space<vmem_shared>> -> memref<100096xf32, #tpu.memory_space<vmem_shared>>
      tpu.enqueue_indirect_dma source(%arg6 : memref<128xf32, #tpu.memory_space<vmem>>) target(%dma_start3A_156 : memref<100096xf32, #tpu.memory_space<vmem_shared>>) offsets(%dma_start3A_154 : memref<128xi32, #tpu.memory_space<vmem>>) semaphore(%arg10 : memref<!tpu.dma_semaphore, #tpu.memory_space<semaphore_mem>>) {add = true}
      %ge3A = arith.constant 1 : i32
      %ge3A_157 = arith.cmpi sge, %while3A_93, %ge3A : i32
      %convert_element_type3A = arith.extui %ge3A_157 : i1 to i32
      %cond3A = arith.constant 0 : i32
      %cond3A_158 = arith.cmpi ne, %convert_element_type3A, %cond3A : i32
      scf.if %cond3A_158 {
        %dma_wait3A_165 = arith.constant 0 : i32
        %dma_wait3A_166 = tpu.memref_slice %arg7[%dma_wait3A_165] : memref<6256xf32, #tpu.memory_space<vmem>> -> memref<1024xf32, #tpu.memory_space<vmem>>
        %dma_wait3A_167 = arith.constant 0 : i32
        %dma_wait3A_168 = tpu.memref_slice %arg3[%dma_wait3A_167] : memref<100096xf32, #tpu.memory_space<hbm>> -> memref<1024xf32, #tpu.memory_space<hbm>>
        %dma_wait3A_169 = arith.constant 0 : i32
        %dma_wait3A_170 = tpu.memref_slice %arg7[%dma_wait3A_169] : memref<6256xf32, #tpu.memory_space<vmem>> -> memref<1024xf32, #tpu.memory_space<vmem>>
        %dma_wait3A_171 = arith.constant 0 : i32
        %dma_wait3A_172 = tpu.memref_slice %arg3[%dma_wait3A_171] : memref<100096xf32, #tpu.memory_space<hbm>> -> memref<1024xf32, #tpu.memory_space<hbm>>
        tpu.wait_dma2 semaphore(%arg10 : memref<!tpu.dma_semaphore, #tpu.memory_space<semaphore_mem>>) src(%dma_wait3A_172 : memref<1024xf32, #tpu.memory_space<hbm>>) dst(%dma_wait3A_170 : memref<1024xf32, #tpu.memory_space<vmem>>)
      } else {
      }
      %add3A_159 = arith.constant 1 : i32
      %add3A_160 = arith.addi %while3A_93, %add3A_159 : i32
      %lt3A_161 = arith.cmpi slt, %add3A_160, %add3A_56 : i32
      %convert_element_type3A_162 = arith.extui %lt3A_161 : i1 to i32
      %cond3A_163 = arith.constant 0 : i32
      %cond3A_164 = arith.cmpi ne, %convert_element_type3A_162, %cond3A_163 : i32
      scf.if %cond3A_164 {
        %add3A_165 = arith.constant 1 : i32
        %add3A_166 = arith.addi %while3A_93, %add3A_165 : i32
        %sub3A = arith.constant 1 : i32
        %sub3A_167 = arith.subi %sub3A, %rem3A_94 : i32
        %add3A_168 = arith.addi %add3A_52, %add3A_166 : i32
        %mul3A_169 = arith.constant 8 : i32
        %mul3A_170 = arith.muli %add3A_168, %mul3A_169 : i32
        %dma_start3A_171 = arith.constant 0 : i32
        %dma_start3A_172 = arith.constant 0 : i32
        %dma_start3A_173 = tpu.memref_slice %arg5[%sub3A_167, %dma_start3A_171, %dma_start3A_172] : memref<2x8x128xi32, #tpu.memory_space<vmem>> -> memref<1x8x128xi32, #tpu.memory_space<vmem>>
        %dma_start3A_174 = tpu.memref_squeeze %dma_start3A_173 : memref<1x8x128xi32, #tpu.memory_space<vmem>> -> memref<8x128xi32, #tpu.memory_space<vmem>>
        %dma_start3A_175 = arith.constant 0 : i32
        %dma_start3A_176 = tpu.memref_slice %arg2[%mul3A_170, %dma_start3A_175] : memref<50000x128xi32, #tpu.memory_space<hbm>> -> memref<8x128xi32, #tpu.memory_space<hbm>>
        %dma_start3A_177 = arith.constant 0 : i32
        %dma_start3A_178 = arith.constant 0 : i32
        %dma_start3A_179 = tpu.memref_slice %arg5[%sub3A_167, %dma_start3A_177, %dma_start3A_178] : memref<2x8x128xi32, #tpu.memory_space<vmem>> -> memref<1x8x128xi32, #tpu.memory_space<vmem>>
        %dma_start3A_180 = tpu.memref_squeeze %dma_start3A_179 : memref<1x8x128xi32, #tpu.memory_space<vmem>> -> memref<8x128xi32, #tpu.memory_space<vmem>>
        %dma_start3A_181 = arith.constant 0 : i32
        %dma_start3A_182 = tpu.memref_slice %arg2[%mul3A_170, %dma_start3A_181] : memref<50000x128xi32, #tpu.memory_space<hbm>> -> memref<8x128xi32, #tpu.memory_space<hbm>>
        tpu.enqueue_dma source(%dma_start3A_182 : memref<8x128xi32, #tpu.memory_space<hbm>>) target(%dma_start3A_180 : memref<8x128xi32, #tpu.memory_space<vmem>>) target_semaphore(%arg9 : memref<!tpu.dma_semaphore, #tpu.memory_space<semaphore_mem>>)
      } else {
      }
    }
    %dma_wait3A = arith.constant 0 : i32
    %dma_wait3A_82 = tpu.memref_slice %arg7[%dma_wait3A] : memref<6256xf32, #tpu.memory_space<vmem>> -> memref<1024xf32, #tpu.memory_space<vmem>>
    %dma_wait3A_83 = arith.constant 0 : i32
    %dma_wait3A_84 = tpu.memref_slice %arg3[%dma_wait3A_83] : memref<100096xf32, #tpu.memory_space<hbm>> -> memref<1024xf32, #tpu.memory_space<hbm>>
    %dma_wait3A_85 = arith.constant 0 : i32
    %dma_wait3A_86 = tpu.memref_slice %arg7[%dma_wait3A_85] : memref<6256xf32, #tpu.memory_space<vmem>> -> memref<1024xf32, #tpu.memory_space<vmem>>
    %dma_wait3A_87 = arith.constant 0 : i32
    %dma_wait3A_88 = tpu.memref_slice %arg3[%dma_wait3A_87] : memref<100096xf32, #tpu.memory_space<hbm>> -> memref<1024xf32, #tpu.memory_space<hbm>>
    tpu.wait_dma2 semaphore(%arg10 : memref<!tpu.dma_semaphore, #tpu.memory_space<semaphore_mem>>) src(%dma_wait3A_88 : memref<1024xf32, #tpu.memory_space<hbm>>) dst(%dma_wait3A_86 : memref<1024xf32, #tpu.memory_space<vmem>>)
    %barrier3A_89 = arith.constant 0 : index
    tpu.barrier barrier_id(%barrier3A_89)
    "tpu.region"() ({
      %run_scoped3A = tpu.sem_alloc : memref<!tpu.dma_semaphore, #tpu.memory_space<semaphore_mem>>
      %dma_start3A_93 = tpu.memref_slice %arg8[%mul3A_2] : memref<100096xf32, #tpu.memory_space<vmem_shared>> -> memref<6256xf32, #tpu.memory_space<vmem_shared>>
      %dma_start3A_94 = tpu.memref_slice %arg8[%mul3A_2] : memref<100096xf32, #tpu.memory_space<vmem_shared>> -> memref<6256xf32, #tpu.memory_space<vmem_shared>>
      tpu.enqueue_dma source(%dma_start3A_94 : memref<6256xf32, #tpu.memory_space<vmem_shared>>) target(%arg7 : memref<6256xf32, #tpu.memory_space<vmem>>) target_semaphore(%run_scoped3A : memref<!tpu.dma_semaphore, #tpu.memory_space<semaphore_mem>>)
      %dma_wait3A_95 = tpu.memref_slice %arg8[%mul3A_2] : memref<100096xf32, #tpu.memory_space<vmem_shared>> -> memref<6256xf32, #tpu.memory_space<vmem_shared>>
      %dma_wait3A_96 = tpu.memref_slice %arg8[%mul3A_2] : memref<100096xf32, #tpu.memory_space<vmem_shared>> -> memref<6256xf32, #tpu.memory_space<vmem_shared>>
      tpu.wait_dma2 semaphore(%run_scoped3A : memref<!tpu.dma_semaphore, #tpu.memory_space<semaphore_mem>>) src(%dma_wait3A_96 : memref<6256xf32, #tpu.memory_space<vmem_shared>>) dst(%arg7 : memref<6256xf32, #tpu.memory_space<vmem>>)
      tpu.yield
    }) : () -> ()
    %mul3A_90 = arith.constant 100096 : i32
    %mul3A_91 = arith.muli %arg0, %mul3A_90 : i32
    %add3A_92 = arith.addi %mul3A_91, %mul3A_2 : i32
    "tpu.region"() ({
      %run_scoped3A = tpu.sem_alloc : memref<!tpu.dma_semaphore, #tpu.memory_space<semaphore_mem>>
      %dma_start3A_93 = tpu.memref_slice %arg4[%add3A_92] : memref<200192xf32, #tpu.memory_space<hbm>> -> memref<6256xf32, #tpu.memory_space<hbm>>
      %dma_start3A_94 = tpu.memref_slice %arg4[%add3A_92] : memref<200192xf32, #tpu.memory_space<hbm>> -> memref<6256xf32, #tpu.memory_space<hbm>>
      tpu.enqueue_dma source(%arg7 : memref<6256xf32, #tpu.memory_space<vmem>>) target(%dma_start3A_94 : memref<6256xf32, #tpu.memory_space<hbm>>) target_semaphore(%run_scoped3A : memref<!tpu.dma_semaphore, #tpu.memory_space<semaphore_mem>>)
      %dma_wait3A_95 = tpu.memref_slice %arg4[%add3A_92] : memref<200192xf32, #tpu.memory_space<hbm>> -> memref<6256xf32, #tpu.memory_space<hbm>>
      %dma_wait3A_96 = tpu.memref_slice %arg4[%add3A_92] : memref<200192xf32, #tpu.memory_space<hbm>> -> memref<6256xf32, #tpu.memory_space<hbm>>
      tpu.wait_dma2 semaphore(%run_scoped3A : memref<!tpu.dma_semaphore, #tpu.memory_space<semaphore_mem>>) src(%arg7 : memref<6256xf32, #tpu.memory_space<vmem>>) dst(%dma_wait3A_96 : memref<6256xf32, #tpu.memory_space<hbm>>)
      tpu.yield
    }) : () -> ()
    return
  }
}

#map = affine_map<(d0, d1) -> (0, 0)>
module attributes {stable_mosaic.version = 14 : i64} {
  func.func @_prop_body(%arg0: i32, %arg1: i32, %arg2: memref<50000x128xi32, #tpu.memory_space<hbm>>, %arg3: memref<50000x128xi32, #tpu.memory_space<hbm>>, %arg4: memref<100096x8xf32, #tpu.memory_space<hbm>>, %arg5: memref<200192x8xf32, #tpu.memory_space<hbm>>, %arg6: memref<2x8x128xi32, #tpu.memory_space<vmem>>, %arg7: memref<2x8x128xi32, #tpu.memory_space<vmem>>, %arg8: memref<2x1024x8xf32, #tpu.memory_space<vmem>>, %arg9: memref<6256x8xf32, #tpu.memory_space<vmem>>, %arg10: memref<100096x8xf32, #tpu.memory_space<vmem_shared>>, %arg11: memref<!tpu.dma_semaphore, #tpu.memory_space<semaphore_mem>>, %arg12: memref<!tpu.dma_semaphore, #tpu.memory_space<semaphore_mem>>, %arg13: memref<!tpu.dma_semaphore, #tpu.memory_space<semaphore_mem>>) attributes {dimension_semantics = [#tpu.dimension_semantics<core_parallel>, #tpu.dimension_semantics<subcore_parallel>], iteration_bounds = array<i64: 2, 16>, scalar_prefetch = 0 : i64, scratch_operands = 8 : i64, tpu.core_type = #tpu.core_type<sc_vector_subcore>, window_params = [{transform_indices = #map}, {transform_indices = #map}, {transform_indices = #map}, {transform_indices = #map}]} {
    %mul3A = arith.constant 2 : i32
    %mul3A_0 = arith.muli %arg1, %mul3A : i32
    %add3A = arith.addi %mul3A_0, %arg0 : i32
    %mul3A_1 = arith.constant 6256 : i32
    %mul3A_2 = arith.muli %arg1, %mul3A_1 : i32
    "tpu.region"() ({
      %run_scoped3A = tpu.sem_alloc : memref<!tpu.dma_semaphore, #tpu.memory_space<semaphore_mem>>
      %dma_start3A_68 = arith.constant 0 : i32
      %dma_start3A_69 = tpu.memref_slice %arg4[%mul3A_2, %dma_start3A_68] : memref<100096x8xf32, #tpu.memory_space<hbm>> -> memref<6256x8xf32, #tpu.memory_space<hbm>>
      %dma_start3A_70 = arith.constant 0 : i32
      %dma_start3A_71 = tpu.memref_slice %arg4[%mul3A_2, %dma_start3A_70] : memref<100096x8xf32, #tpu.memory_space<hbm>> -> memref<6256x8xf32, #tpu.memory_space<hbm>>
      tpu.enqueue_dma source(%dma_start3A_71 : memref<6256x8xf32, #tpu.memory_space<hbm>>) target(%arg9 : memref<6256x8xf32, #tpu.memory_space<vmem>>) target_semaphore(%run_scoped3A : memref<!tpu.dma_semaphore, #tpu.memory_space<semaphore_mem>>)
      %dma_wait3A_72 = arith.constant 0 : i32
      %dma_wait3A_73 = tpu.memref_slice %arg4[%mul3A_2, %dma_wait3A_72] : memref<100096x8xf32, #tpu.memory_space<hbm>> -> memref<6256x8xf32, #tpu.memory_space<hbm>>
      %dma_wait3A_74 = arith.constant 0 : i32
      %dma_wait3A_75 = tpu.memref_slice %arg4[%mul3A_2, %dma_wait3A_74] : memref<100096x8xf32, #tpu.memory_space<hbm>> -> memref<6256x8xf32, #tpu.memory_space<hbm>>
      tpu.wait_dma2 semaphore(%run_scoped3A : memref<!tpu.dma_semaphore, #tpu.memory_space<semaphore_mem>>) src(%dma_wait3A_75 : memref<6256x8xf32, #tpu.memory_space<hbm>>) dst(%arg9 : memref<6256x8xf32, #tpu.memory_space<vmem>>)
      tpu.yield
    }) : () -> ()
    "tpu.region"() ({
      %run_scoped3A = tpu.sem_alloc : memref<!tpu.dma_semaphore, #tpu.memory_space<semaphore_mem>>
      %dma_start3A_68 = arith.constant 0 : i32
      %dma_start3A_69 = tpu.memref_slice %arg10[%mul3A_2, %dma_start3A_68] : memref<100096x8xf32, #tpu.memory_space<vmem_shared>> -> memref<6256x8xf32, #tpu.memory_space<vmem_shared>>
      %dma_start3A_70 = arith.constant 0 : i32
      %dma_start3A_71 = tpu.memref_slice %arg10[%mul3A_2, %dma_start3A_70] : memref<100096x8xf32, #tpu.memory_space<vmem_shared>> -> memref<6256x8xf32, #tpu.memory_space<vmem_shared>>
      tpu.enqueue_dma source(%arg9 : memref<6256x8xf32, #tpu.memory_space<vmem>>) target(%dma_start3A_71 : memref<6256x8xf32, #tpu.memory_space<vmem_shared>>) target_semaphore(%run_scoped3A : memref<!tpu.dma_semaphore, #tpu.memory_space<semaphore_mem>>)
      %dma_wait3A_72 = arith.constant 0 : i32
      %dma_wait3A_73 = tpu.memref_slice %arg10[%mul3A_2, %dma_wait3A_72] : memref<100096x8xf32, #tpu.memory_space<vmem_shared>> -> memref<6256x8xf32, #tpu.memory_space<vmem_shared>>
      %dma_wait3A_74 = arith.constant 0 : i32
      %dma_wait3A_75 = tpu.memref_slice %arg10[%mul3A_2, %dma_wait3A_74] : memref<100096x8xf32, #tpu.memory_space<vmem_shared>> -> memref<6256x8xf32, #tpu.memory_space<vmem_shared>>
      tpu.wait_dma2 semaphore(%run_scoped3A : memref<!tpu.dma_semaphore, #tpu.memory_space<semaphore_mem>>) src(%arg9 : memref<6256x8xf32, #tpu.memory_space<vmem>>) dst(%dma_wait3A_75 : memref<6256x8xf32, #tpu.memory_space<vmem_shared>>)
      tpu.yield
    }) : () -> ()
    %barrier3A = arith.constant 0 : index
    tpu.barrier barrier_id(%barrier3A)
    %min3A = arith.constant 10 : i32
    %min3A_3 = arith.minsi %add3A, %min3A : i32
    %mul3A_4 = arith.constant 195 : i32
    %mul3A_5 = arith.muli %add3A, %mul3A_4 : i32
    %add3A_6 = arith.addi %mul3A_5, %min3A_3 : i32
    %lt3A = arith.constant 10 : i32
    %lt3A_7 = arith.cmpi slt, %add3A, %lt3A : i32
    %jit3A = arith.constant 1 : i32
    %jit3A_8 = arith.constant 0 : i32
    %select_n3A = arith.select %lt3A_7, %jit3A, %jit3A_8 : i32
    %add3A_9 = arith.constant 195 : i32
    %add3A_10 = arith.addi %add3A_9, %select_n3A : i32
    %add3A_11 = arith.constant 0 : i32
    %add3A_12 = arith.addi %add3A_6, %add3A_11 : i32
    %mul3A_13 = arith.constant 8 : i32
    %mul3A_14 = arith.muli %add3A_12, %mul3A_13 : i32
    %dma_start3A = arith.constant 0 : i32
    %dma_start3A_15 = arith.constant 0 : i32
    %dma_start3A_16 = arith.constant 0 : i32
    %dma_start3A_17 = tpu.memref_slice %arg6[%dma_start3A, %dma_start3A_15, %dma_start3A_16] : memref<2x8x128xi32, #tpu.memory_space<vmem>> -> memref<1x8x128xi32, #tpu.memory_space<vmem>>
    %dma_start3A_18 = tpu.memref_squeeze %dma_start3A_17 : memref<1x8x128xi32, #tpu.memory_space<vmem>> -> memref<8x128xi32, #tpu.memory_space<vmem>>
    %dma_start3A_19 = arith.constant 0 : i32
    %dma_start3A_20 = tpu.memref_slice %arg2[%mul3A_14, %dma_start3A_19] : memref<50000x128xi32, #tpu.memory_space<hbm>> -> memref<8x128xi32, #tpu.memory_space<hbm>>
    %dma_start3A_21 = arith.constant 0 : i32
    %dma_start3A_22 = arith.constant 0 : i32
    %dma_start3A_23 = tpu.memref_slice %arg6[%dma_start3A, %dma_start3A_21, %dma_start3A_22] : memref<2x8x128xi32, #tpu.memory_space<vmem>> -> memref<1x8x128xi32, #tpu.memory_space<vmem>>
    %dma_start3A_24 = tpu.memref_squeeze %dma_start3A_23 : memref<1x8x128xi32, #tpu.memory_space<vmem>> -> memref<8x128xi32, #tpu.memory_space<vmem>>
    %dma_start3A_25 = arith.constant 0 : i32
    %dma_start3A_26 = tpu.memref_slice %arg2[%mul3A_14, %dma_start3A_25] : memref<50000x128xi32, #tpu.memory_space<hbm>> -> memref<8x128xi32, #tpu.memory_space<hbm>>
    tpu.enqueue_dma source(%dma_start3A_26 : memref<8x128xi32, #tpu.memory_space<hbm>>) target(%dma_start3A_24 : memref<8x128xi32, #tpu.memory_space<vmem>>) target_semaphore(%arg11 : memref<!tpu.dma_semaphore, #tpu.memory_space<semaphore_mem>>)
    %dma_start3A_27 = arith.constant 0 : i32
    %dma_start3A_28 = arith.constant 0 : i32
    %dma_start3A_29 = arith.constant 0 : i32
    %dma_start3A_30 = tpu.memref_slice %arg7[%dma_start3A_27, %dma_start3A_28, %dma_start3A_29] : memref<2x8x128xi32, #tpu.memory_space<vmem>> -> memref<1x8x128xi32, #tpu.memory_space<vmem>>
    %dma_start3A_31 = tpu.memref_squeeze %dma_start3A_30 : memref<1x8x128xi32, #tpu.memory_space<vmem>> -> memref<8x128xi32, #tpu.memory_space<vmem>>
    %dma_start3A_32 = arith.constant 0 : i32
    %dma_start3A_33 = tpu.memref_slice %arg3[%mul3A_14, %dma_start3A_32] : memref<50000x128xi32, #tpu.memory_space<hbm>> -> memref<8x128xi32, #tpu.memory_space<hbm>>
    %dma_start3A_34 = arith.constant 0 : i32
    %dma_start3A_35 = arith.constant 0 : i32
    %dma_start3A_36 = tpu.memref_slice %arg7[%dma_start3A_27, %dma_start3A_34, %dma_start3A_35] : memref<2x8x128xi32, #tpu.memory_space<vmem>> -> memref<1x8x128xi32, #tpu.memory_space<vmem>>
    %dma_start3A_37 = tpu.memref_squeeze %dma_start3A_36 : memref<1x8x128xi32, #tpu.memory_space<vmem>> -> memref<8x128xi32, #tpu.memory_space<vmem>>
    %dma_start3A_38 = arith.constant 0 : i32
    %dma_start3A_39 = tpu.memref_slice %arg3[%mul3A_14, %dma_start3A_38] : memref<50000x128xi32, #tpu.memory_space<hbm>> -> memref<8x128xi32, #tpu.memory_space<hbm>>
    tpu.enqueue_dma source(%dma_start3A_39 : memref<8x128xi32, #tpu.memory_space<hbm>>) target(%dma_start3A_37 : memref<8x128xi32, #tpu.memory_space<vmem>>) target_semaphore(%arg11 : memref<!tpu.dma_semaphore, #tpu.memory_space<semaphore_mem>>)
    %while3A = arith.constant 0 : i32
    %while3A_40 = arith.constant 0 : i32
    %while3A_41 = arith.subi %add3A_10, %while3A_40 : i32
    %while3A_42 = arith.addi %while3A_40, %while3A_41 : i32
    %while3A_43 = arith.constant 1 : i32
    %while3A_44 = arith.divsi %while3A_41, %while3A_43 : i32
    %while3A_45 = arith.muli %while3A_44, %while3A_43 : i32
    %while3A_46 = arith.addi %while3A_40, %while3A_45 : i32
    %while3A_47 = arith.constant 1 : i32
    scf.for %while3A_68 = %while3A_40 to %while3A_46 step %while3A_47  : i32 {
      %rem3A_69 = arith.constant 2 : i32
      %rem3A_70 = arith.remsi %while3A_68, %rem3A_69 : i32
      %dma_wait3A_71 = arith.constant 0 : i32
      %dma_wait3A_72 = arith.constant 0 : i32
      %dma_wait3A_73 = tpu.memref_slice %arg6[%rem3A_70, %dma_wait3A_71, %dma_wait3A_72] : memref<2x8x128xi32, #tpu.memory_space<vmem>> -> memref<1x8x128xi32, #tpu.memory_space<vmem>>
      %dma_wait3A_74 = tpu.memref_squeeze %dma_wait3A_73 : memref<1x8x128xi32, #tpu.memory_space<vmem>> -> memref<8x128xi32, #tpu.memory_space<vmem>>
      %dma_wait3A_75 = arith.constant 0 : i32
      %dma_wait3A_76 = arith.constant 0 : i32
      %dma_wait3A_77 = tpu.memref_slice %arg2[%dma_wait3A_75, %dma_wait3A_76] : memref<50000x128xi32, #tpu.memory_space<hbm>> -> memref<8x128xi32, #tpu.memory_space<hbm>>
      %dma_wait3A_78 = arith.constant 0 : i32
      %dma_wait3A_79 = arith.constant 0 : i32
      %dma_wait3A_80 = tpu.memref_slice %arg6[%rem3A_70, %dma_wait3A_78, %dma_wait3A_79] : memref<2x8x128xi32, #tpu.memory_space<vmem>> -> memref<1x8x128xi32, #tpu.memory_space<vmem>>
      %dma_wait3A_81 = tpu.memref_squeeze %dma_wait3A_80 : memref<1x8x128xi32, #tpu.memory_space<vmem>> -> memref<8x128xi32, #tpu.memory_space<vmem>>
      %dma_wait3A_82 = arith.constant 0 : i32
      %dma_wait3A_83 = arith.constant 0 : i32
      %dma_wait3A_84 = tpu.memref_slice %arg2[%dma_wait3A_82, %dma_wait3A_83] : memref<50000x128xi32, #tpu.memory_space<hbm>> -> memref<8x128xi32, #tpu.memory_space<hbm>>
      tpu.wait_dma2 semaphore(%arg11 : memref<!tpu.dma_semaphore, #tpu.memory_space<semaphore_mem>>) src(%dma_wait3A_84 : memref<8x128xi32, #tpu.memory_space<hbm>>) dst(%dma_wait3A_81 : memref<8x128xi32, #tpu.memory_space<vmem>>)
      %dma_wait3A_85 = arith.constant 0 : i32
      %dma_wait3A_86 = arith.constant 0 : i32
      %dma_wait3A_87 = tpu.memref_slice %arg7[%rem3A_70, %dma_wait3A_85, %dma_wait3A_86] : memref<2x8x128xi32, #tpu.memory_space<vmem>> -> memref<1x8x128xi32, #tpu.memory_space<vmem>>
      %dma_wait3A_88 = tpu.memref_squeeze %dma_wait3A_87 : memref<1x8x128xi32, #tpu.memory_space<vmem>> -> memref<8x128xi32, #tpu.memory_space<vmem>>
      %dma_wait3A_89 = arith.constant 0 : i32
      %dma_wait3A_90 = arith.constant 0 : i32
      %dma_wait3A_91 = tpu.memref_slice %arg2[%dma_wait3A_89, %dma_wait3A_90] : memref<50000x128xi32, #tpu.memory_space<hbm>> -> memref<8x128xi32, #tpu.memory_space<hbm>>
      %dma_wait3A_92 = arith.constant 0 : i32
      %dma_wait3A_93 = arith.constant 0 : i32
      %dma_wait3A_94 = tpu.memref_slice %arg7[%rem3A_70, %dma_wait3A_92, %dma_wait3A_93] : memref<2x8x128xi32, #tpu.memory_space<vmem>> -> memref<1x8x128xi32, #tpu.memory_space<vmem>>
      %dma_wait3A_95 = tpu.memref_squeeze %dma_wait3A_94 : memref<1x8x128xi32, #tpu.memory_space<vmem>> -> memref<8x128xi32, #tpu.memory_space<vmem>>
      %dma_wait3A_96 = arith.constant 0 : i32
      %dma_wait3A_97 = arith.constant 0 : i32
      %dma_wait3A_98 = tpu.memref_slice %arg2[%dma_wait3A_96, %dma_wait3A_97] : memref<50000x128xi32, #tpu.memory_space<hbm>> -> memref<8x128xi32, #tpu.memory_space<hbm>>
      tpu.wait_dma2 semaphore(%arg11 : memref<!tpu.dma_semaphore, #tpu.memory_space<semaphore_mem>>) src(%dma_wait3A_98 : memref<8x128xi32, #tpu.memory_space<hbm>>) dst(%dma_wait3A_95 : memref<8x128xi32, #tpu.memory_space<vmem>>)
      %dma_start3A_99 = arith.constant 0 : i32
      %dma_start3A_100 = arith.constant 0 : i32
      %dma_start3A_101 = arith.constant 0 : i32
      %dma_start3A_102 = tpu.memref_slice %arg8[%rem3A_70, %dma_start3A_100, %dma_start3A_101] : memref<2x1024x8xf32, #tpu.memory_space<vmem>> -> memref<1x128x8xf32, #tpu.memory_space<vmem>>
      %dma_start3A_103 = tpu.memref_squeeze %dma_start3A_102 : memref<1x128x8xf32, #tpu.memory_space<vmem>> -> memref<128x8xf32, #tpu.memory_space<vmem>>
      %dma_start3A_104 = arith.constant 0 : i32
      %dma_start3A_105 = tpu.memref_slice %arg6[%rem3A_70, %dma_start3A_99, %dma_start3A_104] : memref<2x8x128xi32, #tpu.memory_space<vmem>> -> memref<1x1x128xi32, #tpu.memory_space<vmem>>
      %dma_start3A_106 = tpu.memref_squeeze %dma_start3A_105 : memref<1x1x128xi32, #tpu.memory_space<vmem>> -> memref<128xi32, #tpu.memory_space<vmem>>
      %dma_start3A_107 = arith.constant 0 : i32
      %dma_start3A_108 = arith.constant 0 : i32
      %dma_start3A_109 = tpu.memref_slice %arg4[%dma_start3A_107, %dma_start3A_108] : memref<100096x8xf32, #tpu.memory_space<hbm>> -> memref<100096x8xf32, #tpu.memory_space<hbm>>
      tpu.enqueue_indirect_dma source(%dma_start3A_109 : memref<100096x8xf32, #tpu.memory_space<hbm>>) target(%dma_start3A_103 : memref<128x8xf32, #tpu.memory_space<vmem>>) offsets(%dma_start3A_106 : memref<128xi32, #tpu.memory_space<vmem>>) semaphore(%arg12 : memref<!tpu.dma_semaphore, #tpu.memory_space<semaphore_mem>>)
      %dma_start3A_110 = arith.constant 1 : i32
      %dma_start3A_111 = arith.constant 128 : i32
      %dma_start3A_112 = arith.constant 0 : i32
      %dma_start3A_113 = tpu.memref_slice %arg8[%rem3A_70, %dma_start3A_111, %dma_start3A_112] : memref<2x1024x8xf32, #tpu.memory_space<vmem>> -> memref<1x128x8xf32, #tpu.memory_space<vmem>>
      %dma_start3A_114 = tpu.memref_squeeze %dma_start3A_113 : memref<1x128x8xf32, #tpu.memory_space<vmem>> -> memref<128x8xf32, #tpu.memory_space<vmem>>
      %dma_start3A_115 = arith.constant 0 : i32
      %dma_start3A_116 = tpu.memref_slice %arg6[%rem3A_70, %dma_start3A_110, %dma_start3A_115] : memref<2x8x128xi32, #tpu.memory_space<vmem>> -> memref<1x1x128xi32, #tpu.memory_space<vmem>>
      %dma_start3A_117 = tpu.memref_squeeze %dma_start3A_116 : memref<1x1x128xi32, #tpu.memory_space<vmem>> -> memref<128xi32, #tpu.memory_space<vmem>>
      %dma_start3A_118 = arith.constant 0 : i32
      %dma_start3A_119 = arith.constant 0 : i32
      %dma_start3A_120 = tpu.memref_slice %arg4[%dma_start3A_118, %dma_start3A_119] : memref<100096x8xf32, #tpu.memory_space<hbm>> -> memref<100096x8xf32, #tpu.memory_space<hbm>>
      tpu.enqueue_indirect_dma source(%dma_start3A_120 : memref<100096x8xf32, #tpu.memory_space<hbm>>) target(%dma_start3A_114 : memref<128x8xf32, #tpu.memory_space<vmem>>) offsets(%dma_start3A_117 : memref<128xi32, #tpu.memory_space<vmem>>) semaphore(%arg12 : memref<!tpu.dma_semaphore, #tpu.memory_space<semaphore_mem>>)
      %dma_start3A_121 = arith.constant 2 : i32
      %dma_start3A_122 = arith.constant 256 : i32
      %dma_start3A_123 = arith.constant 0 : i32
      %dma_start3A_124 = tpu.memref_slice %arg8[%rem3A_70, %dma_start3A_122, %dma_start3A_123] : memref<2x1024x8xf32, #tpu.memory_space<vmem>> -> memref<1x128x8xf32, #tpu.memory_space<vmem>>
      %dma_start3A_125 = tpu.memref_squeeze %dma_start3A_124 : memref<1x128x8xf32, #tpu.memory_space<vmem>> -> memref<128x8xf32, #tpu.memory_space<vmem>>
      %dma_start3A_126 = arith.constant 0 : i32
      %dma_start3A_127 = tpu.memref_slice %arg6[%rem3A_70, %dma_start3A_121, %dma_start3A_126] : memref<2x8x128xi32, #tpu.memory_space<vmem>> -> memref<1x1x128xi32, #tpu.memory_space<vmem>>
      %dma_start3A_128 = tpu.memref_squeeze %dma_start3A_127 : memref<1x1x128xi32, #tpu.memory_space<vmem>> -> memref<128xi32, #tpu.memory_space<vmem>>
      %dma_start3A_129 = arith.constant 0 : i32
      %dma_start3A_130 = arith.constant 0 : i32
      %dma_start3A_131 = tpu.memref_slice %arg4[%dma_start3A_129, %dma_start3A_130] : memref<100096x8xf32, #tpu.memory_space<hbm>> -> memref<100096x8xf32, #tpu.memory_space<hbm>>
      tpu.enqueue_indirect_dma source(%dma_start3A_131 : memref<100096x8xf32, #tpu.memory_space<hbm>>) target(%dma_start3A_125 : memref<128x8xf32, #tpu.memory_space<vmem>>) offsets(%dma_start3A_128 : memref<128xi32, #tpu.memory_space<vmem>>) semaphore(%arg12 : memref<!tpu.dma_semaphore, #tpu.memory_space<semaphore_mem>>)
      %dma_start3A_132 = arith.constant 3 : i32
      %dma_start3A_133 = arith.constant 384 : i32
      %dma_start3A_134 = arith.constant 0 : i32
      %dma_start3A_135 = tpu.memref_slice %arg8[%rem3A_70, %dma_start3A_133, %dma_start3A_134] : memref<2x1024x8xf32, #tpu.memory_space<vmem>> -> memref<1x128x8xf32, #tpu.memory_space<vmem>>
      %dma_start3A_136 = tpu.memref_squeeze %dma_start3A_135 : memref<1x128x8xf32, #tpu.memory_space<vmem>> -> memref<128x8xf32, #tpu.memory_space<vmem>>
      %dma_start3A_137 = arith.constant 0 : i32
      %dma_start3A_138 = tpu.memref_slice %arg6[%rem3A_70, %dma_start3A_132, %dma_start3A_137] : memref<2x8x128xi32, #tpu.memory_space<vmem>> -> memref<1x1x128xi32, #tpu.memory_space<vmem>>
      %dma_start3A_139 = tpu.memref_squeeze %dma_start3A_138 : memref<1x1x128xi32, #tpu.memory_space<vmem>> -> memref<128xi32, #tpu.memory_space<vmem>>
      %dma_start3A_140 = arith.constant 0 : i32
      %dma_start3A_141 = arith.constant 0 : i32
      %dma_start3A_142 = tpu.memref_slice %arg4[%dma_start3A_140, %dma_start3A_141] : memref<100096x8xf32, #tpu.memory_space<hbm>> -> memref<100096x8xf32, #tpu.memory_space<hbm>>
      tpu.enqueue_indirect_dma source(%dma_start3A_142 : memref<100096x8xf32, #tpu.memory_space<hbm>>) target(%dma_start3A_136 : memref<128x8xf32, #tpu.memory_space<vmem>>) offsets(%dma_start3A_139 : memref<128xi32, #tpu.memory_space<vmem>>) semaphore(%arg12 : memref<!tpu.dma_semaphore, #tpu.memory_space<semaphore_mem>>)
      %dma_start3A_143 = arith.constant 4 : i32
      %dma_start3A_144 = arith.constant 512 : i32
      %dma_start3A_145 = arith.constant 0 : i32
      %dma_start3A_146 = tpu.memref_slice %arg8[%rem3A_70, %dma_start3A_144, %dma_start3A_145] : memref<2x1024x8xf32, #tpu.memory_space<vmem>> -> memref<1x128x8xf32, #tpu.memory_space<vmem>>
      %dma_start3A_147 = tpu.memref_squeeze %dma_start3A_146 : memref<1x128x8xf32, #tpu.memory_space<vmem>> -> memref<128x8xf32, #tpu.memory_space<vmem>>
      %dma_start3A_148 = arith.constant 0 : i32
      %dma_start3A_149 = tpu.memref_slice %arg6[%rem3A_70, %dma_start3A_143, %dma_start3A_148] : memref<2x8x128xi32, #tpu.memory_space<vmem>> -> memref<1x1x128xi32, #tpu.memory_space<vmem>>
      %dma_start3A_150 = tpu.memref_squeeze %dma_start3A_149 : memref<1x1x128xi32, #tpu.memory_space<vmem>> -> memref<128xi32, #tpu.memory_space<vmem>>
      %dma_start3A_151 = arith.constant 0 : i32
      %dma_start3A_152 = arith.constant 0 : i32
      %dma_start3A_153 = tpu.memref_slice %arg4[%dma_start3A_151, %dma_start3A_152] : memref<100096x8xf32, #tpu.memory_space<hbm>> -> memref<100096x8xf32, #tpu.memory_space<hbm>>
      tpu.enqueue_indirect_dma source(%dma_start3A_153 : memref<100096x8xf32, #tpu.memory_space<hbm>>) target(%dma_start3A_147 : memref<128x8xf32, #tpu.memory_space<vmem>>) offsets(%dma_start3A_150 : memref<128xi32, #tpu.memory_space<vmem>>) semaphore(%arg12 : memref<!tpu.dma_semaphore, #tpu.memory_space<semaphore_mem>>)
      %dma_start3A_154 = arith.constant 5 : i32
      %dma_start3A_155 = arith.constant 640 : i32
      %dma_start3A_156 = arith.constant 0 : i32
      %dma_start3A_157 = tpu.memref_slice %arg8[%rem3A_70, %dma_start3A_155, %dma_start3A_156] : memref<2x1024x8xf32, #tpu.memory_space<vmem>> -> memref<1x128x8xf32, #tpu.memory_space<vmem>>
      %dma_start3A_158 = tpu.memref_squeeze %dma_start3A_157 : memref<1x128x8xf32, #tpu.memory_space<vmem>> -> memref<128x8xf32, #tpu.memory_space<vmem>>
      %dma_start3A_159 = arith.constant 0 : i32
      %dma_start3A_160 = tpu.memref_slice %arg6[%rem3A_70, %dma_start3A_154, %dma_start3A_159] : memref<2x8x128xi32, #tpu.memory_space<vmem>> -> memref<1x1x128xi32, #tpu.memory_space<vmem>>
      %dma_start3A_161 = tpu.memref_squeeze %dma_start3A_160 : memref<1x1x128xi32, #tpu.memory_space<vmem>> -> memref<128xi32, #tpu.memory_space<vmem>>
      %dma_start3A_162 = arith.constant 0 : i32
      %dma_start3A_163 = arith.constant 0 : i32
      %dma_start3A_164 = tpu.memref_slice %arg4[%dma_start3A_162, %dma_start3A_163] : memref<100096x8xf32, #tpu.memory_space<hbm>> -> memref<100096x8xf32, #tpu.memory_space<hbm>>
      tpu.enqueue_indirect_dma source(%dma_start3A_164 : memref<100096x8xf32, #tpu.memory_space<hbm>>) target(%dma_start3A_158 : memref<128x8xf32, #tpu.memory_space<vmem>>) offsets(%dma_start3A_161 : memref<128xi32, #tpu.memory_space<vmem>>) semaphore(%arg12 : memref<!tpu.dma_semaphore, #tpu.memory_space<semaphore_mem>>)
      %dma_start3A_165 = arith.constant 6 : i32
      %dma_start3A_166 = arith.constant 768 : i32
      %dma_start3A_167 = arith.constant 0 : i32
      %dma_start3A_168 = tpu.memref_slice %arg8[%rem3A_70, %dma_start3A_166, %dma_start3A_167] : memref<2x1024x8xf32, #tpu.memory_space<vmem>> -> memref<1x128x8xf32, #tpu.memory_space<vmem>>
      %dma_start3A_169 = tpu.memref_squeeze %dma_start3A_168 : memref<1x128x8xf32, #tpu.memory_space<vmem>> -> memref<128x8xf32, #tpu.memory_space<vmem>>
      %dma_start3A_170 = arith.constant 0 : i32
      %dma_start3A_171 = tpu.memref_slice %arg6[%rem3A_70, %dma_start3A_165, %dma_start3A_170] : memref<2x8x128xi32, #tpu.memory_space<vmem>> -> memref<1x1x128xi32, #tpu.memory_space<vmem>>
      %dma_start3A_172 = tpu.memref_squeeze %dma_start3A_171 : memref<1x1x128xi32, #tpu.memory_space<vmem>> -> memref<128xi32, #tpu.memory_space<vmem>>
      %dma_start3A_173 = arith.constant 0 : i32
      %dma_start3A_174 = arith.constant 0 : i32
      %dma_start3A_175 = tpu.memref_slice %arg4[%dma_start3A_173, %dma_start3A_174] : memref<100096x8xf32, #tpu.memory_space<hbm>> -> memref<100096x8xf32, #tpu.memory_space<hbm>>
      tpu.enqueue_indirect_dma source(%dma_start3A_175 : memref<100096x8xf32, #tpu.memory_space<hbm>>) target(%dma_start3A_169 : memref<128x8xf32, #tpu.memory_space<vmem>>) offsets(%dma_start3A_172 : memref<128xi32, #tpu.memory_space<vmem>>) semaphore(%arg12 : memref<!tpu.dma_semaphore, #tpu.memory_space<semaphore_mem>>)
      %dma_start3A_176 = arith.constant 7 : i32
      %dma_start3A_177 = arith.constant 896 : i32
      %dma_start3A_178 = arith.constant 0 : i32
      %dma_start3A_179 = tpu.memref_slice %arg8[%rem3A_70, %dma_start3A_177, %dma_start3A_178] : memref<2x1024x8xf32, #tpu.memory_space<vmem>> -> memref<1x128x8xf32, #tpu.memory_space<vmem>>
      %dma_start3A_180 = tpu.memref_squeeze %dma_start3A_179 : memref<1x128x8xf32, #tpu.memory_space<vmem>> -> memref<128x8xf32, #tpu.memory_space<vmem>>
      %dma_start3A_181 = arith.constant 0 : i32
      %dma_start3A_182 = tpu.memref_slice %arg6[%rem3A_70, %dma_start3A_176, %dma_start3A_181] : memref<2x8x128xi32, #tpu.memory_space<vmem>> -> memref<1x1x128xi32, #tpu.memory_space<vmem>>
      %dma_start3A_183 = tpu.memref_squeeze %dma_start3A_182 : memref<1x1x128xi32, #tpu.memory_space<vmem>> -> memref<128xi32, #tpu.memory_space<vmem>>
      %dma_start3A_184 = arith.constant 0 : i32
      %dma_start3A_185 = arith.constant 0 : i32
      %dma_start3A_186 = tpu.memref_slice %arg4[%dma_start3A_184, %dma_start3A_185] : memref<100096x8xf32, #tpu.memory_space<hbm>> -> memref<100096x8xf32, #tpu.memory_space<hbm>>
      tpu.enqueue_indirect_dma source(%dma_start3A_186 : memref<100096x8xf32, #tpu.memory_space<hbm>>) target(%dma_start3A_180 : memref<128x8xf32, #tpu.memory_space<vmem>>) offsets(%dma_start3A_183 : memref<128xi32, #tpu.memory_space<vmem>>) semaphore(%arg12 : memref<!tpu.dma_semaphore, #tpu.memory_space<semaphore_mem>>)
      %ge3A = arith.constant 1 : i32
      %ge3A_187 = arith.cmpi sge, %while3A_68, %ge3A : i32
      %convert_element_type3A = arith.extui %ge3A_187 : i1 to i32
      %cond3A = arith.constant 0 : i32
      %cond3A_188 = arith.cmpi ne, %convert_element_type3A, %cond3A : i32
      scf.if %cond3A_188 {
        %dma_wait3A_297 = arith.constant 0 : i32
        %dma_wait3A_298 = arith.constant 0 : i32
        %dma_wait3A_299 = tpu.memref_slice %arg8[%rem3A_70, %dma_wait3A_297, %dma_wait3A_298] : memref<2x1024x8xf32, #tpu.memory_space<vmem>> -> memref<1x1024x8xf32, #tpu.memory_space<vmem>>
        %dma_wait3A_300 = tpu.memref_squeeze %dma_wait3A_299 : memref<1x1024x8xf32, #tpu.memory_space<vmem>> -> memref<1024x8xf32, #tpu.memory_space<vmem>>
        %dma_wait3A_301 = arith.constant 0 : i32
        %dma_wait3A_302 = arith.constant 0 : i32
        %dma_wait3A_303 = tpu.memref_slice %arg4[%dma_wait3A_301, %dma_wait3A_302] : memref<100096x8xf32, #tpu.memory_space<hbm>> -> memref<1024x8xf32, #tpu.memory_space<hbm>>
        %dma_wait3A_304 = arith.constant 0 : i32
        %dma_wait3A_305 = arith.constant 0 : i32
        %dma_wait3A_306 = tpu.memref_slice %arg8[%rem3A_70, %dma_wait3A_304, %dma_wait3A_305] : memref<2x1024x8xf32, #tpu.memory_space<vmem>> -> memref<1x1024x8xf32, #tpu.memory_space<vmem>>
        %dma_wait3A_307 = tpu.memref_squeeze %dma_wait3A_306 : memref<1x1024x8xf32, #tpu.memory_space<vmem>> -> memref<1024x8xf32, #tpu.memory_space<vmem>>
        %dma_wait3A_308 = arith.constant 0 : i32
        %dma_wait3A_309 = arith.constant 0 : i32
        %dma_wait3A_310 = tpu.memref_slice %arg4[%dma_wait3A_308, %dma_wait3A_309] : memref<100096x8xf32, #tpu.memory_space<hbm>> -> memref<1024x8xf32, #tpu.memory_space<hbm>>
        tpu.wait_dma2 semaphore(%arg13 : memref<!tpu.dma_semaphore, #tpu.memory_space<semaphore_mem>>) src(%dma_wait3A_310 : memref<1024x8xf32, #tpu.memory_space<hbm>>) dst(%dma_wait3A_307 : memref<1024x8xf32, #tpu.memory_space<vmem>>)
      } else {
      }
      %add3A_189 = arith.constant 1 : i32
      %add3A_190 = arith.addi %while3A_68, %add3A_189 : i32
      %lt3A_191 = arith.cmpi slt, %add3A_190, %add3A_10 : i32
      %convert_element_type3A_192 = arith.extui %lt3A_191 : i1 to i32
      %cond3A_193 = arith.constant 0 : i32
      %cond3A_194 = arith.cmpi ne, %convert_element_type3A_192, %cond3A_193 : i32
      scf.if %cond3A_194 {
        %add3A_297 = arith.constant 1 : i32
        %add3A_298 = arith.addi %while3A_68, %add3A_297 : i32
        %sub3A_299 = arith.constant 1 : i32
        %sub3A_300 = arith.subi %sub3A_299, %rem3A_70 : i32
        %add3A_301 = arith.addi %add3A_6, %add3A_298 : i32
        %mul3A_302 = arith.constant 8 : i32
        %mul3A_303 = arith.muli %add3A_301, %mul3A_302 : i32
        %dma_start3A_304 = arith.constant 0 : i32
        %dma_start3A_305 = arith.constant 0 : i32
        %dma_start3A_306 = tpu.memref_slice %arg6[%sub3A_300, %dma_start3A_304, %dma_start3A_305] : memref<2x8x128xi32, #tpu.memory_space<vmem>> -> memref<1x8x128xi32, #tpu.memory_space<vmem>>
        %dma_start3A_307 = tpu.memref_squeeze %dma_start3A_306 : memref<1x8x128xi32, #tpu.memory_space<vmem>> -> memref<8x128xi32, #tpu.memory_space<vmem>>
        %dma_start3A_308 = arith.constant 0 : i32
        %dma_start3A_309 = tpu.memref_slice %arg2[%mul3A_303, %dma_start3A_308] : memref<50000x128xi32, #tpu.memory_space<hbm>> -> memref<8x128xi32, #tpu.memory_space<hbm>>
        %dma_start3A_310 = arith.constant 0 : i32
        %dma_start3A_311 = arith.constant 0 : i32
        %dma_start3A_312 = tpu.memref_slice %arg6[%sub3A_300, %dma_start3A_310, %dma_start3A_311] : memref<2x8x128xi32, #tpu.memory_space<vmem>> -> memref<1x8x128xi32, #tpu.memory_space<vmem>>
        %dma_start3A_313 = tpu.memref_squeeze %dma_start3A_312 : memref<1x8x128xi32, #tpu.memory_space<vmem>> -> memref<8x128xi32, #tpu.memory_space<vmem>>
        %dma_start3A_314 = arith.constant 0 : i32
        %dma_start3A_315 = tpu.memref_slice %arg2[%mul3A_303, %dma_start3A_314] : memref<50000x128xi32, #tpu.memory_space<hbm>> -> memref<8x128xi32, #tpu.memory_space<hbm>>
        tpu.enqueue_dma source(%dma_start3A_315 : memref<8x128xi32, #tpu.memory_space<hbm>>) target(%dma_start3A_313 : memref<8x128xi32, #tpu.memory_space<vmem>>) target_semaphore(%arg11 : memref<!tpu.dma_semaphore, #tpu.memory_space<semaphore_mem>>)
        %dma_start3A_316 = arith.constant 0 : i32
        %dma_start3A_317 = arith.constant 0 : i32
        %dma_start3A_318 = tpu.memref_slice %arg7[%sub3A_300, %dma_start3A_316, %dma_start3A_317] : memref<2x8x128xi32, #tpu.memory_space<vmem>> -> memref<1x8x128xi32, #tpu.memory_space<vmem>>
        %dma_start3A_319 = tpu.memref_squeeze %dma_start3A_318 : memref<1x8x128xi32, #tpu.memory_space<vmem>> -> memref<8x128xi32, #tpu.memory_space<vmem>>
        %dma_start3A_320 = arith.constant 0 : i32
        %dma_start3A_321 = tpu.memref_slice %arg3[%mul3A_303, %dma_start3A_320] : memref<50000x128xi32, #tpu.memory_space<hbm>> -> memref<8x128xi32, #tpu.memory_space<hbm>>
        %dma_start3A_322 = arith.constant 0 : i32
        %dma_start3A_323 = arith.constant 0 : i32
        %dma_start3A_324 = tpu.memref_slice %arg7[%sub3A_300, %dma_start3A_322, %dma_start3A_323] : memref<2x8x128xi32, #tpu.memory_space<vmem>> -> memref<1x8x128xi32, #tpu.memory_space<vmem>>
        %dma_start3A_325 = tpu.memref_squeeze %dma_start3A_324 : memref<1x8x128xi32, #tpu.memory_space<vmem>> -> memref<8x128xi32, #tpu.memory_space<vmem>>
        %dma_start3A_326 = arith.constant 0 : i32
        %dma_start3A_327 = tpu.memref_slice %arg3[%mul3A_303, %dma_start3A_326] : memref<50000x128xi32, #tpu.memory_space<hbm>> -> memref<8x128xi32, #tpu.memory_space<hbm>>
        tpu.enqueue_dma source(%dma_start3A_327 : memref<8x128xi32, #tpu.memory_space<hbm>>) target(%dma_start3A_325 : memref<8x128xi32, #tpu.memory_space<vmem>>) target_semaphore(%arg11 : memref<!tpu.dma_semaphore, #tpu.memory_space<semaphore_mem>>)
      } else {
      }
      %dma_wait3A_195 = arith.constant 0 : i32
      %dma_wait3A_196 = arith.constant 0 : i32
      %dma_wait3A_197 = tpu.memref_slice %arg8[%rem3A_70, %dma_wait3A_195, %dma_wait3A_196] : memref<2x1024x8xf32, #tpu.memory_space<vmem>> -> memref<1x1024x8xf32, #tpu.memory_space<vmem>>
      %dma_wait3A_198 = tpu.memref_squeeze %dma_wait3A_197 : memref<1x1024x8xf32, #tpu.memory_space<vmem>> -> memref<1024x8xf32, #tpu.memory_space<vmem>>
      %dma_wait3A_199 = arith.constant 0 : i32
      %dma_wait3A_200 = arith.constant 0 : i32
      %dma_wait3A_201 = tpu.memref_slice %arg4[%dma_wait3A_199, %dma_wait3A_200] : memref<100096x8xf32, #tpu.memory_space<hbm>> -> memref<1024x8xf32, #tpu.memory_space<hbm>>
      %dma_wait3A_202 = arith.constant 0 : i32
      %dma_wait3A_203 = arith.constant 0 : i32
      %dma_wait3A_204 = tpu.memref_slice %arg8[%rem3A_70, %dma_wait3A_202, %dma_wait3A_203] : memref<2x1024x8xf32, #tpu.memory_space<vmem>> -> memref<1x1024x8xf32, #tpu.memory_space<vmem>>
      %dma_wait3A_205 = tpu.memref_squeeze %dma_wait3A_204 : memref<1x1024x8xf32, #tpu.memory_space<vmem>> -> memref<1024x8xf32, #tpu.memory_space<vmem>>
      %dma_wait3A_206 = arith.constant 0 : i32
      %dma_wait3A_207 = arith.constant 0 : i32
      %dma_wait3A_208 = tpu.memref_slice %arg4[%dma_wait3A_206, %dma_wait3A_207] : memref<100096x8xf32, #tpu.memory_space<hbm>> -> memref<1024x8xf32, #tpu.memory_space<hbm>>
      tpu.wait_dma2 semaphore(%arg12 : memref<!tpu.dma_semaphore, #tpu.memory_space<semaphore_mem>>) src(%dma_wait3A_208 : memref<1024x8xf32, #tpu.memory_space<hbm>>) dst(%dma_wait3A_205 : memref<1024x8xf32, #tpu.memory_space<vmem>>)
      %dma_start3A_209 = arith.constant 0 : i32
      %dma_start3A_210 = arith.constant 0 : i32
      %dma_start3A_211 = arith.constant 0 : i32
      %dma_start3A_212 = tpu.memref_slice %arg8[%rem3A_70, %dma_start3A_210, %dma_start3A_211] : memref<2x1024x8xf32, #tpu.memory_space<vmem>> -> memref<1x128x8xf32, #tpu.memory_space<vmem>>
      %dma_start3A_213 = tpu.memref_squeeze %dma_start3A_212 : memref<1x128x8xf32, #tpu.memory_space<vmem>> -> memref<128x8xf32, #tpu.memory_space<vmem>>
      %dma_start3A_214 = arith.constant 0 : i32
      %dma_start3A_215 = tpu.memref_slice %arg7[%rem3A_70, %dma_start3A_209, %dma_start3A_214] : memref<2x8x128xi32, #tpu.memory_space<vmem>> -> memref<1x1x128xi32, #tpu.memory_space<vmem>>
      %dma_start3A_216 = tpu.memref_squeeze %dma_start3A_215 : memref<1x1x128xi32, #tpu.memory_space<vmem>> -> memref<128xi32, #tpu.memory_space<vmem>>
      %dma_start3A_217 = arith.constant 0 : i32
      %dma_start3A_218 = arith.constant 0 : i32
      %dma_start3A_219 = tpu.memref_slice %arg10[%dma_start3A_217, %dma_start3A_218] : memref<100096x8xf32, #tpu.memory_space<vmem_shared>> -> memref<100096x8xf32, #tpu.memory_space<vmem_shared>>
      tpu.enqueue_indirect_dma source(%dma_start3A_213 : memref<128x8xf32, #tpu.memory_space<vmem>>) target(%dma_start3A_219 : memref<100096x8xf32, #tpu.memory_space<vmem_shared>>) offsets(%dma_start3A_216 : memref<128xi32, #tpu.memory_space<vmem>>) semaphore(%arg13 : memref<!tpu.dma_semaphore, #tpu.memory_space<semaphore_mem>>) {add = true}
      %dma_start3A_220 = arith.constant 1 : i32
      %dma_start3A_221 = arith.constant 128 : i32
      %dma_start3A_222 = arith.constant 0 : i32
      %dma_start3A_223 = tpu.memref_slice %arg8[%rem3A_70, %dma_start3A_221, %dma_start3A_222] : memref<2x1024x8xf32, #tpu.memory_space<vmem>> -> memref<1x128x8xf32, #tpu.memory_space<vmem>>
      %dma_start3A_224 = tpu.memref_squeeze %dma_start3A_223 : memref<1x128x8xf32, #tpu.memory_space<vmem>> -> memref<128x8xf32, #tpu.memory_space<vmem>>
      %dma_start3A_225 = arith.constant 0 : i32
      %dma_start3A_226 = tpu.memref_slice %arg7[%rem3A_70, %dma_start3A_220, %dma_start3A_225] : memref<2x8x128xi32, #tpu.memory_space<vmem>> -> memref<1x1x128xi32, #tpu.memory_space<vmem>>
      %dma_start3A_227 = tpu.memref_squeeze %dma_start3A_226 : memref<1x1x128xi32, #tpu.memory_space<vmem>> -> memref<128xi32, #tpu.memory_space<vmem>>
      %dma_start3A_228 = arith.constant 0 : i32
      %dma_start3A_229 = arith.constant 0 : i32
      %dma_start3A_230 = tpu.memref_slice %arg10[%dma_start3A_228, %dma_start3A_229] : memref<100096x8xf32, #tpu.memory_space<vmem_shared>> -> memref<100096x8xf32, #tpu.memory_space<vmem_shared>>
      tpu.enqueue_indirect_dma source(%dma_start3A_224 : memref<128x8xf32, #tpu.memory_space<vmem>>) target(%dma_start3A_230 : memref<100096x8xf32, #tpu.memory_space<vmem_shared>>) offsets(%dma_start3A_227 : memref<128xi32, #tpu.memory_space<vmem>>) semaphore(%arg13 : memref<!tpu.dma_semaphore, #tpu.memory_space<semaphore_mem>>) {add = true}
      %dma_start3A_231 = arith.constant 2 : i32
      %dma_start3A_232 = arith.constant 256 : i32
      %dma_start3A_233 = arith.constant 0 : i32
      %dma_start3A_234 = tpu.memref_slice %arg8[%rem3A_70, %dma_start3A_232, %dma_start3A_233] : memref<2x1024x8xf32, #tpu.memory_space<vmem>> -> memref<1x128x8xf32, #tpu.memory_space<vmem>>
      %dma_start3A_235 = tpu.memref_squeeze %dma_start3A_234 : memref<1x128x8xf32, #tpu.memory_space<vmem>> -> memref<128x8xf32, #tpu.memory_space<vmem>>
      %dma_start3A_236 = arith.constant 0 : i32
      %dma_start3A_237 = tpu.memref_slice %arg7[%rem3A_70, %dma_start3A_231, %dma_start3A_236] : memref<2x8x128xi32, #tpu.memory_space<vmem>> -> memref<1x1x128xi32, #tpu.memory_space<vmem>>
      %dma_start3A_238 = tpu.memref_squeeze %dma_start3A_237 : memref<1x1x128xi32, #tpu.memory_space<vmem>> -> memref<128xi32, #tpu.memory_space<vmem>>
      %dma_start3A_239 = arith.constant 0 : i32
      %dma_start3A_240 = arith.constant 0 : i32
      %dma_start3A_241 = tpu.memref_slice %arg10[%dma_start3A_239, %dma_start3A_240] : memref<100096x8xf32, #tpu.memory_space<vmem_shared>> -> memref<100096x8xf32, #tpu.memory_space<vmem_shared>>
      tpu.enqueue_indirect_dma source(%dma_start3A_235 : memref<128x8xf32, #tpu.memory_space<vmem>>) target(%dma_start3A_241 : memref<100096x8xf32, #tpu.memory_space<vmem_shared>>) offsets(%dma_start3A_238 : memref<128xi32, #tpu.memory_space<vmem>>) semaphore(%arg13 : memref<!tpu.dma_semaphore, #tpu.memory_space<semaphore_mem>>) {add = true}
      %dma_start3A_242 = arith.constant 3 : i32
      %dma_start3A_243 = arith.constant 384 : i32
      %dma_start3A_244 = arith.constant 0 : i32
      %dma_start3A_245 = tpu.memref_slice %arg8[%rem3A_70, %dma_start3A_243, %dma_start3A_244] : memref<2x1024x8xf32, #tpu.memory_space<vmem>> -> memref<1x128x8xf32, #tpu.memory_space<vmem>>
      %dma_start3A_246 = tpu.memref_squeeze %dma_start3A_245 : memref<1x128x8xf32, #tpu.memory_space<vmem>> -> memref<128x8xf32, #tpu.memory_space<vmem>>
      %dma_start3A_247 = arith.constant 0 : i32
      %dma_start3A_248 = tpu.memref_slice %arg7[%rem3A_70, %dma_start3A_242, %dma_start3A_247] : memref<2x8x128xi32, #tpu.memory_space<vmem>> -> memref<1x1x128xi32, #tpu.memory_space<vmem>>
      %dma_start3A_249 = tpu.memref_squeeze %dma_start3A_248 : memref<1x1x128xi32, #tpu.memory_space<vmem>> -> memref<128xi32, #tpu.memory_space<vmem>>
      %dma_start3A_250 = arith.constant 0 : i32
      %dma_start3A_251 = arith.constant 0 : i32
      %dma_start3A_252 = tpu.memref_slice %arg10[%dma_start3A_250, %dma_start3A_251] : memref<100096x8xf32, #tpu.memory_space<vmem_shared>> -> memref<100096x8xf32, #tpu.memory_space<vmem_shared>>
      tpu.enqueue_indirect_dma source(%dma_start3A_246 : memref<128x8xf32, #tpu.memory_space<vmem>>) target(%dma_start3A_252 : memref<100096x8xf32, #tpu.memory_space<vmem_shared>>) offsets(%dma_start3A_249 : memref<128xi32, #tpu.memory_space<vmem>>) semaphore(%arg13 : memref<!tpu.dma_semaphore, #tpu.memory_space<semaphore_mem>>) {add = true}
      %dma_start3A_253 = arith.constant 4 : i32
      %dma_start3A_254 = arith.constant 512 : i32
      %dma_start3A_255 = arith.constant 0 : i32
      %dma_start3A_256 = tpu.memref_slice %arg8[%rem3A_70, %dma_start3A_254, %dma_start3A_255] : memref<2x1024x8xf32, #tpu.memory_space<vmem>> -> memref<1x128x8xf32, #tpu.memory_space<vmem>>
      %dma_start3A_257 = tpu.memref_squeeze %dma_start3A_256 : memref<1x128x8xf32, #tpu.memory_space<vmem>> -> memref<128x8xf32, #tpu.memory_space<vmem>>
      %dma_start3A_258 = arith.constant 0 : i32
      %dma_start3A_259 = tpu.memref_slice %arg7[%rem3A_70, %dma_start3A_253, %dma_start3A_258] : memref<2x8x128xi32, #tpu.memory_space<vmem>> -> memref<1x1x128xi32, #tpu.memory_space<vmem>>
      %dma_start3A_260 = tpu.memref_squeeze %dma_start3A_259 : memref<1x1x128xi32, #tpu.memory_space<vmem>> -> memref<128xi32, #tpu.memory_space<vmem>>
      %dma_start3A_261 = arith.constant 0 : i32
      %dma_start3A_262 = arith.constant 0 : i32
      %dma_start3A_263 = tpu.memref_slice %arg10[%dma_start3A_261, %dma_start3A_262] : memref<100096x8xf32, #tpu.memory_space<vmem_shared>> -> memref<100096x8xf32, #tpu.memory_space<vmem_shared>>
      tpu.enqueue_indirect_dma source(%dma_start3A_257 : memref<128x8xf32, #tpu.memory_space<vmem>>) target(%dma_start3A_263 : memref<100096x8xf32, #tpu.memory_space<vmem_shared>>) offsets(%dma_start3A_260 : memref<128xi32, #tpu.memory_space<vmem>>) semaphore(%arg13 : memref<!tpu.dma_semaphore, #tpu.memory_space<semaphore_mem>>) {add = true}
      %dma_start3A_264 = arith.constant 5 : i32
      %dma_start3A_265 = arith.constant 640 : i32
      %dma_start3A_266 = arith.constant 0 : i32
      %dma_start3A_267 = tpu.memref_slice %arg8[%rem3A_70, %dma_start3A_265, %dma_start3A_266] : memref<2x1024x8xf32, #tpu.memory_space<vmem>> -> memref<1x128x8xf32, #tpu.memory_space<vmem>>
      %dma_start3A_268 = tpu.memref_squeeze %dma_start3A_267 : memref<1x128x8xf32, #tpu.memory_space<vmem>> -> memref<128x8xf32, #tpu.memory_space<vmem>>
      %dma_start3A_269 = arith.constant 0 : i32
      %dma_start3A_270 = tpu.memref_slice %arg7[%rem3A_70, %dma_start3A_264, %dma_start3A_269] : memref<2x8x128xi32, #tpu.memory_space<vmem>> -> memref<1x1x128xi32, #tpu.memory_space<vmem>>
      %dma_start3A_271 = tpu.memref_squeeze %dma_start3A_270 : memref<1x1x128xi32, #tpu.memory_space<vmem>> -> memref<128xi32, #tpu.memory_space<vmem>>
      %dma_start3A_272 = arith.constant 0 : i32
      %dma_start3A_273 = arith.constant 0 : i32
      %dma_start3A_274 = tpu.memref_slice %arg10[%dma_start3A_272, %dma_start3A_273] : memref<100096x8xf32, #tpu.memory_space<vmem_shared>> -> memref<100096x8xf32, #tpu.memory_space<vmem_shared>>
      tpu.enqueue_indirect_dma source(%dma_start3A_268 : memref<128x8xf32, #tpu.memory_space<vmem>>) target(%dma_start3A_274 : memref<100096x8xf32, #tpu.memory_space<vmem_shared>>) offsets(%dma_start3A_271 : memref<128xi32, #tpu.memory_space<vmem>>) semaphore(%arg13 : memref<!tpu.dma_semaphore, #tpu.memory_space<semaphore_mem>>) {add = true}
      %dma_start3A_275 = arith.constant 6 : i32
      %dma_start3A_276 = arith.constant 768 : i32
      %dma_start3A_277 = arith.constant 0 : i32
      %dma_start3A_278 = tpu.memref_slice %arg8[%rem3A_70, %dma_start3A_276, %dma_start3A_277] : memref<2x1024x8xf32, #tpu.memory_space<vmem>> -> memref<1x128x8xf32, #tpu.memory_space<vmem>>
      %dma_start3A_279 = tpu.memref_squeeze %dma_start3A_278 : memref<1x128x8xf32, #tpu.memory_space<vmem>> -> memref<128x8xf32, #tpu.memory_space<vmem>>
      %dma_start3A_280 = arith.constant 0 : i32
      %dma_start3A_281 = tpu.memref_slice %arg7[%rem3A_70, %dma_start3A_275, %dma_start3A_280] : memref<2x8x128xi32, #tpu.memory_space<vmem>> -> memref<1x1x128xi32, #tpu.memory_space<vmem>>
      %dma_start3A_282 = tpu.memref_squeeze %dma_start3A_281 : memref<1x1x128xi32, #tpu.memory_space<vmem>> -> memref<128xi32, #tpu.memory_space<vmem>>
      %dma_start3A_283 = arith.constant 0 : i32
      %dma_start3A_284 = arith.constant 0 : i32
      %dma_start3A_285 = tpu.memref_slice %arg10[%dma_start3A_283, %dma_start3A_284] : memref<100096x8xf32, #tpu.memory_space<vmem_shared>> -> memref<100096x8xf32, #tpu.memory_space<vmem_shared>>
      tpu.enqueue_indirect_dma source(%dma_start3A_279 : memref<128x8xf32, #tpu.memory_space<vmem>>) target(%dma_start3A_285 : memref<100096x8xf32, #tpu.memory_space<vmem_shared>>) offsets(%dma_start3A_282 : memref<128xi32, #tpu.memory_space<vmem>>) semaphore(%arg13 : memref<!tpu.dma_semaphore, #tpu.memory_space<semaphore_mem>>) {add = true}
      %dma_start3A_286 = arith.constant 7 : i32
      %dma_start3A_287 = arith.constant 896 : i32
      %dma_start3A_288 = arith.constant 0 : i32
      %dma_start3A_289 = tpu.memref_slice %arg8[%rem3A_70, %dma_start3A_287, %dma_start3A_288] : memref<2x1024x8xf32, #tpu.memory_space<vmem>> -> memref<1x128x8xf32, #tpu.memory_space<vmem>>
      %dma_start3A_290 = tpu.memref_squeeze %dma_start3A_289 : memref<1x128x8xf32, #tpu.memory_space<vmem>> -> memref<128x8xf32, #tpu.memory_space<vmem>>
      %dma_start3A_291 = arith.constant 0 : i32
      %dma_start3A_292 = tpu.memref_slice %arg7[%rem3A_70, %dma_start3A_286, %dma_start3A_291] : memref<2x8x128xi32, #tpu.memory_space<vmem>> -> memref<1x1x128xi32, #tpu.memory_space<vmem>>
      %dma_start3A_293 = tpu.memref_squeeze %dma_start3A_292 : memref<1x1x128xi32, #tpu.memory_space<vmem>> -> memref<128xi32, #tpu.memory_space<vmem>>
      %dma_start3A_294 = arith.constant 0 : i32
      %dma_start3A_295 = arith.constant 0 : i32
      %dma_start3A_296 = tpu.memref_slice %arg10[%dma_start3A_294, %dma_start3A_295] : memref<100096x8xf32, #tpu.memory_space<vmem_shared>> -> memref<100096x8xf32, #tpu.memory_space<vmem_shared>>
      tpu.enqueue_indirect_dma source(%dma_start3A_290 : memref<128x8xf32, #tpu.memory_space<vmem>>) target(%dma_start3A_296 : memref<100096x8xf32, #tpu.memory_space<vmem_shared>>) offsets(%dma_start3A_293 : memref<128xi32, #tpu.memory_space<vmem>>) semaphore(%arg13 : memref<!tpu.dma_semaphore, #tpu.memory_space<semaphore_mem>>) {add = true}
    }
    %while3A_48 = arith.constant 1 : i32
    scf.for %while3A_68 = %while3A_46 to %while3A_42 step %while3A_48  : i32 {
      %rem3A_69 = arith.constant 2 : i32
      %rem3A_70 = arith.remsi %while3A_68, %rem3A_69 : i32
      %dma_wait3A_71 = arith.constant 0 : i32
      %dma_wait3A_72 = arith.constant 0 : i32
      %dma_wait3A_73 = tpu.memref_slice %arg6[%rem3A_70, %dma_wait3A_71, %dma_wait3A_72] : memref<2x8x128xi32, #tpu.memory_space<vmem>> -> memref<1x8x128xi32, #tpu.memory_space<vmem>>
      %dma_wait3A_74 = tpu.memref_squeeze %dma_wait3A_73 : memref<1x8x128xi32, #tpu.memory_space<vmem>> -> memref<8x128xi32, #tpu.memory_space<vmem>>
      %dma_wait3A_75 = arith.constant 0 : i32
      %dma_wait3A_76 = arith.constant 0 : i32
      %dma_wait3A_77 = tpu.memref_slice %arg2[%dma_wait3A_75, %dma_wait3A_76] : memref<50000x128xi32, #tpu.memory_space<hbm>> -> memref<8x128xi32, #tpu.memory_space<hbm>>
      %dma_wait3A_78 = arith.constant 0 : i32
      %dma_wait3A_79 = arith.constant 0 : i32
      %dma_wait3A_80 = tpu.memref_slice %arg6[%rem3A_70, %dma_wait3A_78, %dma_wait3A_79] : memref<2x8x128xi32, #tpu.memory_space<vmem>> -> memref<1x8x128xi32, #tpu.memory_space<vmem>>
      %dma_wait3A_81 = tpu.memref_squeeze %dma_wait3A_80 : memref<1x8x128xi32, #tpu.memory_space<vmem>> -> memref<8x128xi32, #tpu.memory_space<vmem>>
      %dma_wait3A_82 = arith.constant 0 : i32
      %dma_wait3A_83 = arith.constant 0 : i32
      %dma_wait3A_84 = tpu.memref_slice %arg2[%dma_wait3A_82, %dma_wait3A_83] : memref<50000x128xi32, #tpu.memory_space<hbm>> -> memref<8x128xi32, #tpu.memory_space<hbm>>
      tpu.wait_dma2 semaphore(%arg11 : memref<!tpu.dma_semaphore, #tpu.memory_space<semaphore_mem>>) src(%dma_wait3A_84 : memref<8x128xi32, #tpu.memory_space<hbm>>) dst(%dma_wait3A_81 : memref<8x128xi32, #tpu.memory_space<vmem>>)
      %dma_wait3A_85 = arith.constant 0 : i32
      %dma_wait3A_86 = arith.constant 0 : i32
      %dma_wait3A_87 = tpu.memref_slice %arg7[%rem3A_70, %dma_wait3A_85, %dma_wait3A_86] : memref<2x8x128xi32, #tpu.memory_space<vmem>> -> memref<1x8x128xi32, #tpu.memory_space<vmem>>
      %dma_wait3A_88 = tpu.memref_squeeze %dma_wait3A_87 : memref<1x8x128xi32, #tpu.memory_space<vmem>> -> memref<8x128xi32, #tpu.memory_space<vmem>>
      %dma_wait3A_89 = arith.constant 0 : i32
      %dma_wait3A_90 = arith.constant 0 : i32
      %dma_wait3A_91 = tpu.memref_slice %arg2[%dma_wait3A_89, %dma_wait3A_90] : memref<50000x128xi32, #tpu.memory_space<hbm>> -> memref<8x128xi32, #tpu.memory_space<hbm>>
      %dma_wait3A_92 = arith.constant 0 : i32
      %dma_wait3A_93 = arith.constant 0 : i32
      %dma_wait3A_94 = tpu.memref_slice %arg7[%rem3A_70, %dma_wait3A_92, %dma_wait3A_93] : memref<2x8x128xi32, #tpu.memory_space<vmem>> -> memref<1x8x128xi32, #tpu.memory_space<vmem>>
      %dma_wait3A_95 = tpu.memref_squeeze %dma_wait3A_94 : memref<1x8x128xi32, #tpu.memory_space<vmem>> -> memref<8x128xi32, #tpu.memory_space<vmem>>
      %dma_wait3A_96 = arith.constant 0 : i32
      %dma_wait3A_97 = arith.constant 0 : i32
      %dma_wait3A_98 = tpu.memref_slice %arg2[%dma_wait3A_96, %dma_wait3A_97] : memref<50000x128xi32, #tpu.memory_space<hbm>> -> memref<8x128xi32, #tpu.memory_space<hbm>>
      tpu.wait_dma2 semaphore(%arg11 : memref<!tpu.dma_semaphore, #tpu.memory_space<semaphore_mem>>) src(%dma_wait3A_98 : memref<8x128xi32, #tpu.memory_space<hbm>>) dst(%dma_wait3A_95 : memref<8x128xi32, #tpu.memory_space<vmem>>)
      %dma_start3A_99 = arith.constant 0 : i32
      %dma_start3A_100 = arith.constant 0 : i32
      %dma_start3A_101 = arith.constant 0 : i32
      %dma_start3A_102 = tpu.memref_slice %arg8[%rem3A_70, %dma_start3A_100, %dma_start3A_101] : memref<2x1024x8xf32, #tpu.memory_space<vmem>> -> memref<1x128x8xf32, #tpu.memory_space<vmem>>
      %dma_start3A_103 = tpu.memref_squeeze %dma_start3A_102 : memref<1x128x8xf32, #tpu.memory_space<vmem>> -> memref<128x8xf32, #tpu.memory_space<vmem>>
      %dma_start3A_104 = arith.constant 0 : i32
      %dma_start3A_105 = tpu.memref_slice %arg6[%rem3A_70, %dma_start3A_99, %dma_start3A_104] : memref<2x8x128xi32, #tpu.memory_space<vmem>> -> memref<1x1x128xi32, #tpu.memory_space<vmem>>
      %dma_start3A_106 = tpu.memref_squeeze %dma_start3A_105 : memref<1x1x128xi32, #tpu.memory_space<vmem>> -> memref<128xi32, #tpu.memory_space<vmem>>
      %dma_start3A_107 = arith.constant 0 : i32
      %dma_start3A_108 = arith.constant 0 : i32
      %dma_start3A_109 = tpu.memref_slice %arg4[%dma_start3A_107, %dma_start3A_108] : memref<100096x8xf32, #tpu.memory_space<hbm>> -> memref<100096x8xf32, #tpu.memory_space<hbm>>
      tpu.enqueue_indirect_dma source(%dma_start3A_109 : memref<100096x8xf32, #tpu.memory_space<hbm>>) target(%dma_start3A_103 : memref<128x8xf32, #tpu.memory_space<vmem>>) offsets(%dma_start3A_106 : memref<128xi32, #tpu.memory_space<vmem>>) semaphore(%arg12 : memref<!tpu.dma_semaphore, #tpu.memory_space<semaphore_mem>>)
      %dma_start3A_110 = arith.constant 1 : i32
      %dma_start3A_111 = arith.constant 128 : i32
      %dma_start3A_112 = arith.constant 0 : i32
      %dma_start3A_113 = tpu.memref_slice %arg8[%rem3A_70, %dma_start3A_111, %dma_start3A_112] : memref<2x1024x8xf32, #tpu.memory_space<vmem>> -> memref<1x128x8xf32, #tpu.memory_space<vmem>>
      %dma_start3A_114 = tpu.memref_squeeze %dma_start3A_113 : memref<1x128x8xf32, #tpu.memory_space<vmem>> -> memref<128x8xf32, #tpu.memory_space<vmem>>
      %dma_start3A_115 = arith.constant 0 : i32
      %dma_start3A_116 = tpu.memref_slice %arg6[%rem3A_70, %dma_start3A_110, %dma_start3A_115] : memref<2x8x128xi32, #tpu.memory_space<vmem>> -> memref<1x1x128xi32, #tpu.memory_space<vmem>>
      %dma_start3A_117 = tpu.memref_squeeze %dma_start3A_116 : memref<1x1x128xi32, #tpu.memory_space<vmem>> -> memref<128xi32, #tpu.memory_space<vmem>>
      %dma_start3A_118 = arith.constant 0 : i32
      %dma_start3A_119 = arith.constant 0 : i32
      %dma_start3A_120 = tpu.memref_slice %arg4[%dma_start3A_118, %dma_start3A_119] : memref<100096x8xf32, #tpu.memory_space<hbm>> -> memref<100096x8xf32, #tpu.memory_space<hbm>>
      tpu.enqueue_indirect_dma source(%dma_start3A_120 : memref<100096x8xf32, #tpu.memory_space<hbm>>) target(%dma_start3A_114 : memref<128x8xf32, #tpu.memory_space<vmem>>) offsets(%dma_start3A_117 : memref<128xi32, #tpu.memory_space<vmem>>) semaphore(%arg12 : memref<!tpu.dma_semaphore, #tpu.memory_space<semaphore_mem>>)
      %dma_start3A_121 = arith.constant 2 : i32
      %dma_start3A_122 = arith.constant 256 : i32
      %dma_start3A_123 = arith.constant 0 : i32
      %dma_start3A_124 = tpu.memref_slice %arg8[%rem3A_70, %dma_start3A_122, %dma_start3A_123] : memref<2x1024x8xf32, #tpu.memory_space<vmem>> -> memref<1x128x8xf32, #tpu.memory_space<vmem>>
      %dma_start3A_125 = tpu.memref_squeeze %dma_start3A_124 : memref<1x128x8xf32, #tpu.memory_space<vmem>> -> memref<128x8xf32, #tpu.memory_space<vmem>>
      %dma_start3A_126 = arith.constant 0 : i32
      %dma_start3A_127 = tpu.memref_slice %arg6[%rem3A_70, %dma_start3A_121, %dma_start3A_126] : memref<2x8x128xi32, #tpu.memory_space<vmem>> -> memref<1x1x128xi32, #tpu.memory_space<vmem>>
      %dma_start3A_128 = tpu.memref_squeeze %dma_start3A_127 : memref<1x1x128xi32, #tpu.memory_space<vmem>> -> memref<128xi32, #tpu.memory_space<vmem>>
      %dma_start3A_129 = arith.constant 0 : i32
      %dma_start3A_130 = arith.constant 0 : i32
      %dma_start3A_131 = tpu.memref_slice %arg4[%dma_start3A_129, %dma_start3A_130] : memref<100096x8xf32, #tpu.memory_space<hbm>> -> memref<100096x8xf32, #tpu.memory_space<hbm>>
      tpu.enqueue_indirect_dma source(%dma_start3A_131 : memref<100096x8xf32, #tpu.memory_space<hbm>>) target(%dma_start3A_125 : memref<128x8xf32, #tpu.memory_space<vmem>>) offsets(%dma_start3A_128 : memref<128xi32, #tpu.memory_space<vmem>>) semaphore(%arg12 : memref<!tpu.dma_semaphore, #tpu.memory_space<semaphore_mem>>)
      %dma_start3A_132 = arith.constant 3 : i32
      %dma_start3A_133 = arith.constant 384 : i32
      %dma_start3A_134 = arith.constant 0 : i32
      %dma_start3A_135 = tpu.memref_slice %arg8[%rem3A_70, %dma_start3A_133, %dma_start3A_134] : memref<2x1024x8xf32, #tpu.memory_space<vmem>> -> memref<1x128x8xf32, #tpu.memory_space<vmem>>
      %dma_start3A_136 = tpu.memref_squeeze %dma_start3A_135 : memref<1x128x8xf32, #tpu.memory_space<vmem>> -> memref<128x8xf32, #tpu.memory_space<vmem>>
      %dma_start3A_137 = arith.constant 0 : i32
      %dma_start3A_138 = tpu.memref_slice %arg6[%rem3A_70, %dma_start3A_132, %dma_start3A_137] : memref<2x8x128xi32, #tpu.memory_space<vmem>> -> memref<1x1x128xi32, #tpu.memory_space<vmem>>
      %dma_start3A_139 = tpu.memref_squeeze %dma_start3A_138 : memref<1x1x128xi32, #tpu.memory_space<vmem>> -> memref<128xi32, #tpu.memory_space<vmem>>
      %dma_start3A_140 = arith.constant 0 : i32
      %dma_start3A_141 = arith.constant 0 : i32
      %dma_start3A_142 = tpu.memref_slice %arg4[%dma_start3A_140, %dma_start3A_141] : memref<100096x8xf32, #tpu.memory_space<hbm>> -> memref<100096x8xf32, #tpu.memory_space<hbm>>
      tpu.enqueue_indirect_dma source(%dma_start3A_142 : memref<100096x8xf32, #tpu.memory_space<hbm>>) target(%dma_start3A_136 : memref<128x8xf32, #tpu.memory_space<vmem>>) offsets(%dma_start3A_139 : memref<128xi32, #tpu.memory_space<vmem>>) semaphore(%arg12 : memref<!tpu.dma_semaphore, #tpu.memory_space<semaphore_mem>>)
      %dma_start3A_143 = arith.constant 4 : i32
      %dma_start3A_144 = arith.constant 512 : i32
      %dma_start3A_145 = arith.constant 0 : i32
      %dma_start3A_146 = tpu.memref_slice %arg8[%rem3A_70, %dma_start3A_144, %dma_start3A_145] : memref<2x1024x8xf32, #tpu.memory_space<vmem>> -> memref<1x128x8xf32, #tpu.memory_space<vmem>>
      %dma_start3A_147 = tpu.memref_squeeze %dma_start3A_146 : memref<1x128x8xf32, #tpu.memory_space<vmem>> -> memref<128x8xf32, #tpu.memory_space<vmem>>
      %dma_start3A_148 = arith.constant 0 : i32
      %dma_start3A_149 = tpu.memref_slice %arg6[%rem3A_70, %dma_start3A_143, %dma_start3A_148] : memref<2x8x128xi32, #tpu.memory_space<vmem>> -> memref<1x1x128xi32, #tpu.memory_space<vmem>>
      %dma_start3A_150 = tpu.memref_squeeze %dma_start3A_149 : memref<1x1x128xi32, #tpu.memory_space<vmem>> -> memref<128xi32, #tpu.memory_space<vmem>>
      %dma_start3A_151 = arith.constant 0 : i32
      %dma_start3A_152 = arith.constant 0 : i32
      %dma_start3A_153 = tpu.memref_slice %arg4[%dma_start3A_151, %dma_start3A_152] : memref<100096x8xf32, #tpu.memory_space<hbm>> -> memref<100096x8xf32, #tpu.memory_space<hbm>>
      tpu.enqueue_indirect_dma source(%dma_start3A_153 : memref<100096x8xf32, #tpu.memory_space<hbm>>) target(%dma_start3A_147 : memref<128x8xf32, #tpu.memory_space<vmem>>) offsets(%dma_start3A_150 : memref<128xi32, #tpu.memory_space<vmem>>) semaphore(%arg12 : memref<!tpu.dma_semaphore, #tpu.memory_space<semaphore_mem>>)
      %dma_start3A_154 = arith.constant 5 : i32
      %dma_start3A_155 = arith.constant 640 : i32
      %dma_start3A_156 = arith.constant 0 : i32
      %dma_start3A_157 = tpu.memref_slice %arg8[%rem3A_70, %dma_start3A_155, %dma_start3A_156] : memref<2x1024x8xf32, #tpu.memory_space<vmem>> -> memref<1x128x8xf32, #tpu.memory_space<vmem>>
      %dma_start3A_158 = tpu.memref_squeeze %dma_start3A_157 : memref<1x128x8xf32, #tpu.memory_space<vmem>> -> memref<128x8xf32, #tpu.memory_space<vmem>>
      %dma_start3A_159 = arith.constant 0 : i32
      %dma_start3A_160 = tpu.memref_slice %arg6[%rem3A_70, %dma_start3A_154, %dma_start3A_159] : memref<2x8x128xi32, #tpu.memory_space<vmem>> -> memref<1x1x128xi32, #tpu.memory_space<vmem>>
      %dma_start3A_161 = tpu.memref_squeeze %dma_start3A_160 : memref<1x1x128xi32, #tpu.memory_space<vmem>> -> memref<128xi32, #tpu.memory_space<vmem>>
      %dma_start3A_162 = arith.constant 0 : i32
      %dma_start3A_163 = arith.constant 0 : i32
      %dma_start3A_164 = tpu.memref_slice %arg4[%dma_start3A_162, %dma_start3A_163] : memref<100096x8xf32, #tpu.memory_space<hbm>> -> memref<100096x8xf32, #tpu.memory_space<hbm>>
      tpu.enqueue_indirect_dma source(%dma_start3A_164 : memref<100096x8xf32, #tpu.memory_space<hbm>>) target(%dma_start3A_158 : memref<128x8xf32, #tpu.memory_space<vmem>>) offsets(%dma_start3A_161 : memref<128xi32, #tpu.memory_space<vmem>>) semaphore(%arg12 : memref<!tpu.dma_semaphore, #tpu.memory_space<semaphore_mem>>)
      %dma_start3A_165 = arith.constant 6 : i32
      %dma_start3A_166 = arith.constant 768 : i32
      %dma_start3A_167 = arith.constant 0 : i32
      %dma_start3A_168 = tpu.memref_slice %arg8[%rem3A_70, %dma_start3A_166, %dma_start3A_167] : memref<2x1024x8xf32, #tpu.memory_space<vmem>> -> memref<1x128x8xf32, #tpu.memory_space<vmem>>
      %dma_start3A_169 = tpu.memref_squeeze %dma_start3A_168 : memref<1x128x8xf32, #tpu.memory_space<vmem>> -> memref<128x8xf32, #tpu.memory_space<vmem>>
      %dma_start3A_170 = arith.constant 0 : i32
      %dma_start3A_171 = tpu.memref_slice %arg6[%rem3A_70, %dma_start3A_165, %dma_start3A_170] : memref<2x8x128xi32, #tpu.memory_space<vmem>> -> memref<1x1x128xi32, #tpu.memory_space<vmem>>
      %dma_start3A_172 = tpu.memref_squeeze %dma_start3A_171 : memref<1x1x128xi32, #tpu.memory_space<vmem>> -> memref<128xi32, #tpu.memory_space<vmem>>
      %dma_start3A_173 = arith.constant 0 : i32
      %dma_start3A_174 = arith.constant 0 : i32
      %dma_start3A_175 = tpu.memref_slice %arg4[%dma_start3A_173, %dma_start3A_174] : memref<100096x8xf32, #tpu.memory_space<hbm>> -> memref<100096x8xf32, #tpu.memory_space<hbm>>
      tpu.enqueue_indirect_dma source(%dma_start3A_175 : memref<100096x8xf32, #tpu.memory_space<hbm>>) target(%dma_start3A_169 : memref<128x8xf32, #tpu.memory_space<vmem>>) offsets(%dma_start3A_172 : memref<128xi32, #tpu.memory_space<vmem>>) semaphore(%arg12 : memref<!tpu.dma_semaphore, #tpu.memory_space<semaphore_mem>>)
      %dma_start3A_176 = arith.constant 7 : i32
      %dma_start3A_177 = arith.constant 896 : i32
      %dma_start3A_178 = arith.constant 0 : i32
      %dma_start3A_179 = tpu.memref_slice %arg8[%rem3A_70, %dma_start3A_177, %dma_start3A_178] : memref<2x1024x8xf32, #tpu.memory_space<vmem>> -> memref<1x128x8xf32, #tpu.memory_space<vmem>>
      %dma_start3A_180 = tpu.memref_squeeze %dma_start3A_179 : memref<1x128x8xf32, #tpu.memory_space<vmem>> -> memref<128x8xf32, #tpu.memory_space<vmem>>
      %dma_start3A_181 = arith.constant 0 : i32
      %dma_start3A_182 = tpu.memref_slice %arg6[%rem3A_70, %dma_start3A_176, %dma_start3A_181] : memref<2x8x128xi32, #tpu.memory_space<vmem>> -> memref<1x1x128xi32, #tpu.memory_space<vmem>>
      %dma_start3A_183 = tpu.memref_squeeze %dma_start3A_182 : memref<1x1x128xi32, #tpu.memory_space<vmem>> -> memref<128xi32, #tpu.memory_space<vmem>>
      %dma_start3A_184 = arith.constant 0 : i32
      %dma_start3A_185 = arith.constant 0 : i32
      %dma_start3A_186 = tpu.memref_slice %arg4[%dma_start3A_184, %dma_start3A_185] : memref<100096x8xf32, #tpu.memory_space<hbm>> -> memref<100096x8xf32, #tpu.memory_space<hbm>>
      tpu.enqueue_indirect_dma source(%dma_start3A_186 : memref<100096x8xf32, #tpu.memory_space<hbm>>) target(%dma_start3A_180 : memref<128x8xf32, #tpu.memory_space<vmem>>) offsets(%dma_start3A_183 : memref<128xi32, #tpu.memory_space<vmem>>) semaphore(%arg12 : memref<!tpu.dma_semaphore, #tpu.memory_space<semaphore_mem>>)
      %ge3A = arith.constant 1 : i32
      %ge3A_187 = arith.cmpi sge, %while3A_68, %ge3A : i32
      %convert_element_type3A = arith.extui %ge3A_187 : i1 to i32
      %cond3A = arith.constant 0 : i32
      %cond3A_188 = arith.cmpi ne, %convert_element_type3A, %cond3A : i32
      scf.if %cond3A_188 {
        %dma_wait3A_297 = arith.constant 0 : i32
        %dma_wait3A_298 = arith.constant 0 : i32
        %dma_wait3A_299 = tpu.memref_slice %arg8[%rem3A_70, %dma_wait3A_297, %dma_wait3A_298] : memref<2x1024x8xf32, #tpu.memory_space<vmem>> -> memref<1x1024x8xf32, #tpu.memory_space<vmem>>
        %dma_wait3A_300 = tpu.memref_squeeze %dma_wait3A_299 : memref<1x1024x8xf32, #tpu.memory_space<vmem>> -> memref<1024x8xf32, #tpu.memory_space<vmem>>
        %dma_wait3A_301 = arith.constant 0 : i32
        %dma_wait3A_302 = arith.constant 0 : i32
        %dma_wait3A_303 = tpu.memref_slice %arg4[%dma_wait3A_301, %dma_wait3A_302] : memref<100096x8xf32, #tpu.memory_space<hbm>> -> memref<1024x8xf32, #tpu.memory_space<hbm>>
        %dma_wait3A_304 = arith.constant 0 : i32
        %dma_wait3A_305 = arith.constant 0 : i32
        %dma_wait3A_306 = tpu.memref_slice %arg8[%rem3A_70, %dma_wait3A_304, %dma_wait3A_305] : memref<2x1024x8xf32, #tpu.memory_space<vmem>> -> memref<1x1024x8xf32, #tpu.memory_space<vmem>>
        %dma_wait3A_307 = tpu.memref_squeeze %dma_wait3A_306 : memref<1x1024x8xf32, #tpu.memory_space<vmem>> -> memref<1024x8xf32, #tpu.memory_space<vmem>>
        %dma_wait3A_308 = arith.constant 0 : i32
        %dma_wait3A_309 = arith.constant 0 : i32
        %dma_wait3A_310 = tpu.memref_slice %arg4[%dma_wait3A_308, %dma_wait3A_309] : memref<100096x8xf32, #tpu.memory_space<hbm>> -> memref<1024x8xf32, #tpu.memory_space<hbm>>
        tpu.wait_dma2 semaphore(%arg13 : memref<!tpu.dma_semaphore, #tpu.memory_space<semaphore_mem>>) src(%dma_wait3A_310 : memref<1024x8xf32, #tpu.memory_space<hbm>>) dst(%dma_wait3A_307 : memref<1024x8xf32, #tpu.memory_space<vmem>>)
      } else {
      }
      %add3A_189 = arith.constant 1 : i32
      %add3A_190 = arith.addi %while3A_68, %add3A_189 : i32
      %lt3A_191 = arith.cmpi slt, %add3A_190, %add3A_10 : i32
      %convert_element_type3A_192 = arith.extui %lt3A_191 : i1 to i32
      %cond3A_193 = arith.constant 0 : i32
      %cond3A_194 = arith.cmpi ne, %convert_element_type3A_192, %cond3A_193 : i32
      scf.if %cond3A_194 {
        %add3A_297 = arith.constant 1 : i32
        %add3A_298 = arith.addi %while3A_68, %add3A_297 : i32
        %sub3A_299 = arith.constant 1 : i32
        %sub3A_300 = arith.subi %sub3A_299, %rem3A_70 : i32
        %add3A_301 = arith.addi %add3A_6, %add3A_298 : i32
        %mul3A_302 = arith.constant 8 : i32
        %mul3A_303 = arith.muli %add3A_301, %mul3A_302 : i32
        %dma_start3A_304 = arith.constant 0 : i32
        %dma_start3A_305 = arith.constant 0 : i32
        %dma_start3A_306 = tpu.memref_slice %arg6[%sub3A_300, %dma_start3A_304, %dma_start3A_305] : memref<2x8x128xi32, #tpu.memory_space<vmem>> -> memref<1x8x128xi32, #tpu.memory_space<vmem>>
        %dma_start3A_307 = tpu.memref_squeeze %dma_start3A_306 : memref<1x8x128xi32, #tpu.memory_space<vmem>> -> memref<8x128xi32, #tpu.memory_space<vmem>>
        %dma_start3A_308 = arith.constant 0 : i32
        %dma_start3A_309 = tpu.memref_slice %arg2[%mul3A_303, %dma_start3A_308] : memref<50000x128xi32, #tpu.memory_space<hbm>> -> memref<8x128xi32, #tpu.memory_space<hbm>>
        %dma_start3A_310 = arith.constant 0 : i32
        %dma_start3A_311 = arith.constant 0 : i32
        %dma_start3A_312 = tpu.memref_slice %arg6[%sub3A_300, %dma_start3A_310, %dma_start3A_311] : memref<2x8x128xi32, #tpu.memory_space<vmem>> -> memref<1x8x128xi32, #tpu.memory_space<vmem>>
        %dma_start3A_313 = tpu.memref_squeeze %dma_start3A_312 : memref<1x8x128xi32, #tpu.memory_space<vmem>> -> memref<8x128xi32, #tpu.memory_space<vmem>>
        %dma_start3A_314 = arith.constant 0 : i32
        %dma_start3A_315 = tpu.memref_slice %arg2[%mul3A_303, %dma_start3A_314] : memref<50000x128xi32, #tpu.memory_space<hbm>> -> memref<8x128xi32, #tpu.memory_space<hbm>>
        tpu.enqueue_dma source(%dma_start3A_315 : memref<8x128xi32, #tpu.memory_space<hbm>>) target(%dma_start3A_313 : memref<8x128xi32, #tpu.memory_space<vmem>>) target_semaphore(%arg11 : memref<!tpu.dma_semaphore, #tpu.memory_space<semaphore_mem>>)
        %dma_start3A_316 = arith.constant 0 : i32
        %dma_start3A_317 = arith.constant 0 : i32
        %dma_start3A_318 = tpu.memref_slice %arg7[%sub3A_300, %dma_start3A_316, %dma_start3A_317] : memref<2x8x128xi32, #tpu.memory_space<vmem>> -> memref<1x8x128xi32, #tpu.memory_space<vmem>>
        %dma_start3A_319 = tpu.memref_squeeze %dma_start3A_318 : memref<1x8x128xi32, #tpu.memory_space<vmem>> -> memref<8x128xi32, #tpu.memory_space<vmem>>
        %dma_start3A_320 = arith.constant 0 : i32
        %dma_start3A_321 = tpu.memref_slice %arg3[%mul3A_303, %dma_start3A_320] : memref<50000x128xi32, #tpu.memory_space<hbm>> -> memref<8x128xi32, #tpu.memory_space<hbm>>
        %dma_start3A_322 = arith.constant 0 : i32
        %dma_start3A_323 = arith.constant 0 : i32
        %dma_start3A_324 = tpu.memref_slice %arg7[%sub3A_300, %dma_start3A_322, %dma_start3A_323] : memref<2x8x128xi32, #tpu.memory_space<vmem>> -> memref<1x8x128xi32, #tpu.memory_space<vmem>>
        %dma_start3A_325 = tpu.memref_squeeze %dma_start3A_324 : memref<1x8x128xi32, #tpu.memory_space<vmem>> -> memref<8x128xi32, #tpu.memory_space<vmem>>
        %dma_start3A_326 = arith.constant 0 : i32
        %dma_start3A_327 = tpu.memref_slice %arg3[%mul3A_303, %dma_start3A_326] : memref<50000x128xi32, #tpu.memory_space<hbm>> -> memref<8x128xi32, #tpu.memory_space<hbm>>
        tpu.enqueue_dma source(%dma_start3A_327 : memref<8x128xi32, #tpu.memory_space<hbm>>) target(%dma_start3A_325 : memref<8x128xi32, #tpu.memory_space<vmem>>) target_semaphore(%arg11 : memref<!tpu.dma_semaphore, #tpu.memory_space<semaphore_mem>>)
      } else {
      }
      %dma_wait3A_195 = arith.constant 0 : i32
      %dma_wait3A_196 = arith.constant 0 : i32
      %dma_wait3A_197 = tpu.memref_slice %arg8[%rem3A_70, %dma_wait3A_195, %dma_wait3A_196] : memref<2x1024x8xf32, #tpu.memory_space<vmem>> -> memref<1x1024x8xf32, #tpu.memory_space<vmem>>
      %dma_wait3A_198 = tpu.memref_squeeze %dma_wait3A_197 : memref<1x1024x8xf32, #tpu.memory_space<vmem>> -> memref<1024x8xf32, #tpu.memory_space<vmem>>
      %dma_wait3A_199 = arith.constant 0 : i32
      %dma_wait3A_200 = arith.constant 0 : i32
      %dma_wait3A_201 = tpu.memref_slice %arg4[%dma_wait3A_199, %dma_wait3A_200] : memref<100096x8xf32, #tpu.memory_space<hbm>> -> memref<1024x8xf32, #tpu.memory_space<hbm>>
      %dma_wait3A_202 = arith.constant 0 : i32
      %dma_wait3A_203 = arith.constant 0 : i32
      %dma_wait3A_204 = tpu.memref_slice %arg8[%rem3A_70, %dma_wait3A_202, %dma_wait3A_203] : memref<2x1024x8xf32, #tpu.memory_space<vmem>> -> memref<1x1024x8xf32, #tpu.memory_space<vmem>>
      %dma_wait3A_205 = tpu.memref_squeeze %dma_wait3A_204 : memref<1x1024x8xf32, #tpu.memory_space<vmem>> -> memref<1024x8xf32, #tpu.memory_space<vmem>>
      %dma_wait3A_206 = arith.constant 0 : i32
      %dma_wait3A_207 = arith.constant 0 : i32
      %dma_wait3A_208 = tpu.memref_slice %arg4[%dma_wait3A_206, %dma_wait3A_207] : memref<100096x8xf32, #tpu.memory_space<hbm>> -> memref<1024x8xf32, #tpu.memory_space<hbm>>
      tpu.wait_dma2 semaphore(%arg12 : memref<!tpu.dma_semaphore, #tpu.memory_space<semaphore_mem>>) src(%dma_wait3A_208 : memref<1024x8xf32, #tpu.memory_space<hbm>>) dst(%dma_wait3A_205 : memref<1024x8xf32, #tpu.memory_space<vmem>>)
      %dma_start3A_209 = arith.constant 0 : i32
      %dma_start3A_210 = arith.constant 0 : i32
      %dma_start3A_211 = arith.constant 0 : i32
      %dma_start3A_212 = tpu.memref_slice %arg8[%rem3A_70, %dma_start3A_210, %dma_start3A_211] : memref<2x1024x8xf32, #tpu.memory_space<vmem>> -> memref<1x128x8xf32, #tpu.memory_space<vmem>>
      %dma_start3A_213 = tpu.memref_squeeze %dma_start3A_212 : memref<1x128x8xf32, #tpu.memory_space<vmem>> -> memref<128x8xf32, #tpu.memory_space<vmem>>
      %dma_start3A_214 = arith.constant 0 : i32
      %dma_start3A_215 = tpu.memref_slice %arg7[%rem3A_70, %dma_start3A_209, %dma_start3A_214] : memref<2x8x128xi32, #tpu.memory_space<vmem>> -> memref<1x1x128xi32, #tpu.memory_space<vmem>>
      %dma_start3A_216 = tpu.memref_squeeze %dma_start3A_215 : memref<1x1x128xi32, #tpu.memory_space<vmem>> -> memref<128xi32, #tpu.memory_space<vmem>>
      %dma_start3A_217 = arith.constant 0 : i32
      %dma_start3A_218 = arith.constant 0 : i32
      %dma_start3A_219 = tpu.memref_slice %arg10[%dma_start3A_217, %dma_start3A_218] : memref<100096x8xf32, #tpu.memory_space<vmem_shared>> -> memref<100096x8xf32, #tpu.memory_space<vmem_shared>>
      tpu.enqueue_indirect_dma source(%dma_start3A_213 : memref<128x8xf32, #tpu.memory_space<vmem>>) target(%dma_start3A_219 : memref<100096x8xf32, #tpu.memory_space<vmem_shared>>) offsets(%dma_start3A_216 : memref<128xi32, #tpu.memory_space<vmem>>) semaphore(%arg13 : memref<!tpu.dma_semaphore, #tpu.memory_space<semaphore_mem>>) {add = true}
      %dma_start3A_220 = arith.constant 1 : i32
      %dma_start3A_221 = arith.constant 128 : i32
      %dma_start3A_222 = arith.constant 0 : i32
      %dma_start3A_223 = tpu.memref_slice %arg8[%rem3A_70, %dma_start3A_221, %dma_start3A_222] : memref<2x1024x8xf32, #tpu.memory_space<vmem>> -> memref<1x128x8xf32, #tpu.memory_space<vmem>>
      %dma_start3A_224 = tpu.memref_squeeze %dma_start3A_223 : memref<1x128x8xf32, #tpu.memory_space<vmem>> -> memref<128x8xf32, #tpu.memory_space<vmem>>
      %dma_start3A_225 = arith.constant 0 : i32
      %dma_start3A_226 = tpu.memref_slice %arg7[%rem3A_70, %dma_start3A_220, %dma_start3A_225] : memref<2x8x128xi32, #tpu.memory_space<vmem>> -> memref<1x1x128xi32, #tpu.memory_space<vmem>>
      %dma_start3A_227 = tpu.memref_squeeze %dma_start3A_226 : memref<1x1x128xi32, #tpu.memory_space<vmem>> -> memref<128xi32, #tpu.memory_space<vmem>>
      %dma_start3A_228 = arith.constant 0 : i32
      %dma_start3A_229 = arith.constant 0 : i32
      %dma_start3A_230 = tpu.memref_slice %arg10[%dma_start3A_228, %dma_start3A_229] : memref<100096x8xf32, #tpu.memory_space<vmem_shared>> -> memref<100096x8xf32, #tpu.memory_space<vmem_shared>>
      tpu.enqueue_indirect_dma source(%dma_start3A_224 : memref<128x8xf32, #tpu.memory_space<vmem>>) target(%dma_start3A_230 : memref<100096x8xf32, #tpu.memory_space<vmem_shared>>) offsets(%dma_start3A_227 : memref<128xi32, #tpu.memory_space<vmem>>) semaphore(%arg13 : memref<!tpu.dma_semaphore, #tpu.memory_space<semaphore_mem>>) {add = true}
      %dma_start3A_231 = arith.constant 2 : i32
      %dma_start3A_232 = arith.constant 256 : i32
      %dma_start3A_233 = arith.constant 0 : i32
      %dma_start3A_234 = tpu.memref_slice %arg8[%rem3A_70, %dma_start3A_232, %dma_start3A_233] : memref<2x1024x8xf32, #tpu.memory_space<vmem>> -> memref<1x128x8xf32, #tpu.memory_space<vmem>>
      %dma_start3A_235 = tpu.memref_squeeze %dma_start3A_234 : memref<1x128x8xf32, #tpu.memory_space<vmem>> -> memref<128x8xf32, #tpu.memory_space<vmem>>
      %dma_start3A_236 = arith.constant 0 : i32
      %dma_start3A_237 = tpu.memref_slice %arg7[%rem3A_70, %dma_start3A_231, %dma_start3A_236] : memref<2x8x128xi32, #tpu.memory_space<vmem>> -> memref<1x1x128xi32, #tpu.memory_space<vmem>>
      %dma_start3A_238 = tpu.memref_squeeze %dma_start3A_237 : memref<1x1x128xi32, #tpu.memory_space<vmem>> -> memref<128xi32, #tpu.memory_space<vmem>>
      %dma_start3A_239 = arith.constant 0 : i32
      %dma_start3A_240 = arith.constant 0 : i32
      %dma_start3A_241 = tpu.memref_slice %arg10[%dma_start3A_239, %dma_start3A_240] : memref<100096x8xf32, #tpu.memory_space<vmem_shared>> -> memref<100096x8xf32, #tpu.memory_space<vmem_shared>>
      tpu.enqueue_indirect_dma source(%dma_start3A_235 : memref<128x8xf32, #tpu.memory_space<vmem>>) target(%dma_start3A_241 : memref<100096x8xf32, #tpu.memory_space<vmem_shared>>) offsets(%dma_start3A_238 : memref<128xi32, #tpu.memory_space<vmem>>) semaphore(%arg13 : memref<!tpu.dma_semaphore, #tpu.memory_space<semaphore_mem>>) {add = true}
      %dma_start3A_242 = arith.constant 3 : i32
      %dma_start3A_243 = arith.constant 384 : i32
      %dma_start3A_244 = arith.constant 0 : i32
      %dma_start3A_245 = tpu.memref_slice %arg8[%rem3A_70, %dma_start3A_243, %dma_start3A_244] : memref<2x1024x8xf32, #tpu.memory_space<vmem>> -> memref<1x128x8xf32, #tpu.memory_space<vmem>>
      %dma_start3A_246 = tpu.memref_squeeze %dma_start3A_245 : memref<1x128x8xf32, #tpu.memory_space<vmem>> -> memref<128x8xf32, #tpu.memory_space<vmem>>
      %dma_start3A_247 = arith.constant 0 : i32
      %dma_start3A_248 = tpu.memref_slice %arg7[%rem3A_70, %dma_start3A_242, %dma_start3A_247] : memref<2x8x128xi32, #tpu.memory_space<vmem>> -> memref<1x1x128xi32, #tpu.memory_space<vmem>>
      %dma_start3A_249 = tpu.memref_squeeze %dma_start3A_248 : memref<1x1x128xi32, #tpu.memory_space<vmem>> -> memref<128xi32, #tpu.memory_space<vmem>>
      %dma_start3A_250 = arith.constant 0 : i32
      %dma_start3A_251 = arith.constant 0 : i32
      %dma_start3A_252 = tpu.memref_slice %arg10[%dma_start3A_250, %dma_start3A_251] : memref<100096x8xf32, #tpu.memory_space<vmem_shared>> -> memref<100096x8xf32, #tpu.memory_space<vmem_shared>>
      tpu.enqueue_indirect_dma source(%dma_start3A_246 : memref<128x8xf32, #tpu.memory_space<vmem>>) target(%dma_start3A_252 : memref<100096x8xf32, #tpu.memory_space<vmem_shared>>) offsets(%dma_start3A_249 : memref<128xi32, #tpu.memory_space<vmem>>) semaphore(%arg13 : memref<!tpu.dma_semaphore, #tpu.memory_space<semaphore_mem>>) {add = true}
      %dma_start3A_253 = arith.constant 4 : i32
      %dma_start3A_254 = arith.constant 512 : i32
      %dma_start3A_255 = arith.constant 0 : i32
      %dma_start3A_256 = tpu.memref_slice %arg8[%rem3A_70, %dma_start3A_254, %dma_start3A_255] : memref<2x1024x8xf32, #tpu.memory_space<vmem>> -> memref<1x128x8xf32, #tpu.memory_space<vmem>>
      %dma_start3A_257 = tpu.memref_squeeze %dma_start3A_256 : memref<1x128x8xf32, #tpu.memory_space<vmem>> -> memref<128x8xf32, #tpu.memory_space<vmem>>
      %dma_start3A_258 = arith.constant 0 : i32
      %dma_start3A_259 = tpu.memref_slice %arg7[%rem3A_70, %dma_start3A_253, %dma_start3A_258] : memref<2x8x128xi32, #tpu.memory_space<vmem>> -> memref<1x1x128xi32, #tpu.memory_space<vmem>>
      %dma_start3A_260 = tpu.memref_squeeze %dma_start3A_259 : memref<1x1x128xi32, #tpu.memory_space<vmem>> -> memref<128xi32, #tpu.memory_space<vmem>>
      %dma_start3A_261 = arith.constant 0 : i32
      %dma_start3A_262 = arith.constant 0 : i32
      %dma_start3A_263 = tpu.memref_slice %arg10[%dma_start3A_261, %dma_start3A_262] : memref<100096x8xf32, #tpu.memory_space<vmem_shared>> -> memref<100096x8xf32, #tpu.memory_space<vmem_shared>>
      tpu.enqueue_indirect_dma source(%dma_start3A_257 : memref<128x8xf32, #tpu.memory_space<vmem>>) target(%dma_start3A_263 : memref<100096x8xf32, #tpu.memory_space<vmem_shared>>) offsets(%dma_start3A_260 : memref<128xi32, #tpu.memory_space<vmem>>) semaphore(%arg13 : memref<!tpu.dma_semaphore, #tpu.memory_space<semaphore_mem>>) {add = true}
      %dma_start3A_264 = arith.constant 5 : i32
      %dma_start3A_265 = arith.constant 640 : i32
      %dma_start3A_266 = arith.constant 0 : i32
      %dma_start3A_267 = tpu.memref_slice %arg8[%rem3A_70, %dma_start3A_265, %dma_start3A_266] : memref<2x1024x8xf32, #tpu.memory_space<vmem>> -> memref<1x128x8xf32, #tpu.memory_space<vmem>>
      %dma_start3A_268 = tpu.memref_squeeze %dma_start3A_267 : memref<1x128x8xf32, #tpu.memory_space<vmem>> -> memref<128x8xf32, #tpu.memory_space<vmem>>
      %dma_start3A_269 = arith.constant 0 : i32
      %dma_start3A_270 = tpu.memref_slice %arg7[%rem3A_70, %dma_start3A_264, %dma_start3A_269] : memref<2x8x128xi32, #tpu.memory_space<vmem>> -> memref<1x1x128xi32, #tpu.memory_space<vmem>>
      %dma_start3A_271 = tpu.memref_squeeze %dma_start3A_270 : memref<1x1x128xi32, #tpu.memory_space<vmem>> -> memref<128xi32, #tpu.memory_space<vmem>>
      %dma_start3A_272 = arith.constant 0 : i32
      %dma_start3A_273 = arith.constant 0 : i32
      %dma_start3A_274 = tpu.memref_slice %arg10[%dma_start3A_272, %dma_start3A_273] : memref<100096x8xf32, #tpu.memory_space<vmem_shared>> -> memref<100096x8xf32, #tpu.memory_space<vmem_shared>>
      tpu.enqueue_indirect_dma source(%dma_start3A_268 : memref<128x8xf32, #tpu.memory_space<vmem>>) target(%dma_start3A_274 : memref<100096x8xf32, #tpu.memory_space<vmem_shared>>) offsets(%dma_start3A_271 : memref<128xi32, #tpu.memory_space<vmem>>) semaphore(%arg13 : memref<!tpu.dma_semaphore, #tpu.memory_space<semaphore_mem>>) {add = true}
      %dma_start3A_275 = arith.constant 6 : i32
      %dma_start3A_276 = arith.constant 768 : i32
      %dma_start3A_277 = arith.constant 0 : i32
      %dma_start3A_278 = tpu.memref_slice %arg8[%rem3A_70, %dma_start3A_276, %dma_start3A_277] : memref<2x1024x8xf32, #tpu.memory_space<vmem>> -> memref<1x128x8xf32, #tpu.memory_space<vmem>>
      %dma_start3A_279 = tpu.memref_squeeze %dma_start3A_278 : memref<1x128x8xf32, #tpu.memory_space<vmem>> -> memref<128x8xf32, #tpu.memory_space<vmem>>
      %dma_start3A_280 = arith.constant 0 : i32
      %dma_start3A_281 = tpu.memref_slice %arg7[%rem3A_70, %dma_start3A_275, %dma_start3A_280] : memref<2x8x128xi32, #tpu.memory_space<vmem>> -> memref<1x1x128xi32, #tpu.memory_space<vmem>>
      %dma_start3A_282 = tpu.memref_squeeze %dma_start3A_281 : memref<1x1x128xi32, #tpu.memory_space<vmem>> -> memref<128xi32, #tpu.memory_space<vmem>>
      %dma_start3A_283 = arith.constant 0 : i32
      %dma_start3A_284 = arith.constant 0 : i32
      %dma_start3A_285 = tpu.memref_slice %arg10[%dma_start3A_283, %dma_start3A_284] : memref<100096x8xf32, #tpu.memory_space<vmem_shared>> -> memref<100096x8xf32, #tpu.memory_space<vmem_shared>>
      tpu.enqueue_indirect_dma source(%dma_start3A_279 : memref<128x8xf32, #tpu.memory_space<vmem>>) target(%dma_start3A_285 : memref<100096x8xf32, #tpu.memory_space<vmem_shared>>) offsets(%dma_start3A_282 : memref<128xi32, #tpu.memory_space<vmem>>) semaphore(%arg13 : memref<!tpu.dma_semaphore, #tpu.memory_space<semaphore_mem>>) {add = true}
      %dma_start3A_286 = arith.constant 7 : i32
      %dma_start3A_287 = arith.constant 896 : i32
      %dma_start3A_288 = arith.constant 0 : i32
      %dma_start3A_289 = tpu.memref_slice %arg8[%rem3A_70, %dma_start3A_287, %dma_start3A_288] : memref<2x1024x8xf32, #tpu.memory_space<vmem>> -> memref<1x128x8xf32, #tpu.memory_space<vmem>>
      %dma_start3A_290 = tpu.memref_squeeze %dma_start3A_289 : memref<1x128x8xf32, #tpu.memory_space<vmem>> -> memref<128x8xf32, #tpu.memory_space<vmem>>
      %dma_start3A_291 = arith.constant 0 : i32
      %dma_start3A_292 = tpu.memref_slice %arg7[%rem3A_70, %dma_start3A_286, %dma_start3A_291] : memref<2x8x128xi32, #tpu.memory_space<vmem>> -> memref<1x1x128xi32, #tpu.memory_space<vmem>>
      %dma_start3A_293 = tpu.memref_squeeze %dma_start3A_292 : memref<1x1x128xi32, #tpu.memory_space<vmem>> -> memref<128xi32, #tpu.memory_space<vmem>>
      %dma_start3A_294 = arith.constant 0 : i32
      %dma_start3A_295 = arith.constant 0 : i32
      %dma_start3A_296 = tpu.memref_slice %arg10[%dma_start3A_294, %dma_start3A_295] : memref<100096x8xf32, #tpu.memory_space<vmem_shared>> -> memref<100096x8xf32, #tpu.memory_space<vmem_shared>>
      tpu.enqueue_indirect_dma source(%dma_start3A_290 : memref<128x8xf32, #tpu.memory_space<vmem>>) target(%dma_start3A_296 : memref<100096x8xf32, #tpu.memory_space<vmem_shared>>) offsets(%dma_start3A_293 : memref<128xi32, #tpu.memory_space<vmem>>) semaphore(%arg13 : memref<!tpu.dma_semaphore, #tpu.memory_space<semaphore_mem>>) {add = true}
    }
    %sub3A = arith.constant 1 : i32
    %sub3A_49 = arith.subi %add3A_10, %sub3A : i32
    %rem3A = arith.constant 2 : i32
    %rem3A_50 = arith.remsi %sub3A_49, %rem3A : i32
    %dma_wait3A = arith.constant 0 : i32
    %dma_wait3A_51 = arith.constant 0 : i32
    %dma_wait3A_52 = tpu.memref_slice %arg8[%rem3A_50, %dma_wait3A, %dma_wait3A_51] : memref<2x1024x8xf32, #tpu.memory_space<vmem>> -> memref<1x1024x8xf32, #tpu.memory_space<vmem>>
    %dma_wait3A_53 = tpu.memref_squeeze %dma_wait3A_52 : memref<1x1024x8xf32, #tpu.memory_space<vmem>> -> memref<1024x8xf32, #tpu.memory_space<vmem>>
    %dma_wait3A_54 = arith.constant 0 : i32
    %dma_wait3A_55 = arith.constant 0 : i32
    %dma_wait3A_56 = tpu.memref_slice %arg4[%dma_wait3A_54, %dma_wait3A_55] : memref<100096x8xf32, #tpu.memory_space<hbm>> -> memref<1024x8xf32, #tpu.memory_space<hbm>>
    %dma_wait3A_57 = arith.constant 0 : i32
    %dma_wait3A_58 = arith.constant 0 : i32
    %dma_wait3A_59 = tpu.memref_slice %arg8[%rem3A_50, %dma_wait3A_57, %dma_wait3A_58] : memref<2x1024x8xf32, #tpu.memory_space<vmem>> -> memref<1x1024x8xf32, #tpu.memory_space<vmem>>
    %dma_wait3A_60 = tpu.memref_squeeze %dma_wait3A_59 : memref<1x1024x8xf32, #tpu.memory_space<vmem>> -> memref<1024x8xf32, #tpu.memory_space<vmem>>
    %dma_wait3A_61 = arith.constant 0 : i32
    %dma_wait3A_62 = arith.constant 0 : i32
    %dma_wait3A_63 = tpu.memref_slice %arg4[%dma_wait3A_61, %dma_wait3A_62] : memref<100096x8xf32, #tpu.memory_space<hbm>> -> memref<1024x8xf32, #tpu.memory_space<hbm>>
    tpu.wait_dma2 semaphore(%arg13 : memref<!tpu.dma_semaphore, #tpu.memory_space<semaphore_mem>>) src(%dma_wait3A_63 : memref<1024x8xf32, #tpu.memory_space<hbm>>) dst(%dma_wait3A_60 : memref<1024x8xf32, #tpu.memory_space<vmem>>)
    %barrier3A_64 = arith.constant 0 : index
    tpu.barrier barrier_id(%barrier3A_64)
    "tpu.region"() ({
      %run_scoped3A = tpu.sem_alloc : memref<!tpu.dma_semaphore, #tpu.memory_space<semaphore_mem>>
      %dma_start3A_68 = arith.constant 0 : i32
      %dma_start3A_69 = tpu.memref_slice %arg10[%mul3A_2, %dma_start3A_68] : memref<100096x8xf32, #tpu.memory_space<vmem_shared>> -> memref<6256x8xf32, #tpu.memory_space<vmem_shared>>
      %dma_start3A_70 = arith.constant 0 : i32
      %dma_start3A_71 = tpu.memref_slice %arg10[%mul3A_2, %dma_start3A_70] : memref<100096x8xf32, #tpu.memory_space<vmem_shared>> -> memref<6256x8xf32, #tpu.memory_space<vmem_shared>>
      tpu.enqueue_dma source(%dma_start3A_71 : memref<6256x8xf32, #tpu.memory_space<vmem_shared>>) target(%arg9 : memref<6256x8xf32, #tpu.memory_space<vmem>>) target_semaphore(%run_scoped3A : memref<!tpu.dma_semaphore, #tpu.memory_space<semaphore_mem>>)
      %dma_wait3A_72 = arith.constant 0 : i32
      %dma_wait3A_73 = tpu.memref_slice %arg10[%mul3A_2, %dma_wait3A_72] : memref<100096x8xf32, #tpu.memory_space<vmem_shared>> -> memref<6256x8xf32, #tpu.memory_space<vmem_shared>>
      %dma_wait3A_74 = arith.constant 0 : i32
      %dma_wait3A_75 = tpu.memref_slice %arg10[%mul3A_2, %dma_wait3A_74] : memref<100096x8xf32, #tpu.memory_space<vmem_shared>> -> memref<6256x8xf32, #tpu.memory_space<vmem_shared>>
      tpu.wait_dma2 semaphore(%run_scoped3A : memref<!tpu.dma_semaphore, #tpu.memory_space<semaphore_mem>>) src(%dma_wait3A_75 : memref<6256x8xf32, #tpu.memory_space<vmem_shared>>) dst(%arg9 : memref<6256x8xf32, #tpu.memory_space<vmem>>)
      tpu.yield
    }) : () -> ()
    %mul3A_65 = arith.constant 100096 : i32
    %mul3A_66 = arith.muli %arg0, %mul3A_65 : i32
    %add3A_67 = arith.addi %mul3A_66, %mul3A_2 : i32
    "tpu.region"() ({
      %run_scoped3A = tpu.sem_alloc : memref<!tpu.dma_semaphore, #tpu.memory_space<semaphore_mem>>
      %dma_start3A_68 = arith.constant 0 : i32
      %dma_start3A_69 = tpu.memref_slice %arg5[%add3A_67, %dma_start3A_68] : memref<200192x8xf32, #tpu.memory_space<hbm>> -> memref<6256x8xf32, #tpu.memory_space<hbm>>
      %dma_start3A_70 = arith.constant 0 : i32
      %dma_start3A_71 = tpu.memref_slice %arg5[%add3A_67, %dma_start3A_70] : memref<200192x8xf32, #tpu.memory_space<hbm>> -> memref<6256x8xf32, #tpu.memory_space<hbm>>
      tpu.enqueue_dma source(%arg9 : memref<6256x8xf32, #tpu.memory_space<vmem>>) target(%dma_start3A_71 : memref<6256x8xf32, #tpu.memory_space<hbm>>) target_semaphore(%run_scoped3A : memref<!tpu.dma_semaphore, #tpu.memory_space<semaphore_mem>>)
      %dma_wait3A_72 = arith.constant 0 : i32
      %dma_wait3A_73 = tpu.memref_slice %arg5[%add3A_67, %dma_wait3A_72] : memref<200192x8xf32, #tpu.memory_space<hbm>> -> memref<6256x8xf32, #tpu.memory_space<hbm>>
      %dma_wait3A_74 = arith.constant 0 : i32
      %dma_wait3A_75 = tpu.memref_slice %arg5[%add3A_67, %dma_wait3A_74] : memref<200192x8xf32, #tpu.memory_space<hbm>> -> memref<6256x8xf32, #tpu.memory_space<hbm>>
      tpu.wait_dma2 semaphore(%run_scoped3A : memref<!tpu.dma_semaphore, #tpu.memory_space<semaphore_mem>>) src(%arg9 : memref<6256x8xf32, #tpu.memory_space<vmem>>) dst(%dma_wait3A_75 : memref<6256x8xf32, #tpu.memory_space<hbm>>)
      tpu.yield
    }) : () -> ()
    return
  }
}

module attributes {stable_mosaic.version = 14 : i64} {
  func.func @_tc1_body(%arg0: memref<9x100096xf32, #tpu.memory_space<vmem>>, %arg1: memref<9x4xf32, #tpu.memory_space<vmem>>, %arg2: memref<2x100096xf32, #tpu.memory_space<vmem>>, %arg3: memref<8x100096xf32, #tpu.memory_space<vmem>>, %arg4: memref<1x100096xf32, #tpu.memory_space<vmem>>) attributes {dimension_semantics = [], scalar_prefetch = 0 : i64, scratch_operands = 0 : i64, tpu.core_type = #tpu.core_type<tc>} {
    %get3A = arith.constant 0 : index
    %get3A_0 = arith.constant 0 : index
    %get3A_1 = vector.load %arg2[%get3A, %get3A_0] : memref<2x100096xf32, #tpu.memory_space<vmem>>, vector<1x100096xf32>
    %get3A_2 = arith.constant 1 : index
    %get3A_3 = arith.constant 0 : index
    %get3A_4 = vector.load %arg2[%get3A_2, %get3A_3] : memref<2x100096xf32, #tpu.memory_space<vmem>>, vector<1x100096xf32>
    %add3A = arith.addf %get3A_1, %get3A_4 : vector<1x100096xf32>
    %add3A_5 = arith.constant 1.000000e+00 : f32
    %add3A_6 = vector.broadcast %add3A_5 : f32 to vector<1x100096xf32>
    %add3A_7 = arith.addf %add3A, %add3A_6 : vector<1x100096xf32>
    %rsqrt3A = math.rsqrt %add3A_7 : vector<1x100096xf32>
    %get3A_8 = arith.constant 0 : index
    %get3A_9 = arith.constant 0 : index
    %get3A_10 = vector.load %arg1[%get3A_8, %get3A_9] : memref<9x4xf32, #tpu.memory_space<vmem>>, vector<9x4xf32>
    %get3A_11 = arith.constant 0 : index
    %get3A_12 = arith.constant 0 : index
    %get3A_13 = vector.load %arg0[%get3A_11, %get3A_12] : memref<9x100096xf32, #tpu.memory_space<vmem>>, vector<1x100096xf32>
    %slice3A = vector.extract_strided_slice %get3A_10 {offsets = [0, 0], sizes = [1, 1], strides = [1, 1]} : vector<9x4xf32> to vector<1x1xf32>
    %squeeze3A = vector.extract %slice3A[0, 0] : f32 from vector<1x1xf32>
    %mul3A = vector.broadcast %squeeze3A : f32 to vector<1x100096xf32>
    %mul3A_14 = arith.mulf %get3A_13, %mul3A : vector<1x100096xf32>
    %get3A_15 = arith.constant 1 : index
    %get3A_16 = arith.constant 0 : index
    %get3A_17 = vector.load %arg0[%get3A_15, %get3A_16] : memref<9x100096xf32, #tpu.memory_space<vmem>>, vector<1x100096xf32>
    %slice3A_18 = vector.extract_strided_slice %get3A_10 {offsets = [1, 0], sizes = [1, 1], strides = [1, 1]} : vector<9x4xf32> to vector<1x1xf32>
    %squeeze3A_19 = vector.extract %slice3A_18[0, 0] : f32 from vector<1x1xf32>
    %mul3A_20 = vector.broadcast %squeeze3A_19 : f32 to vector<1x100096xf32>
    %mul3A_21 = arith.mulf %get3A_17, %mul3A_20 : vector<1x100096xf32>
    %add3A_22 = arith.addf %mul3A_14, %mul3A_21 : vector<1x100096xf32>
    %get3A_23 = arith.constant 2 : index
    %get3A_24 = arith.constant 0 : index
    %get3A_25 = vector.load %arg0[%get3A_23, %get3A_24] : memref<9x100096xf32, #tpu.memory_space<vmem>>, vector<1x100096xf32>
    %slice3A_26 = vector.extract_strided_slice %get3A_10 {offsets = [2, 0], sizes = [1, 1], strides = [1, 1]} : vector<9x4xf32> to vector<1x1xf32>
    %squeeze3A_27 = vector.extract %slice3A_26[0, 0] : f32 from vector<1x1xf32>
    %mul3A_28 = vector.broadcast %squeeze3A_27 : f32 to vector<1x100096xf32>
    %mul3A_29 = arith.mulf %get3A_25, %mul3A_28 : vector<1x100096xf32>
    %add3A_30 = arith.addf %add3A_22, %mul3A_29 : vector<1x100096xf32>
    %get3A_31 = arith.constant 3 : index
    %get3A_32 = arith.constant 0 : index
    %get3A_33 = vector.load %arg0[%get3A_31, %get3A_32] : memref<9x100096xf32, #tpu.memory_space<vmem>>, vector<1x100096xf32>
    %slice3A_34 = vector.extract_strided_slice %get3A_10 {offsets = [3, 0], sizes = [1, 1], strides = [1, 1]} : vector<9x4xf32> to vector<1x1xf32>
    %squeeze3A_35 = vector.extract %slice3A_34[0, 0] : f32 from vector<1x1xf32>
    %mul3A_36 = vector.broadcast %squeeze3A_35 : f32 to vector<1x100096xf32>
    %mul3A_37 = arith.mulf %get3A_33, %mul3A_36 : vector<1x100096xf32>
    %add3A_38 = arith.addf %add3A_30, %mul3A_37 : vector<1x100096xf32>
    %get3A_39 = arith.constant 4 : index
    %get3A_40 = arith.constant 0 : index
    %get3A_41 = vector.load %arg0[%get3A_39, %get3A_40] : memref<9x100096xf32, #tpu.memory_space<vmem>>, vector<1x100096xf32>
    %slice3A_42 = vector.extract_strided_slice %get3A_10 {offsets = [4, 0], sizes = [1, 1], strides = [1, 1]} : vector<9x4xf32> to vector<1x1xf32>
    %squeeze3A_43 = vector.extract %slice3A_42[0, 0] : f32 from vector<1x1xf32>
    %mul3A_44 = vector.broadcast %squeeze3A_43 : f32 to vector<1x100096xf32>
    %mul3A_45 = arith.mulf %get3A_41, %mul3A_44 : vector<1x100096xf32>
    %add3A_46 = arith.addf %add3A_38, %mul3A_45 : vector<1x100096xf32>
    %get3A_47 = arith.constant 5 : index
    %get3A_48 = arith.constant 0 : index
    %get3A_49 = vector.load %arg0[%get3A_47, %get3A_48] : memref<9x100096xf32, #tpu.memory_space<vmem>>, vector<1x100096xf32>
    %slice3A_50 = vector.extract_strided_slice %get3A_10 {offsets = [5, 0], sizes = [1, 1], strides = [1, 1]} : vector<9x4xf32> to vector<1x1xf32>
    %squeeze3A_51 = vector.extract %slice3A_50[0, 0] : f32 from vector<1x1xf32>
    %mul3A_52 = vector.broadcast %squeeze3A_51 : f32 to vector<1x100096xf32>
    %mul3A_53 = arith.mulf %get3A_49, %mul3A_52 : vector<1x100096xf32>
    %add3A_54 = arith.addf %add3A_46, %mul3A_53 : vector<1x100096xf32>
    %get3A_55 = arith.constant 6 : index
    %get3A_56 = arith.constant 0 : index
    %get3A_57 = vector.load %arg0[%get3A_55, %get3A_56] : memref<9x100096xf32, #tpu.memory_space<vmem>>, vector<1x100096xf32>
    %slice3A_58 = vector.extract_strided_slice %get3A_10 {offsets = [6, 0], sizes = [1, 1], strides = [1, 1]} : vector<9x4xf32> to vector<1x1xf32>
    %squeeze3A_59 = vector.extract %slice3A_58[0, 0] : f32 from vector<1x1xf32>
    %mul3A_60 = vector.broadcast %squeeze3A_59 : f32 to vector<1x100096xf32>
    %mul3A_61 = arith.mulf %get3A_57, %mul3A_60 : vector<1x100096xf32>
    %add3A_62 = arith.addf %add3A_54, %mul3A_61 : vector<1x100096xf32>
    %get3A_63 = arith.constant 7 : index
    %get3A_64 = arith.constant 0 : index
    %get3A_65 = vector.load %arg0[%get3A_63, %get3A_64] : memref<9x100096xf32, #tpu.memory_space<vmem>>, vector<1x100096xf32>
    %slice3A_66 = vector.extract_strided_slice %get3A_10 {offsets = [7, 0], sizes = [1, 1], strides = [1, 1]} : vector<9x4xf32> to vector<1x1xf32>
    %squeeze3A_67 = vector.extract %slice3A_66[0, 0] : f32 from vector<1x1xf32>
    %mul3A_68 = vector.broadcast %squeeze3A_67 : f32 to vector<1x100096xf32>
    %mul3A_69 = arith.mulf %get3A_65, %mul3A_68 : vector<1x100096xf32>
    %add3A_70 = arith.addf %add3A_62, %mul3A_69 : vector<1x100096xf32>
    %get3A_71 = arith.constant 8 : index
    %get3A_72 = arith.constant 0 : index
    %get3A_73 = vector.load %arg0[%get3A_71, %get3A_72] : memref<9x100096xf32, #tpu.memory_space<vmem>>, vector<1x100096xf32>
    %slice3A_74 = vector.extract_strided_slice %get3A_10 {offsets = [8, 0], sizes = [1, 1], strides = [1, 1]} : vector<9x4xf32> to vector<1x1xf32>
    %squeeze3A_75 = vector.extract %slice3A_74[0, 0] : f32 from vector<1x1xf32>
    %mul3A_76 = vector.broadcast %squeeze3A_75 : f32 to vector<1x100096xf32>
    %mul3A_77 = arith.mulf %get3A_73, %mul3A_76 : vector<1x100096xf32>
    %add3A_78 = arith.addf %add3A_70, %mul3A_77 : vector<1x100096xf32>
    %mul3A_79 = arith.mulf %add3A_78, %rsqrt3A : vector<1x100096xf32>
    %swap3A = arith.constant 0 : index
    %swap3A_80 = arith.constant 0 : index
    %swap3A_81 = vector.load %arg3[%swap3A, %swap3A_80] : memref<8x100096xf32, #tpu.memory_space<vmem>>, vector<1x100096xf32>
    tpu.vector_store %arg3[%swap3A, %swap3A_80], %mul3A_79 {strides = array<i32>} : memref<8x100096xf32, #tpu.memory_space<vmem>>, vector<1x100096xf32>,
    %get3A_82 = arith.constant 0 : index
    %get3A_83 = arith.constant 0 : index
    %get3A_84 = vector.load %arg0[%get3A_82, %get3A_83] : memref<9x100096xf32, #tpu.memory_space<vmem>>, vector<1x100096xf32>
    %slice3A_85 = vector.extract_strided_slice %get3A_10 {offsets = [0, 1], sizes = [1, 1], strides = [1, 1]} : vector<9x4xf32> to vector<1x1xf32>
    %squeeze3A_86 = vector.extract %slice3A_85[0, 0] : f32 from vector<1x1xf32>
    %mul3A_87 = vector.broadcast %squeeze3A_86 : f32 to vector<1x100096xf32>
    %mul3A_88 = arith.mulf %get3A_84, %mul3A_87 : vector<1x100096xf32>
    %get3A_89 = arith.constant 1 : index
    %get3A_90 = arith.constant 0 : index
    %get3A_91 = vector.load %arg0[%get3A_89, %get3A_90] : memref<9x100096xf32, #tpu.memory_space<vmem>>, vector<1x100096xf32>
    %slice3A_92 = vector.extract_strided_slice %get3A_10 {offsets = [1, 1], sizes = [1, 1], strides = [1, 1]} : vector<9x4xf32> to vector<1x1xf32>
    %squeeze3A_93 = vector.extract %slice3A_92[0, 0] : f32 from vector<1x1xf32>
    %mul3A_94 = vector.broadcast %squeeze3A_93 : f32 to vector<1x100096xf32>
    %mul3A_95 = arith.mulf %get3A_91, %mul3A_94 : vector<1x100096xf32>
    %add3A_96 = arith.addf %mul3A_88, %mul3A_95 : vector<1x100096xf32>
    %get3A_97 = arith.constant 2 : index
    %get3A_98 = arith.constant 0 : index
    %get3A_99 = vector.load %arg0[%get3A_97, %get3A_98] : memref<9x100096xf32, #tpu.memory_space<vmem>>, vector<1x100096xf32>
    %slice3A_100 = vector.extract_strided_slice %get3A_10 {offsets = [2, 1], sizes = [1, 1], strides = [1, 1]} : vector<9x4xf32> to vector<1x1xf32>
    %squeeze3A_101 = vector.extract %slice3A_100[0, 0] : f32 from vector<1x1xf32>
    %mul3A_102 = vector.broadcast %squeeze3A_101 : f32 to vector<1x100096xf32>
    %mul3A_103 = arith.mulf %get3A_99, %mul3A_102 : vector<1x100096xf32>
    %add3A_104 = arith.addf %add3A_96, %mul3A_103 : vector<1x100096xf32>
    %get3A_105 = arith.constant 3 : index
    %get3A_106 = arith.constant 0 : index
    %get3A_107 = vector.load %arg0[%get3A_105, %get3A_106] : memref<9x100096xf32, #tpu.memory_space<vmem>>, vector<1x100096xf32>
    %slice3A_108 = vector.extract_strided_slice %get3A_10 {offsets = [3, 1], sizes = [1, 1], strides = [1, 1]} : vector<9x4xf32> to vector<1x1xf32>
    %squeeze3A_109 = vector.extract %slice3A_108[0, 0] : f32 from vector<1x1xf32>
    %mul3A_110 = vector.broadcast %squeeze3A_109 : f32 to vector<1x100096xf32>
    %mul3A_111 = arith.mulf %get3A_107, %mul3A_110 : vector<1x100096xf32>
    %add3A_112 = arith.addf %add3A_104, %mul3A_111 : vector<1x100096xf32>
    %get3A_113 = arith.constant 4 : index
    %get3A_114 = arith.constant 0 : index
    %get3A_115 = vector.load %arg0[%get3A_113, %get3A_114] : memref<9x100096xf32, #tpu.memory_space<vmem>>, vector<1x100096xf32>
    %slice3A_116 = vector.extract_strided_slice %get3A_10 {offsets = [4, 1], sizes = [1, 1], strides = [1, 1]} : vector<9x4xf32> to vector<1x1xf32>
    %squeeze3A_117 = vector.extract %slice3A_116[0, 0] : f32 from vector<1x1xf32>
    %mul3A_118 = vector.broadcast %squeeze3A_117 : f32 to vector<1x100096xf32>
    %mul3A_119 = arith.mulf %get3A_115, %mul3A_118 : vector<1x100096xf32>
    %add3A_120 = arith.addf %add3A_112, %mul3A_119 : vector<1x100096xf32>
    %get3A_121 = arith.constant 5 : index
    %get3A_122 = arith.constant 0 : index
    %get3A_123 = vector.load %arg0[%get3A_121, %get3A_122] : memref<9x100096xf32, #tpu.memory_space<vmem>>, vector<1x100096xf32>
    %slice3A_124 = vector.extract_strided_slice %get3A_10 {offsets = [5, 1], sizes = [1, 1], strides = [1, 1]} : vector<9x4xf32> to vector<1x1xf32>
    %squeeze3A_125 = vector.extract %slice3A_124[0, 0] : f32 from vector<1x1xf32>
    %mul3A_126 = vector.broadcast %squeeze3A_125 : f32 to vector<1x100096xf32>
    %mul3A_127 = arith.mulf %get3A_123, %mul3A_126 : vector<1x100096xf32>
    %add3A_128 = arith.addf %add3A_120, %mul3A_127 : vector<1x100096xf32>
    %get3A_129 = arith.constant 6 : index
    %get3A_130 = arith.constant 0 : index
    %get3A_131 = vector.load %arg0[%get3A_129, %get3A_130] : memref<9x100096xf32, #tpu.memory_space<vmem>>, vector<1x100096xf32>
    %slice3A_132 = vector.extract_strided_slice %get3A_10 {offsets = [6, 1], sizes = [1, 1], strides = [1, 1]} : vector<9x4xf32> to vector<1x1xf32>
    %squeeze3A_133 = vector.extract %slice3A_132[0, 0] : f32 from vector<1x1xf32>
    %mul3A_134 = vector.broadcast %squeeze3A_133 : f32 to vector<1x100096xf32>
    %mul3A_135 = arith.mulf %get3A_131, %mul3A_134 : vector<1x100096xf32>
    %add3A_136 = arith.addf %add3A_128, %mul3A_135 : vector<1x100096xf32>
    %get3A_137 = arith.constant 7 : index
    %get3A_138 = arith.constant 0 : index
    %get3A_139 = vector.load %arg0[%get3A_137, %get3A_138] : memref<9x100096xf32, #tpu.memory_space<vmem>>, vector<1x100096xf32>
    %slice3A_140 = vector.extract_strided_slice %get3A_10 {offsets = [7, 1], sizes = [1, 1], strides = [1, 1]} : vector<9x4xf32> to vector<1x1xf32>
    %squeeze3A_141 = vector.extract %slice3A_140[0, 0] : f32 from vector<1x1xf32>
    %mul3A_142 = vector.broadcast %squeeze3A_141 : f32 to vector<1x100096xf32>
    %mul3A_143 = arith.mulf %get3A_139, %mul3A_142 : vector<1x100096xf32>
    %add3A_144 = arith.addf %add3A_136, %mul3A_143 : vector<1x100096xf32>
    %get3A_145 = arith.constant 8 : index
    %get3A_146 = arith.constant 0 : index
    %get3A_147 = vector.load %arg0[%get3A_145, %get3A_146] : memref<9x100096xf32, #tpu.memory_space<vmem>>, vector<1x100096xf32>
    %slice3A_148 = vector.extract_strided_slice %get3A_10 {offsets = [8, 1], sizes = [1, 1], strides = [1, 1]} : vector<9x4xf32> to vector<1x1xf32>
    %squeeze3A_149 = vector.extract %slice3A_148[0, 0] : f32 from vector<1x1xf32>
    %mul3A_150 = vector.broadcast %squeeze3A_149 : f32 to vector<1x100096xf32>
    %mul3A_151 = arith.mulf %get3A_147, %mul3A_150 : vector<1x100096xf32>
    %add3A_152 = arith.addf %add3A_144, %mul3A_151 : vector<1x100096xf32>
    %mul3A_153 = arith.mulf %add3A_152, %rsqrt3A : vector<1x100096xf32>
    %swap3A_154 = arith.constant 1 : index
    %swap3A_155 = arith.constant 0 : index
    %swap3A_156 = vector.load %arg3[%swap3A_154, %swap3A_155] : memref<8x100096xf32, #tpu.memory_space<vmem>>, vector<1x100096xf32>
    tpu.vector_store %arg3[%swap3A_154, %swap3A_155], %mul3A_153 {strides = array<i32>} : memref<8x100096xf32, #tpu.memory_space<vmem>>, vector<1x100096xf32>,
    %get3A_157 = arith.constant 0 : index
    %get3A_158 = arith.constant 0 : index
    %get3A_159 = vector.load %arg0[%get3A_157, %get3A_158] : memref<9x100096xf32, #tpu.memory_space<vmem>>, vector<1x100096xf32>
    %slice3A_160 = vector.extract_strided_slice %get3A_10 {offsets = [0, 2], sizes = [1, 1], strides = [1, 1]} : vector<9x4xf32> to vector<1x1xf32>
    %squeeze3A_161 = vector.extract %slice3A_160[0, 0] : f32 from vector<1x1xf32>
    %mul3A_162 = vector.broadcast %squeeze3A_161 : f32 to vector<1x100096xf32>
    %mul3A_163 = arith.mulf %get3A_159, %mul3A_162 : vector<1x100096xf32>
    %get3A_164 = arith.constant 1 : index
    %get3A_165 = arith.constant 0 : index
    %get3A_166 = vector.load %arg0[%get3A_164, %get3A_165] : memref<9x100096xf32, #tpu.memory_space<vmem>>, vector<1x100096xf32>
    %slice3A_167 = vector.extract_strided_slice %get3A_10 {offsets = [1, 2], sizes = [1, 1], strides = [1, 1]} : vector<9x4xf32> to vector<1x1xf32>
    %squeeze3A_168 = vector.extract %slice3A_167[0, 0] : f32 from vector<1x1xf32>
    %mul3A_169 = vector.broadcast %squeeze3A_168 : f32 to vector<1x100096xf32>
    %mul3A_170 = arith.mulf %get3A_166, %mul3A_169 : vector<1x100096xf32>
    %add3A_171 = arith.addf %mul3A_163, %mul3A_170 : vector<1x100096xf32>
    %get3A_172 = arith.constant 2 : index
    %get3A_173 = arith.constant 0 : index
    %get3A_174 = vector.load %arg0[%get3A_172, %get3A_173] : memref<9x100096xf32, #tpu.memory_space<vmem>>, vector<1x100096xf32>
    %slice3A_175 = vector.extract_strided_slice %get3A_10 {offsets = [2, 2], sizes = [1, 1], strides = [1, 1]} : vector<9x4xf32> to vector<1x1xf32>
    %squeeze3A_176 = vector.extract %slice3A_175[0, 0] : f32 from vector<1x1xf32>
    %mul3A_177 = vector.broadcast %squeeze3A_176 : f32 to vector<1x100096xf32>
    %mul3A_178 = arith.mulf %get3A_174, %mul3A_177 : vector<1x100096xf32>
    %add3A_179 = arith.addf %add3A_171, %mul3A_178 : vector<1x100096xf32>
    %get3A_180 = arith.constant 3 : index
    %get3A_181 = arith.constant 0 : index
    %get3A_182 = vector.load %arg0[%get3A_180, %get3A_181] : memref<9x100096xf32, #tpu.memory_space<vmem>>, vector<1x100096xf32>
    %slice3A_183 = vector.extract_strided_slice %get3A_10 {offsets = [3, 2], sizes = [1, 1], strides = [1, 1]} : vector<9x4xf32> to vector<1x1xf32>
    %squeeze3A_184 = vector.extract %slice3A_183[0, 0] : f32 from vector<1x1xf32>
    %mul3A_185 = vector.broadcast %squeeze3A_184 : f32 to vector<1x100096xf32>
    %mul3A_186 = arith.mulf %get3A_182, %mul3A_185 : vector<1x100096xf32>
    %add3A_187 = arith.addf %add3A_179, %mul3A_186 : vector<1x100096xf32>
    %get3A_188 = arith.constant 4 : index
    %get3A_189 = arith.constant 0 : index
    %get3A_190 = vector.load %arg0[%get3A_188, %get3A_189] : memref<9x100096xf32, #tpu.memory_space<vmem>>, vector<1x100096xf32>
    %slice3A_191 = vector.extract_strided_slice %get3A_10 {offsets = [4, 2], sizes = [1, 1], strides = [1, 1]} : vector<9x4xf32> to vector<1x1xf32>
    %squeeze3A_192 = vector.extract %slice3A_191[0, 0] : f32 from vector<1x1xf32>
    %mul3A_193 = vector.broadcast %squeeze3A_192 : f32 to vector<1x100096xf32>
    %mul3A_194 = arith.mulf %get3A_190, %mul3A_193 : vector<1x100096xf32>
    %add3A_195 = arith.addf %add3A_187, %mul3A_194 : vector<1x100096xf32>
    %get3A_196 = arith.constant 5 : index
    %get3A_197 = arith.constant 0 : index
    %get3A_198 = vector.load %arg0[%get3A_196, %get3A_197] : memref<9x100096xf32, #tpu.memory_space<vmem>>, vector<1x100096xf32>
    %slice3A_199 = vector.extract_strided_slice %get3A_10 {offsets = [5, 2], sizes = [1, 1], strides = [1, 1]} : vector<9x4xf32> to vector<1x1xf32>
    %squeeze3A_200 = vector.extract %slice3A_199[0, 0] : f32 from vector<1x1xf32>
    %mul3A_201 = vector.broadcast %squeeze3A_200 : f32 to vector<1x100096xf32>
    %mul3A_202 = arith.mulf %get3A_198, %mul3A_201 : vector<1x100096xf32>
    %add3A_203 = arith.addf %add3A_195, %mul3A_202 : vector<1x100096xf32>
    %get3A_204 = arith.constant 6 : index
    %get3A_205 = arith.constant 0 : index
    %get3A_206 = vector.load %arg0[%get3A_204, %get3A_205] : memref<9x100096xf32, #tpu.memory_space<vmem>>, vector<1x100096xf32>
    %slice3A_207 = vector.extract_strided_slice %get3A_10 {offsets = [6, 2], sizes = [1, 1], strides = [1, 1]} : vector<9x4xf32> to vector<1x1xf32>
    %squeeze3A_208 = vector.extract %slice3A_207[0, 0] : f32 from vector<1x1xf32>
    %mul3A_209 = vector.broadcast %squeeze3A_208 : f32 to vector<1x100096xf32>
    %mul3A_210 = arith.mulf %get3A_206, %mul3A_209 : vector<1x100096xf32>
    %add3A_211 = arith.addf %add3A_203, %mul3A_210 : vector<1x100096xf32>
    %get3A_212 = arith.constant 7 : index
    %get3A_213 = arith.constant 0 : index
    %get3A_214 = vector.load %arg0[%get3A_212, %get3A_213] : memref<9x100096xf32, #tpu.memory_space<vmem>>, vector<1x100096xf32>
    %slice3A_215 = vector.extract_strided_slice %get3A_10 {offsets = [7, 2], sizes = [1, 1], strides = [1, 1]} : vector<9x4xf32> to vector<1x1xf32>
    %squeeze3A_216 = vector.extract %slice3A_215[0, 0] : f32 from vector<1x1xf32>
    %mul3A_217 = vector.broadcast %squeeze3A_216 : f32 to vector<1x100096xf32>
    %mul3A_218 = arith.mulf %get3A_214, %mul3A_217 : vector<1x100096xf32>
    %add3A_219 = arith.addf %add3A_211, %mul3A_218 : vector<1x100096xf32>
    %get3A_220 = arith.constant 8 : index
    %get3A_221 = arith.constant 0 : index
    %get3A_222 = vector.load %arg0[%get3A_220, %get3A_221] : memref<9x100096xf32, #tpu.memory_space<vmem>>, vector<1x100096xf32>
    %slice3A_223 = vector.extract_strided_slice %get3A_10 {offsets = [8, 2], sizes = [1, 1], strides = [1, 1]} : vector<9x4xf32> to vector<1x1xf32>
    %squeeze3A_224 = vector.extract %slice3A_223[0, 0] : f32 from vector<1x1xf32>
    %mul3A_225 = vector.broadcast %squeeze3A_224 : f32 to vector<1x100096xf32>
    %mul3A_226 = arith.mulf %get3A_222, %mul3A_225 : vector<1x100096xf32>
    %add3A_227 = arith.addf %add3A_219, %mul3A_226 : vector<1x100096xf32>
    %mul3A_228 = arith.mulf %add3A_227, %rsqrt3A : vector<1x100096xf32>
    %swap3A_229 = arith.constant 2 : index
    %swap3A_230 = arith.constant 0 : index
    %swap3A_231 = vector.load %arg3[%swap3A_229, %swap3A_230] : memref<8x100096xf32, #tpu.memory_space<vmem>>, vector<1x100096xf32>
    tpu.vector_store %arg3[%swap3A_229, %swap3A_230], %mul3A_228 {strides = array<i32>} : memref<8x100096xf32, #tpu.memory_space<vmem>>, vector<1x100096xf32>,
    %get3A_232 = arith.constant 0 : index
    %get3A_233 = arith.constant 0 : index
    %get3A_234 = vector.load %arg0[%get3A_232, %get3A_233] : memref<9x100096xf32, #tpu.memory_space<vmem>>, vector<1x100096xf32>
    %slice3A_235 = vector.extract_strided_slice %get3A_10 {offsets = [0, 3], sizes = [1, 1], strides = [1, 1]} : vector<9x4xf32> to vector<1x1xf32>
    %squeeze3A_236 = vector.extract %slice3A_235[0, 0] : f32 from vector<1x1xf32>
    %mul3A_237 = vector.broadcast %squeeze3A_236 : f32 to vector<1x100096xf32>
    %mul3A_238 = arith.mulf %get3A_234, %mul3A_237 : vector<1x100096xf32>
    %get3A_239 = arith.constant 1 : index
    %get3A_240 = arith.constant 0 : index
    %get3A_241 = vector.load %arg0[%get3A_239, %get3A_240] : memref<9x100096xf32, #tpu.memory_space<vmem>>, vector<1x100096xf32>
    %slice3A_242 = vector.extract_strided_slice %get3A_10 {offsets = [1, 3], sizes = [1, 1], strides = [1, 1]} : vector<9x4xf32> to vector<1x1xf32>
    %squeeze3A_243 = vector.extract %slice3A_242[0, 0] : f32 from vector<1x1xf32>
    %mul3A_244 = vector.broadcast %squeeze3A_243 : f32 to vector<1x100096xf32>
    %mul3A_245 = arith.mulf %get3A_241, %mul3A_244 : vector<1x100096xf32>
    %add3A_246 = arith.addf %mul3A_238, %mul3A_245 : vector<1x100096xf32>
    %get3A_247 = arith.constant 2 : index
    %get3A_248 = arith.constant 0 : index
    %get3A_249 = vector.load %arg0[%get3A_247, %get3A_248] : memref<9x100096xf32, #tpu.memory_space<vmem>>, vector<1x100096xf32>
    %slice3A_250 = vector.extract_strided_slice %get3A_10 {offsets = [2, 3], sizes = [1, 1], strides = [1, 1]} : vector<9x4xf32> to vector<1x1xf32>
    %squeeze3A_251 = vector.extract %slice3A_250[0, 0] : f32 from vector<1x1xf32>
    %mul3A_252 = vector.broadcast %squeeze3A_251 : f32 to vector<1x100096xf32>
    %mul3A_253 = arith.mulf %get3A_249, %mul3A_252 : vector<1x100096xf32>
    %add3A_254 = arith.addf %add3A_246, %mul3A_253 : vector<1x100096xf32>
    %get3A_255 = arith.constant 3 : index
    %get3A_256 = arith.constant 0 : index
    %get3A_257 = vector.load %arg0[%get3A_255, %get3A_256] : memref<9x100096xf32, #tpu.memory_space<vmem>>, vector<1x100096xf32>
    %slice3A_258 = vector.extract_strided_slice %get3A_10 {offsets = [3, 3], sizes = [1, 1], strides = [1, 1]} : vector<9x4xf32> to vector<1x1xf32>
    %squeeze3A_259 = vector.extract %slice3A_258[0, 0] : f32 from vector<1x1xf32>
    %mul3A_260 = vector.broadcast %squeeze3A_259 : f32 to vector<1x100096xf32>
    %mul3A_261 = arith.mulf %get3A_257, %mul3A_260 : vector<1x100096xf32>
    %add3A_262 = arith.addf %add3A_254, %mul3A_261 : vector<1x100096xf32>
    %get3A_263 = arith.constant 4 : index
    %get3A_264 = arith.constant 0 : index
    %get3A_265 = vector.load %arg0[%get3A_263, %get3A_264] : memref<9x100096xf32, #tpu.memory_space<vmem>>, vector<1x100096xf32>
    %slice3A_266 = vector.extract_strided_slice %get3A_10 {offsets = [4, 3], sizes = [1, 1], strides = [1, 1]} : vector<9x4xf32> to vector<1x1xf32>
    %squeeze3A_267 = vector.extract %slice3A_266[0, 0] : f32 from vector<1x1xf32>
    %mul3A_268 = vector.broadcast %squeeze3A_267 : f32 to vector<1x100096xf32>
    %mul3A_269 = arith.mulf %get3A_265, %mul3A_268 : vector<1x100096xf32>
    %add3A_270 = arith.addf %add3A_262, %mul3A_269 : vector<1x100096xf32>
    %get3A_271 = arith.constant 5 : index
    %get3A_272 = arith.constant 0 : index
    %get3A_273 = vector.load %arg0[%get3A_271, %get3A_272] : memref<9x100096xf32, #tpu.memory_space<vmem>>, vector<1x100096xf32>
    %slice3A_274 = vector.extract_strided_slice %get3A_10 {offsets = [5, 3], sizes = [1, 1], strides = [1, 1]} : vector<9x4xf32> to vector<1x1xf32>
    %squeeze3A_275 = vector.extract %slice3A_274[0, 0] : f32 from vector<1x1xf32>
    %mul3A_276 = vector.broadcast %squeeze3A_275 : f32 to vector<1x100096xf32>
    %mul3A_277 = arith.mulf %get3A_273, %mul3A_276 : vector<1x100096xf32>
    %add3A_278 = arith.addf %add3A_270, %mul3A_277 : vector<1x100096xf32>
    %get3A_279 = arith.constant 6 : index
    %get3A_280 = arith.constant 0 : index
    %get3A_281 = vector.load %arg0[%get3A_279, %get3A_280] : memref<9x100096xf32, #tpu.memory_space<vmem>>, vector<1x100096xf32>
    %slice3A_282 = vector.extract_strided_slice %get3A_10 {offsets = [6, 3], sizes = [1, 1], strides = [1, 1]} : vector<9x4xf32> to vector<1x1xf32>
    %squeeze3A_283 = vector.extract %slice3A_282[0, 0] : f32 from vector<1x1xf32>
    %mul3A_284 = vector.broadcast %squeeze3A_283 : f32 to vector<1x100096xf32>
    %mul3A_285 = arith.mulf %get3A_281, %mul3A_284 : vector<1x100096xf32>
    %add3A_286 = arith.addf %add3A_278, %mul3A_285 : vector<1x100096xf32>
    %get3A_287 = arith.constant 7 : index
    %get3A_288 = arith.constant 0 : index
    %get3A_289 = vector.load %arg0[%get3A_287, %get3A_288] : memref<9x100096xf32, #tpu.memory_space<vmem>>, vector<1x100096xf32>
    %slice3A_290 = vector.extract_strided_slice %get3A_10 {offsets = [7, 3], sizes = [1, 1], strides = [1, 1]} : vector<9x4xf32> to vector<1x1xf32>
    %squeeze3A_291 = vector.extract %slice3A_290[0, 0] : f32 from vector<1x1xf32>
    %mul3A_292 = vector.broadcast %squeeze3A_291 : f32 to vector<1x100096xf32>
    %mul3A_293 = arith.mulf %get3A_289, %mul3A_292 : vector<1x100096xf32>
    %add3A_294 = arith.addf %add3A_286, %mul3A_293 : vector<1x100096xf32>
    %get3A_295 = arith.constant 8 : index
    %get3A_296 = arith.constant 0 : index
    %get3A_297 = vector.load %arg0[%get3A_295, %get3A_296] : memref<9x100096xf32, #tpu.memory_space<vmem>>, vector<1x100096xf32>
    %slice3A_298 = vector.extract_strided_slice %get3A_10 {offsets = [8, 3], sizes = [1, 1], strides = [1, 1]} : vector<9x4xf32> to vector<1x1xf32>
    %squeeze3A_299 = vector.extract %slice3A_298[0, 0] : f32 from vector<1x1xf32>
    %mul3A_300 = vector.broadcast %squeeze3A_299 : f32 to vector<1x100096xf32>
    %mul3A_301 = arith.mulf %get3A_297, %mul3A_300 : vector<1x100096xf32>
    %add3A_302 = arith.addf %add3A_294, %mul3A_301 : vector<1x100096xf32>
    %mul3A_303 = arith.mulf %add3A_302, %rsqrt3A : vector<1x100096xf32>
    %swap3A_304 = arith.constant 3 : index
    %swap3A_305 = arith.constant 0 : index
    %swap3A_306 = vector.load %arg3[%swap3A_304, %swap3A_305] : memref<8x100096xf32, #tpu.memory_space<vmem>>, vector<1x100096xf32>
    tpu.vector_store %arg3[%swap3A_304, %swap3A_305], %mul3A_303 {strides = array<i32>} : memref<8x100096xf32, #tpu.memory_space<vmem>>, vector<1x100096xf32>,
    %broadcast_in_dim3A = arith.constant 0.000000e+00 : f32
    %broadcast_in_dim3A_307 = vector.broadcast %broadcast_in_dim3A : f32 to vector<4x100096xf32>
    %swap3A_308 = arith.constant 4 : index
    %swap3A_309 = arith.constant 0 : index
    %swap3A_310 = vector.load %arg3[%swap3A_308, %swap3A_309] : memref<8x100096xf32, #tpu.memory_space<vmem>>, vector<4x100096xf32>
    tpu.vector_store %arg3[%swap3A_308, %swap3A_309], %broadcast_in_dim3A_307 {strides = array<i32>} : memref<8x100096xf32, #tpu.memory_space<vmem>>, vector<4x100096xf32>,
    %swap3A_311 = arith.constant 0 : index
    %swap3A_312 = arith.constant 0 : index
    %swap3A_313 = vector.load %arg4[%swap3A_311, %swap3A_312] : memref<1x100096xf32, #tpu.memory_space<vmem>>, vector<1x100096xf32>
    tpu.vector_store %arg4[%swap3A_311, %swap3A_312], %rsqrt3A {strides = array<i32>} : memref<1x100096xf32, #tpu.memory_space<vmem>>, vector<1x100096xf32>,
    return
  }
}

module attributes {stable_mosaic.version = 14 : i64} {
  func.func @_tc2_body(%arg0: memref<1x100096xf32, #tpu.memory_space<vmem>>, %arg1: memref<8x100096xf32, #tpu.memory_space<vmem>>, %arg2: memref<2x8x100096xf32, #tpu.memory_space<vmem>>, %arg3: memref<4x2xf32, #tpu.memory_space<vmem>>, %arg4: memref<4x1xf32, #tpu.memory_space<vmem>>, %arg5: memref<8x100096xf32, #tpu.memory_space<vmem>>) attributes {dimension_semantics = [], scalar_prefetch = 0 : i64, scratch_operands = 0 : i64, tpu.core_type = #tpu.core_type<tc>} {
    %get3A = arith.constant 0 : index
    %get3A_0 = arith.constant 0 : index
    %get3A_1 = vector.load %arg0[%get3A, %get3A_0] : memref<1x100096xf32, #tpu.memory_space<vmem>>, vector<1x100096xf32>
    %get3A_2 = arith.constant 0 : index
    %get3A_3 = arith.constant 0 : index
    %get3A_4 = vector.load %arg3[%get3A_2, %get3A_3] : memref<4x2xf32, #tpu.memory_space<vmem>>, vector<4x2xf32>
    %get3A_5 = arith.constant 0 : index
    %get3A_6 = arith.constant 0 : index
    %get3A_7 = arith.constant 0 : index
    %get3A_8 = vector.load %arg2[%get3A_5, %get3A_6, %get3A_7] : memref<2x8x100096xf32, #tpu.memory_space<vmem>>, vector<1x1x100096xf32>
    %get3A_9 = vector.shape_cast %get3A_8 : vector<1x1x100096xf32> to vector<1x100096xf32>
    %get3A_10 = arith.constant 1 : index
    %get3A_11 = arith.constant 0 : index
    %get3A_12 = arith.constant 0 : index
    %get3A_13 = vector.load %arg2[%get3A_10, %get3A_11, %get3A_12] : memref<2x8x100096xf32, #tpu.memory_space<vmem>>, vector<1x1x100096xf32>
    %get3A_14 = vector.shape_cast %get3A_13 : vector<1x1x100096xf32> to vector<1x100096xf32>
    %add3A = arith.addf %get3A_9, %get3A_14 : vector<1x100096xf32>
    %get3A_15 = arith.constant 0 : index
    %get3A_16 = arith.constant 0 : index
    %get3A_17 = vector.load %arg1[%get3A_15, %get3A_16] : memref<8x100096xf32, #tpu.memory_space<vmem>>, vector<1x100096xf32>
    %sub3A = arith.subf %add3A, %get3A_17 : vector<1x100096xf32>
    %mul3A = arith.mulf %sub3A, %get3A_1 : vector<1x100096xf32>
    %get3A_18 = arith.constant 0 : index
    %get3A_19 = arith.constant 0 : index
    %get3A_20 = vector.load %arg4[%get3A_18, %get3A_19] : memref<4x1xf32, #tpu.memory_space<vmem>>, vector<1x1xf32>
    %get3A_21 = vector.extract %get3A_20[0, 0] : f32 from vector<1x1xf32>
    %add3A_22 = vector.broadcast %get3A_21 : f32 to vector<1x100096xf32>
    %add3A_23 = arith.addf %mul3A, %add3A_22 : vector<1x100096xf32>
    %tanh3A = math.tanh %add3A_23 : vector<1x100096xf32>
    %get3A_24 = arith.constant 0 : index
    %get3A_25 = arith.constant 1 : index
    %get3A_26 = arith.constant 0 : index
    %get3A_27 = vector.load %arg2[%get3A_24, %get3A_25, %get3A_26] : memref<2x8x100096xf32, #tpu.memory_space<vmem>>, vector<1x1x100096xf32>
    %get3A_28 = vector.shape_cast %get3A_27 : vector<1x1x100096xf32> to vector<1x100096xf32>
    %get3A_29 = arith.constant 1 : index
    %get3A_30 = arith.constant 1 : index
    %get3A_31 = arith.constant 0 : index
    %get3A_32 = vector.load %arg2[%get3A_29, %get3A_30, %get3A_31] : memref<2x8x100096xf32, #tpu.memory_space<vmem>>, vector<1x1x100096xf32>
    %get3A_33 = vector.shape_cast %get3A_32 : vector<1x1x100096xf32> to vector<1x100096xf32>
    %add3A_34 = arith.addf %get3A_28, %get3A_33 : vector<1x100096xf32>
    %get3A_35 = arith.constant 1 : index
    %get3A_36 = arith.constant 0 : index
    %get3A_37 = vector.load %arg1[%get3A_35, %get3A_36] : memref<8x100096xf32, #tpu.memory_space<vmem>>, vector<1x100096xf32>
    %sub3A_38 = arith.subf %add3A_34, %get3A_37 : vector<1x100096xf32>
    %mul3A_39 = arith.mulf %sub3A_38, %get3A_1 : vector<1x100096xf32>
    %get3A_40 = arith.constant 1 : index
    %get3A_41 = arith.constant 0 : index
    %get3A_42 = vector.load %arg4[%get3A_40, %get3A_41] : memref<4x1xf32, #tpu.memory_space<vmem>>, vector<1x1xf32>
    %get3A_43 = vector.extract %get3A_42[0, 0] : f32 from vector<1x1xf32>
    %add3A_44 = vector.broadcast %get3A_43 : f32 to vector<1x100096xf32>
    %add3A_45 = arith.addf %mul3A_39, %add3A_44 : vector<1x100096xf32>
    %tanh3A_46 = math.tanh %add3A_45 : vector<1x100096xf32>
    %get3A_47 = arith.constant 0 : index
    %get3A_48 = arith.constant 2 : index
    %get3A_49 = arith.constant 0 : index
    %get3A_50 = vector.load %arg2[%get3A_47, %get3A_48, %get3A_49] : memref<2x8x100096xf32, #tpu.memory_space<vmem>>, vector<1x1x100096xf32>
    %get3A_51 = vector.shape_cast %get3A_50 : vector<1x1x100096xf32> to vector<1x100096xf32>
    %get3A_52 = arith.constant 1 : index
    %get3A_53 = arith.constant 2 : index
    %get3A_54 = arith.constant 0 : index
    %get3A_55 = vector.load %arg2[%get3A_52, %get3A_53, %get3A_54] : memref<2x8x100096xf32, #tpu.memory_space<vmem>>, vector<1x1x100096xf32>
    %get3A_56 = vector.shape_cast %get3A_55 : vector<1x1x100096xf32> to vector<1x100096xf32>
    %add3A_57 = arith.addf %get3A_51, %get3A_56 : vector<1x100096xf32>
    %get3A_58 = arith.constant 2 : index
    %get3A_59 = arith.constant 0 : index
    %get3A_60 = vector.load %arg1[%get3A_58, %get3A_59] : memref<8x100096xf32, #tpu.memory_space<vmem>>, vector<1x100096xf32>
    %sub3A_61 = arith.subf %add3A_57, %get3A_60 : vector<1x100096xf32>
    %mul3A_62 = arith.mulf %sub3A_61, %get3A_1 : vector<1x100096xf32>
    %get3A_63 = arith.constant 2 : index
    %get3A_64 = arith.constant 0 : index
    %get3A_65 = vector.load %arg4[%get3A_63, %get3A_64] : memref<4x1xf32, #tpu.memory_space<vmem>>, vector<1x1xf32>
    %get3A_66 = vector.extract %get3A_65[0, 0] : f32 from vector<1x1xf32>
    %add3A_67 = vector.broadcast %get3A_66 : f32 to vector<1x100096xf32>
    %add3A_68 = arith.addf %mul3A_62, %add3A_67 : vector<1x100096xf32>
    %tanh3A_69 = math.tanh %add3A_68 : vector<1x100096xf32>
    %get3A_70 = arith.constant 0 : index
    %get3A_71 = arith.constant 3 : index
    %get3A_72 = arith.constant 0 : index
    %get3A_73 = vector.load %arg2[%get3A_70, %get3A_71, %get3A_72] : memref<2x8x100096xf32, #tpu.memory_space<vmem>>, vector<1x1x100096xf32>
    %get3A_74 = vector.shape_cast %get3A_73 : vector<1x1x100096xf32> to vector<1x100096xf32>
    %get3A_75 = arith.constant 1 : index
    %get3A_76 = arith.constant 3 : index
    %get3A_77 = arith.constant 0 : index
    %get3A_78 = vector.load %arg2[%get3A_75, %get3A_76, %get3A_77] : memref<2x8x100096xf32, #tpu.memory_space<vmem>>, vector<1x1x100096xf32>
    %get3A_79 = vector.shape_cast %get3A_78 : vector<1x1x100096xf32> to vector<1x100096xf32>
    %add3A_80 = arith.addf %get3A_74, %get3A_79 : vector<1x100096xf32>
    %get3A_81 = arith.constant 3 : index
    %get3A_82 = arith.constant 0 : index
    %get3A_83 = vector.load %arg1[%get3A_81, %get3A_82] : memref<8x100096xf32, #tpu.memory_space<vmem>>, vector<1x100096xf32>
    %sub3A_84 = arith.subf %add3A_80, %get3A_83 : vector<1x100096xf32>
    %mul3A_85 = arith.mulf %sub3A_84, %get3A_1 : vector<1x100096xf32>
    %get3A_86 = arith.constant 3 : index
    %get3A_87 = arith.constant 0 : index
    %get3A_88 = vector.load %arg4[%get3A_86, %get3A_87] : memref<4x1xf32, #tpu.memory_space<vmem>>, vector<1x1xf32>
    %get3A_89 = vector.extract %get3A_88[0, 0] : f32 from vector<1x1xf32>
    %add3A_90 = vector.broadcast %get3A_89 : f32 to vector<1x100096xf32>
    %add3A_91 = arith.addf %mul3A_85, %add3A_90 : vector<1x100096xf32>
    %tanh3A_92 = math.tanh %add3A_91 : vector<1x100096xf32>
    %slice3A = vector.extract_strided_slice %get3A_4 {offsets = [0, 0], sizes = [1, 1], strides = [1, 1]} : vector<4x2xf32> to vector<1x1xf32>
    %squeeze3A = vector.extract %slice3A[0, 0] : f32 from vector<1x1xf32>
    %mul3A_93 = vector.broadcast %squeeze3A : f32 to vector<1x100096xf32>
    %mul3A_94 = arith.mulf %tanh3A, %mul3A_93 : vector<1x100096xf32>
    %slice3A_95 = vector.extract_strided_slice %get3A_4 {offsets = [1, 0], sizes = [1, 1], strides = [1, 1]} : vector<4x2xf32> to vector<1x1xf32>
    %squeeze3A_96 = vector.extract %slice3A_95[0, 0] : f32 from vector<1x1xf32>
    %mul3A_97 = vector.broadcast %squeeze3A_96 : f32 to vector<1x100096xf32>
    %mul3A_98 = arith.mulf %tanh3A_46, %mul3A_97 : vector<1x100096xf32>
    %add3A_99 = arith.addf %mul3A_94, %mul3A_98 : vector<1x100096xf32>
    %slice3A_100 = vector.extract_strided_slice %get3A_4 {offsets = [2, 0], sizes = [1, 1], strides = [1, 1]} : vector<4x2xf32> to vector<1x1xf32>
    %squeeze3A_101 = vector.extract %slice3A_100[0, 0] : f32 from vector<1x1xf32>
    %mul3A_102 = vector.broadcast %squeeze3A_101 : f32 to vector<1x100096xf32>
    %mul3A_103 = arith.mulf %tanh3A_69, %mul3A_102 : vector<1x100096xf32>
    %add3A_104 = arith.addf %add3A_99, %mul3A_103 : vector<1x100096xf32>
    %slice3A_105 = vector.extract_strided_slice %get3A_4 {offsets = [3, 0], sizes = [1, 1], strides = [1, 1]} : vector<4x2xf32> to vector<1x1xf32>
    %squeeze3A_106 = vector.extract %slice3A_105[0, 0] : f32 from vector<1x1xf32>
    %mul3A_107 = vector.broadcast %squeeze3A_106 : f32 to vector<1x100096xf32>
    %mul3A_108 = arith.mulf %tanh3A_92, %mul3A_107 : vector<1x100096xf32>
    %add3A_109 = arith.addf %add3A_104, %mul3A_108 : vector<1x100096xf32>
    %mul3A_110 = arith.mulf %add3A_109, %get3A_1 : vector<1x100096xf32>
    %swap3A = arith.constant 0 : index
    %swap3A_111 = arith.constant 0 : index
    %swap3A_112 = vector.load %arg5[%swap3A, %swap3A_111] : memref<8x100096xf32, #tpu.memory_space<vmem>>, vector<1x100096xf32>
    tpu.vector_store %arg5[%swap3A, %swap3A_111], %mul3A_110 {strides = array<i32>} : memref<8x100096xf32, #tpu.memory_space<vmem>>, vector<1x100096xf32>,
    %slice3A_113 = vector.extract_strided_slice %get3A_4 {offsets = [0, 1], sizes = [1, 1], strides = [1, 1]} : vector<4x2xf32> to vector<1x1xf32>
    %squeeze3A_114 = vector.extract %slice3A_113[0, 0] : f32 from vector<1x1xf32>
    %mul3A_115 = vector.broadcast %squeeze3A_114 : f32 to vector<1x100096xf32>
    %mul3A_116 = arith.mulf %tanh3A, %mul3A_115 : vector<1x100096xf32>
    %slice3A_117 = vector.extract_strided_slice %get3A_4 {offsets = [1, 1], sizes = [1, 1], strides = [1, 1]} : vector<4x2xf32> to vector<1x1xf32>
    %squeeze3A_118 = vector.extract %slice3A_117[0, 0] : f32 from vector<1x1xf32>
    %mul3A_119 = vector.broadcast %squeeze3A_118 : f32 to vector<1x100096xf32>
    %mul3A_120 = arith.mulf %tanh3A_46, %mul3A_119 : vector<1x100096xf32>
    %add3A_121 = arith.addf %mul3A_116, %mul3A_120 : vector<1x100096xf32>
    %slice3A_122 = vector.extract_strided_slice %get3A_4 {offsets = [2, 1], sizes = [1, 1], strides = [1, 1]} : vector<4x2xf32> to vector<1x1xf32>
    %squeeze3A_123 = vector.extract %slice3A_122[0, 0] : f32 from vector<1x1xf32>
    %mul3A_124 = vector.broadcast %squeeze3A_123 : f32 to vector<1x100096xf32>
    %mul3A_125 = arith.mulf %tanh3A_69, %mul3A_124 : vector<1x100096xf32>
    %add3A_126 = arith.addf %add3A_121, %mul3A_125 : vector<1x100096xf32>
    %slice3A_127 = vector.extract_strided_slice %get3A_4 {offsets = [3, 1], sizes = [1, 1], strides = [1, 1]} : vector<4x2xf32> to vector<1x1xf32>
    %squeeze3A_128 = vector.extract %slice3A_127[0, 0] : f32 from vector<1x1xf32>
    %mul3A_129 = vector.broadcast %squeeze3A_128 : f32 to vector<1x100096xf32>
    %mul3A_130 = arith.mulf %tanh3A_92, %mul3A_129 : vector<1x100096xf32>
    %add3A_131 = arith.addf %add3A_126, %mul3A_130 : vector<1x100096xf32>
    %mul3A_132 = arith.mulf %add3A_131, %get3A_1 : vector<1x100096xf32>
    %swap3A_133 = arith.constant 1 : index
    %swap3A_134 = arith.constant 0 : index
    %swap3A_135 = vector.load %arg5[%swap3A_133, %swap3A_134] : memref<8x100096xf32, #tpu.memory_space<vmem>>, vector<1x100096xf32>
    tpu.vector_store %arg5[%swap3A_133, %swap3A_134], %mul3A_132 {strides = array<i32>} : memref<8x100096xf32, #tpu.memory_space<vmem>>, vector<1x100096xf32>,
    %broadcast_in_dim3A = arith.constant 0.000000e+00 : f32
    %broadcast_in_dim3A_136 = vector.broadcast %broadcast_in_dim3A : f32 to vector<6x100096xf32>
    %swap3A_137 = arith.constant 2 : index
    %swap3A_138 = arith.constant 0 : index
    %swap3A_139 = vector.load %arg5[%swap3A_137, %swap3A_138] : memref<8x100096xf32, #tpu.memory_space<vmem>>, vector<6x100096xf32>
    tpu.vector_store %arg5[%swap3A_137, %swap3A_138], %broadcast_in_dim3A_136 {strides = array<i32>} : memref<8x100096xf32, #tpu.memory_space<vmem>>, vector<6x100096xf32>,
    return
  }
}

module attributes {stable_mosaic.version = 14 : i64} {
  func.func @_tc3_body(%arg0: memref<1x100096xf32, #tpu.memory_space<vmem>>, %arg1: memref<8x100096xf32, #tpu.memory_space<vmem>>, %arg2: memref<2x8x100096xf32, #tpu.memory_space<vmem>>, %arg3: memref<2x1xf32, #tpu.memory_space<vmem>>, %arg4: memref<2x100096xf32, #tpu.memory_space<vmem>>) attributes {dimension_semantics = [], scalar_prefetch = 0 : i64, scratch_operands = 0 : i64, tpu.core_type = #tpu.core_type<tc>} {
    %get3A = arith.constant 0 : index
    %get3A_0 = arith.constant 0 : index
    %get3A_1 = vector.load %arg0[%get3A, %get3A_0] : memref<1x100096xf32, #tpu.memory_space<vmem>>, vector<1x100096xf32>
    %get3A_2 = arith.constant 0 : index
    %get3A_3 = arith.constant 0 : index
    %get3A_4 = arith.constant 0 : index
    %get3A_5 = vector.load %arg2[%get3A_2, %get3A_3, %get3A_4] : memref<2x8x100096xf32, #tpu.memory_space<vmem>>, vector<1x1x100096xf32>
    %get3A_6 = vector.shape_cast %get3A_5 : vector<1x1x100096xf32> to vector<1x100096xf32>
    %get3A_7 = arith.constant 1 : index
    %get3A_8 = arith.constant 0 : index
    %get3A_9 = arith.constant 0 : index
    %get3A_10 = vector.load %arg2[%get3A_7, %get3A_8, %get3A_9] : memref<2x8x100096xf32, #tpu.memory_space<vmem>>, vector<1x1x100096xf32>
    %get3A_11 = vector.shape_cast %get3A_10 : vector<1x1x100096xf32> to vector<1x100096xf32>
    %add3A = arith.addf %get3A_6, %get3A_11 : vector<1x100096xf32>
    %get3A_12 = arith.constant 0 : index
    %get3A_13 = arith.constant 0 : index
    %get3A_14 = vector.load %arg1[%get3A_12, %get3A_13] : memref<8x100096xf32, #tpu.memory_space<vmem>>, vector<1x100096xf32>
    %sub3A = arith.subf %add3A, %get3A_14 : vector<1x100096xf32>
    %mul3A = arith.mulf %sub3A, %get3A_1 : vector<1x100096xf32>
    %get3A_15 = arith.constant 0 : index
    %get3A_16 = arith.constant 0 : index
    %get3A_17 = vector.load %arg3[%get3A_15, %get3A_16] : memref<2x1xf32, #tpu.memory_space<vmem>>, vector<1x1xf32>
    %get3A_18 = vector.extract %get3A_17[0, 0] : f32 from vector<1x1xf32>
    %add3A_19 = vector.broadcast %get3A_18 : f32 to vector<1x100096xf32>
    %add3A_20 = arith.addf %mul3A, %add3A_19 : vector<1x100096xf32>
    %swap3A = arith.constant 0 : index
    %swap3A_21 = arith.constant 0 : index
    %swap3A_22 = vector.load %arg4[%swap3A, %swap3A_21] : memref<2x100096xf32, #tpu.memory_space<vmem>>, vector<1x100096xf32>
    tpu.vector_store %arg4[%swap3A, %swap3A_21], %add3A_20 {strides = array<i32>} : memref<2x100096xf32, #tpu.memory_space<vmem>>, vector<1x100096xf32>,
    %get3A_23 = arith.constant 0 : index
    %get3A_24 = arith.constant 1 : index
    %get3A_25 = arith.constant 0 : index
    %get3A_26 = vector.load %arg2[%get3A_23, %get3A_24, %get3A_25] : memref<2x8x100096xf32, #tpu.memory_space<vmem>>, vector<1x1x100096xf32>
    %get3A_27 = vector.shape_cast %get3A_26 : vector<1x1x100096xf32> to vector<1x100096xf32>
    %get3A_28 = arith.constant 1 : index
    %get3A_29 = arith.constant 1 : index
    %get3A_30 = arith.constant 0 : index
    %get3A_31 = vector.load %arg2[%get3A_28, %get3A_29, %get3A_30] : memref<2x8x100096xf32, #tpu.memory_space<vmem>>, vector<1x1x100096xf32>
    %get3A_32 = vector.shape_cast %get3A_31 : vector<1x1x100096xf32> to vector<1x100096xf32>
    %add3A_33 = arith.addf %get3A_27, %get3A_32 : vector<1x100096xf32>
    %get3A_34 = arith.constant 1 : index
    %get3A_35 = arith.constant 0 : index
    %get3A_36 = vector.load %arg1[%get3A_34, %get3A_35] : memref<8x100096xf32, #tpu.memory_space<vmem>>, vector<1x100096xf32>
    %sub3A_37 = arith.subf %add3A_33, %get3A_36 : vector<1x100096xf32>
    %mul3A_38 = arith.mulf %sub3A_37, %get3A_1 : vector<1x100096xf32>
    %get3A_39 = arith.constant 1 : index
    %get3A_40 = arith.constant 0 : index
    %get3A_41 = vector.load %arg3[%get3A_39, %get3A_40] : memref<2x1xf32, #tpu.memory_space<vmem>>, vector<1x1xf32>
    %get3A_42 = vector.extract %get3A_41[0, 0] : f32 from vector<1x1xf32>
    %add3A_43 = vector.broadcast %get3A_42 : f32 to vector<1x100096xf32>
    %add3A_44 = arith.addf %mul3A_38, %add3A_43 : vector<1x100096xf32>
    %swap3A_45 = arith.constant 1 : index
    %swap3A_46 = arith.constant 0 : index
    %swap3A_47 = vector.load %arg4[%swap3A_45, %swap3A_46] : memref<2x100096xf32, #tpu.memory_space<vmem>>, vector<1x100096xf32>
    tpu.vector_store %arg4[%swap3A_45, %swap3A_46], %add3A_44 {strides = array<i32>} : memref<2x100096xf32, #tpu.memory_space<vmem>>, vector<1x100096xf32>,
    return
  }
}

</mosaic_0001>

<sc_bundles>
// kernel: kernel.11.cloned.1.call-start
scs
__scs_entry_jumppad:
0x0: {  	(pc) =	sbr.rel $0x88, $3  }
0x1: {  	(tag) =	ssettag $0x0;
	lr =	simm.s32 $0x1  }
0x2: {  	[smem:$0x3F9B] =	sst lr;
	_ =	strace $0xD0000000  }
0x3: {  	_ = 	snop  }
0x4: {  	_ = 	snop  }
0x5: {  	_ = 	snop  }
0x6: {  	_ = 	snop  }
0x7: {  	_ = 	snop  }
__scs_overlays_trampoline_lowered:
0x8: {  	[smem:$0x3FAA] =	sst s0  }
0x9: {  	[smem:$0x3FAB] =	sst s1  }
0xa: {  	[smem:$0x3FAC] =	sst s2  }
0xb: {  	[smem:$0x3FAD] =	sst s3  }
0xc: {  	[smem:$0x3FAE] =	sst s4  }
0xd: {  	[smem:$0x3FAF] =	sst s5  }
0xe: {  	[smem:$0x3FB0] =	sst s6  }
0xf: {  	[smem:$0x3FB1] =	sst s7  }
0x10: {  	[smem:$0x3FB2] =	sst s8  }
0x11: {  	[smem:$0x3FB3] =	sst s9;
	s0 =	simm.s32 @!p0 $0x0  }
0x12: {  	s1 =	sld [smem:$0x3F99];
	s0 =	simm.s32 @p0 $0x1  }
0x13: {  	[smem:$0x3FB4] =	sst s0;
	s0 =	simm.s32 @!p1 $0x0  }
0x14: {  	s2 =	sld [smem:$0x3F98];
	s0 =	simm.s32 @p1 $0x1  }
0x15: {  	[smem:$0x3FB5] =	sst s0;
	s0 =	simm.s32 @!p2 $0x0  }
0x16: {  	s3 =	sld [smem:$0x3FDB];
	s0 =	simm.s32 @p2 $0x1  }
0x17: {  	s4 =	simm.s32 $0x1BF5;
	[smem:$0x3FB7] =	sst s0  }
0x18: {  	s0 =	sld [smem:$0x3F9A];
	_ =	swait.ge [sflag:s4], $0x0  }
0x19: {  	s7 =	sld [smem:$0x3F9B]  }
0x1a: {  	s8 =	sadd.s32 $0xFFFFE003, lr  }
0x1b: {  	s9 =	sadd.s32 $0xFFFFFEF7, lr;
	s5 =	simm.s32 $0xFFFFFFFF;
	p2 =	slt.u32 s8, $0xFFFFF086  }
0x1c: {  	p1 =	slt.u32 s9, $0xF7A;
	s5 =	simm.s32 @!p2 $0x0  }
0x1d: {  	s5 =	simm.s32 @p1 $0x1;
	p0 =	seq.s32 s7, s2  }
0x1e: {  	s7 =	smul.u32 @!p0 $0xF7A, s2;
	p2 =	seq.s32 @!p0 s5, $0x0  }
0x1f: {  	s9 =	smul.u32 $0xF7A, s1;
	s8 =	simm.s32 @!p0 $0x1BF5;
	p2 =	por !p2, p0  }
0x20: {  	[sflag:s8] =	ssyncset.s32 @!p0 $0xFFFFF086;
	s6 =	sadd.s32 @!p0 s3, s7;
	s7 =	simm.s32 @!p0 $0x108  }
0x21: {  	s3 =	sadd.s32 s3, s9;
	s6 =	sadd.s32 @!p0 $0x88, s6;
	s7 =	simm.s32 @p2 $0x1082  }
0x22: {  	[simem:s7], [sflag:s8] =	dma.local @!p0 [hbm:s6], $0xF7A  }
0x23: {  	s9 =	sor.u32 $0xD0000000, s2;
	s6 =	simm.s32 $0x108;
	_ =	swait.ge @!p0 [sflag:s8], $0x0  }
0x24: {  	s3 =	sadd.s32 $0x88, s3;
	s6 =	simm.s32 @!p1 $0x1082;
	[sflag:s4] =	ssyncset.s32 $0xFFFFF086  }
0x25: {  	[simem:s6], [sflag:s4] =	dma.local [hbm:s3], $0xF7A  }
0x26: {  	[smem:$0x3F9B] =	sst s1;
	(tag) =	ssettag s2;
	_ =	strace s9  }
0x27: {  	s1 =	sld [smem:$0x3FAB]  }
0x28: {  	s2 =	sld [smem:$0x3FAC]  }
0x29: {  	s4 =	sld [smem:$0x3FAE]  }
0x2a: {  	p0 =	seq.s32 s5, $0x0;
	s5 =	sld [smem:$0x3FAF]  }
0x2b: {  	s6 =	sld [smem:$0x3FB0]  }
0x2c: {  	s7 =	sld [smem:$0x3FB1]  }
0x2d: {  	s3 =	simm.s32 $0x108;
	s8 =	sld [smem:$0x3FB2]  }
0x2e: {  	s3 =	simm.s32 @!p0 $0x1082;
	s9 =	sld [smem:$0x3FB3]  }
0x2f: {  	lr =	sadd.s32 s0, s3;
	s0 =	sld [smem:$0x3FAA]  }
0x30: {  	s3 =	sld [smem:$0x3FAD]  }
0x31: {  	[smem:$0x3FB6] =	sst s10  }
0x32: {  	s10 =	sld [smem:$0x3FB4];
	_ =	sdelay $0x3  }
0x33: {  	p0 =	seq.s32 s10, $0x1;
	s10 =	sld [smem:$0x3FB6];
	_ =	sdelay $0x3  }
0x34: {  	[smem:$0x3FB6] =	sst s10  }
0x35: {  	s10 =	sld [smem:$0x3FB5];
	_ =	sdelay $0x3  }
0x36: {  	p1 =	seq.s32 s10, $0x1;
	s10 =	sld [smem:$0x3FB6];
	_ =	sdelay $0x3  }
0x37: {  	[smem:$0x3FB6] =	sst s10  }
0x38: {  	s10 =	sld [smem:$0x3FB7]  }
0x39: {  	_ = 	snop;
	(pc) =	sbr.ind lr, $3  }
0x3a: {  	_ = 	snop  }
0x3b: {  	_ = 	snop  }
0x3c: {  	p2 =	seq.s32 s10, $0x1;
	s10 =	sld [smem:$0x3FB6]  }
0x3d: {  	_ =	shalt  }
0x3e: {  	_ =	shalt  }
0x3f: {  	_ =	shalt  }
0x40: {  	_ =	shalt  }
0x41: {  	_ =	shalt  }
0x42: {  	_ =	shalt  }
0x43: {  	_ =	shalt  }
0x44: {  	_ =	shalt  }
0x45: {  	_ =	shalt  }
0x46: {  	_ =	shalt  }
0x47: {  	_ =	shalt  }
0x48: {  	_ =	shalt  }
0x49: {  	_ =	shalt  }
0x4a: {  	_ =	shalt  }
0x4b: {  	_ =	shalt  }
0x4c: {  	_ =	shalt  }
0x4d: {  	_ =	shalt  }
0x4e: {  	_ =	shalt  }
0x4f: {  	_ =	shalt  }
0x50: {  	_ =	shalt  }
0x51: {  	_ =	shalt  }
0x52: {  	_ =	shalt  }
0x53: {  	_ =	shalt  }
0x54: {  	_ =	shalt  }
0x55: {  	_ =	shalt  }
0x56: {  	_ =	shalt  }
0x57: {  	_ =	shalt  }
0x58: {  	_ =	shalt  }
0x59: {  	_ =	shalt  }
0x5a: {  	_ =	shalt  }
0x5b: {  	_ =	shalt  }
0x5c: {  	_ =	shalt  }
0x5d: {  	_ =	shalt  }
0x5e: {  	_ =	shalt  }
0x5f: {  	_ =	shalt  }
0x60: {  	_ =	shalt  }
0x61: {  	_ =	shalt  }
0x62: {  	_ =	shalt  }
0x63: {  	_ =	shalt  }
0x64: {  	_ =	shalt  }
0x65: {  	_ =	shalt  }
0x66: {  	_ =	shalt  }
0x67: {  	_ =	shalt  }
0x68: {  	_ =	shalt  }
0x69: {  	_ =	shalt  }
0x6a: {  	_ =	shalt  }
0x6b: {  	_ =	shalt  }
0x6c: {  	_ =	shalt  }
0x6d: {  	_ =	shalt  }
0x6e: {  	_ =	shalt  }
0x6f: {  	_ =	shalt  }
0x70: {  	_ =	shalt  }
0x71: {  	_ =	shalt  }
0x72: {  	_ =	shalt  }
0x73: {  	_ =	shalt  }
0x74: {  	_ =	shalt  }
0x75: {  	_ =	shalt  }
0x76: {  	_ =	shalt  }
0x77: {  	_ =	shalt  }
0x78: {  	_ =	shalt  }
0x79: {  	_ =	shalt  }
0x7a: {  	_ =	shalt  }
0x7b: {  	_ =	shalt  }
0x7c: {  	_ =	shalt  }
0x7d: {  	_ =	shalt  }
0x7e: {  	_ =	shalt  }
0x7f: {  	_ =	shalt  }
0x80: {  	_ =	shalt  }
0x81: {  	_ =	shalt  }
0x82: {  	_ =	shalt  }
0x83: {  	_ =	shalt  }
0x84: {  	_ =	shalt  }
0x85: {  	_ =	shalt  }
0x86: {  	_ =	shalt  }
0x87: {  	_ =	shalt  }
.Lfunc_end0:
.L_simem_size_0:
called_computation.1_lowered:
.L_overlay_start_0:
0x88: {  	s2 =	sld [smem:$0x3FD9]  }
0x89: {  	s3 =	sld [smem:$0x3FFE];
	_ =	sdelay $0x1  }
0x8a: {  	s1 =	srdreg.scid  }
0x8b: {  	s0 =	sand.u32 $0x1, s1  }
0x8c: {  	s16 =	sshll.u32 s0, $0xA;
	s2 =	sadd.s32 s3, s2  }
0x8d: {  	s2 =	sadd.s32 s2, s16  }
0x8e: {  	[smem:$0x3FC2] =	sst s2  }
0x8f: {  	_ = 	snop  }
0x90: {  	(tm) =	ssettm $0x1  }
0x91: {  	s17 =	sld [smem:$0x3FFB];
	_ =	sdelay $0x3  }
0x92: {  	_ =	strace s17  }
0x93: {  	s2 =	sld [smem:$0x3FFC];
	_ =	sdelay $0x3  }
0x94: {  	_ =	strace s2  }
0x95: {  	s2 =	sld [smem:$0x3FFD];
	_ =	sdelay $0x3  }
0x96: {  	_ =	strace s2  }
0x97: {  	_ =	strace $0x8FFFFFFF  }
0x98: {  	s18 =	sld [smem:$0x3FDB];
	_ =	sdelay $0x1  }
0x99: {  	s19 =	simm.s32 $_scs_section_size  }
0x9a: {  	s4 =	simm.s32 $_size__tile_overlayer_lowered;
	s5 =	simm.s32 $_tile_overlayer_lowered  }
0x9b: {  	s22 =	simm.s32 $0x1BFF;
	s21 =	sshll.u32 s5, $0x1;
	s2 =	sadd.s32 s19, s18  }
0x9c: {  	s6 =	simm.s32 $0x0;
	s20 =	sshll.u32 s4, $0x1;
	s4 =	sadd.s32 s21, s2  }
0x9d: {  	[timem:s6], [sflag:s22] =	dma.local [hbm:s4], s20  }
0x9e: {  	_ =	swait.ge [sflag:s22], s20  }
0x9f: {  	s3 =	ssub.s32 $0x0, s20;
	[sflag:s22] =	ssyncset.done $0x0  }
0xa0: {  	[sflag:s22] =	ssyncadd.s32 s3;
	_ =	sdelay $0x1  }
0xa1: {  	s23 =	simm.s32 $0x1B8B  }
0xa2: {  	_ =	swait.ge [sflag:s23], $0x1  }
0xa3: {  	[sflag:s23] =	ssyncset.done $0x0  }
0xa4: {  	s25 =	simm.s32 $0x1B8E;
	s24 =	sld [smem:$0x3FFE];
	[sflag:s23] =	ssyncadd.s32 $0xFFFFFFFF  }
0xa5: {  	s26 =	simm.s32 $execute0_lowered;
	[smem:$0x3FD2] =	sst s25  }
0xa6: {  	s4 =	sshll.u32 s26, $0x1;
	_ =	strace $0x80000049;
	[dreg:$0x1] =	wrdreg $0xFFFFFFFF  }
0xa7: {  	s28 =	simm.s32 $_size_execute0_lowered;
	s2 =	sadd.s32 s2, s4;
	[dreg:$0x0] =	wrdreg $0x0  }
0xa8: {  	s4 =	sshll.u32 s28, $0x1;
	[dreg:$0x2] =	wrdreg s2  }
0xa9: {  	[dreg:$0x3] =	wrdreg s4  }
0xaa: {  	[dreg:$0x4] =	wrdreg $0xC0  }
0xab: {  	_ =	task [dreg:s6], $0x5FFFF  }
0xac: {  	[dreg:$0x1] =	wrdreg $0xFFFFFFFF  }
0xad: {  	[dreg:$0x0] =	wrdreg $0x60  }
0xae: {  	[dreg:$0x2] =	wrdreg s24  }
0xaf: {  	[dreg:$0x3] =	wrdreg $0x113800  }
0xb0: {  	[dreg:$0x4] =	wrdreg $0x9  }
0xb1: {  	_ =	task.clear_ibuf [dreg:s6], $0x5FFFF;
	_ =	strace $0x90000049  }
0xb2: {  	s29 =	simm.s32 $0x9;
	_ =	strace $0x8000004B  }
0xb3: {  	_ =	swait.ge [sflag:s29], $0x1  }
0xb4: {  	[sflag:s29] =	ssyncadd.s32 $0xFFFFFFFF  }
0xb5: {  	_ =	strace $0x9000004B  }
0xb6: {  	_ =	sfence  }
0xb7: {  	s30 =	sld [smem:$0x0];
	_ =	sdelay $0x2  }
0xb8: {  	s31 =	sshll.u32 s1, $0xD;
	s1 =	sshrl.u32 s1, $0x2  }
0xb9: {  	s3 =	sand.u32 $0x4000, s31;
	s1 =	sadd.s32 s1, s30  }
0xba: {  	s0 =	sor.u32 s3, s0;
	s1 =	sshll.u32 s1, $0x11  }
0xbb: {  	s0 =	sor.u32 s1, s0  }
0xbc: {  	s0 =	sadd.s32 $0x8F2B, s0  }
0xbd: {  	[sflag:s0] =	ssyncadd.remote.s32 $0x1  }
0xbe: {  	_ =	sfence.sel $0xFFFF  }
0xbf: {  	[dreg:$0x0] =	wrdreg $0xFFFFFFFF;
	(pc) =	sbr.abs _section_cstart, $3  }
0xc0: {  	[dreg:$0x1] =	wrdreg $0xFFFFFFFF  }
0xc1: {  	_ =	task.clear_ibuf [dreg:s6], $0x2FFFF;
	_ =	strace $0x9FFFFFFF  }
0xc2: {  	(tm) =	ssettm $0x7FFFFFFF  }
0xc3: {  	_ =	shalt  }
tec
execute0_lowered:
.L_overlay_start_1:
0x0: {  	(tag) =	ssettag $0x1  }
0x1: {  	s5 =	rddreg [dreg:$0x0]  }
0x2: {  	s1 =	rddreg [dreg:$0x1];
	s20 =	simm.s32 $0x0;
	s0 =	stileid.u32  }
0x3: {  	s6 =	srdreg.scid;
	[smem:$0x7FF] =	sst s20  }
0x4: {  	s11 =	sadd.s32 $0x1A00, s5;
	s13 =	sadd.s32 $0xC5000, s5;
	s7 =	smul.u32 $0x1870, s0  }
0x5: {  	s4 =	sadd.s32 $0x30F600, s5;
	s8 =	sand.u32 $0x1, s6;
	s10 =	smul.u32 $0xC380, s0  }
0x6: {  	s30 =	sshll.u32 s0, $0x1;
	s18 =	smul.u32 $0x186, s0;
	p0 =	slt.u32 s0, $0x5  }
0x7: {  	_ =	strace $0x8000004A;
	s9 =	ssub.s32 $0x2, s8;
	s6 =	sor.u32 s8, s30  }
0x8: {  	s16 =	smul.u32 $0xC3, s8;
	s12 =	sadd.s32 s7, s5;
	s31 =	sshrl.u32 s9, $0x1  }
0x9: {  	s2 =	smul.u32 $0xC3, s6;
	s17 =	sshrl.u32 s10, $0x3;
	s15 =	smin.u32 s6, $0xA  }
0xa: {  	s7 =	simm.s32 $0xC4;
	s5 =	simm.s32 $0x5000;
	s14 =	ssub.s32 s9, s31  }
0xb: {  	s3 =	sadd.s32 s4, s17;
	s17 =	smul.u32 $0x18700, s8;
	s21 =	sadd.s32 s16, s18  }
0xc: {  	s7 =	simm.s32 @!p0 $0xC3;
	s18 =	simm.s32 $0x80;
	[dreg:$0x3] =	wrdreg s3  }
0xd: {  	s3 =	sadd.s32 s10, s1;
	s19 =	sadd.s32 s15, s2;
	s23 =	sadd.s32 s15, s21  }
0xe: {  	s29 =	smax.u32 s14, $0x1;
	s21 =	simm.s32 $0x0;
	s22 =	sshll.u32 s19, $0x7  }
0xf: {  	s12 =	sadd.s32 s17, s12;
	[dreg:$0x7] =	wrdreg s29;
	s24 =	sadd.s32 s11, s22  }
0x10: {  	s15 =	sshll.u32 s23, $0x7;
	s25 =	sadd.s32 s13, s22;
	[dreg:$0x4] =	wrdreg s24  }
0x11: {  	s26 =	sadd.s32 $0x188600, s12;
	s28 =	sadd.s32 s15, s11;
	[dreg:$0x5] =	wrdreg s25  }
0x12: {  	s13 =	sadd.s32 s15, s13;
	[dreg:$0x6] =	wrdreg s26;
	s30 =	sadd.s32 $0x80, s28  }
0x13: {  	s17 =	simm.s32 $0x1;
	s31 =	sadd.s32 $0x80, s13;
	[dreg:$0x8] =	wrdreg s30  }
0x14: {  	s19 =	simm.s32 $0x2;
	s15 =	simm.s32 $0x4;
	[dreg:$0x9] =	wrdreg s31  }
.LBB2_1:
0x15: {  	s0 =	rddreg [dreg:$0x3]  }
0x16: {  	[tilespmem:s5], [sflag:$0x4] =	stream.linear.gather [hbm4b:s0+s20], $0xC380, $0x38;
	[tilespmem:$0x1D700] =	vst v63  }
0x17: {  	_ =	swait.ge [sflag:s15], $0xC380  }
0x18: {  	[sflag:s15] =	ssyncset.done $0x0  }
0x19: {  	[sflag:s15] =	ssyncadd.s32 $0xFFFF3C80  }
0x1a: {  	[spmem:s3] =	stream.linear.scatter [tilespmem:s5], [sflag:$0x4], $0xC380, $0x38;
	[tilespmem:$0x1D700] =	vst v63  }
0x1b: {  	_ =	swait.ge [sflag:s15], $0xC380  }
0x1c: {  	[sflag:s15] =	ssyncset.done $0x0  }
0x1d: {  	[sflag:s15] =	ssyncadd.s32 $0xFFFF3C80  }
0x1e: {  	[bflag:$0x0] =	sbarrier.arrive $0xFFFF  }
0x1f: {  	s29 =	rddreg [dreg:$0x4]  }
0x20: {  	[tilespmem:s20], [sflag:$0x1] =	stream.linear.gather [hbm4b:s29+s20], $0x400, $0x38;
	[tilespmem:$0x1D700] =	vst v63  }
0x21: {  	s31 =	simm.s32 $0x800;
	s30 =	rddreg [dreg:$0x5]  }
0x22: {  	[tilespmem:s31], [sflag:$0x1] =	stream.linear.gather [hbm4b:s30+s20], $0x400, $0x38;
	[tilespmem:$0x1D700] =	vst v63  }
0x23: {  	_ =	swait.ge [sflag:s17], $0x400  }
0x24: {  	[sflag:s17] =	ssyncset.done $0x0  }
0x25: {  	[sflag:s17] =	ssyncadd.s32 $0xFFFFFC00  }
0x26: {  	s22 =	sand.u32 $0x1, s20;
	_ =	swait.ge [sflag:s17], $0x400  }
0x27: {  	s23 =	sshll.u32 s22, $0xD;
	[sflag:s17] =	ssyncset.done $0x0  }
0x28: {  	s22 =	sshll.u32 s22, $0xA;
	s24 =	sor.u32 $0x1000, s23;
	[sflag:s17] =	ssyncadd.s32 $0xFFFFFC00  }
0x29: {  	[tilespmem:s24], [sflag:$0x2] =	stream.indirect.gather [hbm4b:s4+s18], $0x8, s22, s18, $0xb8;
	[tilespmem:$0x1D700] =	vst v63  }
0x2a: {  	s26 =	sor.u32 $0x1400, s23;
	s28 =	sor.u32 $0x80, s22  }
0x2b: {  	[tilespmem:s26], [sflag:$0x2] =	stream.indirect.gather [hbm4b:s4+s18], $0x8, s28, s18, $0xb8;
	[tilespmem:$0x1D700] =	vst v63  }
0x2c: {  	s29 =	sor.u32 $0x1800, s23;
	s30 =	sor.u32 $0x100, s22  }
0x2d: {  	[tilespmem:s29], [sflag:$0x2] =	stream.indirect.gather [hbm4b:s4+s18], $0x8, s30, s18, $0xb8;
	[tilespmem:$0x1D700] =	vst v63  }
0x2e: {  	s2 =	smov.u32 s3;
	s3 =	sor.u32 $0x180, s22;
	s31 =	sor.u32 $0x1C00, s23  }
0x2f: {  	[tilespmem:s31], [sflag:$0x2] =	stream.indirect.gather [hbm4b:s4+s18], $0x8, s3, s18, $0xb8;
	[tilespmem:$0x1D700] =	vst v63  }
0x30: {  	s16 =	sor.u32 $0x200, s22;
	s5 =	sadd.s32 $0x2000, s23  }
0x31: {  	[tilespmem:s5], [sflag:$0x2] =	stream.indirect.gather [hbm4b:s4+s18], $0x8, s16, s18, $0xb8;
	[tilespmem:$0x1D700] =	vst v63  }
0x32: {  	s13 =	sadd.s32 $0x2400, s23;
	s8 =	sor.u32 $0x280, s22  }
0x33: {  	[tilespmem:s13], [sflag:$0x2] =	stream.indirect.gather [hbm4b:s4+s18], $0x8, s8, s18, $0xb8;
	[tilespmem:$0x1D700] =	vst v63  }
0x34: {  	p0 =	por $0x1, $0x1;
	s9 =	sadd.s32 $0x2800, s23;
	s10 =	sor.u32 $0x300, s22  }
0x35: {  	[tilespmem:s9], [sflag:$0x2] =	stream.indirect.gather [hbm4b:s4+s18], $0x8, s10, s18, $0xb8;
	[tilespmem:$0x1D700] =	vst v63  }
0x36: {  	s11 =	simm.s32 @!p0 $0x3;
	s25 =	sadd.s32 $0x2C00, s23;
	s14 =	sor.u32 $0x380, s22  }
0x37: {  	[tilespmem:s25], [sflag:$0x2] =	stream.indirect.gather [hbm4b:s4+s18], $0x8, s14, s18, $0xb8;
	[tilespmem:$0x1D700] =	vst v63  }
0x38: {  	p1 =	sle.u32 s7, $0x1;
	_ =	swait.ge @!p0 [sflag:s11], $0x2000  }
0x39: {  	s20 =	ssub.s32 @!p1 $0x400, s22;
	[sflag:s11] =	ssyncset.done @!p0 $0x0  }
0x3a: {  	s6 =	rddreg [dreg:$0x8];
	[sflag:s11] =	ssyncadd.s32 @!p0 $0xFFFFE000;
	s11 =	simm.s32 @!p1 $0x0  }
0x3b: {  	[tilespmem:s20], [sflag:$0x1] =	stream.linear.gather @!p1 [hbm4b:s6+s11], $0x400, $0x38;
	[tilespmem:$0x1D700] =	vst v63  }
0x3c: {  	s12 =	rddreg [dreg:$0x9];
	s20 =	ssub.s32 @!p1 $0xC00, s22  }
0x3d: {  	[tilespmem:s20], [sflag:$0x1] =	stream.linear.gather @!p1 [hbm4b:s12+s11], $0x400, $0x38;
	[tilespmem:$0x1D700] =	vst v63  }
0x3e: {  	_ =	swait.ge [sflag:s19], $0x2000  }
0x3f: {  	[sflag:s19] =	ssyncset.done $0x0  }
0x40: {  	s22 =	sor.u32 $0x800, s22;
	[sflag:s19] =	ssyncadd.s32 $0xFFFFE000  }
0x41: {  	[spmem:s1] =	stream.indirect.scatter.add.f32 [tilespmem:s24], [sflag:$0x3], $0x8, s22, s18, $0xb8;
	[tilespmem:$0x1D700] =	vst v63  }
0x42: {  	s24 =	sor.u32 $0x800, s28  }
0x43: {  	[spmem:s1] =	stream.indirect.scatter.add.f32 [tilespmem:s26], [sflag:$0x3], $0x8, s24, s18, $0xb8;
	[tilespmem:$0x1D700] =	vst v63  }
0x44: {  	s28 =	sor.u32 $0x800, s30  }
0x45: {  	[spmem:s1] =	stream.indirect.scatter.add.f32 [tilespmem:s29], [sflag:$0x3], $0x8, s28, s18, $0xb8;
	[tilespmem:$0x1D700] =	vst v63  }
0x46: {  	s0 =	sor.u32 $0x800, s3  }
0x47: {  	[spmem:s1] =	stream.indirect.scatter.add.f32 [tilespmem:s31], [sflag:$0x3], $0x8, s0, s18, $0xb8;
	[tilespmem:$0x1D700] =	vst v63  }
0x48: {  	p0 =	sne.s32 s7, $0x1;
	s29 =	sor.u32 $0x800, s16  }
0x49: {  	[spmem:s1] =	stream.indirect.scatter.add.f32 [tilespmem:s5], [sflag:$0x3], $0x8, s29, s18, $0xb8;
	[tilespmem:$0x1D700] =	vst v63  }
.Ltmp0:
0x4a: {  	_ = 	snop;
	(pc) =	sbr.rel @!p0 .LBB2_3-.Ltmp0, $4  }
0x4b: {  	s23 =	smov.u32 s6;
	s30 =	sor.u32 $0x800, s8;
	s22 =	simm.s32 $0x1  }
0x4c: {  	[spmem:s1] =	stream.indirect.scatter.add.f32 [tilespmem:s13], [sflag:$0x3], $0x8, s30, s18, $0xb8;
	[tilespmem:$0x1D700] =	vst v63  }
0x4d: {  	s26 =	sor.u32 $0x800, s14;
	s24 =	smov.u32 s12;
	s31 =	sor.u32 $0x800, s10  }
0x4e: {  	[spmem:s1] =	stream.indirect.scatter.add.f32 [tilespmem:s9], [sflag:$0x3], $0x8, s31, s18, $0xb8;
	[tilespmem:$0x1D700] =	vst v63  }
.LBB2_2:
0x4f: {  	s23 =	sadd.s32 $0x80, s23  }
0x50: {  	s24 =	sadd.s32 $0x80, s24;
	s0 =	smov.u32 s22;
	s22 =	sadd.s32 $0x1, s22  }
0x51: {  	[spmem:s1] =	stream.indirect.scatter.add.f32 [tilespmem:s25], [sflag:$0x3], $0x8, s26, s18, $0xb8;
	[tilespmem:$0x1D700] =	vst v63  }
0x52: {  	p0 =	sne.s32 s7, s22;
	_ =	swait.ge [sflag:s17], $0x400  }
0x53: {  	[sflag:s17] =	ssyncset.done $0x0  }
0x54: {  	[sflag:s17] =	ssyncadd.s32 $0xFFFFFC00  }
0x55: {  	s3 =	sand.u32 $0x1, s0;
	_ =	swait.ge [sflag:s17], $0x400  }
0x56: {  	s5 =	sshll.u32 s3, $0xD;
	[sflag:s17] =	ssyncset.done $0x0  }
0x57: {  	s3 =	sshll.u32 s3, $0xA;
	s26 =	sor.u32 $0x1000, s5;
	[sflag:s17] =	ssyncadd.s32 $0xFFFFFC00  }
0x58: {  	[tilespmem:s26], [sflag:$0x2] =	stream.indirect.gather [hbm4b:s4+s18], $0x8, s3, s18, $0xb8;
	[tilespmem:$0x1D700] =	vst v63  }
0x59: {  	s28 =	sor.u32 $0x1400, s5;
	s8 =	sor.u32 $0x80, s3  }
0x5a: {  	[tilespmem:s28], [sflag:$0x2] =	stream.indirect.gather [hbm4b:s4+s18], $0x8, s8, s18, $0xb8;
	[tilespmem:$0x1D700] =	vst v63  }
0x5b: {  	s29 =	sor.u32 $0x1800, s5;
	s9 =	sor.u32 $0x100, s3  }
0x5c: {  	[tilespmem:s29], [sflag:$0x2] =	stream.indirect.gather [hbm4b:s4+s18], $0x8, s9, s18, $0xb8;
	[tilespmem:$0x1D700] =	vst v63  }
0x5d: {  	s30 =	sor.u32 $0x1C00, s5;
	s10 =	sor.u32 $0x180, s3  }
0x5e: {  	[tilespmem:s30], [sflag:$0x2] =	stream.indirect.gather [hbm4b:s4+s18], $0x8, s10, s18, $0xb8;
	[tilespmem:$0x1D700] =	vst v63  }
0x5f: {  	s11 =	sadd.s32 $0x2000, s5;
	s16 =	sor.u32 $0x200, s3  }
0x60: {  	[tilespmem:s11], [sflag:$0x2] =	stream.indirect.gather [hbm4b:s4+s18], $0x8, s16, s18, $0xb8;
	[tilespmem:$0x1D700] =	vst v63  }
0x61: {  	s20 =	sadd.s32 $0x2400, s5;
	s31 =	sor.u32 $0x280, s3  }
0x62: {  	[tilespmem:s20], [sflag:$0x2] =	stream.indirect.gather [hbm4b:s4+s18], $0x8, s31, s18, $0xb8;
	[tilespmem:$0x1D700] =	vst v63  }
0x63: {  	s6 =	sadd.s32 $0x2800, s5;
	s14 =	sor.u32 $0x300, s3  }
0x64: {  	[tilespmem:s6], [sflag:$0x2] =	stream.indirect.gather [hbm4b:s4+s18], $0x8, s14, s18, $0xb8;
	[tilespmem:$0x1D700] =	vst v63  }
0x65: {  	p1 =	seq.s32 s0, $0x0;
	s25 =	sadd.s32 $0x2C00, s5;
	s5 =	sor.u32 $0x380, s3  }
0x66: {  	[tilespmem:s25], [sflag:$0x2] =	stream.indirect.gather [hbm4b:s4+s18], $0x8, s5, s18, $0xb8;
	[tilespmem:$0x1D700] =	vst v63  }
0x67: {  	s0 =	simm.s32 @!p1 $0x3  }
0x68: {  	p2 =	sge.u32 s22, s7;
	_ =	swait.ge @!p1 [sflag:s0], $0x2000  }
0x69: {  	s13 =	simm.s32 @!p2 $0x0;
	s12 =	ssub.s32 @!p2 $0x400, s3;
	[sflag:s0] =	ssyncset.done @!p1 $0x0  }
0x6a: {  	[sflag:s0] =	ssyncadd.s32 @!p1 $0xFFFFE000  }
0x6b: {  	[tilespmem:s12], [sflag:$0x1] =	stream.linear.gather @!p2 [hbm4b:s23+s13], $0x400, $0x38;
	[tilespmem:$0x1D700] =	vst v63  }
0x6c: {  	s0 =	ssub.s32 @!p2 $0xC00, s3  }
0x6d: {  	[tilespmem:s0], [sflag:$0x1] =	stream.linear.gather @!p2 [hbm4b:s24+s13], $0x400, $0x38;
	[tilespmem:$0x1D700] =	vst v63  }
0x6e: {  	_ =	swait.ge [sflag:s19], $0x2000  }
0x6f: {  	s0 =	sor.u32 $0x800, s3;
	[sflag:s19] =	ssyncset.done $0x0  }
0x70: {  	s3 =	sor.u32 $0x800, s8;
	[sflag:s19] =	ssyncadd.s32 $0xFFFFE000  }
0x71: {  	[spmem:s1] =	stream.indirect.scatter.add.f32 [tilespmem:s26], [sflag:$0x3], $0x8, s0, s18, $0xb8;
	[tilespmem:$0x1D700] =	vst v63  }
0x72: {  	s0 =	sor.u32 $0x800, s9  }
0x73: {  	[spmem:s1] =	stream.indirect.scatter.add.f32 [tilespmem:s28], [sflag:$0x3], $0x8, s3, s18, $0xb8;
	[tilespmem:$0x1D700] =	vst v63  }
0x74: {  	s3 =	sor.u32 $0x800, s10  }
0x75: {  	[spmem:s1] =	stream.indirect.scatter.add.f32 [tilespmem:s29], [sflag:$0x3], $0x8, s0, s18, $0xb8;
	[tilespmem:$0x1D700] =	vst v63  }
0x76: {  	s0 =	sor.u32 $0x800, s16  }
0x77: {  	[spmem:s1] =	stream.indirect.scatter.add.f32 [tilespmem:s30], [sflag:$0x3], $0x8, s3, s18, $0xb8;
	[tilespmem:$0x1D700] =	vst v63  }
0x78: {  	s3 =	sor.u32 $0x800, s31  }
0x79: {  	[spmem:s1] =	stream.indirect.scatter.add.f32 [tilespmem:s11], [sflag:$0x3], $0x8, s0, s18, $0xb8;
	[tilespmem:$0x1D700] =	vst v63  }
.Ltmp1:
0x7a: {  	_ = 	snop;
	(pc) =	sbr.rel @p0 .LBB2_2-.Ltmp1, $4  }
0x7b: {  	s0 =	sor.u32 $0x800, s14  }
0x7c: {  	[spmem:s1] =	stream.indirect.scatter.add.f32 [tilespmem:s20], [sflag:$0x3], $0x8, s3, s18, $0xb8;
	[tilespmem:$0x1D700] =	vst v63  }
0x7d: {  	s26 =	sor.u32 $0x800, s5  }
0x7e: {  	[spmem:s1] =	stream.indirect.scatter.add.f32 [tilespmem:s6], [sflag:$0x3], $0x8, s0, s18, $0xb8;
	[tilespmem:$0x1D700] =	vst v63  }
.LBB2_3:
0x7f: {  	[spmem:s1] =	stream.indirect.scatter.add.f32 [tilespmem:s25], [sflag:$0x3], $0x8, s26, s18, $0xb8;
	[tilespmem:$0x1D700] =	vst v63  }
0x80: {  	s0 =	simm.s32 $0x3  }
0x81: {  	_ =	swait.ge [sflag:s0], $0x2000  }
0x82: {  	[sflag:s0] =	ssyncset.done $0x0  }
0x83: {  	[sflag:s0] =	ssyncadd.s32 $0xFFFFE000  }
0x84: {  	s5 =	simm.s32 $0x5000;
	[bflag:$0x0] =	sbarrier.arrive $0xFFFF  }
0x85: {  	[tilespmem:s5], [sflag:$0x4] =	stream.linear.gather [spmem:s2], $0xC380, $0x38;
	[tilespmem:$0x1D700] =	vst v63  }
0x86: {  	_ =	swait.ge [sflag:s15], $0xC380  }
0x87: {  	[sflag:s15] =	ssyncset.done $0x0  }
0x88: {  	s20 =	simm.s32 $0x0;
	s30 =	rddreg [dreg:$0x6];
	[sflag:s15] =	ssyncadd.s32 $0xFFFF3C80  }
0x89: {  	[hbm4b:s30+s20] =	stream.linear.scatter [tilespmem:s5], [sflag:$0x4], $0xC380, $0x38;
	[tilespmem:$0x1D700] =	vst v63  }
0x8a: {  	_ =	swait.ge [sflag:s15], $0xC380  }
0x8b: {  	s21 =	sadd.s32 $0x1, s21;
	s31 =	rddreg [dreg:$0x7]  }
0x8c: {  	p0 =	sne.s32 s21, s31  }
.Ltmp2:
0x8d: {  	_ = 	snop;
	(pc) =	sbr.rel @p0 .LBB2_1-.Ltmp2, $3  }
0x8e: {  	_ =	sdelay $0x1  }
0x8f: {  	[sflag:s15] =	ssyncset.done $0x0  }
0x90: {  	s3 =	smov.u32 s2;
	[sflag:s15] =	ssyncadd.s32 $0xFFFF3C80  }
0x91: {  	_ =	sfence.sel $0x180000  }
0x92: {  	[bflag:$0x0] =	sbarrier.arrive $0xFFFF  }
0x93: {  	_ =	strace $0x9000004A  }
0x94: {  	s0 =	stileid.u32;
	[bflag:$0x2] =	sbarrier.arrive $0xFFFF  }
0x95: {  	p0 =	sne.s32 s0, $0x0;
	s0 =	rddreg [dreg:$0x2]  }
0x96: {  	s0 =	sadd.s32 @!p0 $0x100000, s0  }
0x97: {  	[sflag:s0] =	ssyncadd.tile.s32 @!p0 $0x1;
	_ =	shalt  }
.Lfunc_end2:
_tile_overlayer_lowered:
.L_overlay_start_2:
0x98: {  	(tag) =	ssettag $0x2  }
0x99: {  	s0 =	rddreg [dreg:$0x0];
	s2 =	stileid.u32  }
0x9a: {  	s1 =	rddreg [dreg:$0x1];
	p0 =	sne.s32 s2, $0x0  }
0x9b: {  	s3 =	rddreg [dreg:$0x2];
	[bflag:$0x3] =	sbarrier.arrive $0xFFFF;
	s2 =	simm.s32 @!p0 $0x1C04  }
0x9c: {  	[timem:s3], [sflag:s2] =	dma.local @!p0 [hbm:s0], s1  }
0x9d: {  	s0 =	simm.s32 @!p0 $0x4  }
0x9e: {  	_ =	swait.ge @!p0 [sflag:s0], s1  }
0x9f: {  	s1 =	ssub.s32 @!p0 $0x0, s1;
	[sflag:s0] =	ssyncset.done @!p0 $0x0  }
0xa0: {  	[sflag:s0] =	ssyncadd.s32 @!p0 s1  }
0xa1: {  	[bflag:$0x3] =	sbarrier.arrive $0xFFFF  }
0xa2: {  	_ =	shalt  }

// kernel: kernel.14.cloned.1.call-start
scs
__scs_entry_jumppad:
0x0: {  	(pc) =	sbr.rel $0x88, $3  }
0x1: {  	(tag) =	ssettag $0x0;
	lr =	simm.s32 $0x1  }
0x2: {  	[smem:$0x3F9B] =	sst lr;
	_ =	strace $0xD0000000  }
0x3: {  	_ = 	snop  }
0x4: {  	_ = 	snop  }
0x5: {  	_ = 	snop  }
0x6: {  	_ = 	snop  }
0x7: {  	_ = 	snop  }
__scs_overlays_trampoline_lowered:
0x8: {  	[smem:$0x3FAA] =	sst s0  }
0x9: {  	[smem:$0x3FAB] =	sst s1  }
0xa: {  	[smem:$0x3FAC] =	sst s2  }
0xb: {  	[smem:$0x3FAD] =	sst s3  }
0xc: {  	[smem:$0x3FAE] =	sst s4  }
0xd: {  	[smem:$0x3FAF] =	sst s5  }
0xe: {  	[smem:$0x3FB0] =	sst s6  }
0xf: {  	[smem:$0x3FB1] =	sst s7  }
0x10: {  	[smem:$0x3FB2] =	sst s8  }
0x11: {  	[smem:$0x3FB3] =	sst s9;
	s0 =	simm.s32 @!p0 $0x0  }
0x12: {  	s1 =	sld [smem:$0x3F99];
	s0 =	simm.s32 @p0 $0x1  }
0x13: {  	[smem:$0x3FB4] =	sst s0;
	s0 =	simm.s32 @!p1 $0x0  }
0x14: {  	s2 =	sld [smem:$0x3F98];
	s0 =	simm.s32 @p1 $0x1  }
0x15: {  	[smem:$0x3FB5] =	sst s0;
	s0 =	simm.s32 @!p2 $0x0  }
0x16: {  	s3 =	sld [smem:$0x3FDB];
	s0 =	simm.s32 @p2 $0x1  }
0x17: {  	s4 =	simm.s32 $0x1BF5;
	[smem:$0x3FB7] =	sst s0  }
0x18: {  	s0 =	sld [smem:$0x3F9A];
	_ =	swait.ge [sflag:s4], $0x0  }
0x19: {  	s7 =	sld [smem:$0x3F9B]  }
0x1a: {  	s8 =	sadd.s32 $0xFFFFE003, lr  }
0x1b: {  	s9 =	sadd.s32 $0xFFFFFEF7, lr;
	s5 =	simm.s32 $0xFFFFFFFF;
	p2 =	slt.u32 s8, $0xFFFFF086  }
0x1c: {  	p1 =	slt.u32 s9, $0xF7A;
	s5 =	simm.s32 @!p2 $0x0  }
0x1d: {  	s5 =	simm.s32 @p1 $0x1;
	p0 =	seq.s32 s7, s2  }
0x1e: {  	s7 =	smul.u32 @!p0 $0xF7A, s2;
	p2 =	seq.s32 @!p0 s5, $0x0  }
0x1f: {  	s9 =	smul.u32 $0xF7A, s1;
	s8 =	simm.s32 @!p0 $0x1BF5;
	p2 =	por !p2, p0  }
0x20: {  	[sflag:s8] =	ssyncset.s32 @!p0 $0xFFFFF086;
	s6 =	sadd.s32 @!p0 s3, s7;
	s7 =	simm.s32 @!p0 $0x108  }
0x21: {  	s3 =	sadd.s32 s3, s9;
	s6 =	sadd.s32 @!p0 $0x88, s6;
	s7 =	simm.s32 @p2 $0x1082  }
0x22: {  	[simem:s7], [sflag:s8] =	dma.local @!p0 [hbm:s6], $0xF7A  }
0x23: {  	s9 =	sor.u32 $0xD0000000, s2;
	s6 =	simm.s32 $0x108;
	_ =	swait.ge @!p0 [sflag:s8], $0x0  }
0x24: {  	s3 =	sadd.s32 $0x88, s3;
	s6 =	simm.s32 @!p1 $0x1082;
	[sflag:s4] =	ssyncset.s32 $0xFFFFF086  }
0x25: {  	[simem:s6], [sflag:s4] =	dma.local [hbm:s3], $0xF7A  }
0x26: {  	[smem:$0x3F9B] =	sst s1;
	(tag) =	ssettag s2;
	_ =	strace s9  }
0x27: {  	s1 =	sld [smem:$0x3FAB]  }
0x28: {  	s2 =	sld [smem:$0x3FAC]  }
0x29: {  	s4 =	sld [smem:$0x3FAE]  }
0x2a: {  	p0 =	seq.s32 s5, $0x0;
	s5 =	sld [smem:$0x3FAF]  }
0x2b: {  	s6 =	sld [smem:$0x3FB0]  }
0x2c: {  	s7 =	sld [smem:$0x3FB1]  }
0x2d: {  	s3 =	simm.s32 $0x108;
	s8 =	sld [smem:$0x3FB2]  }
0x2e: {  	s3 =	simm.s32 @!p0 $0x1082;
	s9 =	sld [smem:$0x3FB3]  }
0x2f: {  	lr =	sadd.s32 s0, s3;
	s0 =	sld [smem:$0x3FAA]  }
0x30: {  	s3 =	sld [smem:$0x3FAD]  }
0x31: {  	[smem:$0x3FB6] =	sst s10  }
0x32: {  	s10 =	sld [smem:$0x3FB4];
	_ =	sdelay $0x3  }
0x33: {  	p0 =	seq.s32 s10, $0x1;
	s10 =	sld [smem:$0x3FB6];
	_ =	sdelay $0x3  }
0x34: {  	[smem:$0x3FB6] =	sst s10  }
0x35: {  	s10 =	sld [smem:$0x3FB5];
	_ =	sdelay $0x3  }
0x36: {  	p1 =	seq.s32 s10, $0x1;
	s10 =	sld [smem:$0x3FB6];
	_ =	sdelay $0x3  }
0x37: {  	[smem:$0x3FB6] =	sst s10  }
0x38: {  	s10 =	sld [smem:$0x3FB7]  }
0x39: {  	_ = 	snop;
	(pc) =	sbr.ind lr, $3  }
0x3a: {  	_ = 	snop  }
0x3b: {  	_ = 	snop  }
0x3c: {  	p2 =	seq.s32 s10, $0x1;
	s10 =	sld [smem:$0x3FB6]  }
0x3d: {  	_ =	shalt  }
0x3e: {  	_ =	shalt  }
0x3f: {  	_ =	shalt  }
0x40: {  	_ =	shalt  }
0x41: {  	_ =	shalt  }
0x42: {  	_ =	shalt  }
0x43: {  	_ =	shalt  }
0x44: {  	_ =	shalt  }
0x45: {  	_ =	shalt  }
0x46: {  	_ =	shalt  }
0x47: {  	_ =	shalt  }
0x48: {  	_ =	shalt  }
0x49: {  	_ =	shalt  }
0x4a: {  	_ =	shalt  }
0x4b: {  	_ =	shalt  }
0x4c: {  	_ =	shalt  }
0x4d: {  	_ =	shalt  }
0x4e: {  	_ =	shalt  }
0x4f: {  	_ =	shalt  }
0x50: {  	_ =	shalt  }
0x51: {  	_ =	shalt  }
0x52: {  	_ =	shalt  }
0x53: {  	_ =	shalt  }
0x54: {  	_ =	shalt  }
0x55: {  	_ =	shalt  }
0x56: {  	_ =	shalt  }
0x57: {  	_ =	shalt  }
0x58: {  	_ =	shalt  }
0x59: {  	_ =	shalt  }
0x5a: {  	_ =	shalt  }
0x5b: {  	_ =	shalt  }
0x5c: {  	_ =	shalt  }
0x5d: {  	_ =	shalt  }
0x5e: {  	_ =	shalt  }
0x5f: {  	_ =	shalt  }
0x60: {  	_ =	shalt  }
0x61: {  	_ =	shalt  }
0x62: {  	_ =	shalt  }
0x63: {  	_ =	shalt  }
0x64: {  	_ =	shalt  }
0x65: {  	_ =	shalt  }
0x66: {  	_ =	shalt  }
0x67: {  	_ =	shalt  }
0x68: {  	_ =	shalt  }
0x69: {  	_ =	shalt  }
0x6a: {  	_ =	shalt  }
0x6b: {  	_ =	shalt  }
0x6c: {  	_ =	shalt  }
0x6d: {  	_ =	shalt  }
0x6e: {  	_ =	shalt  }
0x6f: {  	_ =	shalt  }
0x70: {  	_ =	shalt  }
0x71: {  	_ =	shalt  }
0x72: {  	_ =	shalt  }
0x73: {  	_ =	shalt  }
0x74: {  	_ =	shalt  }
0x75: {  	_ =	shalt  }
0x76: {  	_ =	shalt  }
0x77: {  	_ =	shalt  }
0x78: {  	_ =	shalt  }
0x79: {  	_ =	shalt  }
0x7a: {  	_ =	shalt  }
0x7b: {  	_ =	shalt  }
0x7c: {  	_ =	shalt  }
0x7d: {  	_ =	shalt  }
0x7e: {  	_ =	shalt  }
0x7f: {  	_ =	shalt  }
0x80: {  	_ =	shalt  }
0x81: {  	_ =	shalt  }
0x82: {  	_ =	shalt  }
0x83: {  	_ =	shalt  }
0x84: {  	_ =	shalt  }
0x85: {  	_ =	shalt  }
0x86: {  	_ =	shalt  }
0x87: {  	_ =	shalt  }
.Lfunc_end0:
.L_simem_size_0:
called_computation.2_lowered:
.L_overlay_start_0:
0x88: {  	s2 =	sld [smem:$0x3FD9]  }
0x89: {  	s3 =	sld [smem:$0x3FFE];
	_ =	sdelay $0x1  }
0x8a: {  	s1 =	srdreg.scid  }
0x8b: {  	s0 =	sand.u32 $0x1, s1  }
0x8c: {  	s16 =	sshll.u32 s0, $0xA;
	s2 =	sadd.s32 s3, s2  }
0x8d: {  	s2 =	sadd.s32 s2, s16  }
0x8e: {  	[smem:$0x3FC2] =	sst s2  }
0x8f: {  	_ = 	snop  }
0x90: {  	(tm) =	ssettm $0x1  }
0x91: {  	s17 =	sld [smem:$0x3FFB];
	_ =	sdelay $0x3  }
0x92: {  	_ =	strace s17  }
0x93: {  	s2 =	sld [smem:$0x3FFC];
	_ =	sdelay $0x3  }
0x94: {  	_ =	strace s2  }
0x95: {  	s2 =	sld [smem:$0x3FFD];
	_ =	sdelay $0x3  }
0x96: {  	_ =	strace s2  }
0x97: {  	_ =	strace $0x8FFFFFFF  }
0x98: {  	s18 =	sld [smem:$0x3FDB];
	_ =	sdelay $0x1  }
0x99: {  	s19 =	simm.s32 $_scs_section_size  }
0x9a: {  	s4 =	simm.s32 $_size__tile_overlayer_lowered;
	s5 =	simm.s32 $_tile_overlayer_lowered  }
0x9b: {  	s22 =	simm.s32 $0x1BFF;
	s21 =	sshll.u32 s5, $0x1;
	s2 =	sadd.s32 s19, s18  }
0x9c: {  	s6 =	simm.s32 $0x0;
	s20 =	sshll.u32 s4, $0x1;
	s4 =	sadd.s32 s21, s2  }
0x9d: {  	[timem:s6], [sflag:s22] =	dma.local [hbm:s4], s20  }
0x9e: {  	_ =	swait.ge [sflag:s22], s20  }
0x9f: {  	s3 =	ssub.s32 $0x0, s20;
	[sflag:s22] =	ssyncset.done $0x0  }
0xa0: {  	[sflag:s22] =	ssyncadd.s32 s3;
	_ =	sdelay $0x1  }
0xa1: {  	s23 =	simm.s32 $0x1B8B  }
0xa2: {  	_ =	swait.ge [sflag:s23], $0x1  }
0xa3: {  	[sflag:s23] =	ssyncset.done $0x0  }
0xa4: {  	s25 =	simm.s32 $0x1B8E;
	s24 =	sld [smem:$0x3FFE];
	[sflag:s23] =	ssyncadd.s32 $0xFFFFFFFF  }
0xa5: {  	s26 =	simm.s32 $execute0_lowered;
	[smem:$0x3FD2] =	sst s25  }
0xa6: {  	s4 =	sshll.u32 s26, $0x1;
	_ =	strace $0x8000004C;
	[dreg:$0x1] =	wrdreg $0xFFFFFFFF  }
0xa7: {  	s28 =	simm.s32 $_size_execute0_lowered;
	s2 =	sadd.s32 s2, s4;
	[dreg:$0x0] =	wrdreg $0x0  }
0xa8: {  	s4 =	sshll.u32 s28, $0x1;
	[dreg:$0x2] =	wrdreg s2  }
0xa9: {  	[dreg:$0x3] =	wrdreg s4  }
0xaa: {  	[dreg:$0x4] =	wrdreg $0xC0  }
0xab: {  	_ =	task [dreg:s6], $0x5FFFF  }
0xac: {  	[dreg:$0x1] =	wrdreg $0xFFFFFFFF  }
0xad: {  	[dreg:$0x0] =	wrdreg $0x60  }
0xae: {  	[dreg:$0x2] =	wrdreg s24  }
0xaf: {  	[dreg:$0x3] =	wrdreg $0x113800  }
0xb0: {  	[dreg:$0x4] =	wrdreg $0x9  }
0xb1: {  	_ =	task.clear_ibuf [dreg:s6], $0x5FFFF;
	_ =	strace $0x9000004C  }
0xb2: {  	s29 =	simm.s32 $0x9;
	_ =	strace $0x8000004E  }
0xb3: {  	_ =	swait.ge [sflag:s29], $0x1  }
0xb4: {  	[sflag:s29] =	ssyncadd.s32 $0xFFFFFFFF  }
0xb5: {  	_ =	strace $0x9000004E  }
0xb6: {  	_ =	sfence  }
0xb7: {  	s30 =	sld [smem:$0x0];
	_ =	sdelay $0x2  }
0xb8: {  	s31 =	sshll.u32 s1, $0xD;
	s1 =	sshrl.u32 s1, $0x2  }
0xb9: {  	s3 =	sand.u32 $0x4000, s31;
	s1 =	sadd.s32 s1, s30  }
0xba: {  	s0 =	sor.u32 s3, s0;
	s1 =	sshll.u32 s1, $0x11  }
0xbb: {  	s0 =	sor.u32 s1, s0  }
0xbc: {  	s0 =	sadd.s32 $0x8F2B, s0  }
0xbd: {  	[sflag:s0] =	ssyncadd.remote.s32 $0x1  }
0xbe: {  	_ =	sfence.sel $0xFFFF  }
0xbf: {  	[dreg:$0x0] =	wrdreg $0xFFFFFFFF;
	(pc) =	sbr.abs _section_cstart, $3  }
0xc0: {  	[dreg:$0x1] =	wrdreg $0xFFFFFFFF  }
0xc1: {  	_ =	task.clear_ibuf [dreg:s6], $0x2FFFF;
	_ =	strace $0x9FFFFFFF  }
0xc2: {  	(tm) =	ssettm $0x7FFFFFFF  }
0xc3: {  	_ =	shalt  }
tec
execute0_lowered:
.L_overlay_start_1:
0x0: {  	(tag) =	ssettag $0x1  }
0x1: {  	s5 =	rddreg [dreg:$0x0]  }
0x2: {  	s1 =	rddreg [dreg:$0x1];
	s20 =	simm.s32 $0x0;
	s0 =	stileid.u32  }
0x3: {  	s6 =	srdreg.scid;
	[smem:$0x7FF] =	sst s20  }
0x4: {  	s11 =	sadd.s32 $0x1A00, s5;
	s13 =	sadd.s32 $0xC5000, s5;
	s7 =	smul.u32 $0x1870, s0  }
0x5: {  	s4 =	sadd.s32 $0x30F600, s5;
	s8 =	sand.u32 $0x1, s6;
	s10 =	smul.u32 $0xC380, s0  }
0x6: {  	s30 =	sshll.u32 s0, $0x1;
	s18 =	smul.u32 $0x186, s0;
	p0 =	slt.u32 s0, $0x5  }
0x7: {  	_ =	strace $0x8000004D;
	s9 =	ssub.s32 $0x2, s8;
	s6 =	sor.u32 s8, s30  }
0x8: {  	s16 =	smul.u32 $0xC3, s8;
	s12 =	sadd.s32 s7, s5;
	s31 =	sshrl.u32 s9, $0x1  }
0x9: {  	s2 =	smul.u32 $0xC3, s6;
	s17 =	sshrl.u32 s10, $0x3;
	s15 =	smin.u32 s6, $0xA  }
0xa: {  	s7 =	simm.s32 $0xC4;
	s5 =	simm.s32 $0x5000;
	s14 =	ssub.s32 s9, s31  }
0xb: {  	s3 =	sadd.s32 s4, s17;
	s17 =	smul.u32 $0x18700, s8;
	s21 =	sadd.s32 s16, s18  }
0xc: {  	s7 =	simm.s32 @!p0 $0xC3;
	s18 =	simm.s32 $0x80;
	[dreg:$0x3] =	wrdreg s3  }
0xd: {  	s3 =	sadd.s32 s10, s1;
	s19 =	sadd.s32 s15, s2;
	s23 =	sadd.s32 s15, s21  }
0xe: {  	s29 =	smax.u32 s14, $0x1;
	s21 =	simm.s32 $0x0;
	s22 =	sshll.u32 s19, $0x7  }
0xf: {  	s12 =	sadd.s32 s17, s12;
	[dreg:$0x7] =	wrdreg s29;
	s24 =	sadd.s32 s11, s22  }
0x10: {  	s15 =	sshll.u32 s23, $0x7;
	s25 =	sadd.s32 s13, s22;
	[dreg:$0x4] =	wrdreg s24  }
0x11: {  	s26 =	sadd.s32 $0x188600, s12;
	s28 =	sadd.s32 s15, s11;
	[dreg:$0x5] =	wrdreg s25  }
0x12: {  	s13 =	sadd.s32 s15, s13;
	[dreg:$0x6] =	wrdreg s26;
	s30 =	sadd.s32 $0x80, s28  }
0x13: {  	s17 =	simm.s32 $0x1;
	s31 =	sadd.s32 $0x80, s13;
	[dreg:$0x8] =	wrdreg s30  }
0x14: {  	s19 =	simm.s32 $0x2;
	s15 =	simm.s32 $0x4;
	[dreg:$0x9] =	wrdreg s31  }
.LBB2_1:
0x15: {  	s0 =	rddreg [dreg:$0x3]  }
0x16: {  	[tilespmem:s5], [sflag:$0x4] =	stream.linear.gather [hbm4b:s0+s20], $0xC380, $0x38;
	[tilespmem:$0x1D700] =	vst v63  }
0x17: {  	_ =	swait.ge [sflag:s15], $0xC380  }
0x18: {  	[sflag:s15] =	ssyncset.done $0x0  }
0x19: {  	[sflag:s15] =	ssyncadd.s32 $0xFFFF3C80  }
0x1a: {  	[spmem:s3] =	stream.linear.scatter [tilespmem:s5], [sflag:$0x4], $0xC380, $0x38;
	[tilespmem:$0x1D700] =	vst v63  }
0x1b: {  	_ =	swait.ge [sflag:s15], $0xC380  }
0x1c: {  	[sflag:s15] =	ssyncset.done $0x0  }
0x1d: {  	[sflag:s15] =	ssyncadd.s32 $0xFFFF3C80  }
0x1e: {  	[bflag:$0x0] =	sbarrier.arrive $0xFFFF  }
0x1f: {  	s29 =	rddreg [dreg:$0x4]  }
0x20: {  	[tilespmem:s20], [sflag:$0x1] =	stream.linear.gather [hbm4b:s29+s20], $0x400, $0x38;
	[tilespmem:$0x1D700] =	vst v63  }
0x21: {  	s31 =	simm.s32 $0x800;
	s30 =	rddreg [dreg:$0x5]  }
0x22: {  	[tilespmem:s31], [sflag:$0x1] =	stream.linear.gather [hbm4b:s30+s20], $0x400, $0x38;
	[tilespmem:$0x1D700] =	vst v63  }
0x23: {  	_ =	swait.ge [sflag:s17], $0x400  }
0x24: {  	[sflag:s17] =	ssyncset.done $0x0  }
0x25: {  	[sflag:s17] =	ssyncadd.s32 $0xFFFFFC00  }
0x26: {  	s22 =	sand.u32 $0x1, s20;
	_ =	swait.ge [sflag:s17], $0x400  }
0x27: {  	s23 =	sshll.u32 s22, $0xD;
	[sflag:s17] =	ssyncset.done $0x0  }
0x28: {  	s22 =	sshll.u32 s22, $0xA;
	s24 =	sor.u32 $0x1000, s23;
	[sflag:s17] =	ssyncadd.s32 $0xFFFFFC00  }
0x29: {  	[tilespmem:s24], [sflag:$0x2] =	stream.indirect.gather [hbm4b:s4+s18], $0x8, s22, s18, $0xb8;
	[tilespmem:$0x1D700] =	vst v63  }
0x2a: {  	s26 =	sor.u32 $0x1400, s23;
	s28 =	sor.u32 $0x80, s22  }
0x2b: {  	[tilespmem:s26], [sflag:$0x2] =	stream.indirect.gather [hbm4b:s4+s18], $0x8, s28, s18, $0xb8;
	[tilespmem:$0x1D700] =	vst v63  }
0x2c: {  	s29 =	sor.u32 $0x1800, s23;
	s30 =	sor.u32 $0x100, s22  }
0x2d: {  	[tilespmem:s29], [sflag:$0x2] =	stream.indirect.gather [hbm4b:s4+s18], $0x8, s30, s18, $0xb8;
	[tilespmem:$0x1D700] =	vst v63  }
0x2e: {  	s2 =	smov.u32 s3;
	s3 =	sor.u32 $0x180, s22;
	s31 =	sor.u32 $0x1C00, s23  }
0x2f: {  	[tilespmem:s31], [sflag:$0x2] =	stream.indirect.gather [hbm4b:s4+s18], $0x8, s3, s18, $0xb8;
	[tilespmem:$0x1D700] =	vst v63  }
0x30: {  	s16 =	sor.u32 $0x200, s22;
	s5 =	sadd.s32 $0x2000, s23  }
0x31: {  	[tilespmem:s5], [sflag:$0x2] =	stream.indirect.gather [hbm4b:s4+s18], $0x8, s16, s18, $0xb8;
	[tilespmem:$0x1D700] =	vst v63  }
0x32: {  	s13 =	sadd.s32 $0x2400, s23;
	s8 =	sor.u32 $0x280, s22  }
0x33: {  	[tilespmem:s13], [sflag:$0x2] =	stream.indirect.gather [hbm4b:s4+s18], $0x8, s8, s18, $0xb8;
	[tilespmem:$0x1D700] =	vst v63  }
0x34: {  	p0 =	por $0x1, $0x1;
	s9 =	sadd.s32 $0x2800, s23;
	s10 =	sor.u32 $0x300, s22  }
0x35: {  	[tilespmem:s9], [sflag:$0x2] =	stream.indirect.gather [hbm4b:s4+s18], $0x8, s10, s18, $0xb8;
	[tilespmem:$0x1D700] =	vst v63  }
0x36: {  	s11 =	simm.s32 @!p0 $0x3;
	s25 =	sadd.s32 $0x2C00, s23;
	s14 =	sor.u32 $0x380, s22  }
0x37: {  	[tilespmem:s25], [sflag:$0x2] =	stream.indirect.gather [hbm4b:s4+s18], $0x8, s14, s18, $0xb8;
	[tilespmem:$0x1D700] =	vst v63  }
0x38: {  	p1 =	sle.u32 s7, $0x1;
	_ =	swait.ge @!p0 [sflag:s11], $0x2000  }
0x39: {  	s20 =	ssub.s32 @!p1 $0x400, s22;
	[sflag:s11] =	ssyncset.done @!p0 $0x0  }
0x3a: {  	s6 =	rddreg [dreg:$0x8];
	[sflag:s11] =	ssyncadd.s32 @!p0 $0xFFFFE000;
	s11 =	simm.s32 @!p1 $0x0  }
0x3b: {  	[tilespmem:s20], [sflag:$0x1] =	stream.linear.gather @!p1 [hbm4b:s6+s11], $0x400, $0x38;
	[tilespmem:$0x1D700] =	vst v63  }
0x3c: {  	s12 =	rddreg [dreg:$0x9];
	s20 =	ssub.s32 @!p1 $0xC00, s22  }
0x3d: {  	[tilespmem:s20], [sflag:$0x1] =	stream.linear.gather @!p1 [hbm4b:s12+s11], $0x400, $0x38;
	[tilespmem:$0x1D700] =	vst v63  }
0x3e: {  	_ =	swait.ge [sflag:s19], $0x2000  }
0x3f: {  	[sflag:s19] =	ssyncset.done $0x0  }
0x40: {  	s22 =	sor.u32 $0x800, s22;
	[sflag:s19] =	ssyncadd.s32 $0xFFFFE000  }
0x41: {  	[spmem:s1] =	stream.indirect.scatter.add.f32 [tilespmem:s24], [sflag:$0x3], $0x8, s22, s18, $0xb8;
	[tilespmem:$0x1D700] =	vst v63  }
0x42: {  	s24 =	sor.u32 $0x800, s28  }
0x43: {  	[spmem:s1] =	stream.indirect.scatter.add.f32 [tilespmem:s26], [sflag:$0x3], $0x8, s24, s18, $0xb8;
	[tilespmem:$0x1D700] =	vst v63  }
0x44: {  	s28 =	sor.u32 $0x800, s30  }
0x45: {  	[spmem:s1] =	stream.indirect.scatter.add.f32 [tilespmem:s29], [sflag:$0x3], $0x8, s28, s18, $0xb8;
	[tilespmem:$0x1D700] =	vst v63  }
0x46: {  	s0 =	sor.u32 $0x800, s3  }
0x47: {  	[spmem:s1] =	stream.indirect.scatter.add.f32 [tilespmem:s31], [sflag:$0x3], $0x8, s0, s18, $0xb8;
	[tilespmem:$0x1D700] =	vst v63  }
0x48: {  	p0 =	sne.s32 s7, $0x1;
	s29 =	sor.u32 $0x800, s16  }
0x49: {  	[spmem:s1] =	stream.indirect.scatter.add.f32 [tilespmem:s5], [sflag:$0x3], $0x8, s29, s18, $0xb8;
	[tilespmem:$0x1D700] =	vst v63  }
.Ltmp0:
0x4a: {  	_ = 	snop;
	(pc) =	sbr.rel @!p0 .LBB2_3-.Ltmp0, $4  }
0x4b: {  	s23 =	smov.u32 s6;
	s30 =	sor.u32 $0x800, s8;
	s22 =	simm.s32 $0x1  }
0x4c: {  	[spmem:s1] =	stream.indirect.scatter.add.f32 [tilespmem:s13], [sflag:$0x3], $0x8, s30, s18, $0xb8;
	[tilespmem:$0x1D700] =	vst v63  }
0x4d: {  	s26 =	sor.u32 $0x800, s14;
	s24 =	smov.u32 s12;
	s31 =	sor.u32 $0x800, s10  }
0x4e: {  	[spmem:s1] =	stream.indirect.scatter.add.f32 [tilespmem:s9], [sflag:$0x3], $0x8, s31, s18, $0xb8;
	[tilespmem:$0x1D700] =	vst v63  }
.LBB2_2:
0x4f: {  	s23 =	sadd.s32 $0x80, s23  }
0x50: {  	s24 =	sadd.s32 $0x80, s24;
	s0 =	smov.u32 s22;
	s22 =	sadd.s32 $0x1, s22  }
0x51: {  	[spmem:s1] =	stream.indirect.scatter.add.f32 [tilespmem:s25], [sflag:$0x3], $0x8, s26, s18, $0xb8;
	[tilespmem:$0x1D700] =	vst v63  }
0x52: {  	p0 =	sne.s32 s7, s22;
	_ =	swait.ge [sflag:s17], $0x400  }
0x53: {  	[sflag:s17] =	ssyncset.done $0x0  }
0x54: {  	[sflag:s17] =	ssyncadd.s32 $0xFFFFFC00  }
0x55: {  	s3 =	sand.u32 $0x1, s0;
	_ =	swait.ge [sflag:s17], $0x400  }
0x56: {  	s5 =	sshll.u32 s3, $0xD;
	[sflag:s17] =	ssyncset.done $0x0  }
0x57: {  	s3 =	sshll.u32 s3, $0xA;
	s26 =	sor.u32 $0x1000, s5;
	[sflag:s17] =	ssyncadd.s32 $0xFFFFFC00  }
0x58: {  	[tilespmem:s26], [sflag:$0x2] =	stream.indirect.gather [hbm4b:s4+s18], $0x8, s3, s18, $0xb8;
	[tilespmem:$0x1D700] =	vst v63  }
0x59: {  	s28 =	sor.u32 $0x1400, s5;
	s8 =	sor.u32 $0x80, s3  }
0x5a: {  	[tilespmem:s28], [sflag:$0x2] =	stream.indirect.gather [hbm4b:s4+s18], $0x8, s8, s18, $0xb8;
	[tilespmem:$0x1D700] =	vst v63  }
0x5b: {  	s29 =	sor.u32 $0x1800, s5;
	s9 =	sor.u32 $0x100, s3  }
0x5c: {  	[tilespmem:s29], [sflag:$0x2] =	stream.indirect.gather [hbm4b:s4+s18], $0x8, s9, s18, $0xb8;
	[tilespmem:$0x1D700] =	vst v63  }
0x5d: {  	s30 =	sor.u32 $0x1C00, s5;
	s10 =	sor.u32 $0x180, s3  }
0x5e: {  	[tilespmem:s30], [sflag:$0x2] =	stream.indirect.gather [hbm4b:s4+s18], $0x8, s10, s18, $0xb8;
	[tilespmem:$0x1D700] =	vst v63  }
0x5f: {  	s11 =	sadd.s32 $0x2000, s5;
	s16 =	sor.u32 $0x200, s3  }
0x60: {  	[tilespmem:s11], [sflag:$0x2] =	stream.indirect.gather [hbm4b:s4+s18], $0x8, s16, s18, $0xb8;
	[tilespmem:$0x1D700] =	vst v63  }
0x61: {  	s20 =	sadd.s32 $0x2400, s5;
	s31 =	sor.u32 $0x280, s3  }
0x62: {  	[tilespmem:s20], [sflag:$0x2] =	stream.indirect.gather [hbm4b:s4+s18], $0x8, s31, s18, $0xb8;
	[tilespmem:$0x1D700] =	vst v63  }
0x63: {  	s6 =	sadd.s32 $0x2800, s5;
	s14 =	sor.u32 $0x300, s3  }
0x64: {  	[tilespmem:s6], [sflag:$0x2] =	stream.indirect.gather [hbm4b:s4+s18], $0x8, s14, s18, $0xb8;
	[tilespmem:$0x1D700] =	vst v63  }
0x65: {  	p1 =	seq.s32 s0, $0x0;
	s25 =	sadd.s32 $0x2C00, s5;
	s5 =	sor.u32 $0x380, s3  }
0x66: {  	[tilespmem:s25], [sflag:$0x2] =	stream.indirect.gather [hbm4b:s4+s18], $0x8, s5, s18, $0xb8;
	[tilespmem:$0x1D700] =	vst v63  }
0x67: {  	s0 =	simm.s32 @!p1 $0x3  }
0x68: {  	p2 =	sge.u32 s22, s7;
	_ =	swait.ge @!p1 [sflag:s0], $0x2000  }
0x69: {  	s13 =	simm.s32 @!p2 $0x0;
	s12 =	ssub.s32 @!p2 $0x400, s3;
	[sflag:s0] =	ssyncset.done @!p1 $0x0  }
0x6a: {  	[sflag:s0] =	ssyncadd.s32 @!p1 $0xFFFFE000  }
0x6b: {  	[tilespmem:s12], [sflag:$0x1] =	stream.linear.gather @!p2 [hbm4b:s23+s13], $0x400, $0x38;
	[tilespmem:$0x1D700] =	vst v63  }
0x6c: {  	s0 =	ssub.s32 @!p2 $0xC00, s3  }
0x6d: {  	[tilespmem:s0], [sflag:$0x1] =	stream.linear.gather @!p2 [hbm4b:s24+s13], $0x400, $0x38;
	[tilespmem:$0x1D700] =	vst v63  }
0x6e: {  	_ =	swait.ge [sflag:s19], $0x2000  }
0x6f: {  	s0 =	sor.u32 $0x800, s3;
	[sflag:s19] =	ssyncset.done $0x0  }
0x70: {  	s3 =	sor.u32 $0x800, s8;
	[sflag:s19] =	ssyncadd.s32 $0xFFFFE000  }
0x71: {  	[spmem:s1] =	stream.indirect.scatter.add.f32 [tilespmem:s26], [sflag:$0x3], $0x8, s0, s18, $0xb8;
	[tilespmem:$0x1D700] =	vst v63  }
0x72: {  	s0 =	sor.u32 $0x800, s9  }
0x73: {  	[spmem:s1] =	stream.indirect.scatter.add.f32 [tilespmem:s28], [sflag:$0x3], $0x8, s3, s18, $0xb8;
	[tilespmem:$0x1D700] =	vst v63  }
0x74: {  	s3 =	sor.u32 $0x800, s10  }
0x75: {  	[spmem:s1] =	stream.indirect.scatter.add.f32 [tilespmem:s29], [sflag:$0x3], $0x8, s0, s18, $0xb8;
	[tilespmem:$0x1D700] =	vst v63  }
0x76: {  	s0 =	sor.u32 $0x800, s16  }
0x77: {  	[spmem:s1] =	stream.indirect.scatter.add.f32 [tilespmem:s30], [sflag:$0x3], $0x8, s3, s18, $0xb8;
	[tilespmem:$0x1D700] =	vst v63  }
0x78: {  	s3 =	sor.u32 $0x800, s31  }
0x79: {  	[spmem:s1] =	stream.indirect.scatter.add.f32 [tilespmem:s11], [sflag:$0x3], $0x8, s0, s18, $0xb8;
	[tilespmem:$0x1D700] =	vst v63  }
.Ltmp1:
0x7a: {  	_ = 	snop;
	(pc) =	sbr.rel @p0 .LBB2_2-.Ltmp1, $4  }
0x7b: {  	s0 =	sor.u32 $0x800, s14  }
0x7c: {  	[spmem:s1] =	stream.indirect.scatter.add.f32 [tilespmem:s20], [sflag:$0x3], $0x8, s3, s18, $0xb8;
	[tilespmem:$0x1D700] =	vst v63  }
0x7d: {  	s26 =	sor.u32 $0x800, s5  }
0x7e: {  	[spmem:s1] =	stream.indirect.scatter.add.f32 [tilespmem:s6], [sflag:$0x3], $0x8, s0, s18, $0xb8;
	[tilespmem:$0x1D700] =	vst v63  }
.LBB2_3:
0x7f: {  	[spmem:s1] =	stream.indirect.scatter.add.f32 [tilespmem:s25], [sflag:$0x3], $0x8, s26, s18, $0xb8;
	[tilespmem:$0x1D700] =	vst v63  }
0x80: {  	s0 =	simm.s32 $0x3  }
0x81: {  	_ =	swait.ge [sflag:s0], $0x2000  }
0x82: {  	[sflag:s0] =	ssyncset.done $0x0  }
0x83: {  	[sflag:s0] =	ssyncadd.s32 $0xFFFFE000  }
0x84: {  	s5 =	simm.s32 $0x5000;
	[bflag:$0x0] =	sbarrier.arrive $0xFFFF  }
0x85: {  	[tilespmem:s5], [sflag:$0x4] =	stream.linear.gather [spmem:s2], $0xC380, $0x38;
	[tilespmem:$0x1D700] =	vst v63  }
0x86: {  	_ =	swait.ge [sflag:s15], $0xC380  }
0x87: {  	[sflag:s15] =	ssyncset.done $0x0  }
0x88: {  	s20 =	simm.s32 $0x0;
	s30 =	rddreg [dreg:$0x6];
	[sflag:s15] =	ssyncadd.s32 $0xFFFF3C80  }
0x89: {  	[hbm4b:s30+s20] =	stream.linear.scatter [tilespmem:s5], [sflag:$0x4], $0xC380, $0x38;
	[tilespmem:$0x1D700] =	vst v63  }
0x8a: {  	_ =	swait.ge [sflag:s15], $0xC380  }
0x8b: {  	s21 =	sadd.s32 $0x1, s21;
	s31 =	rddreg [dreg:$0x7]  }
0x8c: {  	p0 =	sne.s32 s21, s31  }
.Ltmp2:
0x8d: {  	_ = 	snop;
	(pc) =	sbr.rel @p0 .LBB2_1-.Ltmp2, $3  }
0x8e: {  	_ =	sdelay $0x1  }
0x8f: {  	[sflag:s15] =	ssyncset.done $0x0  }
0x90: {  	s3 =	smov.u32 s2;
	[sflag:s15] =	ssyncadd.s32 $0xFFFF3C80  }
0x91: {  	_ =	sfence.sel $0x180000  }
0x92: {  	[bflag:$0x0] =	sbarrier.arrive $0xFFFF  }
0x93: {  	_ =	strace $0x9000004D  }
0x94: {  	s0 =	stileid.u32;
	[bflag:$0x2] =	sbarrier.arrive $0xFFFF  }
0x95: {  	p0 =	sne.s32 s0, $0x0;
	s0 =	rddreg [dreg:$0x2]  }
0x96: {  	s0 =	sadd.s32 @!p0 $0x100000, s0  }
0x97: {  	[sflag:s0] =	ssyncadd.tile.s32 @!p0 $0x1;
	_ =	shalt  }
.Lfunc_end2:
_tile_overlayer_lowered:
.L_overlay_start_2:
0x98: {  	(tag) =	ssettag $0x2  }
0x99: {  	s0 =	rddreg [dreg:$0x0];
	s2 =	stileid.u32  }
0x9a: {  	s1 =	rddreg [dreg:$0x1];
	p0 =	sne.s32 s2, $0x0  }
0x9b: {  	s3 =	rddreg [dreg:$0x2];
	[bflag:$0x3] =	sbarrier.arrive $0xFFFF;
	s2 =	simm.s32 @!p0 $0x1C04  }
0x9c: {  	[timem:s3], [sflag:s2] =	dma.local @!p0 [hbm:s0], s1  }
0x9d: {  	s0 =	simm.s32 @!p0 $0x4  }
0x9e: {  	_ =	swait.ge @!p0 [sflag:s0], s1  }
0x9f: {  	s1 =	ssub.s32 @!p0 $0x0, s1;
	[sflag:s0] =	ssyncset.done @!p0 $0x0  }
0xa0: {  	[sflag:s0] =	ssyncadd.s32 @!p0 s1  }
0xa1: {  	[bflag:$0x3] =	sbarrier.arrive $0xFFFF  }
0xa2: {  	_ =	shalt  }

// kernel: kernel.8.cloned.1.call-start
scs
__scs_entry_jumppad:
0x0: {  	(pc) =	sbr.rel $0x88, $3  }
0x1: {  	(tag) =	ssettag $0x0;
	lr =	simm.s32 $0x1  }
0x2: {  	[smem:$0x3F9B] =	sst lr;
	_ =	strace $0xD0000000  }
0x3: {  	_ = 	snop  }
0x4: {  	_ = 	snop  }
0x5: {  	_ = 	snop  }
0x6: {  	_ = 	snop  }
0x7: {  	_ = 	snop  }
__scs_overlays_trampoline_lowered:
0x8: {  	[smem:$0x3FAA] =	sst s0  }
0x9: {  	[smem:$0x3FAB] =	sst s1  }
0xa: {  	[smem:$0x3FAC] =	sst s2  }
0xb: {  	[smem:$0x3FAD] =	sst s3  }
0xc: {  	[smem:$0x3FAE] =	sst s4  }
0xd: {  	[smem:$0x3FAF] =	sst s5  }
0xe: {  	[smem:$0x3FB0] =	sst s6  }
0xf: {  	[smem:$0x3FB1] =	sst s7  }
0x10: {  	[smem:$0x3FB2] =	sst s8  }
0x11: {  	[smem:$0x3FB3] =	sst s9;
	s0 =	simm.s32 @!p0 $0x0  }
0x12: {  	s1 =	sld [smem:$0x3F99];
	s0 =	simm.s32 @p0 $0x1  }
0x13: {  	[smem:$0x3FB4] =	sst s0;
	s0 =	simm.s32 @!p1 $0x0  }
0x14: {  	s2 =	sld [smem:$0x3F98];
	s0 =	simm.s32 @p1 $0x1  }
0x15: {  	[smem:$0x3FB5] =	sst s0;
	s0 =	simm.s32 @!p2 $0x0  }
0x16: {  	s3 =	sld [smem:$0x3FDB];
	s0 =	simm.s32 @p2 $0x1  }
0x17: {  	s4 =	simm.s32 $0x1BF5;
	[smem:$0x3FB7] =	sst s0  }
0x18: {  	s0 =	sld [smem:$0x3F9A];
	_ =	swait.ge [sflag:s4], $0x0  }
0x19: {  	s7 =	sld [smem:$0x3F9B]  }
0x1a: {  	s8 =	sadd.s32 $0xFFFFE003, lr  }
0x1b: {  	s9 =	sadd.s32 $0xFFFFFEF7, lr;
	s5 =	simm.s32 $0xFFFFFFFF;
	p2 =	slt.u32 s8, $0xFFFFF086  }
0x1c: {  	p1 =	slt.u32 s9, $0xF7A;
	s5 =	simm.s32 @!p2 $0x0  }
0x1d: {  	s5 =	simm.s32 @p1 $0x1;
	p0 =	seq.s32 s7, s2  }
0x1e: {  	s7 =	smul.u32 @!p0 $0xF7A, s2;
	p2 =	seq.s32 @!p0 s5, $0x0  }
0x1f: {  	s9 =	smul.u32 $0xF7A, s1;
	s8 =	simm.s32 @!p0 $0x1BF5;
	p2 =	por !p2, p0  }
0x20: {  	[sflag:s8] =	ssyncset.s32 @!p0 $0xFFFFF086;
	s6 =	sadd.s32 @!p0 s3, s7;
	s7 =	simm.s32 @!p0 $0x108  }
0x21: {  	s3 =	sadd.s32 s3, s9;
	s6 =	sadd.s32 @!p0 $0x88, s6;
	s7 =	simm.s32 @p2 $0x1082  }
0x22: {  	[simem:s7], [sflag:s8] =	dma.local @!p0 [hbm:s6], $0xF7A  }
0x23: {  	s9 =	sor.u32 $0xD0000000, s2;
	s6 =	simm.s32 $0x108;
	_ =	swait.ge @!p0 [sflag:s8], $0x0  }
0x24: {  	s3 =	sadd.s32 $0x88, s3;
	s6 =	simm.s32 @!p1 $0x1082;
	[sflag:s4] =	ssyncset.s32 $0xFFFFF086  }
0x25: {  	[simem:s6], [sflag:s4] =	dma.local [hbm:s3], $0xF7A  }
0x26: {  	[smem:$0x3F9B] =	sst s1;
	(tag) =	ssettag s2;
	_ =	strace s9  }
0x27: {  	s1 =	sld [smem:$0x3FAB]  }
0x28: {  	s2 =	sld [smem:$0x3FAC]  }
0x29: {  	s4 =	sld [smem:$0x3FAE]  }
0x2a: {  	p0 =	seq.s32 s5, $0x0;
	s5 =	sld [smem:$0x3FAF]  }
0x2b: {  	s6 =	sld [smem:$0x3FB0]  }
0x2c: {  	s7 =	sld [smem:$0x3FB1]  }
0x2d: {  	s3 =	simm.s32 $0x108;
	s8 =	sld [smem:$0x3FB2]  }
0x2e: {  	s3 =	simm.s32 @!p0 $0x1082;
	s9 =	sld [smem:$0x3FB3]  }
0x2f: {  	lr =	sadd.s32 s0, s3;
	s0 =	sld [smem:$0x3FAA]  }
0x30: {  	s3 =	sld [smem:$0x3FAD]  }
0x31: {  	[smem:$0x3FB6] =	sst s10  }
0x32: {  	s10 =	sld [smem:$0x3FB4];
	_ =	sdelay $0x3  }
0x33: {  	p0 =	seq.s32 s10, $0x1;
	s10 =	sld [smem:$0x3FB6];
	_ =	sdelay $0x3  }
0x34: {  	[smem:$0x3FB6] =	sst s10  }
0x35: {  	s10 =	sld [smem:$0x3FB5];
	_ =	sdelay $0x3  }
0x36: {  	p1 =	seq.s32 s10, $0x1;
	s10 =	sld [smem:$0x3FB6];
	_ =	sdelay $0x3  }
0x37: {  	[smem:$0x3FB6] =	sst s10  }
0x38: {  	s10 =	sld [smem:$0x3FB7]  }
0x39: {  	_ = 	snop;
	(pc) =	sbr.ind lr, $3  }
0x3a: {  	_ = 	snop  }
0x3b: {  	_ = 	snop  }
0x3c: {  	p2 =	seq.s32 s10, $0x1;
	s10 =	sld [smem:$0x3FB6]  }
0x3d: {  	_ =	shalt  }
0x3e: {  	_ =	shalt  }
0x3f: {  	_ =	shalt  }
0x40: {  	_ =	shalt  }
0x41: {  	_ =	shalt  }
0x42: {  	_ =	shalt  }
0x43: {  	_ =	shalt  }
0x44: {  	_ =	shalt  }
0x45: {  	_ =	shalt  }
0x46: {  	_ =	shalt  }
0x47: {  	_ =	shalt  }
0x48: {  	_ =	shalt  }
0x49: {  	_ =	shalt  }
0x4a: {  	_ =	shalt  }
0x4b: {  	_ =	shalt  }
0x4c: {  	_ =	shalt  }
0x4d: {  	_ =	shalt  }
0x4e: {  	_ =	shalt  }
0x4f: {  	_ =	shalt  }
0x50: {  	_ =	shalt  }
0x51: {  	_ =	shalt  }
0x52: {  	_ =	shalt  }
0x53: {  	_ =	shalt  }
0x54: {  	_ =	shalt  }
0x55: {  	_ =	shalt  }
0x56: {  	_ =	shalt  }
0x57: {  	_ =	shalt  }
0x58: {  	_ =	shalt  }
0x59: {  	_ =	shalt  }
0x5a: {  	_ =	shalt  }
0x5b: {  	_ =	shalt  }
0x5c: {  	_ =	shalt  }
0x5d: {  	_ =	shalt  }
0x5e: {  	_ =	shalt  }
0x5f: {  	_ =	shalt  }
0x60: {  	_ =	shalt  }
0x61: {  	_ =	shalt  }
0x62: {  	_ =	shalt  }
0x63: {  	_ =	shalt  }
0x64: {  	_ =	shalt  }
0x65: {  	_ =	shalt  }
0x66: {  	_ =	shalt  }
0x67: {  	_ =	shalt  }
0x68: {  	_ =	shalt  }
0x69: {  	_ =	shalt  }
0x6a: {  	_ =	shalt  }
0x6b: {  	_ =	shalt  }
0x6c: {  	_ =	shalt  }
0x6d: {  	_ =	shalt  }
0x6e: {  	_ =	shalt  }
0x6f: {  	_ =	shalt  }
0x70: {  	_ =	shalt  }
0x71: {  	_ =	shalt  }
0x72: {  	_ =	shalt  }
0x73: {  	_ =	shalt  }
0x74: {  	_ =	shalt  }
0x75: {  	_ =	shalt  }
0x76: {  	_ =	shalt  }
0x77: {  	_ =	shalt  }
0x78: {  	_ =	shalt  }
0x79: {  	_ =	shalt  }
0x7a: {  	_ =	shalt  }
0x7b: {  	_ =	shalt  }
0x7c: {  	_ =	shalt  }
0x7d: {  	_ =	shalt  }
0x7e: {  	_ =	shalt  }
0x7f: {  	_ =	shalt  }
0x80: {  	_ =	shalt  }
0x81: {  	_ =	shalt  }
0x82: {  	_ =	shalt  }
0x83: {  	_ =	shalt  }
0x84: {  	_ =	shalt  }
0x85: {  	_ =	shalt  }
0x86: {  	_ =	shalt  }
0x87: {  	_ =	shalt  }
.Lfunc_end0:
.L_simem_size_0:
called_computation_lowered:
.L_overlay_start_0:
0x88: {  	s2 =	sld [smem:$0x3FD9]  }
0x89: {  	s3 =	sld [smem:$0x3FFE];
	_ =	sdelay $0x1  }
0x8a: {  	s1 =	srdreg.scid  }
0x8b: {  	s0 =	sand.u32 $0x1, s1  }
0x8c: {  	s17 =	sshll.u32 s0, $0xA;
	s2 =	sadd.s32 s3, s2  }
0x8d: {  	s2 =	sadd.s32 s2, s17  }
0x8e: {  	[smem:$0x3FC2] =	sst s2  }
0x8f: {  	_ = 	snop  }
0x90: {  	s2 =	sld [smem:$0x3FD0];
	(tm) =	ssettm $0x1  }
0x91: {  	s18 =	sld [smem:$0x3FFB];
	_ =	sdelay $0x3  }
0x92: {  	_ =	strace s18  }
0x93: {  	s3 =	sld [smem:$0x3FFC];
	_ =	sdelay $0x3  }
0x94: {  	_ =	strace s3  }
0x95: {  	s3 =	sld [smem:$0x3FFD];
	_ =	sdelay $0x3  }
0x96: {  	_ =	strace s3  }
0x97: {  	_ =	strace $0x8FFFFFFF  }
0x98: {  	s19 =	sld [smem:$0x3FDB];
	_ =	sdelay $0x1  }
0x99: {  	s4 =	simm.s32 $_scs_section_size  }
0x9a: {  	s5 =	simm.s32 $_size__tile_overlayer_lowered;
	s6 =	simm.s32 $_tile_overlayer_lowered  }
0x9b: {  	s22 =	simm.s32 $0x1BFF;
	s21 =	sshll.u32 s6, $0x1;
	s3 =	sadd.s32 s4, s19  }
0x9c: {  	s7 =	simm.s32 $0x0;
	s20 =	sshll.u32 s5, $0x1;
	s5 =	sadd.s32 s21, s3  }
0x9d: {  	[timem:s7], [sflag:s22] =	dma.local [hbm:s5], s20  }
0x9e: {  	_ =	swait.ge [sflag:s22], s20  }
0x9f: {  	s4 =	ssub.s32 $0x0, s20;
	[sflag:s22] =	ssyncset.done $0x0  }
0xa0: {  	[sflag:s22] =	ssyncadd.s32 s4;
	_ =	sdelay $0x1  }
0xa1: {  	s23 =	simm.s32 $0x1B8B  }
0xa2: {  	_ =	swait.ge [sflag:s23], $0x1  }
0xa3: {  	[sflag:s23] =	ssyncset.done $0x0  }
0xa4: {  	s25 =	simm.s32 $0x1B8E;
	s24 =	sld [smem:$0x3FFE];
	[sflag:s23] =	ssyncadd.s32 $0xFFFFFFFF  }
0xa5: {  	s26 =	simm.s32 $execute0_lowered;
	[smem:$0x3FD2] =	sst s25  }
0xa6: {  	s5 =	sshll.u32 s26, $0x1;
	_ =	strace $0x80000046;
	[dreg:$0x1] =	wrdreg $0xFFFFFFFF  }
0xa7: {  	s28 =	simm.s32 $_size_execute0_lowered;
	s3 =	sadd.s32 s3, s5;
	[dreg:$0x0] =	wrdreg $0x0  }
0xa8: {  	s5 =	sshll.u32 s28, $0x1;
	[dreg:$0x2] =	wrdreg s3  }
0xa9: {  	[dreg:$0x3] =	wrdreg s5  }
0xaa: {  	[dreg:$0x4] =	wrdreg $0xC0  }
0xab: {  	_ =	task [dreg:s7], $0x5FFFF  }
0xac: {  	[dreg:$0x1] =	wrdreg $0xFFFFFFFF  }
0xad: {  	[dreg:$0x0] =	wrdreg $0x60  }
0xae: {  	[dreg:$0x2] =	wrdreg s24  }
0xaf: {  	[dreg:$0x3] =	wrdreg s2  }
0xb0: {  	[dreg:$0x4] =	wrdreg $0x20F00  }
0xb1: {  	[dreg:$0x5] =	wrdreg $0x9  }
0xb2: {  	_ =	task.clear_ibuf [dreg:s7], $0x6FFFF;
	_ =	strace $0x90000046  }
0xb3: {  	s29 =	simm.s32 $0x9;
	_ =	strace $0x80000048  }
0xb4: {  	_ =	swait.ge [sflag:s29], $0x1  }
0xb5: {  	[sflag:s29] =	ssyncadd.s32 $0xFFFFFFFF  }
0xb6: {  	_ =	strace $0x90000048  }
0xb7: {  	_ =	sfence  }
0xb8: {  	s30 =	sld [smem:$0x0];
	_ =	sdelay $0x2  }
0xb9: {  	s31 =	sshll.u32 s1, $0xD;
	s1 =	sshrl.u32 s1, $0x2  }
0xba: {  	s3 =	sand.u32 $0x4000, s31;
	s1 =	sadd.s32 s1, s30  }
0xbb: {  	s0 =	sor.u32 s3, s0;
	s1 =	sshll.u32 s1, $0x11  }
0xbc: {  	s0 =	sor.u32 s1, s0  }
0xbd: {  	s0 =	sadd.s32 $0x8F2B, s0  }
0xbe: {  	[sflag:s0] =	ssyncadd.remote.s32 $0x1  }
0xbf: {  	_ =	sfence.sel $0xFFFF  }
0xc0: {  	[dreg:$0x0] =	wrdreg $0xFFFFFFFF;
	(pc) =	sbr.abs _section_cstart, $3  }
0xc1: {  	[dreg:$0x1] =	wrdreg $0xFFFFFFFF  }
0xc2: {  	_ =	task.clear_ibuf [dreg:s7], $0x2FFFF;
	_ =	strace $0x9FFFFFFF  }
0xc3: {  	(tm) =	ssettm $0x7FFFFFFF  }
tec
execute0_lowered:
.L_overlay_start_1:
0x0: {  	(tag) =	ssettag $0x1  }
0x1: {  	s0 =	rddreg [dreg:$0x0]  }
0x2: {  	s4 =	rddreg [dreg:$0x1]  }
0x3: {  	s2 =	rddreg [dreg:$0x2];
	s5 =	srdreg.scid  }
0x4: {  	s1 =	stileid.u32;
	s3 =	simm.s32 $0x0;
	s14 =	simm.s32 $0x3  }
0x5: {  	s15 =	simm.s32 $0x1;
	s16 =	simm.s32 $0x80;
	s17 =	simm.s32 $0x800  }
0x6: {  	s18 =	simm.s32 $0x100;
	s19 =	simm.s32 $0x180;
	s20 =	simm.s32 $0x200  }
0x7: {  	s21 =	simm.s32 $0x280;
	s22 =	simm.s32 $0x300;
	s23 =	simm.s32 $0x380  }
0x8: {  	s24 =	simm.s32 $0x2;
	s25 =	simm.s32 $0x0;
	s5 =	sand.u32 $0x1, s5  }
0x9: {  	s6 =	smul.u32 $0x1870, s1;
	[smem:$0x7FF] =	sst s3;
	s12 =	sadd.s32 $0xC5000, s0  }
0xa: {  	s8 =	sshll.u32 s1, $0x1;
	s26 =	smul.u32 $0x186, s1;
	p0 =	slt.u32 s1, $0x5  }
0xb: {  	s7 =	smul.u32 $0x18700, s5;
	_ =	strace $0x80000047;
	s9 =	ssub.s32 $0x2, s5  }
0xc: {  	s8 =	sor.u32 s5, s8;
	s13 =	smul.u32 $0xC3, s5;
	s10 =	sshrl.u32 s9, $0x1  }
0xd: {  	s11 =	smul.u32 $0xC3, s8;
	s28 =	sshrl.u32 s6, $0x3;
	s8 =	smin.u32 s8, $0xA  }
0xe: {  	s5 =	sadd.s32 s6, s2;
	s7 =	sadd.s32 s6, s7;
	s9 =	ssub.s32 s9, s10  }
0xf: {  	s4 =	sadd.s32 s4, s28;
	s6 =	simm.s32 $0xC4;
	s7 =	sshrl.u32 s7, $0x3  }
0x10: {  	s29 =	sadd.s32 s8, s11;
	s0 =	sadd.s32 s7, s0;
	s7 =	sadd.s32 s13, s26  }
0x11: {  	s6 =	simm.s32 @!p0 $0xC3;
	s9 =	smax.u32 s9, $0x1;
	s30 =	sadd.s32 s8, s7  }
0x12: {  	s10 =	sshll.u32 s29, $0x7;
	s13 =	simm.s32 $0x880;
	s31 =	sshll.u32 s30, $0x7  }
0x13: {  	s7 =	sadd.s32 s12, s10;
	s8 =	sadd.s32 $0x188600, s0;
	s11 =	sadd.s32 $0x180, s31  }
0x14: {  	s10 =	sadd.s32 $0x80, s10;
	s0 =	sadd.s32 $0x100, s31;
	s11 =	sand.u32 $0x3FFF80, s11  }
0x15: {  	s10 =	sand.u32 $0x1FFFFF80, s10;
	s0 =	sand.u32 $0x3FFF80, s0;
	s11 =	sadd.s32 s11, s12  }
0x16: {  	v0 =	vimm.f32 $1.000000000e+00;
	s10 =	sadd.s32 s12, s10;
	s12 =	sadd.s32 s0, s12;
	s11 =	ssub.s32 $0x80, s11  }
.LBB2_1:
0x17: {  	[tilespmem:s13], [sflag:$0x3] =	stream.linear.gather [hbm4b:s4+s3], $0x1870, $0x38;
	[tilespmem:$0x3960] =	vst v63  }
0x18: {  	_ =	swait.ge [sflag:s14], $0x1870  }
0x19: {  	[sflag:s14] =	ssyncset.done $0x0  }
0x1a: {  	[sflag:s14] =	ssyncadd.s32 $0xFFFFE790  }
0x1b: {  	[spmem:s5] =	stream.linear.scatter [tilespmem:s13], [sflag:$0x3], $0x1870, $0x38;
	[tilespmem:$0x3960] =	vst v63  }
0x1c: {  	_ =	swait.ge [sflag:s14], $0x1870  }
0x1d: {  	[sflag:s14] =	ssyncset.done $0x0  }
0x1e: {  	[sflag:s14] =	ssyncadd.s32 $0xFFFFE790  }
0x1f: {  	[tilespmem:$0x800] =	vst v0  }
0x20: {  	[tilespmem:$0x810] =	vst v0  }
0x21: {  	[tilespmem:$0x820] =	vst v0  }
0x22: {  	[tilespmem:$0x830] =	vst v0  }
0x23: {  	[tilespmem:$0x840] =	vst v0  }
0x24: {  	[tilespmem:$0x850] =	vst v0  }
0x25: {  	[tilespmem:$0x860] =	vst v0  }
0x26: {  	[tilespmem:$0x870] =	vst v0  }
0x27: {  	[bflag:$0x0] =	sbarrier.arrive $0xFFFF  }
0x28: {  	[tilespmem:s3], [sflag:$0x1] =	stream.linear.gather [hbm4b:s7+s3], $0x400, $0x38;
	[tilespmem:$0x3960] =	vst v63  }
0x29: {  	_ =	swait.ge [sflag:s15], $0x400  }
0x2a: {  	[sflag:s15] =	ssyncset.done $0x0  }
0x2b: {  	[sflag:s15] =	ssyncadd.s32 $0xFFFFFC00  }
0x2c: {  	[spmem:s2] =	stream.indirect.scatter.add.f32 [tilespmem:s17], [sflag:$0x2], $0x1, s3, s16, $0xb8;
	[tilespmem:$0x3960] =	vst v63  }
0x2d: {  	_ = 	snop  }
0x2e: {  	[spmem:s2] =	stream.indirect.scatter.add.f32 [tilespmem:s17], [sflag:$0x2], $0x1, s16, s16, $0xb8;
	[tilespmem:$0x3960] =	vst v63  }
0x2f: {  	_ = 	snop  }
0x30: {  	[spmem:s2] =	stream.indirect.scatter.add.f32 [tilespmem:s17], [sflag:$0x2], $0x1, s18, s16, $0xb8;
	[tilespmem:$0x3960] =	vst v63  }
0x31: {  	_ = 	snop  }
0x32: {  	[spmem:s2] =	stream.indirect.scatter.add.f32 [tilespmem:s17], [sflag:$0x2], $0x1, s19, s16, $0xb8;
	[tilespmem:$0x3960] =	vst v63  }
0x33: {  	_ = 	snop  }
0x34: {  	[spmem:s2] =	stream.indirect.scatter.add.f32 [tilespmem:s17], [sflag:$0x2], $0x1, s20, s16, $0xb8;
	[tilespmem:$0x3960] =	vst v63  }
0x35: {  	_ = 	snop  }
0x36: {  	[spmem:s2] =	stream.indirect.scatter.add.f32 [tilespmem:s17], [sflag:$0x2], $0x1, s21, s16, $0xb8;
	[tilespmem:$0x3960] =	vst v63  }
0x37: {  	_ = 	snop  }
0x38: {  	[spmem:s2] =	stream.indirect.scatter.add.f32 [tilespmem:s17], [sflag:$0x2], $0x1, s22, s16, $0xb8;
	[tilespmem:$0x3960] =	vst v63  }
0x39: {  	_ = 	snop  }
0x3a: {  	[spmem:s2] =	stream.indirect.scatter.add.f32 [tilespmem:s17], [sflag:$0x2], $0x1, s23, s16, $0xb8;
	[tilespmem:$0x3960] =	vst v63  }
0x3b: {  	s0 =	simm.s32 $0x400  }
0x3c: {  	[tilespmem:s0], [sflag:$0x1] =	stream.linear.gather [hbm4b:s10+s3], $0x400, $0x38;
	[tilespmem:$0x3960] =	vst v63  }
0x3d: {  	_ =	swait.ge [sflag:s15], $0x400  }
0x3e: {  	[sflag:s15] =	ssyncset.done $0x0  }
0x3f: {  	s0 =	sand.u32 $0x400, s0;
	[sflag:s15] =	ssyncadd.s32 $0xFFFFFC00  }
0x40: {  	[spmem:s2] =	stream.indirect.scatter.add.f32 [tilespmem:s17], [sflag:$0x2], $0x1, s0, s16, $0xb8;
	[tilespmem:$0x3960] =	vst v63  }
0x41: {  	s26 =	sor.u32 $0x80, s0  }
0x42: {  	[spmem:s2] =	stream.indirect.scatter.add.f32 [tilespmem:s17], [sflag:$0x2], $0x1, s26, s16, $0xb8;
	[tilespmem:$0x3960] =	vst v63  }
0x43: {  	s1 =	sor.u32 $0x100, s0  }
0x44: {  	[spmem:s2] =	stream.indirect.scatter.add.f32 [tilespmem:s17], [sflag:$0x2], $0x1, s1, s16, $0xb8;
	[tilespmem:$0x3960] =	vst v63  }
0x45: {  	s1 =	sor.u32 $0x180, s0  }
0x46: {  	[spmem:s2] =	stream.indirect.scatter.add.f32 [tilespmem:s17], [sflag:$0x2], $0x1, s1, s16, $0xb8;
	[tilespmem:$0x3960] =	vst v63  }
0x47: {  	s1 =	sor.u32 $0x200, s0  }
0x48: {  	[spmem:s2] =	stream.indirect.scatter.add.f32 [tilespmem:s17], [sflag:$0x2], $0x1, s1, s16, $0xb8;
	[tilespmem:$0x3960] =	vst v63  }
0x49: {  	s1 =	sor.u32 $0x280, s0  }
0x4a: {  	[spmem:s2] =	stream.indirect.scatter.add.f32 [tilespmem:s17], [sflag:$0x2], $0x1, s1, s16, $0xb8;
	[tilespmem:$0x3960] =	vst v63  }
0x4b: {  	p0 =	sne.s32 s6, $0x3;
	s1 =	sor.u32 $0x300, s0  }
0x4c: {  	[spmem:s2] =	stream.indirect.scatter.add.f32 [tilespmem:s17], [sflag:$0x2], $0x1, s1, s16, $0xb8;
	[tilespmem:$0x3960] =	vst v63  }
.Ltmp0:
0x4d: {  	s1 =	sor.u32 $0x380, s0;
	(pc) =	sbr.rel @!p0 .LBB2_3-.Ltmp0, $4  }
0x4e: {  	[spmem:s2] =	stream.indirect.scatter.add.f32 [tilespmem:s17], [sflag:$0x2], $0x1, s1, s16, $0xb8;
	[tilespmem:$0x3960] =	vst v63  }
0x4f: {  	s28 =	simm.s32 $0x3;
	s29 =	sadd.s32 $0x80, s12;
	_ =	swait.ge [sflag:s24], $0x400  }
0x50: {  	s30 =	sadd.s32 $0xFFFFFF80, s11;
	s31 =	smov.u32 s12;
	[sflag:s24] =	ssyncset.done $0x0  }
0x51: {  	s26 =	simm.s32 $0x800;
	s0 =	sxor.u32 $0x400, s0;
	[sflag:s24] =	ssyncadd.s32 $0xFFFFFC00  }
.LBB2_2:
0x52: {  	[tilespmem:s0], [sflag:$0x1] =	stream.linear.gather [hbm4b:s31+s3], $0x400, $0x38;
	[tilespmem:$0x3960] =	vst v63  }
0x53: {  	s28 =	sadd.s32 $0x1, s28;
	s31 =	smov.u32 s29;
	_ =	swait.ge [sflag:s15], $0x400  }
0x54: {  	p0 =	sne.s32 s6, s28;
	[sflag:s15] =	ssyncset.done $0x0  }
0x55: {  	s0 =	sand.u32 $0x400, s26;
	[sflag:s15] =	ssyncadd.s32 $0xFFFFFC00  }
0x56: {  	[spmem:s2] =	stream.indirect.scatter.add.f32 [tilespmem:s17], [sflag:$0x2], $0x1, s0, s16, $0xb8;
	[tilespmem:$0x3960] =	vst v63  }
0x57: {  	s1 =	sor.u32 $0x80, s0  }
0x58: {  	[spmem:s2] =	stream.indirect.scatter.add.f32 [tilespmem:s17], [sflag:$0x2], $0x1, s1, s16, $0xb8;
	[tilespmem:$0x3960] =	vst v63  }
0x59: {  	s1 =	sor.u32 $0x100, s0  }
0x5a: {  	[spmem:s2] =	stream.indirect.scatter.add.f32 [tilespmem:s17], [sflag:$0x2], $0x1, s1, s16, $0xb8;
	[tilespmem:$0x3960] =	vst v63  }
0x5b: {  	s1 =	sor.u32 $0x180, s0  }
0x5c: {  	[spmem:s2] =	stream.indirect.scatter.add.f32 [tilespmem:s17], [sflag:$0x2], $0x1, s1, s16, $0xb8;
	[tilespmem:$0x3960] =	vst v63  }
0x5d: {  	s1 =	sor.u32 $0x200, s0  }
0x5e: {  	[spmem:s2] =	stream.indirect.scatter.add.f32 [tilespmem:s17], [sflag:$0x2], $0x1, s1, s16, $0xb8;
	[tilespmem:$0x3960] =	vst v63  }
0x5f: {  	s1 =	sor.u32 $0x280, s0  }
0x60: {  	[spmem:s2] =	stream.indirect.scatter.add.f32 [tilespmem:s17], [sflag:$0x2], $0x1, s1, s16, $0xb8;
	[tilespmem:$0x3960] =	vst v63  }
0x61: {  	s1 =	sor.u32 $0x300, s0  }
0x62: {  	[spmem:s2] =	stream.indirect.scatter.add.f32 [tilespmem:s17], [sflag:$0x2], $0x1, s1, s16, $0xb8;
	[tilespmem:$0x3960] =	vst v63  }
.Ltmp1:
0x63: {  	s1 =	sor.u32 $0x380, s0;
	(pc) =	sbr.rel @p0 .LBB2_2-.Ltmp1, $4  }
0x64: {  	[spmem:s2] =	stream.indirect.scatter.add.f32 [tilespmem:s17], [sflag:$0x2], $0x1, s1, s16, $0xb8;
	[tilespmem:$0x3960] =	vst v63  }
0x65: {  	_ =	swait.ge [sflag:s24], $0x400  }
0x66: {  	s26 =	sadd.s32 $0x400, s26;
	s29 =	sadd.s32 $0x80, s29;
	[sflag:s24] =	ssyncset.done $0x0  }
0x67: {  	s30 =	sadd.s32 $0xFFFFFF80, s30;
	s0 =	sxor.u32 $0x400, s0;
	[sflag:s24] =	ssyncadd.s32 $0xFFFFFC00  }
.LBB2_3:
0x68: {  	[tilespmem:s0], [sflag:$0x1] =	stream.linear.gather [hbm4b:s31+s3], $0x400, $0x38;
	[tilespmem:$0x3960] =	vst v63  }
0x69: {  	_ =	swait.ge [sflag:s15], $0x400  }
0x6a: {  	[sflag:s15] =	ssyncset.done $0x0  }
0x6b: {  	s0 =	sand.u32 $0x400, s26;
	[sflag:s15] =	ssyncadd.s32 $0xFFFFFC00  }
0x6c: {  	[spmem:s2] =	stream.indirect.scatter.add.f32 [tilespmem:s17], [sflag:$0x2], $0x1, s0, s16, $0xb8;
	[tilespmem:$0x3960] =	vst v63  }
0x6d: {  	s1 =	sor.u32 $0x80, s0  }
0x6e: {  	[spmem:s2] =	stream.indirect.scatter.add.f32 [tilespmem:s17], [sflag:$0x2], $0x1, s1, s16, $0xb8;
	[tilespmem:$0x3960] =	vst v63  }
0x6f: {  	s26 =	sor.u32 $0x100, s0  }
0x70: {  	[spmem:s2] =	stream.indirect.scatter.add.f32 [tilespmem:s17], [sflag:$0x2], $0x1, s26, s16, $0xb8;
	[tilespmem:$0x3960] =	vst v63  }
0x71: {  	s28 =	sor.u32 $0x180, s0  }
0x72: {  	[spmem:s2] =	stream.indirect.scatter.add.f32 [tilespmem:s17], [sflag:$0x2], $0x1, s28, s16, $0xb8;
	[tilespmem:$0x3960] =	vst v63  }
0x73: {  	s29 =	sor.u32 $0x200, s0  }
0x74: {  	[spmem:s2] =	stream.indirect.scatter.add.f32 [tilespmem:s17], [sflag:$0x2], $0x1, s29, s16, $0xb8;
	[tilespmem:$0x3960] =	vst v63  }
0x75: {  	s30 =	sor.u32 $0x280, s0  }
0x76: {  	[spmem:s2] =	stream.indirect.scatter.add.f32 [tilespmem:s17], [sflag:$0x2], $0x1, s30, s16, $0xb8;
	[tilespmem:$0x3960] =	vst v63  }
0x77: {  	s31 =	sor.u32 $0x300, s0  }
0x78: {  	[spmem:s2] =	stream.indirect.scatter.add.f32 [tilespmem:s17], [sflag:$0x2], $0x1, s31, s16, $0xb8;
	[tilespmem:$0x3960] =	vst v63  }
0x79: {  	s0 =	sor.u32 $0x380, s0  }
0x7a: {  	[spmem:s2] =	stream.indirect.scatter.add.f32 [tilespmem:s17], [sflag:$0x2], $0x1, s0, s16, $0xb8;
	[tilespmem:$0x3960] =	vst v63  }
0x7b: {  	_ =	swait.ge [sflag:s24], $0x400  }
0x7c: {  	[sflag:s24] =	ssyncset.done $0x0  }
0x7d: {  	[sflag:s24] =	ssyncadd.s32 $0xFFFFFC00  }
0x7e: {  	_ =	swait.ge [sflag:s24], $0x400  }
0x7f: {  	[sflag:s24] =	ssyncset.done $0x0  }
0x80: {  	[sflag:s24] =	ssyncadd.s32 $0xFFFFFC00  }
0x81: {  	[bflag:$0x0] =	sbarrier.arrive $0xFFFF  }
0x82: {  	[tilespmem:s13], [sflag:$0x3] =	stream.linear.gather [spmem:s5], $0x1870, $0x38;
	[tilespmem:$0x3960] =	vst v63  }
0x83: {  	s25 =	sadd.s32 $0x1, s25;
	_ =	swait.ge [sflag:s14], $0x1870  }
0x84: {  	p0 =	sne.s32 s25, s9;
	[sflag:s14] =	ssyncset.done $0x0  }
.Ltmp2:
0x85: {  	[sflag:s14] =	ssyncadd.s32 $0xFFFFE790;
	(pc) =	sbr.rel @p0 .LBB2_1-.Ltmp2, $4  }
0x86: {  	[hbm4b:s8+s3] =	stream.linear.scatter [tilespmem:s13], [sflag:$0x3], $0x1870, $0x38;
	[tilespmem:$0x3960] =	vst v63  }
0x87: {  	_ =	swait.ge [sflag:s14], $0x1870  }
0x88: {  	[sflag:s14] =	ssyncset.done $0x0  }
0x89: {  	[sflag:s14] =	ssyncadd.s32 $0xFFFFE790  }
0x8a: {  	_ =	sfence.sel $0x180000  }
0x8b: {  	[bflag:$0x0] =	sbarrier.arrive $0xFFFF  }
0x8c: {  	_ =	strace $0x90000047  }
0x8d: {  	s0 =	stileid.u32;
	[bflag:$0x2] =	sbarrier.arrive $0xFFFF  }
0x8e: {  	p0 =	sne.s32 s0, $0x0;
	s0 =	rddreg [dreg:$0x3]  }
0x8f: {  	s0 =	sadd.s32 @!p0 $0x100000, s0  }
0x90: {  	[sflag:s0] =	ssyncadd.tile.s32 @!p0 $0x1;
	_ =	shalt  }
.Lfunc_end2:
_tile_overlayer_lowered:
.L_overlay_start_2:
0x91: {  	(tag) =	ssettag $0x2  }
0x92: {  	s0 =	rddreg [dreg:$0x0];
	s2 =	stileid.u32  }
0x93: {  	s1 =	rddreg [dreg:$0x1];
	p0 =	sne.s32 s2, $0x0  }
0x94: {  	s3 =	rddreg [dreg:$0x2];
	[bflag:$0x3] =	sbarrier.arrive $0xFFFF;
	s2 =	simm.s32 @!p0 $0x1C03  }
0x95: {  	[timem:s3], [sflag:s2] =	dma.local @!p0 [hbm:s0], s1  }
0x96: {  	s0 =	simm.s32 @!p0 $0x3  }
0x97: {  	_ =	swait.ge @!p0 [sflag:s0], s1  }
0x98: {  	s1 =	ssub.s32 @!p0 $0x0, s1;
	[sflag:s0] =	ssyncset.done @!p0 $0x0  }
0x99: {  	[sflag:s0] =	ssyncadd.s32 @!p0 s1  }
0x9a: {  	[bflag:$0x3] =	sbarrier.arrive $0xFFFF  }
0x9b: {  	_ =	shalt  }

</sc_bundles>
